<compile_context>
chip_gen: v7x
topology: tpu7x:2x2x1
jax: 0.10.2.dev20260603
libtpu: 0.0.44.dev20260713+nightly
codegen_flags: <defaults>
</compile_context>

<pallas_src>
import functools

import jax
import jax.numpy as jnp
from jax import lax
from jax.experimental import pallas as pl
from jax.experimental.pallas import tpu as pltpu
from jax.experimental.pallas import tpu_sc as plsc

_B = 2
_C = 245
_H = 32
_W = 32
_P = 7
_PD = 5
_SCALE = 1.0 / 16.0
_N = 5000
_NP = 5008
_NRV = _NP // 16
_CPAD = 256
_NW = 32
_CH_PER = _CPAD // _NW
_SLAB = _CH_PER * _B * _H * _W


def _tec_body(xr_hbm, bxt_hbm, bid_hbm, out_hbm,
              slab_v, box_v, bid_v, xti_v, xtw_v, yto_v, ytw_v, stage_v):
    nc = 2
    wid = lax.axis_index("s") * nc + lax.axis_index("c")
    start = wid * _CH_PER
    pltpu.sync_copy(xr_hbm.at[pl.ds(start * (_B * _H * _W), _SLAB)], slab_v)
    pltpu.sync_copy(bxt_hbm, box_v)
    pltpu.sync_copy(bid_hbm, bid_v)

    def rv_body(rv, carry):
        o = rv * 16
        x1 = box_v[pl.ds(0 * _NP + o, 16)] * _SCALE
        y1 = box_v[pl.ds(1 * _NP + o, 16)] * _SCALE
        x2 = box_v[pl.ds(2 * _NP + o, 16)] * _SCALE
        y2 = box_v[pl.ds(3 * _NP + o, 16)] * _SCALE
        bw = jnp.maximum(x2 - x1, 1.0) / _P
        bh = jnp.maximum(y2 - y1, 1.0) / _P
        bb = bid_v[pl.ds(o, 16)] * (_H * _W)
        for p in range(_P):
            for s in range(2):
                cst = p + 0.25 + 0.5 * s
                base = (p * 4 + s * 2) * 16
                xx = jnp.maximum(x1 + cst * bw, 0.0)
                x0 = xx.astype(jnp.int32)
                fx = jnp.where(x0 >= _W - 1, 0.0, xx - x0.astype(jnp.float32))
                xti_v[pl.ds(base, 16)] = jnp.minimum(x0, _W - 1)
                xti_v[pl.ds(base + 16, 16)] = jnp.minimum(x0 + 1, _W - 1)
                xtw_v[pl.ds(base, 16)] = 1.0 - fx
                xtw_v[pl.ds(base + 16, 16)] = fx
                yy = jnp.maximum(y1 + cst * bh, 0.0)
                y0 = yy.astype(jnp.int32)
                fy = jnp.where(y0 >= _H - 1, 0.0, yy - y0.astype(jnp.float32))
                yto_v[pl.ds(base, 16)] = jnp.minimum(y0, _H - 1) * _W
                yto_v[pl.ds(base + 16, 16)] = jnp.minimum(y0 + 1, _H - 1) * _W
                ytw_v[pl.ds(base, 16)] = (1.0 - fy) * 0.25
                ytw_v[pl.ds(base + 16, 16)] = fy * 0.25
        for j in range(_CH_PER):
            pch = start + j
            pw = pch % _P
            ph = (pch % (_P * _P)) // _P
            sb = bb + j * (_B * _H * _W)
            xb = pw * 64
            yb = ph * 64
            xi = [xti_v[pl.ds(xb + t * 16, 16)] for t in range(4)]
            xw = [xtw_v[pl.ds(xb + t * 16, 16)] for t in range(4)]
            acc = jnp.zeros((16,), jnp.float32)
            for t in range(4):
                rb = sb + yto_v[pl.ds(yb + t * 16, 16)]
                row = jnp.zeros((16,), jnp.float32)
                for u in range(4):
                    v = plsc.load_gather(slab_v, [rb + xi[u]])
                    row = row + xw[u] * v
                acc = acc + ytw_v[pl.ds(yb + t * 16, 16)] * row
            stage_v[j, pl.ds(o, 16)] = acc
        return carry

    lax.fori_loop(0, _NRV, rv_body, 0)
    pltpu.sync_copy(stage_v, out_hbm.at[pl.ds(start, _CH_PER), :])


@jax.jit
def _ps_roi_align_sc(xr, bxt, bid):
    mesh = plsc.VectorSubcoreMesh(
        core_axis_name="c", subcore_axis_name="s", num_cores=2, num_subcores=16)
    run = pl.kernel(
        _tec_body,
        out_type=jax.ShapeDtypeStruct((_CPAD, _NP), jnp.float32),
        mesh=mesh,
        scratch_types=[
            pltpu.VMEM((_SLAB,), jnp.float32),
            pltpu.VMEM((4 * _NP,), jnp.float32),
            pltpu.VMEM((_NP,), jnp.int32),
            pltpu.VMEM((_P * 4 * 16,), jnp.int32),
            pltpu.VMEM((_P * 4 * 16,), jnp.float32),
            pltpu.VMEM((_P * 4 * 16,), jnp.int32),
            pltpu.VMEM((_P * 4 * 16,), jnp.float32),
            pltpu.VMEM((_CH_PER, _NP), jnp.float32),
        ],
        compiler_params=pltpu.CompilerParams(needs_layout_passes=False),
    )
    return run(xr, bxt, bid)


def kernel(x, boxes, image_shapes, batch_ids):
    del image_shapes
    xr = jnp.transpose(x, (1, 0, 2, 3)).reshape(_C, _B * _H * _W)
    xr = jnp.pad(xr, ((0, _CPAD - _C), (0, 0))).reshape(-1)
    bxt = jnp.pad(boxes, ((0, _NP - _N), (0, 0))).T.reshape(-1)
    bid = jnp.pad(batch_ids.astype(jnp.int32), (0, _NP - _N))
    out = _ps_roi_align_sc(xr, bxt, bid)
    return out[:_C, :_N].T.reshape(_N, _PD, _P, _P)

# --- scband reference (transcript-rebuilt; emitter-appended) ---
"""Pipeline reference for scband-ps-ro-ialign-85272280694837 (READ-ONLY COPY).

The authoritative reference and input builder live on the scoring server;
editing this copy changes nothing except your own understanding.
"""

import jax, jax.numpy as jnp
import numpy as np

OUTPUT_SIZE = 7
SAMPLING_RATIO = 2
SPATIAL_SCALE = 1.0 / 16.0
CEM_FILTER = 245
POOLED_DIM = CEM_FILTER // (OUTPUT_SIZE * OUTPUT_SIZE)  # 5


def setup_inputs(seed: int = 0) -> dict:
    key = jax.random.key(seed)
    k1, k2, k3 = jax.random.split(key, 3)
    B, C, H, W = 2, CEM_FILTER, 32, 32
    N = 5000
    img = 512.0
    x = jax.random.normal(k1, (B, C, H, W), dtype=jnp.float32)
    u = jax.random.uniform(k2, (N, 4), dtype=jnp.float32)
    x1 = u[:, 0] * (img - 32.0)
    y1 = u[:, 1] * (img - 32.0)
    w = u[:, 2] * 200.0 + 16.0
    h = u[:, 3] * 200.0 + 16.0
    boxes = jnp.stack([x1, y1, jnp.minimum(x1 + w, img), jnp.minimum(y1 + h, img)], axis=1)
    image_shapes = jnp.full((B, 2), 512, dtype=jnp.int32)
    batch_ids = jax.random.randint(k3, (N,), 0, B, dtype=jnp.int32)
    return {"x": x, "boxes": boxes, "image_shapes": image_shapes, "batch_ids": batch_ids}


def ps_roi_align(x, boxes, batch_ids):
    B, C, H, W = x.shape
    pd, P, sr = POOLED_DIM, OUTPUT_SIZE, SAMPLING_RATIO
    scale = SPATIAL_SCALE
    x1 = boxes[:, 0] * scale
    y1 = boxes[:, 1] * scale
    x2 = boxes[:, 2] * scale
    y2 = boxes[:, 3] * scale
    roi_w = jnp.maximum(x2 - x1, 1.0)
    roi_h = jnp.maximum(y2 - y1, 1.0)
    bin_w = roi_w / P
    bin_h = roi_h / P
    sgrid = jnp.arange(sr, dtype=jnp.float32)
    pgrid = jnp.arange(P, dtype=jnp.float32)
    # sample coordinates per roi / bin / sample-point: [R, P, sr]
    ys = y1[:, None, None] + pgrid[None, :, None] * bin_h[:, None, None] + (sgrid[None, None, :] + 0.5) * bin_h[:, None, None] / sr
    xs = x1[:, None, None] + pgrid[None, :, None] * bin_w[:, None, None] + (sgrid[None, None, :] + 0.5) * bin_w[:, None, None] / sr
    # broadcast layout: [R, pd, ph, pw, iy, ix]
    y = ys[:, None, :, None, :, None]
    xg = xs[:, None, None, :, None, :]
    valid = (y >= -1.0) & (y <= H) & (xg >= -1.0) & (xg <= W)
    yc = jnp.maximum(y, 0.0)
    xc = jnp.maximum(xg, 0.0)
    y0 = jnp.floor(yc)
    x0 = jnp.floor(xc)
    cy = y0 >= (H - 1)
    cx = x0 >= (W - 1)
    y_low = jnp.where(cy, H - 1, y0).astype(jnp.int32)
    y_high = jnp.where(cy, H - 1, y0 + 1).astype(jnp.int32)
    ly = jnp.where(cy, 0.0, yc - y0)
    x_low = jnp.where(cx, W - 1, x0).astype(jnp.int32)
    x_high = jnp.where(cx, W - 1, x0 + 1).astype(jnp.int32)
    lx = jnp.where(cx, 0.0, xc - x0)
    hy = 1.0 - ly
    hx = 1.0 - lx
    # position-sensitive channel: c * P*P + ph * P + pw  -> [1, pd, P, P, 1, 1]
    cidx = jnp.arange(pd, dtype=jnp.int32)
    ch = (cidx[:, None, None] * (P * P)
          + jnp.arange(P, dtype=jnp.int32)[None, :, None] * P
          + jnp.arange(P, dtype=jnp.int32)[None, None, :])
    ch = ch[None, :, :, :, None, None]
    b = batch_ids[:, None, None, None, None, None].astype(jnp.int32)
    base = (b * C + ch) * H
    flat = x.reshape(-1)

    def g(yy, xx):
        return jnp.take(flat, (base + yy) * W + xx)

    val = hy * hx * g(y_low, x_low) + hy * lx * g(y_low, x_high) \
        + ly * hx * g(y_high, x_low) + ly * lx * g(y_high, x_high)
    val = jnp.where(valid, val, 0.0)
    return jnp.mean(val, axis=(4, 5))  # [R, pd, P, P]


def reference(x, boxes, image_shapes, batch_ids):
    # image_shapes only determines the FPN scale heuristic in the original;
    # here spatial_scale is a fixed config constant, so it is unused in math.
    return ps_roi_align(x, boxes, batch_ids)

if __name__ == "__main__":
    import jax
    _d = setup_inputs()
    print(jax.jit(kernel)(*tuple(_d.values())))

</pallas_src>

<mosaic_0001>
#map = affine_map<(d0, d1) -> (0)>
#map1 = affine_map<(d0, d1) -> (0, 0)>
module attributes {stable_mosaic.version = 14 : i64} {
  func.func @_tec_body(%arg0: i32, %arg1: i32, %arg2: memref<524288xf32, #tpu.memory_space<hbm>>, %arg3: memref<20032xf32, #tpu.memory_space<hbm>>, %arg4: memref<5008xi32, #tpu.memory_space<hbm>>, %arg5: memref<256x5008xf32, #tpu.memory_space<hbm>>, %arg6: memref<16384xf32, #tpu.memory_space<vmem>>, %arg7: memref<20032xf32, #tpu.memory_space<vmem>>, %arg8: memref<5008xi32, #tpu.memory_space<vmem>>, %arg9: memref<448xi32, #tpu.memory_space<vmem>>, %arg10: memref<448xf32, #tpu.memory_space<vmem>>, %arg11: memref<448xi32, #tpu.memory_space<vmem>>, %arg12: memref<448xf32, #tpu.memory_space<vmem>>, %arg13: memref<8x5008xf32, #tpu.memory_space<vmem>>) attributes {dimension_semantics = [#tpu.dimension_semantics<core_parallel>, #tpu.dimension_semantics<subcore_parallel>], iteration_bounds = array<i64: 2, 16>, scalar_prefetch = 0 : i64, scratch_operands = 8 : i64, tpu.core_type = #tpu.core_type<sc_vector_subcore>, window_params = [{transform_indices = #map}, {transform_indices = #map}, {transform_indices = #map}, {transform_indices = #map1}]} {
    %mul3A = arith.constant 2 : i32
    %mul3A_0 = arith.muli %arg1, %mul3A : i32
    %add3A = arith.addi %mul3A_0, %arg0 : i32
    %mul3A_1 = arith.constant 8 : i32
    %mul3A_2 = arith.muli %add3A, %mul3A_1 : i32
    %mul3A_3 = arith.constant 2048 : i32
    %mul3A_4 = arith.muli %mul3A_2, %mul3A_3 : i32
    "tpu.region"() ({
      %run_scoped3A = tpu.sem_alloc : memref<!tpu.dma_semaphore, #tpu.memory_space<semaphore_mem>>
      %dma_start3A = tpu.memref_slice %arg2[%mul3A_4] : memref<524288xf32, #tpu.memory_space<hbm>> -> memref<16384xf32, #tpu.memory_space<hbm>>
      %dma_start3A_10 = tpu.memref_slice %arg2[%mul3A_4] : memref<524288xf32, #tpu.memory_space<hbm>> -> memref<16384xf32, #tpu.memory_space<hbm>>
      tpu.enqueue_dma source(%dma_start3A_10 : memref<16384xf32, #tpu.memory_space<hbm>>) target(%arg6 : memref<16384xf32, #tpu.memory_space<vmem>>) target_semaphore(%run_scoped3A : memref<!tpu.dma_semaphore, #tpu.memory_space<semaphore_mem>>)
      %dma_wait3A = tpu.memref_slice %arg2[%mul3A_4] : memref<524288xf32, #tpu.memory_space<hbm>> -> memref<16384xf32, #tpu.memory_space<hbm>>
      %dma_wait3A_11 = tpu.memref_slice %arg2[%mul3A_4] : memref<524288xf32, #tpu.memory_space<hbm>> -> memref<16384xf32, #tpu.memory_space<hbm>>
      tpu.wait_dma2 semaphore(%run_scoped3A : memref<!tpu.dma_semaphore, #tpu.memory_space<semaphore_mem>>) src(%dma_wait3A_11 : memref<16384xf32, #tpu.memory_space<hbm>>) dst(%arg6 : memref<16384xf32, #tpu.memory_space<vmem>>)
      tpu.yield
    }) : () -> ()
    "tpu.region"() ({
      %run_scoped3A = tpu.sem_alloc : memref<!tpu.dma_semaphore, #tpu.memory_space<semaphore_mem>>
      tpu.enqueue_dma source(%arg3 : memref<20032xf32, #tpu.memory_space<hbm>>) target(%arg7 : memref<20032xf32, #tpu.memory_space<vmem>>) target_semaphore(%run_scoped3A : memref<!tpu.dma_semaphore, #tpu.memory_space<semaphore_mem>>)
      tpu.wait_dma2 semaphore(%run_scoped3A : memref<!tpu.dma_semaphore, #tpu.memory_space<semaphore_mem>>) src(%arg3 : memref<20032xf32, #tpu.memory_space<hbm>>) dst(%arg7 : memref<20032xf32, #tpu.memory_space<vmem>>)
      tpu.yield
    }) : () -> ()
    "tpu.region"() ({
      %run_scoped3A = tpu.sem_alloc : memref<!tpu.dma_semaphore, #tpu.memory_space<semaphore_mem>>
      tpu.enqueue_dma source(%arg4 : memref<5008xi32, #tpu.memory_space<hbm>>) target(%arg8 : memref<5008xi32, #tpu.memory_space<vmem>>) target_semaphore(%run_scoped3A : memref<!tpu.dma_semaphore, #tpu.memory_space<semaphore_mem>>)
      tpu.wait_dma2 semaphore(%run_scoped3A : memref<!tpu.dma_semaphore, #tpu.memory_space<semaphore_mem>>) src(%arg4 : memref<5008xi32, #tpu.memory_space<hbm>>) dst(%arg8 : memref<5008xi32, #tpu.memory_space<vmem>>)
      tpu.yield
    }) : () -> ()
    %scan3A = arith.constant 0 : i32
    %scan3A_5 = arith.constant 0 : i32
    %scan3A_6 = arith.constant 313 : i32
    %scan3A_7 = arith.addi %scan3A_5, %scan3A_6 : i32
    %scan3A_8 = arith.constant 1 : i32
    scf.for %scan3A_10 = %scan3A_5 to %scan3A_7 step %scan3A_8  : i32 {
      %mul3A_11 = arith.constant 16 : i32
      %mul3A_12 = arith.muli %scan3A_10, %mul3A_11 : i32
      %add3A_13 = arith.constant 0 : i32
      %add3A_14 = arith.addi %add3A_13, %mul3A_12 : i32
      %get3A = arith.index_cast %add3A_14 : i32 to index
      %get3A_15 = tpu.vector_load %arg7[%get3A] {strides = array<i32>} : memref<20032xf32, #tpu.memory_space<vmem>>, vector<16xf32>,
      %mul3A_16 = arith.constant 6.250000e-02 : f32
      %mul3A_17 = vector.broadcast %mul3A_16 : f32 to vector<16xf32>
      %mul3A_18 = arith.mulf %get3A_15, %mul3A_17 : vector<16xf32>
      %add3A_19 = arith.constant 5008 : i32
      %add3A_20 = arith.addi %add3A_19, %mul3A_12 : i32
      %get3A_21 = arith.index_cast %add3A_20 : i32 to index
      %get3A_22 = tpu.vector_load %arg7[%get3A_21] {strides = array<i32>} : memref<20032xf32, #tpu.memory_space<vmem>>, vector<16xf32>,
      %mul3A_23 = arith.constant 6.250000e-02 : f32
      %mul3A_24 = vector.broadcast %mul3A_23 : f32 to vector<16xf32>
      %mul3A_25 = arith.mulf %get3A_22, %mul3A_24 : vector<16xf32>
      %add3A_26 = arith.constant 10016 : i32
      %add3A_27 = arith.addi %add3A_26, %mul3A_12 : i32
      %get3A_28 = arith.index_cast %add3A_27 : i32 to index
      %get3A_29 = tpu.vector_load %arg7[%get3A_28] {strides = array<i32>} : memref<20032xf32, #tpu.memory_space<vmem>>, vector<16xf32>,
      %mul3A_30 = arith.constant 6.250000e-02 : f32
      %mul3A_31 = vector.broadcast %mul3A_30 : f32 to vector<16xf32>
      %mul3A_32 = arith.mulf %get3A_29, %mul3A_31 : vector<16xf32>
      %add3A_33 = arith.constant 15024 : i32
      %add3A_34 = arith.addi %add3A_33, %mul3A_12 : i32
      %get3A_35 = arith.index_cast %add3A_34 : i32 to index
      %get3A_36 = tpu.vector_load %arg7[%get3A_35] {strides = array<i32>} : memref<20032xf32, #tpu.memory_space<vmem>>, vector<16xf32>,
      %mul3A_37 = arith.constant 6.250000e-02 : f32
      %mul3A_38 = vector.broadcast %mul3A_37 : f32 to vector<16xf32>
      %mul3A_39 = arith.mulf %get3A_36, %mul3A_38 : vector<16xf32>
      %sub3A = arith.subf %mul3A_32, %mul3A_18 : vector<16xf32>
      %max3A = arith.constant 1.000000e+00 : f32
      %max3A_40 = vector.broadcast %max3A : f32 to vector<16xf32>
      %max3A_41 = arith.maximumf %sub3A, %max3A_40 : vector<16xf32>
      %div3A = arith.constant 7.000000e+00 : f32
      %div3A_42 = vector.broadcast %div3A : f32 to vector<16xf32>
      %div3A_43 = arith.divf %max3A_41, %div3A_42 : vector<16xf32>
      %sub3A_44 = arith.subf %mul3A_39, %mul3A_25 : vector<16xf32>
      %max3A_45 = arith.constant 1.000000e+00 : f32
      %max3A_46 = vector.broadcast %max3A_45 : f32 to vector<16xf32>
      %max3A_47 = arith.maximumf %sub3A_44, %max3A_46 : vector<16xf32>
      %div3A_48 = arith.constant 7.000000e+00 : f32
      %div3A_49 = vector.broadcast %div3A_48 : f32 to vector<16xf32>
      %div3A_50 = arith.divf %max3A_47, %div3A_49 : vector<16xf32>
      %get3A_51 = arith.index_cast %mul3A_12 : i32 to index
      %get3A_52 = tpu.vector_load %arg8[%get3A_51] {strides = array<i32>} : memref<5008xi32, #tpu.memory_space<vmem>>, vector<16xi32>,
      %mul3A_53 = arith.constant 1024 : i32
      %mul3A_54 = vector.broadcast %mul3A_53 : i32 to vector<16xi32>
      %mul3A_55 = arith.muli %get3A_52, %mul3A_54 : vector<16xi32>
      %mul3A_56 = arith.constant 2.500000e-01 : f32
      %mul3A_57 = vector.broadcast %mul3A_56 : f32 to vector<16xf32>
      %mul3A_58 = arith.mulf %mul3A_57, %div3A_43 : vector<16xf32>
      %add3A_59 = arith.addf %mul3A_18, %mul3A_58 : vector<16xf32>
      %max3A_60 = arith.constant 0.000000e+00 : f32
      %max3A_61 = vector.broadcast %max3A_60 : f32 to vector<16xf32>
      %max3A_62 = arith.maximumf %add3A_59, %max3A_61 : vector<16xf32>
      %convert_element_type3A = arith.fptosi %max3A_62 : vector<16xf32> to vector<16xi32>
      %ge3A = arith.constant 31 : i32
      %ge3A_63 = vector.broadcast %ge3A : i32 to vector<16xi32>
      %ge3A_64 = arith.cmpi sge, %convert_element_type3A, %ge3A_63 : vector<16xi32>
      %convert_element_type3A_65 = arith.sitofp %convert_element_type3A : vector<16xi32> to vector<16xf32>
      %sub3A_66 = arith.subf %max3A_62, %convert_element_type3A_65 : vector<16xf32>
      %jit3A = arith.constant 0.000000e+00 : f32
      %broadcast_in_dim3A = vector.broadcast %jit3A : f32 to vector<16xf32>
      %select_n3A = arith.select %ge3A_64, %broadcast_in_dim3A, %sub3A_66 : vector<16xi1>, vector<16xf32>
      %min3A = arith.constant 31 : i32
      %min3A_67 = vector.broadcast %min3A : i32 to vector<16xi32>
      %min3A_68 = arith.minsi %convert_element_type3A, %min3A_67 : vector<16xi32>
      %swap3A = arith.constant 0 : index
      %swap3A_69 = tpu.vector_load %arg9[%swap3A] {strides = array<i32>} : memref<448xi32, #tpu.memory_space<vmem>>, vector<16xi32>,
      tpu.vector_store %arg9[%swap3A], %min3A_68 {strides = array<i32>} : memref<448xi32, #tpu.memory_space<vmem>>, vector<16xi32>,
      %add3A_70 = arith.constant 1 : i32
      %add3A_71 = vector.broadcast %add3A_70 : i32 to vector<16xi32>
      %add3A_72 = arith.addi %convert_element_type3A, %add3A_71 : vector<16xi32>
      %min3A_73 = arith.constant 31 : i32
      %min3A_74 = vector.broadcast %min3A_73 : i32 to vector<16xi32>
      %min3A_75 = arith.minsi %add3A_72, %min3A_74 : vector<16xi32>
      %swap3A_76 = arith.constant 16 : index
      %swap3A_77 = tpu.vector_load %arg9[%swap3A_76] {strides = array<i32>} : memref<448xi32, #tpu.memory_space<vmem>>, vector<16xi32>,
      tpu.vector_store %arg9[%swap3A_76], %min3A_75 {strides = array<i32>} : memref<448xi32, #tpu.memory_space<vmem>>, vector<16xi32>,
      %sub3A_78 = arith.constant 1.000000e+00 : f32
      %sub3A_79 = vector.broadcast %sub3A_78 : f32 to vector<16xf32>
      %sub3A_80 = arith.subf %sub3A_79, %select_n3A : vector<16xf32>
      %swap3A_81 = arith.constant 0 : index
      %swap3A_82 = tpu.vector_load %arg10[%swap3A_81] {strides = array<i32>} : memref<448xf32, #tpu.memory_space<vmem>>, vector<16xf32>,
      tpu.vector_store %arg10[%swap3A_81], %sub3A_80 {strides = array<i32>} : memref<448xf32, #tpu.memory_space<vmem>>, vector<16xf32>,
      %swap3A_83 = arith.constant 16 : index
      %swap3A_84 = tpu.vector_load %arg10[%swap3A_83] {strides = array<i32>} : memref<448xf32, #tpu.memory_space<vmem>>, vector<16xf32>,
      tpu.vector_store %arg10[%swap3A_83], %select_n3A {strides = array<i32>} : memref<448xf32, #tpu.memory_space<vmem>>, vector<16xf32>,
      %mul3A_85 = arith.constant 2.500000e-01 : f32
      %mul3A_86 = vector.broadcast %mul3A_85 : f32 to vector<16xf32>
      %mul3A_87 = arith.mulf %mul3A_86, %div3A_50 : vector<16xf32>
      %add3A_88 = arith.addf %mul3A_25, %mul3A_87 : vector<16xf32>
      %max3A_89 = arith.constant 0.000000e+00 : f32
      %max3A_90 = vector.broadcast %max3A_89 : f32 to vector<16xf32>
      %max3A_91 = arith.maximumf %add3A_88, %max3A_90 : vector<16xf32>
      %convert_element_type3A_92 = arith.fptosi %max3A_91 : vector<16xf32> to vector<16xi32>
      %ge3A_93 = arith.constant 31 : i32
      %ge3A_94 = vector.broadcast %ge3A_93 : i32 to vector<16xi32>
      %ge3A_95 = arith.cmpi sge, %convert_element_type3A_92, %ge3A_94 : vector<16xi32>
      %convert_element_type3A_96 = arith.sitofp %convert_element_type3A_92 : vector<16xi32> to vector<16xf32>
      %sub3A_97 = arith.subf %max3A_91, %convert_element_type3A_96 : vector<16xf32>
      %jit3A_98 = arith.constant 0.000000e+00 : f32
      %broadcast_in_dim3A_99 = vector.broadcast %jit3A_98 : f32 to vector<16xf32>
      %select_n3A_100 = arith.select %ge3A_95, %broadcast_in_dim3A_99, %sub3A_97 : vector<16xi1>, vector<16xf32>
      %min3A_101 = arith.constant 31 : i32
      %min3A_102 = vector.broadcast %min3A_101 : i32 to vector<16xi32>
      %min3A_103 = arith.minsi %convert_element_type3A_92, %min3A_102 : vector<16xi32>
      %mul3A_104 = arith.constant 32 : i32
      %mul3A_105 = vector.broadcast %mul3A_104 : i32 to vector<16xi32>
      %mul3A_106 = arith.muli %min3A_103, %mul3A_105 : vector<16xi32>
      %swap3A_107 = arith.constant 0 : index
      %swap3A_108 = tpu.vector_load %arg11[%swap3A_107] {strides = array<i32>} : memref<448xi32, #tpu.memory_space<vmem>>, vector<16xi32>,
      tpu.vector_store %arg11[%swap3A_107], %mul3A_106 {strides = array<i32>} : memref<448xi32, #tpu.memory_space<vmem>>, vector<16xi32>,
      %add3A_109 = arith.constant 1 : i32
      %add3A_110 = vector.broadcast %add3A_109 : i32 to vector<16xi32>
      %add3A_111 = arith.addi %convert_element_type3A_92, %add3A_110 : vector<16xi32>
      %min3A_112 = arith.constant 31 : i32
      %min3A_113 = vector.broadcast %min3A_112 : i32 to vector<16xi32>
      %min3A_114 = arith.minsi %add3A_111, %min3A_113 : vector<16xi32>
      %mul3A_115 = arith.constant 32 : i32
      %mul3A_116 = vector.broadcast %mul3A_115 : i32 to vector<16xi32>
      %mul3A_117 = arith.muli %min3A_114, %mul3A_116 : vector<16xi32>
      %swap3A_118 = arith.constant 16 : index
      %swap3A_119 = tpu.vector_load %arg11[%swap3A_118] {strides = array<i32>} : memref<448xi32, #tpu.memory_space<vmem>>, vector<16xi32>,
      tpu.vector_store %arg11[%swap3A_118], %mul3A_117 {strides = array<i32>} : memref<448xi32, #tpu.memory_space<vmem>>, vector<16xi32>,
      %sub3A_120 = arith.constant 1.000000e+00 : f32
      %sub3A_121 = vector.broadcast %sub3A_120 : f32 to vector<16xf32>
      %sub3A_122 = arith.subf %sub3A_121, %select_n3A_100 : vector<16xf32>
      %mul3A_123 = arith.constant 2.500000e-01 : f32
      %mul3A_124 = vector.broadcast %mul3A_123 : f32 to vector<16xf32>
      %mul3A_125 = arith.mulf %sub3A_122, %mul3A_124 : vector<16xf32>
      %swap3A_126 = arith.constant 0 : index
      %swap3A_127 = tpu.vector_load %arg12[%swap3A_126] {strides = array<i32>} : memref<448xf32, #tpu.memory_space<vmem>>, vector<16xf32>,
      tpu.vector_store %arg12[%swap3A_126], %mul3A_125 {strides = array<i32>} : memref<448xf32, #tpu.memory_space<vmem>>, vector<16xf32>,
      %mul3A_128 = arith.constant 2.500000e-01 : f32
      %mul3A_129 = vector.broadcast %mul3A_128 : f32 to vector<16xf32>
      %mul3A_130 = arith.mulf %select_n3A_100, %mul3A_129 : vector<16xf32>
      %swap3A_131 = arith.constant 16 : index
      %swap3A_132 = tpu.vector_load %arg12[%swap3A_131] {strides = array<i32>} : memref<448xf32, #tpu.memory_space<vmem>>, vector<16xf32>,
      tpu.vector_store %arg12[%swap3A_131], %mul3A_130 {strides = array<i32>} : memref<448xf32, #tpu.memory_space<vmem>>, vector<16xf32>,
      %mul3A_133 = arith.constant 7.500000e-01 : f32
      %mul3A_134 = vector.broadcast %mul3A_133 : f32 to vector<16xf32>
      %mul3A_135 = arith.mulf %mul3A_134, %div3A_43 : vector<16xf32>
      %add3A_136 = arith.addf %mul3A_18, %mul3A_135 : vector<16xf32>
      %max3A_137 = arith.constant 0.000000e+00 : f32
      %max3A_138 = vector.broadcast %max3A_137 : f32 to vector<16xf32>
      %max3A_139 = arith.maximumf %add3A_136, %max3A_138 : vector<16xf32>
      %convert_element_type3A_140 = arith.fptosi %max3A_139 : vector<16xf32> to vector<16xi32>
      %ge3A_141 = arith.constant 31 : i32
      %ge3A_142 = vector.broadcast %ge3A_141 : i32 to vector<16xi32>
      %ge3A_143 = arith.cmpi sge, %convert_element_type3A_140, %ge3A_142 : vector<16xi32>
      %convert_element_type3A_144 = arith.sitofp %convert_element_type3A_140 : vector<16xi32> to vector<16xf32>
      %sub3A_145 = arith.subf %max3A_139, %convert_element_type3A_144 : vector<16xf32>
      %jit3A_146 = arith.constant 0.000000e+00 : f32
      %broadcast_in_dim3A_147 = vector.broadcast %jit3A_146 : f32 to vector<16xf32>
      %select_n3A_148 = arith.select %ge3A_143, %broadcast_in_dim3A_147, %sub3A_145 : vector<16xi1>, vector<16xf32>
      %min3A_149 = arith.constant 31 : i32
      %min3A_150 = vector.broadcast %min3A_149 : i32 to vector<16xi32>
      %min3A_151 = arith.minsi %convert_element_type3A_140, %min3A_150 : vector<16xi32>
      %swap3A_152 = arith.constant 32 : index
      %swap3A_153 = tpu.vector_load %arg9[%swap3A_152] {strides = array<i32>} : memref<448xi32, #tpu.memory_space<vmem>>, vector<16xi32>,
      tpu.vector_store %arg9[%swap3A_152], %min3A_151 {strides = array<i32>} : memref<448xi32, #tpu.memory_space<vmem>>, vector<16xi32>,
      %add3A_154 = arith.constant 1 : i32
      %add3A_155 = vector.broadcast %add3A_154 : i32 to vector<16xi32>
      %add3A_156 = arith.addi %convert_element_type3A_140, %add3A_155 : vector<16xi32>
      %min3A_157 = arith.constant 31 : i32
      %min3A_158 = vector.broadcast %min3A_157 : i32 to vector<16xi32>
      %min3A_159 = arith.minsi %add3A_156, %min3A_158 : vector<16xi32>
      %swap3A_160 = arith.constant 48 : index
      %swap3A_161 = tpu.vector_load %arg9[%swap3A_160] {strides = array<i32>} : memref<448xi32, #tpu.memory_space<vmem>>, vector<16xi32>,
      tpu.vector_store %arg9[%swap3A_160], %min3A_159 {strides = array<i32>} : memref<448xi32, #tpu.memory_space<vmem>>, vector<16xi32>,
      %sub3A_162 = arith.constant 1.000000e+00 : f32
      %sub3A_163 = vector.broadcast %sub3A_162 : f32 to vector<16xf32>
      %sub3A_164 = arith.subf %sub3A_163, %select_n3A_148 : vector<16xf32>
      %swap3A_165 = arith.constant 32 : index
      %swap3A_166 = tpu.vector_load %arg10[%swap3A_165] {strides = array<i32>} : memref<448xf32, #tpu.memory_space<vmem>>, vector<16xf32>,
      tpu.vector_store %arg10[%swap3A_165], %sub3A_164 {strides = array<i32>} : memref<448xf32, #tpu.memory_space<vmem>>, vector<16xf32>,
      %swap3A_167 = arith.constant 48 : index
      %swap3A_168 = tpu.vector_load %arg10[%swap3A_167] {strides = array<i32>} : memref<448xf32, #tpu.memory_space<vmem>>, vector<16xf32>,
      tpu.vector_store %arg10[%swap3A_167], %select_n3A_148 {strides = array<i32>} : memref<448xf32, #tpu.memory_space<vmem>>, vector<16xf32>,
      %mul3A_169 = arith.constant 7.500000e-01 : f32
      %mul3A_170 = vector.broadcast %mul3A_169 : f32 to vector<16xf32>
      %mul3A_171 = arith.mulf %mul3A_170, %div3A_50 : vector<16xf32>
      %add3A_172 = arith.addf %mul3A_25, %mul3A_171 : vector<16xf32>
      %max3A_173 = arith.constant 0.000000e+00 : f32
      %max3A_174 = vector.broadcast %max3A_173 : f32 to vector<16xf32>
      %max3A_175 = arith.maximumf %add3A_172, %max3A_174 : vector<16xf32>
      %convert_element_type3A_176 = arith.fptosi %max3A_175 : vector<16xf32> to vector<16xi32>
      %ge3A_177 = arith.constant 31 : i32
      %ge3A_178 = vector.broadcast %ge3A_177 : i32 to vector<16xi32>
      %ge3A_179 = arith.cmpi sge, %convert_element_type3A_176, %ge3A_178 : vector<16xi32>
      %convert_element_type3A_180 = arith.sitofp %convert_element_type3A_176 : vector<16xi32> to vector<16xf32>
      %sub3A_181 = arith.subf %max3A_175, %convert_element_type3A_180 : vector<16xf32>
      %jit3A_182 = arith.constant 0.000000e+00 : f32
      %broadcast_in_dim3A_183 = vector.broadcast %jit3A_182 : f32 to vector<16xf32>
      %select_n3A_184 = arith.select %ge3A_179, %broadcast_in_dim3A_183, %sub3A_181 : vector<16xi1>, vector<16xf32>
      %min3A_185 = arith.constant 31 : i32
      %min3A_186 = vector.broadcast %min3A_185 : i32 to vector<16xi32>
      %min3A_187 = arith.minsi %convert_element_type3A_176, %min3A_186 : vector<16xi32>
      %mul3A_188 = arith.constant 32 : i32
      %mul3A_189 = vector.broadcast %mul3A_188 : i32 to vector<16xi32>
      %mul3A_190 = arith.muli %min3A_187, %mul3A_189 : vector<16xi32>
      %swap3A_191 = arith.constant 32 : index
      %swap3A_192 = tpu.vector_load %arg11[%swap3A_191] {strides = array<i32>} : memref<448xi32, #tpu.memory_space<vmem>>, vector<16xi32>,
      tpu.vector_store %arg11[%swap3A_191], %mul3A_190 {strides = array<i32>} : memref<448xi32, #tpu.memory_space<vmem>>, vector<16xi32>,
      %add3A_193 = arith.constant 1 : i32
      %add3A_194 = vector.broadcast %add3A_193 : i32 to vector<16xi32>
      %add3A_195 = arith.addi %convert_element_type3A_176, %add3A_194 : vector<16xi32>
      %min3A_196 = arith.constant 31 : i32
      %min3A_197 = vector.broadcast %min3A_196 : i32 to vector<16xi32>
      %min3A_198 = arith.minsi %add3A_195, %min3A_197 : vector<16xi32>
      %mul3A_199 = arith.constant 32 : i32
      %mul3A_200 = vector.broadcast %mul3A_199 : i32 to vector<16xi32>
      %mul3A_201 = arith.muli %min3A_198, %mul3A_200 : vector<16xi32>
      %swap3A_202 = arith.constant 48 : index
      %swap3A_203 = tpu.vector_load %arg11[%swap3A_202] {strides = array<i32>} : memref<448xi32, #tpu.memory_space<vmem>>, vector<16xi32>,
      tpu.vector_store %arg11[%swap3A_202], %mul3A_201 {strides = array<i32>} : memref<448xi32, #tpu.memory_space<vmem>>, vector<16xi32>,
      %sub3A_204 = arith.constant 1.000000e+00 : f32
      %sub3A_205 = vector.broadcast %sub3A_204 : f32 to vector<16xf32>
      %sub3A_206 = arith.subf %sub3A_205, %select_n3A_184 : vector<16xf32>
      %mul3A_207 = arith.constant 2.500000e-01 : f32
      %mul3A_208 = vector.broadcast %mul3A_207 : f32 to vector<16xf32>
      %mul3A_209 = arith.mulf %sub3A_206, %mul3A_208 : vector<16xf32>
      %swap3A_210 = arith.constant 32 : index
      %swap3A_211 = tpu.vector_load %arg12[%swap3A_210] {strides = array<i32>} : memref<448xf32, #tpu.memory_space<vmem>>, vector<16xf32>,
      tpu.vector_store %arg12[%swap3A_210], %mul3A_209 {strides = array<i32>} : memref<448xf32, #tpu.memory_space<vmem>>, vector<16xf32>,
      %mul3A_212 = arith.constant 2.500000e-01 : f32
      %mul3A_213 = vector.broadcast %mul3A_212 : f32 to vector<16xf32>
      %mul3A_214 = arith.mulf %select_n3A_184, %mul3A_213 : vector<16xf32>
      %swap3A_215 = arith.constant 48 : index
      %swap3A_216 = tpu.vector_load %arg12[%swap3A_215] {strides = array<i32>} : memref<448xf32, #tpu.memory_space<vmem>>, vector<16xf32>,
      tpu.vector_store %arg12[%swap3A_215], %mul3A_214 {strides = array<i32>} : memref<448xf32, #tpu.memory_space<vmem>>, vector<16xf32>,
      %mul3A_217 = arith.constant 1.250000e+00 : f32
      %mul3A_218 = vector.broadcast %mul3A_217 : f32 to vector<16xf32>
      %mul3A_219 = arith.mulf %mul3A_218, %div3A_43 : vector<16xf32>
      %add3A_220 = arith.addf %mul3A_18, %mul3A_219 : vector<16xf32>
      %max3A_221 = arith.constant 0.000000e+00 : f32
      %max3A_222 = vector.broadcast %max3A_221 : f32 to vector<16xf32>
      %max3A_223 = arith.maximumf %add3A_220, %max3A_222 : vector<16xf32>
      %convert_element_type3A_224 = arith.fptosi %max3A_223 : vector<16xf32> to vector<16xi32>
      %ge3A_225 = arith.constant 31 : i32
      %ge3A_226 = vector.broadcast %ge3A_225 : i32 to vector<16xi32>
      %ge3A_227 = arith.cmpi sge, %convert_element_type3A_224, %ge3A_226 : vector<16xi32>
      %convert_element_type3A_228 = arith.sitofp %convert_element_type3A_224 : vector<16xi32> to vector<16xf32>
      %sub3A_229 = arith.subf %max3A_223, %convert_element_type3A_228 : vector<16xf32>
      %jit3A_230 = arith.constant 0.000000e+00 : f32
      %broadcast_in_dim3A_231 = vector.broadcast %jit3A_230 : f32 to vector<16xf32>
      %select_n3A_232 = arith.select %ge3A_227, %broadcast_in_dim3A_231, %sub3A_229 : vector<16xi1>, vector<16xf32>
      %min3A_233 = arith.constant 31 : i32
      %min3A_234 = vector.broadcast %min3A_233 : i32 to vector<16xi32>
      %min3A_235 = arith.minsi %convert_element_type3A_224, %min3A_234 : vector<16xi32>
      %swap3A_236 = arith.constant 64 : index
      %swap3A_237 = tpu.vector_load %arg9[%swap3A_236] {strides = array<i32>} : memref<448xi32, #tpu.memory_space<vmem>>, vector<16xi32>,
      tpu.vector_store %arg9[%swap3A_236], %min3A_235 {strides = array<i32>} : memref<448xi32, #tpu.memory_space<vmem>>, vector<16xi32>,
      %add3A_238 = arith.constant 1 : i32
      %add3A_239 = vector.broadcast %add3A_238 : i32 to vector<16xi32>
      %add3A_240 = arith.addi %convert_element_type3A_224, %add3A_239 : vector<16xi32>
      %min3A_241 = arith.constant 31 : i32
      %min3A_242 = vector.broadcast %min3A_241 : i32 to vector<16xi32>
      %min3A_243 = arith.minsi %add3A_240, %min3A_242 : vector<16xi32>
      %swap3A_244 = arith.constant 80 : index
      %swap3A_245 = tpu.vector_load %arg9[%swap3A_244] {strides = array<i32>} : memref<448xi32, #tpu.memory_space<vmem>>, vector<16xi32>,
      tpu.vector_store %arg9[%swap3A_244], %min3A_243 {strides = array<i32>} : memref<448xi32, #tpu.memory_space<vmem>>, vector<16xi32>,
      %sub3A_246 = arith.constant 1.000000e+00 : f32
      %sub3A_247 = vector.broadcast %sub3A_246 : f32 to vector<16xf32>
      %sub3A_248 = arith.subf %sub3A_247, %select_n3A_232 : vector<16xf32>
      %swap3A_249 = arith.constant 64 : index
      %swap3A_250 = tpu.vector_load %arg10[%swap3A_249] {strides = array<i32>} : memref<448xf32, #tpu.memory_space<vmem>>, vector<16xf32>,
      tpu.vector_store %arg10[%swap3A_249], %sub3A_248 {strides = array<i32>} : memref<448xf32, #tpu.memory_space<vmem>>, vector<16xf32>,
      %swap3A_251 = arith.constant 80 : index
      %swap3A_252 = tpu.vector_load %arg10[%swap3A_251] {strides = array<i32>} : memref<448xf32, #tpu.memory_space<vmem>>, vector<16xf32>,
      tpu.vector_store %arg10[%swap3A_251], %select_n3A_232 {strides = array<i32>} : memref<448xf32, #tpu.memory_space<vmem>>, vector<16xf32>,
      %mul3A_253 = arith.constant 1.250000e+00 : f32
      %mul3A_254 = vector.broadcast %mul3A_253 : f32 to vector<16xf32>
      %mul3A_255 = arith.mulf %mul3A_254, %div3A_50 : vector<16xf32>
      %add3A_256 = arith.addf %mul3A_25, %mul3A_255 : vector<16xf32>
      %max3A_257 = arith.constant 0.000000e+00 : f32
      %max3A_258 = vector.broadcast %max3A_257 : f32 to vector<16xf32>
      %max3A_259 = arith.maximumf %add3A_256, %max3A_258 : vector<16xf32>
      %convert_element_type3A_260 = arith.fptosi %max3A_259 : vector<16xf32> to vector<16xi32>
      %ge3A_261 = arith.constant 31 : i32
      %ge3A_262 = vector.broadcast %ge3A_261 : i32 to vector<16xi32>
      %ge3A_263 = arith.cmpi sge, %convert_element_type3A_260, %ge3A_262 : vector<16xi32>
      %convert_element_type3A_264 = arith.sitofp %convert_element_type3A_260 : vector<16xi32> to vector<16xf32>
      %sub3A_265 = arith.subf %max3A_259, %convert_element_type3A_264 : vector<16xf32>
      %jit3A_266 = arith.constant 0.000000e+00 : f32
      %broadcast_in_dim3A_267 = vector.broadcast %jit3A_266 : f32 to vector<16xf32>
      %select_n3A_268 = arith.select %ge3A_263, %broadcast_in_dim3A_267, %sub3A_265 : vector<16xi1>, vector<16xf32>
      %min3A_269 = arith.constant 31 : i32
      %min3A_270 = vector.broadcast %min3A_269 : i32 to vector<16xi32>
      %min3A_271 = arith.minsi %convert_element_type3A_260, %min3A_270 : vector<16xi32>
      %mul3A_272 = arith.constant 32 : i32
      %mul3A_273 = vector.broadcast %mul3A_272 : i32 to vector<16xi32>
      %mul3A_274 = arith.muli %min3A_271, %mul3A_273 : vector<16xi32>
      %swap3A_275 = arith.constant 64 : index
      %swap3A_276 = tpu.vector_load %arg11[%swap3A_275] {strides = array<i32>} : memref<448xi32, #tpu.memory_space<vmem>>, vector<16xi32>,
      tpu.vector_store %arg11[%swap3A_275], %mul3A_274 {strides = array<i32>} : memref<448xi32, #tpu.memory_space<vmem>>, vector<16xi32>,
      %add3A_277 = arith.constant 1 : i32
      %add3A_278 = vector.broadcast %add3A_277 : i32 to vector<16xi32>
      %add3A_279 = arith.addi %convert_element_type3A_260, %add3A_278 : vector<16xi32>
      %min3A_280 = arith.constant 31 : i32
      %min3A_281 = vector.broadcast %min3A_280 : i32 to vector<16xi32>
      %min3A_282 = arith.minsi %add3A_279, %min3A_281 : vector<16xi32>
      %mul3A_283 = arith.constant 32 : i32
      %mul3A_284 = vector.broadcast %mul3A_283 : i32 to vector<16xi32>
      %mul3A_285 = arith.muli %min3A_282, %mul3A_284 : vector<16xi32>
      %swap3A_286 = arith.constant 80 : index
      %swap3A_287 = tpu.vector_load %arg11[%swap3A_286] {strides = array<i32>} : memref<448xi32, #tpu.memory_space<vmem>>, vector<16xi32>,
      tpu.vector_store %arg11[%swap3A_286], %mul3A_285 {strides = array<i32>} : memref<448xi32, #tpu.memory_space<vmem>>, vector<16xi32>,
      %sub3A_288 = arith.constant 1.000000e+00 : f32
      %sub3A_289 = vector.broadcast %sub3A_288 : f32 to vector<16xf32>
      %sub3A_290 = arith.subf %sub3A_289, %select_n3A_268 : vector<16xf32>
      %mul3A_291 = arith.constant 2.500000e-01 : f32
      %mul3A_292 = vector.broadcast %mul3A_291 : f32 to vector<16xf32>
      %mul3A_293 = arith.mulf %sub3A_290, %mul3A_292 : vector<16xf32>
      %swap3A_294 = arith.constant 64 : index
      %swap3A_295 = tpu.vector_load %arg12[%swap3A_294] {strides = array<i32>} : memref<448xf32, #tpu.memory_space<vmem>>, vector<16xf32>,
      tpu.vector_store %arg12[%swap3A_294], %mul3A_293 {strides = array<i32>} : memref<448xf32, #tpu.memory_space<vmem>>, vector<16xf32>,
      %mul3A_296 = arith.constant 2.500000e-01 : f32
      %mul3A_297 = vector.broadcast %mul3A_296 : f32 to vector<16xf32>
      %mul3A_298 = arith.mulf %select_n3A_268, %mul3A_297 : vector<16xf32>
      %swap3A_299 = arith.constant 80 : index
      %swap3A_300 = tpu.vector_load %arg12[%swap3A_299] {strides = array<i32>} : memref<448xf32, #tpu.memory_space<vmem>>, vector<16xf32>,
      tpu.vector_store %arg12[%swap3A_299], %mul3A_298 {strides = array<i32>} : memref<448xf32, #tpu.memory_space<vmem>>, vector<16xf32>,
      %mul3A_301 = arith.constant 1.750000e+00 : f32
      %mul3A_302 = vector.broadcast %mul3A_301 : f32 to vector<16xf32>
      %mul3A_303 = arith.mulf %mul3A_302, %div3A_43 : vector<16xf32>
      %add3A_304 = arith.addf %mul3A_18, %mul3A_303 : vector<16xf32>
      %max3A_305 = arith.constant 0.000000e+00 : f32
      %max3A_306 = vector.broadcast %max3A_305 : f32 to vector<16xf32>
      %max3A_307 = arith.maximumf %add3A_304, %max3A_306 : vector<16xf32>
      %convert_element_type3A_308 = arith.fptosi %max3A_307 : vector<16xf32> to vector<16xi32>
      %ge3A_309 = arith.constant 31 : i32
      %ge3A_310 = vector.broadcast %ge3A_309 : i32 to vector<16xi32>
      %ge3A_311 = arith.cmpi sge, %convert_element_type3A_308, %ge3A_310 : vector<16xi32>
      %convert_element_type3A_312 = arith.sitofp %convert_element_type3A_308 : vector<16xi32> to vector<16xf32>
      %sub3A_313 = arith.subf %max3A_307, %convert_element_type3A_312 : vector<16xf32>
      %jit3A_314 = arith.constant 0.000000e+00 : f32
      %broadcast_in_dim3A_315 = vector.broadcast %jit3A_314 : f32 to vector<16xf32>
      %select_n3A_316 = arith.select %ge3A_311, %broadcast_in_dim3A_315, %sub3A_313 : vector<16xi1>, vector<16xf32>
      %min3A_317 = arith.constant 31 : i32
      %min3A_318 = vector.broadcast %min3A_317 : i32 to vector<16xi32>
      %min3A_319 = arith.minsi %convert_element_type3A_308, %min3A_318 : vector<16xi32>
      %swap3A_320 = arith.constant 96 : index
      %swap3A_321 = tpu.vector_load %arg9[%swap3A_320] {strides = array<i32>} : memref<448xi32, #tpu.memory_space<vmem>>, vector<16xi32>,
      tpu.vector_store %arg9[%swap3A_320], %min3A_319 {strides = array<i32>} : memref<448xi32, #tpu.memory_space<vmem>>, vector<16xi32>,
      %add3A_322 = arith.constant 1 : i32
      %add3A_323 = vector.broadcast %add3A_322 : i32 to vector<16xi32>
      %add3A_324 = arith.addi %convert_element_type3A_308, %add3A_323 : vector<16xi32>
      %min3A_325 = arith.constant 31 : i32
      %min3A_326 = vector.broadcast %min3A_325 : i32 to vector<16xi32>
      %min3A_327 = arith.minsi %add3A_324, %min3A_326 : vector<16xi32>
      %swap3A_328 = arith.constant 112 : index
      %swap3A_329 = tpu.vector_load %arg9[%swap3A_328] {strides = array<i32>} : memref<448xi32, #tpu.memory_space<vmem>>, vector<16xi32>,
      tpu.vector_store %arg9[%swap3A_328], %min3A_327 {strides = array<i32>} : memref<448xi32, #tpu.memory_space<vmem>>, vector<16xi32>,
      %sub3A_330 = arith.constant 1.000000e+00 : f32
      %sub3A_331 = vector.broadcast %sub3A_330 : f32 to vector<16xf32>
      %sub3A_332 = arith.subf %sub3A_331, %select_n3A_316 : vector<16xf32>
      %swap3A_333 = arith.constant 96 : index
      %swap3A_334 = tpu.vector_load %arg10[%swap3A_333] {strides = array<i32>} : memref<448xf32, #tpu.memory_space<vmem>>, vector<16xf32>,
      tpu.vector_store %arg10[%swap3A_333], %sub3A_332 {strides = array<i32>} : memref<448xf32, #tpu.memory_space<vmem>>, vector<16xf32>,
      %swap3A_335 = arith.constant 112 : index
      %swap3A_336 = tpu.vector_load %arg10[%swap3A_335] {strides = array<i32>} : memref<448xf32, #tpu.memory_space<vmem>>, vector<16xf32>,
      tpu.vector_store %arg10[%swap3A_335], %select_n3A_316 {strides = array<i32>} : memref<448xf32, #tpu.memory_space<vmem>>, vector<16xf32>,
      %mul3A_337 = arith.constant 1.750000e+00 : f32
      %mul3A_338 = vector.broadcast %mul3A_337 : f32 to vector<16xf32>
      %mul3A_339 = arith.mulf %mul3A_338, %div3A_50 : vector<16xf32>
      %add3A_340 = arith.addf %mul3A_25, %mul3A_339 : vector<16xf32>
      %max3A_341 = arith.constant 0.000000e+00 : f32
      %max3A_342 = vector.broadcast %max3A_341 : f32 to vector<16xf32>
      %max3A_343 = arith.maximumf %add3A_340, %max3A_342 : vector<16xf32>
      %convert_element_type3A_344 = arith.fptosi %max3A_343 : vector<16xf32> to vector<16xi32>
      %ge3A_345 = arith.constant 31 : i32
      %ge3A_346 = vector.broadcast %ge3A_345 : i32 to vector<16xi32>
      %ge3A_347 = arith.cmpi sge, %convert_element_type3A_344, %ge3A_346 : vector<16xi32>
      %convert_element_type3A_348 = arith.sitofp %convert_element_type3A_344 : vector<16xi32> to vector<16xf32>
      %sub3A_349 = arith.subf %max3A_343, %convert_element_type3A_348 : vector<16xf32>
      %jit3A_350 = arith.constant 0.000000e+00 : f32
      %broadcast_in_dim3A_351 = vector.broadcast %jit3A_350 : f32 to vector<16xf32>
      %select_n3A_352 = arith.select %ge3A_347, %broadcast_in_dim3A_351, %sub3A_349 : vector<16xi1>, vector<16xf32>
      %min3A_353 = arith.constant 31 : i32
      %min3A_354 = vector.broadcast %min3A_353 : i32 to vector<16xi32>
      %min3A_355 = arith.minsi %convert_element_type3A_344, %min3A_354 : vector<16xi32>
      %mul3A_356 = arith.constant 32 : i32
      %mul3A_357 = vector.broadcast %mul3A_356 : i32 to vector<16xi32>
      %mul3A_358 = arith.muli %min3A_355, %mul3A_357 : vector<16xi32>
      %swap3A_359 = arith.constant 96 : index
      %swap3A_360 = tpu.vector_load %arg11[%swap3A_359] {strides = array<i32>} : memref<448xi32, #tpu.memory_space<vmem>>, vector<16xi32>,
      tpu.vector_store %arg11[%swap3A_359], %mul3A_358 {strides = array<i32>} : memref<448xi32, #tpu.memory_space<vmem>>, vector<16xi32>,
      %add3A_361 = arith.constant 1 : i32
      %add3A_362 = vector.broadcast %add3A_361 : i32 to vector<16xi32>
      %add3A_363 = arith.addi %convert_element_type3A_344, %add3A_362 : vector<16xi32>
      %min3A_364 = arith.constant 31 : i32
      %min3A_365 = vector.broadcast %min3A_364 : i32 to vector<16xi32>
      %min3A_366 = arith.minsi %add3A_363, %min3A_365 : vector<16xi32>
      %mul3A_367 = arith.constant 32 : i32
      %mul3A_368 = vector.broadcast %mul3A_367 : i32 to vector<16xi32>
      %mul3A_369 = arith.muli %min3A_366, %mul3A_368 : vector<16xi32>
      %swap3A_370 = arith.constant 112 : index
      %swap3A_371 = tpu.vector_load %arg11[%swap3A_370] {strides = array<i32>} : memref<448xi32, #tpu.memory_space<vmem>>, vector<16xi32>,
      tpu.vector_store %arg11[%swap3A_370], %mul3A_369 {strides = array<i32>} : memref<448xi32, #tpu.memory_space<vmem>>, vector<16xi32>,
      %sub3A_372 = arith.constant 1.000000e+00 : f32
      %sub3A_373 = vector.broadcast %sub3A_372 : f32 to vector<16xf32>
      %sub3A_374 = arith.subf %sub3A_373, %select_n3A_352 : vector<16xf32>
      %mul3A_375 = arith.constant 2.500000e-01 : f32
      %mul3A_376 = vector.broadcast %mul3A_375 : f32 to vector<16xf32>
      %mul3A_377 = arith.mulf %sub3A_374, %mul3A_376 : vector<16xf32>
      %swap3A_378 = arith.constant 96 : index
      %swap3A_379 = tpu.vector_load %arg12[%swap3A_378] {strides = array<i32>} : memref<448xf32, #tpu.memory_space<vmem>>, vector<16xf32>,
      tpu.vector_store %arg12[%swap3A_378], %mul3A_377 {strides = array<i32>} : memref<448xf32, #tpu.memory_space<vmem>>, vector<16xf32>,
      %mul3A_380 = arith.constant 2.500000e-01 : f32
      %mul3A_381 = vector.broadcast %mul3A_380 : f32 to vector<16xf32>
      %mul3A_382 = arith.mulf %select_n3A_352, %mul3A_381 : vector<16xf32>
      %swap3A_383 = arith.constant 112 : index
      %swap3A_384 = tpu.vector_load %arg12[%swap3A_383] {strides = array<i32>} : memref<448xf32, #tpu.memory_space<vmem>>, vector<16xf32>,
      tpu.vector_store %arg12[%swap3A_383], %mul3A_382 {strides = array<i32>} : memref<448xf32, #tpu.memory_space<vmem>>, vector<16xf32>,
      %mul3A_385 = arith.constant 2.250000e+00 : f32
      %mul3A_386 = vector.broadcast %mul3A_385 : f32 to vector<16xf32>
      %mul3A_387 = arith.mulf %mul3A_386, %div3A_43 : vector<16xf32>
      %add3A_388 = arith.addf %mul3A_18, %mul3A_387 : vector<16xf32>
      %max3A_389 = arith.constant 0.000000e+00 : f32
      %max3A_390 = vector.broadcast %max3A_389 : f32 to vector<16xf32>
      %max3A_391 = arith.maximumf %add3A_388, %max3A_390 : vector<16xf32>
      %convert_element_type3A_392 = arith.fptosi %max3A_391 : vector<16xf32> to vector<16xi32>
      %ge3A_393 = arith.constant 31 : i32
      %ge3A_394 = vector.broadcast %ge3A_393 : i32 to vector<16xi32>
      %ge3A_395 = arith.cmpi sge, %convert_element_type3A_392, %ge3A_394 : vector<16xi32>
      %convert_element_type3A_396 = arith.sitofp %convert_element_type3A_392 : vector<16xi32> to vector<16xf32>
      %sub3A_397 = arith.subf %max3A_391, %convert_element_type3A_396 : vector<16xf32>
      %jit3A_398 = arith.constant 0.000000e+00 : f32
      %broadcast_in_dim3A_399 = vector.broadcast %jit3A_398 : f32 to vector<16xf32>
      %select_n3A_400 = arith.select %ge3A_395, %broadcast_in_dim3A_399, %sub3A_397 : vector<16xi1>, vector<16xf32>
      %min3A_401 = arith.constant 31 : i32
      %min3A_402 = vector.broadcast %min3A_401 : i32 to vector<16xi32>
      %min3A_403 = arith.minsi %convert_element_type3A_392, %min3A_402 : vector<16xi32>
      %swap3A_404 = arith.constant 128 : index
      %swap3A_405 = tpu.vector_load %arg9[%swap3A_404] {strides = array<i32>} : memref<448xi32, #tpu.memory_space<vmem>>, vector<16xi32>,
      tpu.vector_store %arg9[%swap3A_404], %min3A_403 {strides = array<i32>} : memref<448xi32, #tpu.memory_space<vmem>>, vector<16xi32>,
      %add3A_406 = arith.constant 1 : i32
      %add3A_407 = vector.broadcast %add3A_406 : i32 to vector<16xi32>
      %add3A_408 = arith.addi %convert_element_type3A_392, %add3A_407 : vector<16xi32>
      %min3A_409 = arith.constant 31 : i32
      %min3A_410 = vector.broadcast %min3A_409 : i32 to vector<16xi32>
      %min3A_411 = arith.minsi %add3A_408, %min3A_410 : vector<16xi32>
      %swap3A_412 = arith.constant 144 : index
      %swap3A_413 = tpu.vector_load %arg9[%swap3A_412] {strides = array<i32>} : memref<448xi32, #tpu.memory_space<vmem>>, vector<16xi32>,
      tpu.vector_store %arg9[%swap3A_412], %min3A_411 {strides = array<i32>} : memref<448xi32, #tpu.memory_space<vmem>>, vector<16xi32>,
      %sub3A_414 = arith.constant 1.000000e+00 : f32
      %sub3A_415 = vector.broadcast %sub3A_414 : f32 to vector<16xf32>
      %sub3A_416 = arith.subf %sub3A_415, %select_n3A_400 : vector<16xf32>
      %swap3A_417 = arith.constant 128 : index
      %swap3A_418 = tpu.vector_load %arg10[%swap3A_417] {strides = array<i32>} : memref<448xf32, #tpu.memory_space<vmem>>, vector<16xf32>,
      tpu.vector_store %arg10[%swap3A_417], %sub3A_416 {strides = array<i32>} : memref<448xf32, #tpu.memory_space<vmem>>, vector<16xf32>,
      %swap3A_419 = arith.constant 144 : index
      %swap3A_420 = tpu.vector_load %arg10[%swap3A_419] {strides = array<i32>} : memref<448xf32, #tpu.memory_space<vmem>>, vector<16xf32>,
      tpu.vector_store %arg10[%swap3A_419], %select_n3A_400 {strides = array<i32>} : memref<448xf32, #tpu.memory_space<vmem>>, vector<16xf32>,
      %mul3A_421 = arith.constant 2.250000e+00 : f32
      %mul3A_422 = vector.broadcast %mul3A_421 : f32 to vector<16xf32>
      %mul3A_423 = arith.mulf %mul3A_422, %div3A_50 : vector<16xf32>
      %add3A_424 = arith.addf %mul3A_25, %mul3A_423 : vector<16xf32>
      %max3A_425 = arith.constant 0.000000e+00 : f32
      %max3A_426 = vector.broadcast %max3A_425 : f32 to vector<16xf32>
      %max3A_427 = arith.maximumf %add3A_424, %max3A_426 : vector<16xf32>
      %convert_element_type3A_428 = arith.fptosi %max3A_427 : vector<16xf32> to vector<16xi32>
      %ge3A_429 = arith.constant 31 : i32
      %ge3A_430 = vector.broadcast %ge3A_429 : i32 to vector<16xi32>
      %ge3A_431 = arith.cmpi sge, %convert_element_type3A_428, %ge3A_430 : vector<16xi32>
      %convert_element_type3A_432 = arith.sitofp %convert_element_type3A_428 : vector<16xi32> to vector<16xf32>
      %sub3A_433 = arith.subf %max3A_427, %convert_element_type3A_432 : vector<16xf32>
      %jit3A_434 = arith.constant 0.000000e+00 : f32
      %broadcast_in_dim3A_435 = vector.broadcast %jit3A_434 : f32 to vector<16xf32>
      %select_n3A_436 = arith.select %ge3A_431, %broadcast_in_dim3A_435, %sub3A_433 : vector<16xi1>, vector<16xf32>
      %min3A_437 = arith.constant 31 : i32
      %min3A_438 = vector.broadcast %min3A_437 : i32 to vector<16xi32>
      %min3A_439 = arith.minsi %convert_element_type3A_428, %min3A_438 : vector<16xi32>
      %mul3A_440 = arith.constant 32 : i32
      %mul3A_441 = vector.broadcast %mul3A_440 : i32 to vector<16xi32>
      %mul3A_442 = arith.muli %min3A_439, %mul3A_441 : vector<16xi32>
      %swap3A_443 = arith.constant 128 : index
      %swap3A_444 = tpu.vector_load %arg11[%swap3A_443] {strides = array<i32>} : memref<448xi32, #tpu.memory_space<vmem>>, vector<16xi32>,
      tpu.vector_store %arg11[%swap3A_443], %mul3A_442 {strides = array<i32>} : memref<448xi32, #tpu.memory_space<vmem>>, vector<16xi32>,
      %add3A_445 = arith.constant 1 : i32
      %add3A_446 = vector.broadcast %add3A_445 : i32 to vector<16xi32>
      %add3A_447 = arith.addi %convert_element_type3A_428, %add3A_446 : vector<16xi32>
      %min3A_448 = arith.constant 31 : i32
      %min3A_449 = vector.broadcast %min3A_448 : i32 to vector<16xi32>
      %min3A_450 = arith.minsi %add3A_447, %min3A_449 : vector<16xi32>
      %mul3A_451 = arith.constant 32 : i32
      %mul3A_452 = vector.broadcast %mul3A_451 : i32 to vector<16xi32>
      %mul3A_453 = arith.muli %min3A_450, %mul3A_452 : vector<16xi32>
      %swap3A_454 = arith.constant 144 : index
      %swap3A_455 = tpu.vector_load %arg11[%swap3A_454] {strides = array<i32>} : memref<448xi32, #tpu.memory_space<vmem>>, vector<16xi32>,
      tpu.vector_store %arg11[%swap3A_454], %mul3A_453 {strides = array<i32>} : memref<448xi32, #tpu.memory_space<vmem>>, vector<16xi32>,
      %sub3A_456 = arith.constant 1.000000e+00 : f32
      %sub3A_457 = vector.broadcast %sub3A_456 : f32 to vector<16xf32>
      %sub3A_458 = arith.subf %sub3A_457, %select_n3A_436 : vector<16xf32>
      %mul3A_459 = arith.constant 2.500000e-01 : f32
      %mul3A_460 = vector.broadcast %mul3A_459 : f32 to vector<16xf32>
      %mul3A_461 = arith.mulf %sub3A_458, %mul3A_460 : vector<16xf32>
      %swap3A_462 = arith.constant 128 : index
      %swap3A_463 = tpu.vector_load %arg12[%swap3A_462] {strides = array<i32>} : memref<448xf32, #tpu.memory_space<vmem>>, vector<16xf32>,
      tpu.vector_store %arg12[%swap3A_462], %mul3A_461 {strides = array<i32>} : memref<448xf32, #tpu.memory_space<vmem>>, vector<16xf32>,
      %mul3A_464 = arith.constant 2.500000e-01 : f32
      %mul3A_465 = vector.broadcast %mul3A_464 : f32 to vector<16xf32>
      %mul3A_466 = arith.mulf %select_n3A_436, %mul3A_465 : vector<16xf32>
      %swap3A_467 = arith.constant 144 : index
      %swap3A_468 = tpu.vector_load %arg12[%swap3A_467] {strides = array<i32>} : memref<448xf32, #tpu.memory_space<vmem>>, vector<16xf32>,
      tpu.vector_store %arg12[%swap3A_467], %mul3A_466 {strides = array<i32>} : memref<448xf32, #tpu.memory_space<vmem>>, vector<16xf32>,
      %mul3A_469 = arith.constant 2.750000e+00 : f32
      %mul3A_470 = vector.broadcast %mul3A_469 : f32 to vector<16xf32>
      %mul3A_471 = arith.mulf %mul3A_470, %div3A_43 : vector<16xf32>
      %add3A_472 = arith.addf %mul3A_18, %mul3A_471 : vector<16xf32>
      %max3A_473 = arith.constant 0.000000e+00 : f32
      %max3A_474 = vector.broadcast %max3A_473 : f32 to vector<16xf32>
      %max3A_475 = arith.maximumf %add3A_472, %max3A_474 : vector<16xf32>
      %convert_element_type3A_476 = arith.fptosi %max3A_475 : vector<16xf32> to vector<16xi32>
      %ge3A_477 = arith.constant 31 : i32
      %ge3A_478 = vector.broadcast %ge3A_477 : i32 to vector<16xi32>
      %ge3A_479 = arith.cmpi sge, %convert_element_type3A_476, %ge3A_478 : vector<16xi32>
      %convert_element_type3A_480 = arith.sitofp %convert_element_type3A_476 : vector<16xi32> to vector<16xf32>
      %sub3A_481 = arith.subf %max3A_475, %convert_element_type3A_480 : vector<16xf32>
      %jit3A_482 = arith.constant 0.000000e+00 : f32
      %broadcast_in_dim3A_483 = vector.broadcast %jit3A_482 : f32 to vector<16xf32>
      %select_n3A_484 = arith.select %ge3A_479, %broadcast_in_dim3A_483, %sub3A_481 : vector<16xi1>, vector<16xf32>
      %min3A_485 = arith.constant 31 : i32
      %min3A_486 = vector.broadcast %min3A_485 : i32 to vector<16xi32>
      %min3A_487 = arith.minsi %convert_element_type3A_476, %min3A_486 : vector<16xi32>
      %swap3A_488 = arith.constant 160 : index
      %swap3A_489 = tpu.vector_load %arg9[%swap3A_488] {strides = array<i32>} : memref<448xi32, #tpu.memory_space<vmem>>, vector<16xi32>,
      tpu.vector_store %arg9[%swap3A_488], %min3A_487 {strides = array<i32>} : memref<448xi32, #tpu.memory_space<vmem>>, vector<16xi32>,
      %add3A_490 = arith.constant 1 : i32
      %add3A_491 = vector.broadcast %add3A_490 : i32 to vector<16xi32>
      %add3A_492 = arith.addi %convert_element_type3A_476, %add3A_491 : vector<16xi32>
      %min3A_493 = arith.constant 31 : i32
      %min3A_494 = vector.broadcast %min3A_493 : i32 to vector<16xi32>
      %min3A_495 = arith.minsi %add3A_492, %min3A_494 : vector<16xi32>
      %swap3A_496 = arith.constant 176 : index
      %swap3A_497 = tpu.vector_load %arg9[%swap3A_496] {strides = array<i32>} : memref<448xi32, #tpu.memory_space<vmem>>, vector<16xi32>,
      tpu.vector_store %arg9[%swap3A_496], %min3A_495 {strides = array<i32>} : memref<448xi32, #tpu.memory_space<vmem>>, vector<16xi32>,
      %sub3A_498 = arith.constant 1.000000e+00 : f32
      %sub3A_499 = vector.broadcast %sub3A_498 : f32 to vector<16xf32>
      %sub3A_500 = arith.subf %sub3A_499, %select_n3A_484 : vector<16xf32>
      %swap3A_501 = arith.constant 160 : index
      %swap3A_502 = tpu.vector_load %arg10[%swap3A_501] {strides = array<i32>} : memref<448xf32, #tpu.memory_space<vmem>>, vector<16xf32>,
      tpu.vector_store %arg10[%swap3A_501], %sub3A_500 {strides = array<i32>} : memref<448xf32, #tpu.memory_space<vmem>>, vector<16xf32>,
      %swap3A_503 = arith.constant 176 : index
      %swap3A_504 = tpu.vector_load %arg10[%swap3A_503] {strides = array<i32>} : memref<448xf32, #tpu.memory_space<vmem>>, vector<16xf32>,
      tpu.vector_store %arg10[%swap3A_503], %select_n3A_484 {strides = array<i32>} : memref<448xf32, #tpu.memory_space<vmem>>, vector<16xf32>,
      %mul3A_505 = arith.constant 2.750000e+00 : f32
      %mul3A_506 = vector.broadcast %mul3A_505 : f32 to vector<16xf32>
      %mul3A_507 = arith.mulf %mul3A_506, %div3A_50 : vector<16xf32>
      %add3A_508 = arith.addf %mul3A_25, %mul3A_507 : vector<16xf32>
      %max3A_509 = arith.constant 0.000000e+00 : f32
      %max3A_510 = vector.broadcast %max3A_509 : f32 to vector<16xf32>
      %max3A_511 = arith.maximumf %add3A_508, %max3A_510 : vector<16xf32>
      %convert_element_type3A_512 = arith.fptosi %max3A_511 : vector<16xf32> to vector<16xi32>
      %ge3A_513 = arith.constant 31 : i32
      %ge3A_514 = vector.broadcast %ge3A_513 : i32 to vector<16xi32>
      %ge3A_515 = arith.cmpi sge, %convert_element_type3A_512, %ge3A_514 : vector<16xi32>
      %convert_element_type3A_516 = arith.sitofp %convert_element_type3A_512 : vector<16xi32> to vector<16xf32>
      %sub3A_517 = arith.subf %max3A_511, %convert_element_type3A_516 : vector<16xf32>
      %jit3A_518 = arith.constant 0.000000e+00 : f32
      %broadcast_in_dim3A_519 = vector.broadcast %jit3A_518 : f32 to vector<16xf32>
      %select_n3A_520 = arith.select %ge3A_515, %broadcast_in_dim3A_519, %sub3A_517 : vector<16xi1>, vector<16xf32>
      %min3A_521 = arith.constant 31 : i32
      %min3A_522 = vector.broadcast %min3A_521 : i32 to vector<16xi32>
      %min3A_523 = arith.minsi %convert_element_type3A_512, %min3A_522 : vector<16xi32>
      %mul3A_524 = arith.constant 32 : i32
      %mul3A_525 = vector.broadcast %mul3A_524 : i32 to vector<16xi32>
      %mul3A_526 = arith.muli %min3A_523, %mul3A_525 : vector<16xi32>
      %swap3A_527 = arith.constant 160 : index
      %swap3A_528 = tpu.vector_load %arg11[%swap3A_527] {strides = array<i32>} : memref<448xi32, #tpu.memory_space<vmem>>, vector<16xi32>,
      tpu.vector_store %arg11[%swap3A_527], %mul3A_526 {strides = array<i32>} : memref<448xi32, #tpu.memory_space<vmem>>, vector<16xi32>,
      %add3A_529 = arith.constant 1 : i32
      %add3A_530 = vector.broadcast %add3A_529 : i32 to vector<16xi32>
      %add3A_531 = arith.addi %convert_element_type3A_512, %add3A_530 : vector<16xi32>
      %min3A_532 = arith.constant 31 : i32
      %min3A_533 = vector.broadcast %min3A_532 : i32 to vector<16xi32>
      %min3A_534 = arith.minsi %add3A_531, %min3A_533 : vector<16xi32>
      %mul3A_535 = arith.constant 32 : i32
      %mul3A_536 = vector.broadcast %mul3A_535 : i32 to vector<16xi32>
      %mul3A_537 = arith.muli %min3A_534, %mul3A_536 : vector<16xi32>
      %swap3A_538 = arith.constant 176 : index
      %swap3A_539 = tpu.vector_load %arg11[%swap3A_538] {strides = array<i32>} : memref<448xi32, #tpu.memory_space<vmem>>, vector<16xi32>,
      tpu.vector_store %arg11[%swap3A_538], %mul3A_537 {strides = array<i32>} : memref<448xi32, #tpu.memory_space<vmem>>, vector<16xi32>,
      %sub3A_540 = arith.constant 1.000000e+00 : f32
      %sub3A_541 = vector.broadcast %sub3A_540 : f32 to vector<16xf32>
      %sub3A_542 = arith.subf %sub3A_541, %select_n3A_520 : vector<16xf32>
      %mul3A_543 = arith.constant 2.500000e-01 : f32
      %mul3A_544 = vector.broadcast %mul3A_543 : f32 to vector<16xf32>
      %mul3A_545 = arith.mulf %sub3A_542, %mul3A_544 : vector<16xf32>
      %swap3A_546 = arith.constant 160 : index
      %swap3A_547 = tpu.vector_load %arg12[%swap3A_546] {strides = array<i32>} : memref<448xf32, #tpu.memory_space<vmem>>, vector<16xf32>,
      tpu.vector_store %arg12[%swap3A_546], %mul3A_545 {strides = array<i32>} : memref<448xf32, #tpu.memory_space<vmem>>, vector<16xf32>,
      %mul3A_548 = arith.constant 2.500000e-01 : f32
      %mul3A_549 = vector.broadcast %mul3A_548 : f32 to vector<16xf32>
      %mul3A_550 = arith.mulf %select_n3A_520, %mul3A_549 : vector<16xf32>
      %swap3A_551 = arith.constant 176 : index
      %swap3A_552 = tpu.vector_load %arg12[%swap3A_551] {strides = array<i32>} : memref<448xf32, #tpu.memory_space<vmem>>, vector<16xf32>,
      tpu.vector_store %arg12[%swap3A_551], %mul3A_550 {strides = array<i32>} : memref<448xf32, #tpu.memory_space<vmem>>, vector<16xf32>,
      %mul3A_553 = arith.constant 3.250000e+00 : f32
      %mul3A_554 = vector.broadcast %mul3A_553 : f32 to vector<16xf32>
      %mul3A_555 = arith.mulf %mul3A_554, %div3A_43 : vector<16xf32>
      %add3A_556 = arith.addf %mul3A_18, %mul3A_555 : vector<16xf32>
      %max3A_557 = arith.constant 0.000000e+00 : f32
      %max3A_558 = vector.broadcast %max3A_557 : f32 to vector<16xf32>
      %max3A_559 = arith.maximumf %add3A_556, %max3A_558 : vector<16xf32>
      %convert_element_type3A_560 = arith.fptosi %max3A_559 : vector<16xf32> to vector<16xi32>
      %ge3A_561 = arith.constant 31 : i32
      %ge3A_562 = vector.broadcast %ge3A_561 : i32 to vector<16xi32>
      %ge3A_563 = arith.cmpi sge, %convert_element_type3A_560, %ge3A_562 : vector<16xi32>
      %convert_element_type3A_564 = arith.sitofp %convert_element_type3A_560 : vector<16xi32> to vector<16xf32>
      %sub3A_565 = arith.subf %max3A_559, %convert_element_type3A_564 : vector<16xf32>
      %jit3A_566 = arith.constant 0.000000e+00 : f32
      %broadcast_in_dim3A_567 = vector.broadcast %jit3A_566 : f32 to vector<16xf32>
      %select_n3A_568 = arith.select %ge3A_563, %broadcast_in_dim3A_567, %sub3A_565 : vector<16xi1>, vector<16xf32>
      %min3A_569 = arith.constant 31 : i32
      %min3A_570 = vector.broadcast %min3A_569 : i32 to vector<16xi32>
      %min3A_571 = arith.minsi %convert_element_type3A_560, %min3A_570 : vector<16xi32>
      %swap3A_572 = arith.constant 192 : index
      %swap3A_573 = tpu.vector_load %arg9[%swap3A_572] {strides = array<i32>} : memref<448xi32, #tpu.memory_space<vmem>>, vector<16xi32>,
      tpu.vector_store %arg9[%swap3A_572], %min3A_571 {strides = array<i32>} : memref<448xi32, #tpu.memory_space<vmem>>, vector<16xi32>,
      %add3A_574 = arith.constant 1 : i32
      %add3A_575 = vector.broadcast %add3A_574 : i32 to vector<16xi32>
      %add3A_576 = arith.addi %convert_element_type3A_560, %add3A_575 : vector<16xi32>
      %min3A_577 = arith.constant 31 : i32
      %min3A_578 = vector.broadcast %min3A_577 : i32 to vector<16xi32>
      %min3A_579 = arith.minsi %add3A_576, %min3A_578 : vector<16xi32>
      %swap3A_580 = arith.constant 208 : index
      %swap3A_581 = tpu.vector_load %arg9[%swap3A_580] {strides = array<i32>} : memref<448xi32, #tpu.memory_space<vmem>>, vector<16xi32>,
      tpu.vector_store %arg9[%swap3A_580], %min3A_579 {strides = array<i32>} : memref<448xi32, #tpu.memory_space<vmem>>, vector<16xi32>,
      %sub3A_582 = arith.constant 1.000000e+00 : f32
      %sub3A_583 = vector.broadcast %sub3A_582 : f32 to vector<16xf32>
      %sub3A_584 = arith.subf %sub3A_583, %select_n3A_568 : vector<16xf32>
      %swap3A_585 = arith.constant 192 : index
      %swap3A_586 = tpu.vector_load %arg10[%swap3A_585] {strides = array<i32>} : memref<448xf32, #tpu.memory_space<vmem>>, vector<16xf32>,
      tpu.vector_store %arg10[%swap3A_585], %sub3A_584 {strides = array<i32>} : memref<448xf32, #tpu.memory_space<vmem>>, vector<16xf32>,
      %swap3A_587 = arith.constant 208 : index
      %swap3A_588 = tpu.vector_load %arg10[%swap3A_587] {strides = array<i32>} : memref<448xf32, #tpu.memory_space<vmem>>, vector<16xf32>,
      tpu.vector_store %arg10[%swap3A_587], %select_n3A_568 {strides = array<i32>} : memref<448xf32, #tpu.memory_space<vmem>>, vector<16xf32>,
      %mul3A_589 = arith.constant 3.250000e+00 : f32
      %mul3A_590 = vector.broadcast %mul3A_589 : f32 to vector<16xf32>
      %mul3A_591 = arith.mulf %mul3A_590, %div3A_50 : vector<16xf32>
      %add3A_592 = arith.addf %mul3A_25, %mul3A_591 : vector<16xf32>
      %max3A_593 = arith.constant 0.000000e+00 : f32
      %max3A_594 = vector.broadcast %max3A_593 : f32 to vector<16xf32>
      %max3A_595 = arith.maximumf %add3A_592, %max3A_594 : vector<16xf32>
      %convert_element_type3A_596 = arith.fptosi %max3A_595 : vector<16xf32> to vector<16xi32>
      %ge3A_597 = arith.constant 31 : i32
      %ge3A_598 = vector.broadcast %ge3A_597 : i32 to vector<16xi32>
      %ge3A_599 = arith.cmpi sge, %convert_element_type3A_596, %ge3A_598 : vector<16xi32>
      %convert_element_type3A_600 = arith.sitofp %convert_element_type3A_596 : vector<16xi32> to vector<16xf32>
      %sub3A_601 = arith.subf %max3A_595, %convert_element_type3A_600 : vector<16xf32>
      %jit3A_602 = arith.constant 0.000000e+00 : f32
      %broadcast_in_dim3A_603 = vector.broadcast %jit3A_602 : f32 to vector<16xf32>
      %select_n3A_604 = arith.select %ge3A_599, %broadcast_in_dim3A_603, %sub3A_601 : vector<16xi1>, vector<16xf32>
      %min3A_605 = arith.constant 31 : i32
      %min3A_606 = vector.broadcast %min3A_605 : i32 to vector<16xi32>
      %min3A_607 = arith.minsi %convert_element_type3A_596, %min3A_606 : vector<16xi32>
      %mul3A_608 = arith.constant 32 : i32
      %mul3A_609 = vector.broadcast %mul3A_608 : i32 to vector<16xi32>
      %mul3A_610 = arith.muli %min3A_607, %mul3A_609 : vector<16xi32>
      %swap3A_611 = arith.constant 192 : index
      %swap3A_612 = tpu.vector_load %arg11[%swap3A_611] {strides = array<i32>} : memref<448xi32, #tpu.memory_space<vmem>>, vector<16xi32>,
      tpu.vector_store %arg11[%swap3A_611], %mul3A_610 {strides = array<i32>} : memref<448xi32, #tpu.memory_space<vmem>>, vector<16xi32>,
      %add3A_613 = arith.constant 1 : i32
      %add3A_614 = vector.broadcast %add3A_613 : i32 to vector<16xi32>
      %add3A_615 = arith.addi %convert_element_type3A_596, %add3A_614 : vector<16xi32>
      %min3A_616 = arith.constant 31 : i32
      %min3A_617 = vector.broadcast %min3A_616 : i32 to vector<16xi32>
      %min3A_618 = arith.minsi %add3A_615, %min3A_617 : vector<16xi32>
      %mul3A_619 = arith.constant 32 : i32
      %mul3A_620 = vector.broadcast %mul3A_619 : i32 to vector<16xi32>
      %mul3A_621 = arith.muli %min3A_618, %mul3A_620 : vector<16xi32>
      %swap3A_622 = arith.constant 208 : index
      %swap3A_623 = tpu.vector_load %arg11[%swap3A_622] {strides = array<i32>} : memref<448xi32, #tpu.memory_space<vmem>>, vector<16xi32>,
      tpu.vector_store %arg11[%swap3A_622], %mul3A_621 {strides = array<i32>} : memref<448xi32, #tpu.memory_space<vmem>>, vector<16xi32>,
      %sub3A_624 = arith.constant 1.000000e+00 : f32
      %sub3A_625 = vector.broadcast %sub3A_624 : f32 to vector<16xf32>
      %sub3A_626 = arith.subf %sub3A_625, %select_n3A_604 : vector<16xf32>
      %mul3A_627 = arith.constant 2.500000e-01 : f32
      %mul3A_628 = vector.broadcast %mul3A_627 : f32 to vector<16xf32>
      %mul3A_629 = arith.mulf %sub3A_626, %mul3A_628 : vector<16xf32>
      %swap3A_630 = arith.constant 192 : index
      %swap3A_631 = tpu.vector_load %arg12[%swap3A_630] {strides = array<i32>} : memref<448xf32, #tpu.memory_space<vmem>>, vector<16xf32>,
      tpu.vector_store %arg12[%swap3A_630], %mul3A_629 {strides = array<i32>} : memref<448xf32, #tpu.memory_space<vmem>>, vector<16xf32>,
      %mul3A_632 = arith.constant 2.500000e-01 : f32
      %mul3A_633 = vector.broadcast %mul3A_632 : f32 to vector<16xf32>
      %mul3A_634 = arith.mulf %select_n3A_604, %mul3A_633 : vector<16xf32>
      %swap3A_635 = arith.constant 208 : index
      %swap3A_636 = tpu.vector_load %arg12[%swap3A_635] {strides = array<i32>} : memref<448xf32, #tpu.memory_space<vmem>>, vector<16xf32>,
      tpu.vector_store %arg12[%swap3A_635], %mul3A_634 {strides = array<i32>} : memref<448xf32, #tpu.memory_space<vmem>>, vector<16xf32>,
      %mul3A_637 = arith.constant 3.750000e+00 : f32
      %mul3A_638 = vector.broadcast %mul3A_637 : f32 to vector<16xf32>
      %mul3A_639 = arith.mulf %mul3A_638, %div3A_43 : vector<16xf32>
      %add3A_640 = arith.addf %mul3A_18, %mul3A_639 : vector<16xf32>
      %max3A_641 = arith.constant 0.000000e+00 : f32
      %max3A_642 = vector.broadcast %max3A_641 : f32 to vector<16xf32>
      %max3A_643 = arith.maximumf %add3A_640, %max3A_642 : vector<16xf32>
      %convert_element_type3A_644 = arith.fptosi %max3A_643 : vector<16xf32> to vector<16xi32>
      %ge3A_645 = arith.constant 31 : i32
      %ge3A_646 = vector.broadcast %ge3A_645 : i32 to vector<16xi32>
      %ge3A_647 = arith.cmpi sge, %convert_element_type3A_644, %ge3A_646 : vector<16xi32>
      %convert_element_type3A_648 = arith.sitofp %convert_element_type3A_644 : vector<16xi32> to vector<16xf32>
      %sub3A_649 = arith.subf %max3A_643, %convert_element_type3A_648 : vector<16xf32>
      %jit3A_650 = arith.constant 0.000000e+00 : f32
      %broadcast_in_dim3A_651 = vector.broadcast %jit3A_650 : f32 to vector<16xf32>
      %select_n3A_652 = arith.select %ge3A_647, %broadcast_in_dim3A_651, %sub3A_649 : vector<16xi1>, vector<16xf32>
      %min3A_653 = arith.constant 31 : i32
      %min3A_654 = vector.broadcast %min3A_653 : i32 to vector<16xi32>
      %min3A_655 = arith.minsi %convert_element_type3A_644, %min3A_654 : vector<16xi32>
      %swap3A_656 = arith.constant 224 : index
      %swap3A_657 = tpu.vector_load %arg9[%swap3A_656] {strides = array<i32>} : memref<448xi32, #tpu.memory_space<vmem>>, vector<16xi32>,
      tpu.vector_store %arg9[%swap3A_656], %min3A_655 {strides = array<i32>} : memref<448xi32, #tpu.memory_space<vmem>>, vector<16xi32>,
      %add3A_658 = arith.constant 1 : i32
      %add3A_659 = vector.broadcast %add3A_658 : i32 to vector<16xi32>
      %add3A_660 = arith.addi %convert_element_type3A_644, %add3A_659 : vector<16xi32>
      %min3A_661 = arith.constant 31 : i32
      %min3A_662 = vector.broadcast %min3A_661 : i32 to vector<16xi32>
      %min3A_663 = arith.minsi %add3A_660, %min3A_662 : vector<16xi32>
      %swap3A_664 = arith.constant 240 : index
      %swap3A_665 = tpu.vector_load %arg9[%swap3A_664] {strides = array<i32>} : memref<448xi32, #tpu.memory_space<vmem>>, vector<16xi32>,
      tpu.vector_store %arg9[%swap3A_664], %min3A_663 {strides = array<i32>} : memref<448xi32, #tpu.memory_space<vmem>>, vector<16xi32>,
      %sub3A_666 = arith.constant 1.000000e+00 : f32
      %sub3A_667 = vector.broadcast %sub3A_666 : f32 to vector<16xf32>
      %sub3A_668 = arith.subf %sub3A_667, %select_n3A_652 : vector<16xf32>
      %swap3A_669 = arith.constant 224 : index
      %swap3A_670 = tpu.vector_load %arg10[%swap3A_669] {strides = array<i32>} : memref<448xf32, #tpu.memory_space<vmem>>, vector<16xf32>,
      tpu.vector_store %arg10[%swap3A_669], %sub3A_668 {strides = array<i32>} : memref<448xf32, #tpu.memory_space<vmem>>, vector<16xf32>,
      %swap3A_671 = arith.constant 240 : index
      %swap3A_672 = tpu.vector_load %arg10[%swap3A_671] {strides = array<i32>} : memref<448xf32, #tpu.memory_space<vmem>>, vector<16xf32>,
      tpu.vector_store %arg10[%swap3A_671], %select_n3A_652 {strides = array<i32>} : memref<448xf32, #tpu.memory_space<vmem>>, vector<16xf32>,
      %mul3A_673 = arith.constant 3.750000e+00 : f32
      %mul3A_674 = vector.broadcast %mul3A_673 : f32 to vector<16xf32>
      %mul3A_675 = arith.mulf %mul3A_674, %div3A_50 : vector<16xf32>
      %add3A_676 = arith.addf %mul3A_25, %mul3A_675 : vector<16xf32>
      %max3A_677 = arith.constant 0.000000e+00 : f32
      %max3A_678 = vector.broadcast %max3A_677 : f32 to vector<16xf32>
      %max3A_679 = arith.maximumf %add3A_676, %max3A_678 : vector<16xf32>
      %convert_element_type3A_680 = arith.fptosi %max3A_679 : vector<16xf32> to vector<16xi32>
      %ge3A_681 = arith.constant 31 : i32
      %ge3A_682 = vector.broadcast %ge3A_681 : i32 to vector<16xi32>
      %ge3A_683 = arith.cmpi sge, %convert_element_type3A_680, %ge3A_682 : vector<16xi32>
      %convert_element_type3A_684 = arith.sitofp %convert_element_type3A_680 : vector<16xi32> to vector<16xf32>
      %sub3A_685 = arith.subf %max3A_679, %convert_element_type3A_684 : vector<16xf32>
      %jit3A_686 = arith.constant 0.000000e+00 : f32
      %broadcast_in_dim3A_687 = vector.broadcast %jit3A_686 : f32 to vector<16xf32>
      %select_n3A_688 = arith.select %ge3A_683, %broadcast_in_dim3A_687, %sub3A_685 : vector<16xi1>, vector<16xf32>
      %min3A_689 = arith.constant 31 : i32
      %min3A_690 = vector.broadcast %min3A_689 : i32 to vector<16xi32>
      %min3A_691 = arith.minsi %convert_element_type3A_680, %min3A_690 : vector<16xi32>
      %mul3A_692 = arith.constant 32 : i32
      %mul3A_693 = vector.broadcast %mul3A_692 : i32 to vector<16xi32>
      %mul3A_694 = arith.muli %min3A_691, %mul3A_693 : vector<16xi32>
      %swap3A_695 = arith.constant 224 : index
      %swap3A_696 = tpu.vector_load %arg11[%swap3A_695] {strides = array<i32>} : memref<448xi32, #tpu.memory_space<vmem>>, vector<16xi32>,
      tpu.vector_store %arg11[%swap3A_695], %mul3A_694 {strides = array<i32>} : memref<448xi32, #tpu.memory_space<vmem>>, vector<16xi32>,
      %add3A_697 = arith.constant 1 : i32
      %add3A_698 = vector.broadcast %add3A_697 : i32 to vector<16xi32>
      %add3A_699 = arith.addi %convert_element_type3A_680, %add3A_698 : vector<16xi32>
      %min3A_700 = arith.constant 31 : i32
      %min3A_701 = vector.broadcast %min3A_700 : i32 to vector<16xi32>
      %min3A_702 = arith.minsi %add3A_699, %min3A_701 : vector<16xi32>
      %mul3A_703 = arith.constant 32 : i32
      %mul3A_704 = vector.broadcast %mul3A_703 : i32 to vector<16xi32>
      %mul3A_705 = arith.muli %min3A_702, %mul3A_704 : vector<16xi32>
      %swap3A_706 = arith.constant 240 : index
      %swap3A_707 = tpu.vector_load %arg11[%swap3A_706] {strides = array<i32>} : memref<448xi32, #tpu.memory_space<vmem>>, vector<16xi32>,
      tpu.vector_store %arg11[%swap3A_706], %mul3A_705 {strides = array<i32>} : memref<448xi32, #tpu.memory_space<vmem>>, vector<16xi32>,
      %sub3A_708 = arith.constant 1.000000e+00 : f32
      %sub3A_709 = vector.broadcast %sub3A_708 : f32 to vector<16xf32>
      %sub3A_710 = arith.subf %sub3A_709, %select_n3A_688 : vector<16xf32>
      %mul3A_711 = arith.constant 2.500000e-01 : f32
      %mul3A_712 = vector.broadcast %mul3A_711 : f32 to vector<16xf32>
      %mul3A_713 = arith.mulf %sub3A_710, %mul3A_712 : vector<16xf32>
      %swap3A_714 = arith.constant 224 : index
      %swap3A_715 = tpu.vector_load %arg12[%swap3A_714] {strides = array<i32>} : memref<448xf32, #tpu.memory_space<vmem>>, vector<16xf32>,
      tpu.vector_store %arg12[%swap3A_714], %mul3A_713 {strides = array<i32>} : memref<448xf32, #tpu.memory_space<vmem>>, vector<16xf32>,
      %mul3A_716 = arith.constant 2.500000e-01 : f32
      %mul3A_717 = vector.broadcast %mul3A_716 : f32 to vector<16xf32>
      %mul3A_718 = arith.mulf %select_n3A_688, %mul3A_717 : vector<16xf32>
      %swap3A_719 = arith.constant 240 : index
      %swap3A_720 = tpu.vector_load %arg12[%swap3A_719] {strides = array<i32>} : memref<448xf32, #tpu.memory_space<vmem>>, vector<16xf32>,
      tpu.vector_store %arg12[%swap3A_719], %mul3A_718 {strides = array<i32>} : memref<448xf32, #tpu.memory_space<vmem>>, vector<16xf32>,
      %mul3A_721 = arith.constant 4.250000e+00 : f32
      %mul3A_722 = vector.broadcast %mul3A_721 : f32 to vector<16xf32>
      %mul3A_723 = arith.mulf %mul3A_722, %div3A_43 : vector<16xf32>
      %add3A_724 = arith.addf %mul3A_18, %mul3A_723 : vector<16xf32>
      %max3A_725 = arith.constant 0.000000e+00 : f32
      %max3A_726 = vector.broadcast %max3A_725 : f32 to vector<16xf32>
      %max3A_727 = arith.maximumf %add3A_724, %max3A_726 : vector<16xf32>
      %convert_element_type3A_728 = arith.fptosi %max3A_727 : vector<16xf32> to vector<16xi32>
      %ge3A_729 = arith.constant 31 : i32
      %ge3A_730 = vector.broadcast %ge3A_729 : i32 to vector<16xi32>
      %ge3A_731 = arith.cmpi sge, %convert_element_type3A_728, %ge3A_730 : vector<16xi32>
      %convert_element_type3A_732 = arith.sitofp %convert_element_type3A_728 : vector<16xi32> to vector<16xf32>
      %sub3A_733 = arith.subf %max3A_727, %convert_element_type3A_732 : vector<16xf32>
      %jit3A_734 = arith.constant 0.000000e+00 : f32
      %broadcast_in_dim3A_735 = vector.broadcast %jit3A_734 : f32 to vector<16xf32>
      %select_n3A_736 = arith.select %ge3A_731, %broadcast_in_dim3A_735, %sub3A_733 : vector<16xi1>, vector<16xf32>
      %min3A_737 = arith.constant 31 : i32
      %min3A_738 = vector.broadcast %min3A_737 : i32 to vector<16xi32>
      %min3A_739 = arith.minsi %convert_element_type3A_728, %min3A_738 : vector<16xi32>
      %swap3A_740 = arith.constant 256 : index
      %swap3A_741 = tpu.vector_load %arg9[%swap3A_740] {strides = array<i32>} : memref<448xi32, #tpu.memory_space<vmem>>, vector<16xi32>,
      tpu.vector_store %arg9[%swap3A_740], %min3A_739 {strides = array<i32>} : memref<448xi32, #tpu.memory_space<vmem>>, vector<16xi32>,
      %add3A_742 = arith.constant 1 : i32
      %add3A_743 = vector.broadcast %add3A_742 : i32 to vector<16xi32>
      %add3A_744 = arith.addi %convert_element_type3A_728, %add3A_743 : vector<16xi32>
      %min3A_745 = arith.constant 31 : i32
      %min3A_746 = vector.broadcast %min3A_745 : i32 to vector<16xi32>
      %min3A_747 = arith.minsi %add3A_744, %min3A_746 : vector<16xi32>
      %swap3A_748 = arith.constant 272 : index
      %swap3A_749 = tpu.vector_load %arg9[%swap3A_748] {strides = array<i32>} : memref<448xi32, #tpu.memory_space<vmem>>, vector<16xi32>,
      tpu.vector_store %arg9[%swap3A_748], %min3A_747 {strides = array<i32>} : memref<448xi32, #tpu.memory_space<vmem>>, vector<16xi32>,
      %sub3A_750 = arith.constant 1.000000e+00 : f32
      %sub3A_751 = vector.broadcast %sub3A_750 : f32 to vector<16xf32>
      %sub3A_752 = arith.subf %sub3A_751, %select_n3A_736 : vector<16xf32>
      %swap3A_753 = arith.constant 256 : index
      %swap3A_754 = tpu.vector_load %arg10[%swap3A_753] {strides = array<i32>} : memref<448xf32, #tpu.memory_space<vmem>>, vector<16xf32>,
      tpu.vector_store %arg10[%swap3A_753], %sub3A_752 {strides = array<i32>} : memref<448xf32, #tpu.memory_space<vmem>>, vector<16xf32>,
      %swap3A_755 = arith.constant 272 : index
      %swap3A_756 = tpu.vector_load %arg10[%swap3A_755] {strides = array<i32>} : memref<448xf32, #tpu.memory_space<vmem>>, vector<16xf32>,
      tpu.vector_store %arg10[%swap3A_755], %select_n3A_736 {strides = array<i32>} : memref<448xf32, #tpu.memory_space<vmem>>, vector<16xf32>,
      %mul3A_757 = arith.constant 4.250000e+00 : f32
      %mul3A_758 = vector.broadcast %mul3A_757 : f32 to vector<16xf32>
      %mul3A_759 = arith.mulf %mul3A_758, %div3A_50 : vector<16xf32>
      %add3A_760 = arith.addf %mul3A_25, %mul3A_759 : vector<16xf32>
      %max3A_761 = arith.constant 0.000000e+00 : f32
      %max3A_762 = vector.broadcast %max3A_761 : f32 to vector<16xf32>
      %max3A_763 = arith.maximumf %add3A_760, %max3A_762 : vector<16xf32>
      %convert_element_type3A_764 = arith.fptosi %max3A_763 : vector<16xf32> to vector<16xi32>
      %ge3A_765 = arith.constant 31 : i32
      %ge3A_766 = vector.broadcast %ge3A_765 : i32 to vector<16xi32>
      %ge3A_767 = arith.cmpi sge, %convert_element_type3A_764, %ge3A_766 : vector<16xi32>
      %convert_element_type3A_768 = arith.sitofp %convert_element_type3A_764 : vector<16xi32> to vector<16xf32>
      %sub3A_769 = arith.subf %max3A_763, %convert_element_type3A_768 : vector<16xf32>
      %jit3A_770 = arith.constant 0.000000e+00 : f32
      %broadcast_in_dim3A_771 = vector.broadcast %jit3A_770 : f32 to vector<16xf32>
      %select_n3A_772 = arith.select %ge3A_767, %broadcast_in_dim3A_771, %sub3A_769 : vector<16xi1>, vector<16xf32>
      %min3A_773 = arith.constant 31 : i32
      %min3A_774 = vector.broadcast %min3A_773 : i32 to vector<16xi32>
      %min3A_775 = arith.minsi %convert_element_type3A_764, %min3A_774 : vector<16xi32>
      %mul3A_776 = arith.constant 32 : i32
      %mul3A_777 = vector.broadcast %mul3A_776 : i32 to vector<16xi32>
      %mul3A_778 = arith.muli %min3A_775, %mul3A_777 : vector<16xi32>
      %swap3A_779 = arith.constant 256 : index
      %swap3A_780 = tpu.vector_load %arg11[%swap3A_779] {strides = array<i32>} : memref<448xi32, #tpu.memory_space<vmem>>, vector<16xi32>,
      tpu.vector_store %arg11[%swap3A_779], %mul3A_778 {strides = array<i32>} : memref<448xi32, #tpu.memory_space<vmem>>, vector<16xi32>,
      %add3A_781 = arith.constant 1 : i32
      %add3A_782 = vector.broadcast %add3A_781 : i32 to vector<16xi32>
      %add3A_783 = arith.addi %convert_element_type3A_764, %add3A_782 : vector<16xi32>
      %min3A_784 = arith.constant 31 : i32
      %min3A_785 = vector.broadcast %min3A_784 : i32 to vector<16xi32>
      %min3A_786 = arith.minsi %add3A_783, %min3A_785 : vector<16xi32>
      %mul3A_787 = arith.constant 32 : i32
      %mul3A_788 = vector.broadcast %mul3A_787 : i32 to vector<16xi32>
      %mul3A_789 = arith.muli %min3A_786, %mul3A_788 : vector<16xi32>
      %swap3A_790 = arith.constant 272 : index
      %swap3A_791 = tpu.vector_load %arg11[%swap3A_790] {strides = array<i32>} : memref<448xi32, #tpu.memory_space<vmem>>, vector<16xi32>,
      tpu.vector_store %arg11[%swap3A_790], %mul3A_789 {strides = array<i32>} : memref<448xi32, #tpu.memory_space<vmem>>, vector<16xi32>,
      %sub3A_792 = arith.constant 1.000000e+00 : f32
      %sub3A_793 = vector.broadcast %sub3A_792 : f32 to vector<16xf32>
      %sub3A_794 = arith.subf %sub3A_793, %select_n3A_772 : vector<16xf32>
      %mul3A_795 = arith.constant 2.500000e-01 : f32
      %mul3A_796 = vector.broadcast %mul3A_795 : f32 to vector<16xf32>
      %mul3A_797 = arith.mulf %sub3A_794, %mul3A_796 : vector<16xf32>
      %swap3A_798 = arith.constant 256 : index
      %swap3A_799 = tpu.vector_load %arg12[%swap3A_798] {strides = array<i32>} : memref<448xf32, #tpu.memory_space<vmem>>, vector<16xf32>,
      tpu.vector_store %arg12[%swap3A_798], %mul3A_797 {strides = array<i32>} : memref<448xf32, #tpu.memory_space<vmem>>, vector<16xf32>,
      %mul3A_800 = arith.constant 2.500000e-01 : f32
      %mul3A_801 = vector.broadcast %mul3A_800 : f32 to vector<16xf32>
      %mul3A_802 = arith.mulf %select_n3A_772, %mul3A_801 : vector<16xf32>
      %swap3A_803 = arith.constant 272 : index
      %swap3A_804 = tpu.vector_load %arg12[%swap3A_803] {strides = array<i32>} : memref<448xf32, #tpu.memory_space<vmem>>, vector<16xf32>,
      tpu.vector_store %arg12[%swap3A_803], %mul3A_802 {strides = array<i32>} : memref<448xf32, #tpu.memory_space<vmem>>, vector<16xf32>,
      %mul3A_805 = arith.constant 4.750000e+00 : f32
      %mul3A_806 = vector.broadcast %mul3A_805 : f32 to vector<16xf32>
      %mul3A_807 = arith.mulf %mul3A_806, %div3A_43 : vector<16xf32>
      %add3A_808 = arith.addf %mul3A_18, %mul3A_807 : vector<16xf32>
      %max3A_809 = arith.constant 0.000000e+00 : f32
      %max3A_810 = vector.broadcast %max3A_809 : f32 to vector<16xf32>
      %max3A_811 = arith.maximumf %add3A_808, %max3A_810 : vector<16xf32>
      %convert_element_type3A_812 = arith.fptosi %max3A_811 : vector<16xf32> to vector<16xi32>
      %ge3A_813 = arith.constant 31 : i32
      %ge3A_814 = vector.broadcast %ge3A_813 : i32 to vector<16xi32>
      %ge3A_815 = arith.cmpi sge, %convert_element_type3A_812, %ge3A_814 : vector<16xi32>
      %convert_element_type3A_816 = arith.sitofp %convert_element_type3A_812 : vector<16xi32> to vector<16xf32>
      %sub3A_817 = arith.subf %max3A_811, %convert_element_type3A_816 : vector<16xf32>
      %jit3A_818 = arith.constant 0.000000e+00 : f32
      %broadcast_in_dim3A_819 = vector.broadcast %jit3A_818 : f32 to vector<16xf32>
      %select_n3A_820 = arith.select %ge3A_815, %broadcast_in_dim3A_819, %sub3A_817 : vector<16xi1>, vector<16xf32>
      %min3A_821 = arith.constant 31 : i32
      %min3A_822 = vector.broadcast %min3A_821 : i32 to vector<16xi32>
      %min3A_823 = arith.minsi %convert_element_type3A_812, %min3A_822 : vector<16xi32>
      %swap3A_824 = arith.constant 288 : index
      %swap3A_825 = tpu.vector_load %arg9[%swap3A_824] {strides = array<i32>} : memref<448xi32, #tpu.memory_space<vmem>>, vector<16xi32>,
      tpu.vector_store %arg9[%swap3A_824], %min3A_823 {strides = array<i32>} : memref<448xi32, #tpu.memory_space<vmem>>, vector<16xi32>,
      %add3A_826 = arith.constant 1 : i32
      %add3A_827 = vector.broadcast %add3A_826 : i32 to vector<16xi32>
      %add3A_828 = arith.addi %convert_element_type3A_812, %add3A_827 : vector<16xi32>
      %min3A_829 = arith.constant 31 : i32
      %min3A_830 = vector.broadcast %min3A_829 : i32 to vector<16xi32>
      %min3A_831 = arith.minsi %add3A_828, %min3A_830 : vector<16xi32>
      %swap3A_832 = arith.constant 304 : index
      %swap3A_833 = tpu.vector_load %arg9[%swap3A_832] {strides = array<i32>} : memref<448xi32, #tpu.memory_space<vmem>>, vector<16xi32>,
      tpu.vector_store %arg9[%swap3A_832], %min3A_831 {strides = array<i32>} : memref<448xi32, #tpu.memory_space<vmem>>, vector<16xi32>,
      %sub3A_834 = arith.constant 1.000000e+00 : f32
      %sub3A_835 = vector.broadcast %sub3A_834 : f32 to vector<16xf32>
      %sub3A_836 = arith.subf %sub3A_835, %select_n3A_820 : vector<16xf32>
      %swap3A_837 = arith.constant 288 : index
      %swap3A_838 = tpu.vector_load %arg10[%swap3A_837] {strides = array<i32>} : memref<448xf32, #tpu.memory_space<vmem>>, vector<16xf32>,
      tpu.vector_store %arg10[%swap3A_837], %sub3A_836 {strides = array<i32>} : memref<448xf32, #tpu.memory_space<vmem>>, vector<16xf32>,
      %swap3A_839 = arith.constant 304 : index
      %swap3A_840 = tpu.vector_load %arg10[%swap3A_839] {strides = array<i32>} : memref<448xf32, #tpu.memory_space<vmem>>, vector<16xf32>,
      tpu.vector_store %arg10[%swap3A_839], %select_n3A_820 {strides = array<i32>} : memref<448xf32, #tpu.memory_space<vmem>>, vector<16xf32>,
      %mul3A_841 = arith.constant 4.750000e+00 : f32
      %mul3A_842 = vector.broadcast %mul3A_841 : f32 to vector<16xf32>
      %mul3A_843 = arith.mulf %mul3A_842, %div3A_50 : vector<16xf32>
      %add3A_844 = arith.addf %mul3A_25, %mul3A_843 : vector<16xf32>
      %max3A_845 = arith.constant 0.000000e+00 : f32
      %max3A_846 = vector.broadcast %max3A_845 : f32 to vector<16xf32>
      %max3A_847 = arith.maximumf %add3A_844, %max3A_846 : vector<16xf32>
      %convert_element_type3A_848 = arith.fptosi %max3A_847 : vector<16xf32> to vector<16xi32>
      %ge3A_849 = arith.constant 31 : i32
      %ge3A_850 = vector.broadcast %ge3A_849 : i32 to vector<16xi32>
      %ge3A_851 = arith.cmpi sge, %convert_element_type3A_848, %ge3A_850 : vector<16xi32>
      %convert_element_type3A_852 = arith.sitofp %convert_element_type3A_848 : vector<16xi32> to vector<16xf32>
      %sub3A_853 = arith.subf %max3A_847, %convert_element_type3A_852 : vector<16xf32>
      %jit3A_854 = arith.constant 0.000000e+00 : f32
      %broadcast_in_dim3A_855 = vector.broadcast %jit3A_854 : f32 to vector<16xf32>
      %select_n3A_856 = arith.select %ge3A_851, %broadcast_in_dim3A_855, %sub3A_853 : vector<16xi1>, vector<16xf32>
      %min3A_857 = arith.constant 31 : i32
      %min3A_858 = vector.broadcast %min3A_857 : i32 to vector<16xi32>
      %min3A_859 = arith.minsi %convert_element_type3A_848, %min3A_858 : vector<16xi32>
      %mul3A_860 = arith.constant 32 : i32
      %mul3A_861 = vector.broadcast %mul3A_860 : i32 to vector<16xi32>
      %mul3A_862 = arith.muli %min3A_859, %mul3A_861 : vector<16xi32>
      %swap3A_863 = arith.constant 288 : index
      %swap3A_864 = tpu.vector_load %arg11[%swap3A_863] {strides = array<i32>} : memref<448xi32, #tpu.memory_space<vmem>>, vector<16xi32>,
      tpu.vector_store %arg11[%swap3A_863], %mul3A_862 {strides = array<i32>} : memref<448xi32, #tpu.memory_space<vmem>>, vector<16xi32>,
      %add3A_865 = arith.constant 1 : i32
      %add3A_866 = vector.broadcast %add3A_865 : i32 to vector<16xi32>
      %add3A_867 = arith.addi %convert_element_type3A_848, %add3A_866 : vector<16xi32>
      %min3A_868 = arith.constant 31 : i32
      %min3A_869 = vector.broadcast %min3A_868 : i32 to vector<16xi32>
      %min3A_870 = arith.minsi %add3A_867, %min3A_869 : vector<16xi32>
      %mul3A_871 = arith.constant 32 : i32
      %mul3A_872 = vector.broadcast %mul3A_871 : i32 to vector<16xi32>
      %mul3A_873 = arith.muli %min3A_870, %mul3A_872 : vector<16xi32>
      %swap3A_874 = arith.constant 304 : index
      %swap3A_875 = tpu.vector_load %arg11[%swap3A_874] {strides = array<i32>} : memref<448xi32, #tpu.memory_space<vmem>>, vector<16xi32>,
      tpu.vector_store %arg11[%swap3A_874], %mul3A_873 {strides = array<i32>} : memref<448xi32, #tpu.memory_space<vmem>>, vector<16xi32>,
      %sub3A_876 = arith.constant 1.000000e+00 : f32
      %sub3A_877 = vector.broadcast %sub3A_876 : f32 to vector<16xf32>
      %sub3A_878 = arith.subf %sub3A_877, %select_n3A_856 : vector<16xf32>
      %mul3A_879 = arith.constant 2.500000e-01 : f32
      %mul3A_880 = vector.broadcast %mul3A_879 : f32 to vector<16xf32>
      %mul3A_881 = arith.mulf %sub3A_878, %mul3A_880 : vector<16xf32>
      %swap3A_882 = arith.constant 288 : index
      %swap3A_883 = tpu.vector_load %arg12[%swap3A_882] {strides = array<i32>} : memref<448xf32, #tpu.memory_space<vmem>>, vector<16xf32>,
      tpu.vector_store %arg12[%swap3A_882], %mul3A_881 {strides = array<i32>} : memref<448xf32, #tpu.memory_space<vmem>>, vector<16xf32>,
      %mul3A_884 = arith.constant 2.500000e-01 : f32
      %mul3A_885 = vector.broadcast %mul3A_884 : f32 to vector<16xf32>
      %mul3A_886 = arith.mulf %select_n3A_856, %mul3A_885 : vector<16xf32>
      %swap3A_887 = arith.constant 304 : index
      %swap3A_888 = tpu.vector_load %arg12[%swap3A_887] {strides = array<i32>} : memref<448xf32, #tpu.memory_space<vmem>>, vector<16xf32>,
      tpu.vector_store %arg12[%swap3A_887], %mul3A_886 {strides = array<i32>} : memref<448xf32, #tpu.memory_space<vmem>>, vector<16xf32>,
      %mul3A_889 = arith.constant 5.250000e+00 : f32
      %mul3A_890 = vector.broadcast %mul3A_889 : f32 to vector<16xf32>
      %mul3A_891 = arith.mulf %mul3A_890, %div3A_43 : vector<16xf32>
      %add3A_892 = arith.addf %mul3A_18, %mul3A_891 : vector<16xf32>
      %max3A_893 = arith.constant 0.000000e+00 : f32
      %max3A_894 = vector.broadcast %max3A_893 : f32 to vector<16xf32>
      %max3A_895 = arith.maximumf %add3A_892, %max3A_894 : vector<16xf32>
      %convert_element_type3A_896 = arith.fptosi %max3A_895 : vector<16xf32> to vector<16xi32>
      %ge3A_897 = arith.constant 31 : i32
      %ge3A_898 = vector.broadcast %ge3A_897 : i32 to vector<16xi32>
      %ge3A_899 = arith.cmpi sge, %convert_element_type3A_896, %ge3A_898 : vector<16xi32>
      %convert_element_type3A_900 = arith.sitofp %convert_element_type3A_896 : vector<16xi32> to vector<16xf32>
      %sub3A_901 = arith.subf %max3A_895, %convert_element_type3A_900 : vector<16xf32>
      %jit3A_902 = arith.constant 0.000000e+00 : f32
      %broadcast_in_dim3A_903 = vector.broadcast %jit3A_902 : f32 to vector<16xf32>
      %select_n3A_904 = arith.select %ge3A_899, %broadcast_in_dim3A_903, %sub3A_901 : vector<16xi1>, vector<16xf32>
      %min3A_905 = arith.constant 31 : i32
      %min3A_906 = vector.broadcast %min3A_905 : i32 to vector<16xi32>
      %min3A_907 = arith.minsi %convert_element_type3A_896, %min3A_906 : vector<16xi32>
      %swap3A_908 = arith.constant 320 : index
      %swap3A_909 = tpu.vector_load %arg9[%swap3A_908] {strides = array<i32>} : memref<448xi32, #tpu.memory_space<vmem>>, vector<16xi32>,
      tpu.vector_store %arg9[%swap3A_908], %min3A_907 {strides = array<i32>} : memref<448xi32, #tpu.memory_space<vmem>>, vector<16xi32>,
      %add3A_910 = arith.constant 1 : i32
      %add3A_911 = vector.broadcast %add3A_910 : i32 to vector<16xi32>
      %add3A_912 = arith.addi %convert_element_type3A_896, %add3A_911 : vector<16xi32>
      %min3A_913 = arith.constant 31 : i32
      %min3A_914 = vector.broadcast %min3A_913 : i32 to vector<16xi32>
      %min3A_915 = arith.minsi %add3A_912, %min3A_914 : vector<16xi32>
      %swap3A_916 = arith.constant 336 : index
      %swap3A_917 = tpu.vector_load %arg9[%swap3A_916] {strides = array<i32>} : memref<448xi32, #tpu.memory_space<vmem>>, vector<16xi32>,
      tpu.vector_store %arg9[%swap3A_916], %min3A_915 {strides = array<i32>} : memref<448xi32, #tpu.memory_space<vmem>>, vector<16xi32>,
      %sub3A_918 = arith.constant 1.000000e+00 : f32
      %sub3A_919 = vector.broadcast %sub3A_918 : f32 to vector<16xf32>
      %sub3A_920 = arith.subf %sub3A_919, %select_n3A_904 : vector<16xf32>
      %swap3A_921 = arith.constant 320 : index
      %swap3A_922 = tpu.vector_load %arg10[%swap3A_921] {strides = array<i32>} : memref<448xf32, #tpu.memory_space<vmem>>, vector<16xf32>,
      tpu.vector_store %arg10[%swap3A_921], %sub3A_920 {strides = array<i32>} : memref<448xf32, #tpu.memory_space<vmem>>, vector<16xf32>,
      %swap3A_923 = arith.constant 336 : index
      %swap3A_924 = tpu.vector_load %arg10[%swap3A_923] {strides = array<i32>} : memref<448xf32, #tpu.memory_space<vmem>>, vector<16xf32>,
      tpu.vector_store %arg10[%swap3A_923], %select_n3A_904 {strides = array<i32>} : memref<448xf32, #tpu.memory_space<vmem>>, vector<16xf32>,
      %mul3A_925 = arith.constant 5.250000e+00 : f32
      %mul3A_926 = vector.broadcast %mul3A_925 : f32 to vector<16xf32>
      %mul3A_927 = arith.mulf %mul3A_926, %div3A_50 : vector<16xf32>
      %add3A_928 = arith.addf %mul3A_25, %mul3A_927 : vector<16xf32>
      %max3A_929 = arith.constant 0.000000e+00 : f32
      %max3A_930 = vector.broadcast %max3A_929 : f32 to vector<16xf32>
      %max3A_931 = arith.maximumf %add3A_928, %max3A_930 : vector<16xf32>
      %convert_element_type3A_932 = arith.fptosi %max3A_931 : vector<16xf32> to vector<16xi32>
      %ge3A_933 = arith.constant 31 : i32
      %ge3A_934 = vector.broadcast %ge3A_933 : i32 to vector<16xi32>
      %ge3A_935 = arith.cmpi sge, %convert_element_type3A_932, %ge3A_934 : vector<16xi32>
      %convert_element_type3A_936 = arith.sitofp %convert_element_type3A_932 : vector<16xi32> to vector<16xf32>
      %sub3A_937 = arith.subf %max3A_931, %convert_element_type3A_936 : vector<16xf32>
      %jit3A_938 = arith.constant 0.000000e+00 : f32
      %broadcast_in_dim3A_939 = vector.broadcast %jit3A_938 : f32 to vector<16xf32>
      %select_n3A_940 = arith.select %ge3A_935, %broadcast_in_dim3A_939, %sub3A_937 : vector<16xi1>, vector<16xf32>
      %min3A_941 = arith.constant 31 : i32
      %min3A_942 = vector.broadcast %min3A_941 : i32 to vector<16xi32>
      %min3A_943 = arith.minsi %convert_element_type3A_932, %min3A_942 : vector<16xi32>
      %mul3A_944 = arith.constant 32 : i32
      %mul3A_945 = vector.broadcast %mul3A_944 : i32 to vector<16xi32>
      %mul3A_946 = arith.muli %min3A_943, %mul3A_945 : vector<16xi32>
      %swap3A_947 = arith.constant 320 : index
      %swap3A_948 = tpu.vector_load %arg11[%swap3A_947] {strides = array<i32>} : memref<448xi32, #tpu.memory_space<vmem>>, vector<16xi32>,
      tpu.vector_store %arg11[%swap3A_947], %mul3A_946 {strides = array<i32>} : memref<448xi32, #tpu.memory_space<vmem>>, vector<16xi32>,
      %add3A_949 = arith.constant 1 : i32
      %add3A_950 = vector.broadcast %add3A_949 : i32 to vector<16xi32>
      %add3A_951 = arith.addi %convert_element_type3A_932, %add3A_950 : vector<16xi32>
      %min3A_952 = arith.constant 31 : i32
      %min3A_953 = vector.broadcast %min3A_952 : i32 to vector<16xi32>
      %min3A_954 = arith.minsi %add3A_951, %min3A_953 : vector<16xi32>
      %mul3A_955 = arith.constant 32 : i32
      %mul3A_956 = vector.broadcast %mul3A_955 : i32 to vector<16xi32>
      %mul3A_957 = arith.muli %min3A_954, %mul3A_956 : vector<16xi32>
      %swap3A_958 = arith.constant 336 : index
      %swap3A_959 = tpu.vector_load %arg11[%swap3A_958] {strides = array<i32>} : memref<448xi32, #tpu.memory_space<vmem>>, vector<16xi32>,
      tpu.vector_store %arg11[%swap3A_958], %mul3A_957 {strides = array<i32>} : memref<448xi32, #tpu.memory_space<vmem>>, vector<16xi32>,
      %sub3A_960 = arith.constant 1.000000e+00 : f32
      %sub3A_961 = vector.broadcast %sub3A_960 : f32 to vector<16xf32>
      %sub3A_962 = arith.subf %sub3A_961, %select_n3A_940 : vector<16xf32>
      %mul3A_963 = arith.constant 2.500000e-01 : f32
      %mul3A_964 = vector.broadcast %mul3A_963 : f32 to vector<16xf32>
      %mul3A_965 = arith.mulf %sub3A_962, %mul3A_964 : vector<16xf32>
      %swap3A_966 = arith.constant 320 : index
      %swap3A_967 = tpu.vector_load %arg12[%swap3A_966] {strides = array<i32>} : memref<448xf32, #tpu.memory_space<vmem>>, vector<16xf32>,
      tpu.vector_store %arg12[%swap3A_966], %mul3A_965 {strides = array<i32>} : memref<448xf32, #tpu.memory_space<vmem>>, vector<16xf32>,
      %mul3A_968 = arith.constant 2.500000e-01 : f32
      %mul3A_969 = vector.broadcast %mul3A_968 : f32 to vector<16xf32>
      %mul3A_970 = arith.mulf %select_n3A_940, %mul3A_969 : vector<16xf32>
      %swap3A_971 = arith.constant 336 : index
      %swap3A_972 = tpu.vector_load %arg12[%swap3A_971] {strides = array<i32>} : memref<448xf32, #tpu.memory_space<vmem>>, vector<16xf32>,
      tpu.vector_store %arg12[%swap3A_971], %mul3A_970 {strides = array<i32>} : memref<448xf32, #tpu.memory_space<vmem>>, vector<16xf32>,
      %mul3A_973 = arith.constant 5.750000e+00 : f32
      %mul3A_974 = vector.broadcast %mul3A_973 : f32 to vector<16xf32>
      %mul3A_975 = arith.mulf %mul3A_974, %div3A_43 : vector<16xf32>
      %add3A_976 = arith.addf %mul3A_18, %mul3A_975 : vector<16xf32>
      %max3A_977 = arith.constant 0.000000e+00 : f32
      %max3A_978 = vector.broadcast %max3A_977 : f32 to vector<16xf32>
      %max3A_979 = arith.maximumf %add3A_976, %max3A_978 : vector<16xf32>
      %convert_element_type3A_980 = arith.fptosi %max3A_979 : vector<16xf32> to vector<16xi32>
      %ge3A_981 = arith.constant 31 : i32
      %ge3A_982 = vector.broadcast %ge3A_981 : i32 to vector<16xi32>
      %ge3A_983 = arith.cmpi sge, %convert_element_type3A_980, %ge3A_982 : vector<16xi32>
      %convert_element_type3A_984 = arith.sitofp %convert_element_type3A_980 : vector<16xi32> to vector<16xf32>
      %sub3A_985 = arith.subf %max3A_979, %convert_element_type3A_984 : vector<16xf32>
      %jit3A_986 = arith.constant 0.000000e+00 : f32
      %broadcast_in_dim3A_987 = vector.broadcast %jit3A_986 : f32 to vector<16xf32>
      %select_n3A_988 = arith.select %ge3A_983, %broadcast_in_dim3A_987, %sub3A_985 : vector<16xi1>, vector<16xf32>
      %min3A_989 = arith.constant 31 : i32
      %min3A_990 = vector.broadcast %min3A_989 : i32 to vector<16xi32>
      %min3A_991 = arith.minsi %convert_element_type3A_980, %min3A_990 : vector<16xi32>
      %swap3A_992 = arith.constant 352 : index
      %swap3A_993 = tpu.vector_load %arg9[%swap3A_992] {strides = array<i32>} : memref<448xi32, #tpu.memory_space<vmem>>, vector<16xi32>,
      tpu.vector_store %arg9[%swap3A_992], %min3A_991 {strides = array<i32>} : memref<448xi32, #tpu.memory_space<vmem>>, vector<16xi32>,
      %add3A_994 = arith.constant 1 : i32
      %add3A_995 = vector.broadcast %add3A_994 : i32 to vector<16xi32>
      %add3A_996 = arith.addi %convert_element_type3A_980, %add3A_995 : vector<16xi32>
      %min3A_997 = arith.constant 31 : i32
      %min3A_998 = vector.broadcast %min3A_997 : i32 to vector<16xi32>
      %min3A_999 = arith.minsi %add3A_996, %min3A_998 : vector<16xi32>
      %swap3A_1000 = arith.constant 368 : index
      %swap3A_1001 = tpu.vector_load %arg9[%swap3A_1000] {strides = array<i32>} : memref<448xi32, #tpu.memory_space<vmem>>, vector<16xi32>,
      tpu.vector_store %arg9[%swap3A_1000], %min3A_999 {strides = array<i32>} : memref<448xi32, #tpu.memory_space<vmem>>, vector<16xi32>,
      %sub3A_1002 = arith.constant 1.000000e+00 : f32
      %sub3A_1003 = vector.broadcast %sub3A_1002 : f32 to vector<16xf32>
      %sub3A_1004 = arith.subf %sub3A_1003, %select_n3A_988 : vector<16xf32>
      %swap3A_1005 = arith.constant 352 : index
      %swap3A_1006 = tpu.vector_load %arg10[%swap3A_1005] {strides = array<i32>} : memref<448xf32, #tpu.memory_space<vmem>>, vector<16xf32>,
      tpu.vector_store %arg10[%swap3A_1005], %sub3A_1004 {strides = array<i32>} : memref<448xf32, #tpu.memory_space<vmem>>, vector<16xf32>,
      %swap3A_1007 = arith.constant 368 : index
      %swap3A_1008 = tpu.vector_load %arg10[%swap3A_1007] {strides = array<i32>} : memref<448xf32, #tpu.memory_space<vmem>>, vector<16xf32>,
      tpu.vector_store %arg10[%swap3A_1007], %select_n3A_988 {strides = array<i32>} : memref<448xf32, #tpu.memory_space<vmem>>, vector<16xf32>,
      %mul3A_1009 = arith.constant 5.750000e+00 : f32
      %mul3A_1010 = vector.broadcast %mul3A_1009 : f32 to vector<16xf32>
      %mul3A_1011 = arith.mulf %mul3A_1010, %div3A_50 : vector<16xf32>
      %add3A_1012 = arith.addf %mul3A_25, %mul3A_1011 : vector<16xf32>
      %max3A_1013 = arith.constant 0.000000e+00 : f32
      %max3A_1014 = vector.broadcast %max3A_1013 : f32 to vector<16xf32>
      %max3A_1015 = arith.maximumf %add3A_1012, %max3A_1014 : vector<16xf32>
      %convert_element_type3A_1016 = arith.fptosi %max3A_1015 : vector<16xf32> to vector<16xi32>
      %ge3A_1017 = arith.constant 31 : i32
      %ge3A_1018 = vector.broadcast %ge3A_1017 : i32 to vector<16xi32>
      %ge3A_1019 = arith.cmpi sge, %convert_element_type3A_1016, %ge3A_1018 : vector<16xi32>
      %convert_element_type3A_1020 = arith.sitofp %convert_element_type3A_1016 : vector<16xi32> to vector<16xf32>
      %sub3A_1021 = arith.subf %max3A_1015, %convert_element_type3A_1020 : vector<16xf32>
      %jit3A_1022 = arith.constant 0.000000e+00 : f32
      %broadcast_in_dim3A_1023 = vector.broadcast %jit3A_1022 : f32 to vector<16xf32>
      %select_n3A_1024 = arith.select %ge3A_1019, %broadcast_in_dim3A_1023, %sub3A_1021 : vector<16xi1>, vector<16xf32>
      %min3A_1025 = arith.constant 31 : i32
      %min3A_1026 = vector.broadcast %min3A_1025 : i32 to vector<16xi32>
      %min3A_1027 = arith.minsi %convert_element_type3A_1016, %min3A_1026 : vector<16xi32>
      %mul3A_1028 = arith.constant 32 : i32
      %mul3A_1029 = vector.broadcast %mul3A_1028 : i32 to vector<16xi32>
      %mul3A_1030 = arith.muli %min3A_1027, %mul3A_1029 : vector<16xi32>
      %swap3A_1031 = arith.constant 352 : index
      %swap3A_1032 = tpu.vector_load %arg11[%swap3A_1031] {strides = array<i32>} : memref<448xi32, #tpu.memory_space<vmem>>, vector<16xi32>,
      tpu.vector_store %arg11[%swap3A_1031], %mul3A_1030 {strides = array<i32>} : memref<448xi32, #tpu.memory_space<vmem>>, vector<16xi32>,
      %add3A_1033 = arith.constant 1 : i32
      %add3A_1034 = vector.broadcast %add3A_1033 : i32 to vector<16xi32>
      %add3A_1035 = arith.addi %convert_element_type3A_1016, %add3A_1034 : vector<16xi32>
      %min3A_1036 = arith.constant 31 : i32
      %min3A_1037 = vector.broadcast %min3A_1036 : i32 to vector<16xi32>
      %min3A_1038 = arith.minsi %add3A_1035, %min3A_1037 : vector<16xi32>
      %mul3A_1039 = arith.constant 32 : i32
      %mul3A_1040 = vector.broadcast %mul3A_1039 : i32 to vector<16xi32>
      %mul3A_1041 = arith.muli %min3A_1038, %mul3A_1040 : vector<16xi32>
      %swap3A_1042 = arith.constant 368 : index
      %swap3A_1043 = tpu.vector_load %arg11[%swap3A_1042] {strides = array<i32>} : memref<448xi32, #tpu.memory_space<vmem>>, vector<16xi32>,
      tpu.vector_store %arg11[%swap3A_1042], %mul3A_1041 {strides = array<i32>} : memref<448xi32, #tpu.memory_space<vmem>>, vector<16xi32>,
      %sub3A_1044 = arith.constant 1.000000e+00 : f32
      %sub3A_1045 = vector.broadcast %sub3A_1044 : f32 to vector<16xf32>
      %sub3A_1046 = arith.subf %sub3A_1045, %select_n3A_1024 : vector<16xf32>
      %mul3A_1047 = arith.constant 2.500000e-01 : f32
      %mul3A_1048 = vector.broadcast %mul3A_1047 : f32 to vector<16xf32>
      %mul3A_1049 = arith.mulf %sub3A_1046, %mul3A_1048 : vector<16xf32>
      %swap3A_1050 = arith.constant 352 : index
      %swap3A_1051 = tpu.vector_load %arg12[%swap3A_1050] {strides = array<i32>} : memref<448xf32, #tpu.memory_space<vmem>>, vector<16xf32>,
      tpu.vector_store %arg12[%swap3A_1050], %mul3A_1049 {strides = array<i32>} : memref<448xf32, #tpu.memory_space<vmem>>, vector<16xf32>,
      %mul3A_1052 = arith.constant 2.500000e-01 : f32
      %mul3A_1053 = vector.broadcast %mul3A_1052 : f32 to vector<16xf32>
      %mul3A_1054 = arith.mulf %select_n3A_1024, %mul3A_1053 : vector<16xf32>
      %swap3A_1055 = arith.constant 368 : index
      %swap3A_1056 = tpu.vector_load %arg12[%swap3A_1055] {strides = array<i32>} : memref<448xf32, #tpu.memory_space<vmem>>, vector<16xf32>,
      tpu.vector_store %arg12[%swap3A_1055], %mul3A_1054 {strides = array<i32>} : memref<448xf32, #tpu.memory_space<vmem>>, vector<16xf32>,
      %mul3A_1057 = arith.constant 6.250000e+00 : f32
      %mul3A_1058 = vector.broadcast %mul3A_1057 : f32 to vector<16xf32>
      %mul3A_1059 = arith.mulf %mul3A_1058, %div3A_43 : vector<16xf32>
      %add3A_1060 = arith.addf %mul3A_18, %mul3A_1059 : vector<16xf32>
      %max3A_1061 = arith.constant 0.000000e+00 : f32
      %max3A_1062 = vector.broadcast %max3A_1061 : f32 to vector<16xf32>
      %max3A_1063 = arith.maximumf %add3A_1060, %max3A_1062 : vector<16xf32>
      %convert_element_type3A_1064 = arith.fptosi %max3A_1063 : vector<16xf32> to vector<16xi32>
      %ge3A_1065 = arith.constant 31 : i32
      %ge3A_1066 = vector.broadcast %ge3A_1065 : i32 to vector<16xi32>
      %ge3A_1067 = arith.cmpi sge, %convert_element_type3A_1064, %ge3A_1066 : vector<16xi32>
      %convert_element_type3A_1068 = arith.sitofp %convert_element_type3A_1064 : vector<16xi32> to vector<16xf32>
      %sub3A_1069 = arith.subf %max3A_1063, %convert_element_type3A_1068 : vector<16xf32>
      %jit3A_1070 = arith.constant 0.000000e+00 : f32
      %broadcast_in_dim3A_1071 = vector.broadcast %jit3A_1070 : f32 to vector<16xf32>
      %select_n3A_1072 = arith.select %ge3A_1067, %broadcast_in_dim3A_1071, %sub3A_1069 : vector<16xi1>, vector<16xf32>
      %min3A_1073 = arith.constant 31 : i32
      %min3A_1074 = vector.broadcast %min3A_1073 : i32 to vector<16xi32>
      %min3A_1075 = arith.minsi %convert_element_type3A_1064, %min3A_1074 : vector<16xi32>
      %swap3A_1076 = arith.constant 384 : index
      %swap3A_1077 = tpu.vector_load %arg9[%swap3A_1076] {strides = array<i32>} : memref<448xi32, #tpu.memory_space<vmem>>, vector<16xi32>,
      tpu.vector_store %arg9[%swap3A_1076], %min3A_1075 {strides = array<i32>} : memref<448xi32, #tpu.memory_space<vmem>>, vector<16xi32>,
      %add3A_1078 = arith.constant 1 : i32
      %add3A_1079 = vector.broadcast %add3A_1078 : i32 to vector<16xi32>
      %add3A_1080 = arith.addi %convert_element_type3A_1064, %add3A_1079 : vector<16xi32>
      %min3A_1081 = arith.constant 31 : i32
      %min3A_1082 = vector.broadcast %min3A_1081 : i32 to vector<16xi32>
      %min3A_1083 = arith.minsi %add3A_1080, %min3A_1082 : vector<16xi32>
      %swap3A_1084 = arith.constant 400 : index
      %swap3A_1085 = tpu.vector_load %arg9[%swap3A_1084] {strides = array<i32>} : memref<448xi32, #tpu.memory_space<vmem>>, vector<16xi32>,
      tpu.vector_store %arg9[%swap3A_1084], %min3A_1083 {strides = array<i32>} : memref<448xi32, #tpu.memory_space<vmem>>, vector<16xi32>,
      %sub3A_1086 = arith.constant 1.000000e+00 : f32
      %sub3A_1087 = vector.broadcast %sub3A_1086 : f32 to vector<16xf32>
      %sub3A_1088 = arith.subf %sub3A_1087, %select_n3A_1072 : vector<16xf32>
      %swap3A_1089 = arith.constant 384 : index
      %swap3A_1090 = tpu.vector_load %arg10[%swap3A_1089] {strides = array<i32>} : memref<448xf32, #tpu.memory_space<vmem>>, vector<16xf32>,
      tpu.vector_store %arg10[%swap3A_1089], %sub3A_1088 {strides = array<i32>} : memref<448xf32, #tpu.memory_space<vmem>>, vector<16xf32>,
      %swap3A_1091 = arith.constant 400 : index
      %swap3A_1092 = tpu.vector_load %arg10[%swap3A_1091] {strides = array<i32>} : memref<448xf32, #tpu.memory_space<vmem>>, vector<16xf32>,
      tpu.vector_store %arg10[%swap3A_1091], %select_n3A_1072 {strides = array<i32>} : memref<448xf32, #tpu.memory_space<vmem>>, vector<16xf32>,
      %mul3A_1093 = arith.constant 6.250000e+00 : f32
      %mul3A_1094 = vector.broadcast %mul3A_1093 : f32 to vector<16xf32>
      %mul3A_1095 = arith.mulf %mul3A_1094, %div3A_50 : vector<16xf32>
      %add3A_1096 = arith.addf %mul3A_25, %mul3A_1095 : vector<16xf32>
      %max3A_1097 = arith.constant 0.000000e+00 : f32
      %max3A_1098 = vector.broadcast %max3A_1097 : f32 to vector<16xf32>
      %max3A_1099 = arith.maximumf %add3A_1096, %max3A_1098 : vector<16xf32>
      %convert_element_type3A_1100 = arith.fptosi %max3A_1099 : vector<16xf32> to vector<16xi32>
      %ge3A_1101 = arith.constant 31 : i32
      %ge3A_1102 = vector.broadcast %ge3A_1101 : i32 to vector<16xi32>
      %ge3A_1103 = arith.cmpi sge, %convert_element_type3A_1100, %ge3A_1102 : vector<16xi32>
      %convert_element_type3A_1104 = arith.sitofp %convert_element_type3A_1100 : vector<16xi32> to vector<16xf32>
      %sub3A_1105 = arith.subf %max3A_1099, %convert_element_type3A_1104 : vector<16xf32>
      %jit3A_1106 = arith.constant 0.000000e+00 : f32
      %broadcast_in_dim3A_1107 = vector.broadcast %jit3A_1106 : f32 to vector<16xf32>
      %select_n3A_1108 = arith.select %ge3A_1103, %broadcast_in_dim3A_1107, %sub3A_1105 : vector<16xi1>, vector<16xf32>
      %min3A_1109 = arith.constant 31 : i32
      %min3A_1110 = vector.broadcast %min3A_1109 : i32 to vector<16xi32>
      %min3A_1111 = arith.minsi %convert_element_type3A_1100, %min3A_1110 : vector<16xi32>
      %mul3A_1112 = arith.constant 32 : i32
      %mul3A_1113 = vector.broadcast %mul3A_1112 : i32 to vector<16xi32>
      %mul3A_1114 = arith.muli %min3A_1111, %mul3A_1113 : vector<16xi32>
      %swap3A_1115 = arith.constant 384 : index
      %swap3A_1116 = tpu.vector_load %arg11[%swap3A_1115] {strides = array<i32>} : memref<448xi32, #tpu.memory_space<vmem>>, vector<16xi32>,
      tpu.vector_store %arg11[%swap3A_1115], %mul3A_1114 {strides = array<i32>} : memref<448xi32, #tpu.memory_space<vmem>>, vector<16xi32>,
      %add3A_1117 = arith.constant 1 : i32
      %add3A_1118 = vector.broadcast %add3A_1117 : i32 to vector<16xi32>
      %add3A_1119 = arith.addi %convert_element_type3A_1100, %add3A_1118 : vector<16xi32>
      %min3A_1120 = arith.constant 31 : i32
      %min3A_1121 = vector.broadcast %min3A_1120 : i32 to vector<16xi32>
      %min3A_1122 = arith.minsi %add3A_1119, %min3A_1121 : vector<16xi32>
      %mul3A_1123 = arith.constant 32 : i32
      %mul3A_1124 = vector.broadcast %mul3A_1123 : i32 to vector<16xi32>
      %mul3A_1125 = arith.muli %min3A_1122, %mul3A_1124 : vector<16xi32>
      %swap3A_1126 = arith.constant 400 : index
      %swap3A_1127 = tpu.vector_load %arg11[%swap3A_1126] {strides = array<i32>} : memref<448xi32, #tpu.memory_space<vmem>>, vector<16xi32>,
      tpu.vector_store %arg11[%swap3A_1126], %mul3A_1125 {strides = array<i32>} : memref<448xi32, #tpu.memory_space<vmem>>, vector<16xi32>,
      %sub3A_1128 = arith.constant 1.000000e+00 : f32
      %sub3A_1129 = vector.broadcast %sub3A_1128 : f32 to vector<16xf32>
      %sub3A_1130 = arith.subf %sub3A_1129, %select_n3A_1108 : vector<16xf32>
      %mul3A_1131 = arith.constant 2.500000e-01 : f32
      %mul3A_1132 = vector.broadcast %mul3A_1131 : f32 to vector<16xf32>
      %mul3A_1133 = arith.mulf %sub3A_1130, %mul3A_1132 : vector<16xf32>
      %swap3A_1134 = arith.constant 384 : index
      %swap3A_1135 = tpu.vector_load %arg12[%swap3A_1134] {strides = array<i32>} : memref<448xf32, #tpu.memory_space<vmem>>, vector<16xf32>,
      tpu.vector_store %arg12[%swap3A_1134], %mul3A_1133 {strides = array<i32>} : memref<448xf32, #tpu.memory_space<vmem>>, vector<16xf32>,
      %mul3A_1136 = arith.constant 2.500000e-01 : f32
      %mul3A_1137 = vector.broadcast %mul3A_1136 : f32 to vector<16xf32>
      %mul3A_1138 = arith.mulf %select_n3A_1108, %mul3A_1137 : vector<16xf32>
      %swap3A_1139 = arith.constant 400 : index
      %swap3A_1140 = tpu.vector_load %arg12[%swap3A_1139] {strides = array<i32>} : memref<448xf32, #tpu.memory_space<vmem>>, vector<16xf32>,
      tpu.vector_store %arg12[%swap3A_1139], %mul3A_1138 {strides = array<i32>} : memref<448xf32, #tpu.memory_space<vmem>>, vector<16xf32>,
      %mul3A_1141 = arith.constant 6.750000e+00 : f32
      %mul3A_1142 = vector.broadcast %mul3A_1141 : f32 to vector<16xf32>
      %mul3A_1143 = arith.mulf %mul3A_1142, %div3A_43 : vector<16xf32>
      %add3A_1144 = arith.addf %mul3A_18, %mul3A_1143 : vector<16xf32>
      %max3A_1145 = arith.constant 0.000000e+00 : f32
      %max3A_1146 = vector.broadcast %max3A_1145 : f32 to vector<16xf32>
      %max3A_1147 = arith.maximumf %add3A_1144, %max3A_1146 : vector<16xf32>
      %convert_element_type3A_1148 = arith.fptosi %max3A_1147 : vector<16xf32> to vector<16xi32>
      %ge3A_1149 = arith.constant 31 : i32
      %ge3A_1150 = vector.broadcast %ge3A_1149 : i32 to vector<16xi32>
      %ge3A_1151 = arith.cmpi sge, %convert_element_type3A_1148, %ge3A_1150 : vector<16xi32>
      %convert_element_type3A_1152 = arith.sitofp %convert_element_type3A_1148 : vector<16xi32> to vector<16xf32>
      %sub3A_1153 = arith.subf %max3A_1147, %convert_element_type3A_1152 : vector<16xf32>
      %jit3A_1154 = arith.constant 0.000000e+00 : f32
      %broadcast_in_dim3A_1155 = vector.broadcast %jit3A_1154 : f32 to vector<16xf32>
      %select_n3A_1156 = arith.select %ge3A_1151, %broadcast_in_dim3A_1155, %sub3A_1153 : vector<16xi1>, vector<16xf32>
      %min3A_1157 = arith.constant 31 : i32
      %min3A_1158 = vector.broadcast %min3A_1157 : i32 to vector<16xi32>
      %min3A_1159 = arith.minsi %convert_element_type3A_1148, %min3A_1158 : vector<16xi32>
      %swap3A_1160 = arith.constant 416 : index
      %swap3A_1161 = tpu.vector_load %arg9[%swap3A_1160] {strides = array<i32>} : memref<448xi32, #tpu.memory_space<vmem>>, vector<16xi32>,
      tpu.vector_store %arg9[%swap3A_1160], %min3A_1159 {strides = array<i32>} : memref<448xi32, #tpu.memory_space<vmem>>, vector<16xi32>,
      %add3A_1162 = arith.constant 1 : i32
      %add3A_1163 = vector.broadcast %add3A_1162 : i32 to vector<16xi32>
      %add3A_1164 = arith.addi %convert_element_type3A_1148, %add3A_1163 : vector<16xi32>
      %min3A_1165 = arith.constant 31 : i32
      %min3A_1166 = vector.broadcast %min3A_1165 : i32 to vector<16xi32>
      %min3A_1167 = arith.minsi %add3A_1164, %min3A_1166 : vector<16xi32>
      %swap3A_1168 = arith.constant 432 : index
      %swap3A_1169 = tpu.vector_load %arg9[%swap3A_1168] {strides = array<i32>} : memref<448xi32, #tpu.memory_space<vmem>>, vector<16xi32>,
      tpu.vector_store %arg9[%swap3A_1168], %min3A_1167 {strides = array<i32>} : memref<448xi32, #tpu.memory_space<vmem>>, vector<16xi32>,
      %sub3A_1170 = arith.constant 1.000000e+00 : f32
      %sub3A_1171 = vector.broadcast %sub3A_1170 : f32 to vector<16xf32>
      %sub3A_1172 = arith.subf %sub3A_1171, %select_n3A_1156 : vector<16xf32>
      %swap3A_1173 = arith.constant 416 : index
      %swap3A_1174 = tpu.vector_load %arg10[%swap3A_1173] {strides = array<i32>} : memref<448xf32, #tpu.memory_space<vmem>>, vector<16xf32>,
      tpu.vector_store %arg10[%swap3A_1173], %sub3A_1172 {strides = array<i32>} : memref<448xf32, #tpu.memory_space<vmem>>, vector<16xf32>,
      %swap3A_1175 = arith.constant 432 : index
      %swap3A_1176 = tpu.vector_load %arg10[%swap3A_1175] {strides = array<i32>} : memref<448xf32, #tpu.memory_space<vmem>>, vector<16xf32>,
      tpu.vector_store %arg10[%swap3A_1175], %select_n3A_1156 {strides = array<i32>} : memref<448xf32, #tpu.memory_space<vmem>>, vector<16xf32>,
      %mul3A_1177 = arith.constant 6.750000e+00 : f32
      %mul3A_1178 = vector.broadcast %mul3A_1177 : f32 to vector<16xf32>
      %mul3A_1179 = arith.mulf %mul3A_1178, %div3A_50 : vector<16xf32>
      %add3A_1180 = arith.addf %mul3A_25, %mul3A_1179 : vector<16xf32>
      %max3A_1181 = arith.constant 0.000000e+00 : f32
      %max3A_1182 = vector.broadcast %max3A_1181 : f32 to vector<16xf32>
      %max3A_1183 = arith.maximumf %add3A_1180, %max3A_1182 : vector<16xf32>
      %convert_element_type3A_1184 = arith.fptosi %max3A_1183 : vector<16xf32> to vector<16xi32>
      %ge3A_1185 = arith.constant 31 : i32
      %ge3A_1186 = vector.broadcast %ge3A_1185 : i32 to vector<16xi32>
      %ge3A_1187 = arith.cmpi sge, %convert_element_type3A_1184, %ge3A_1186 : vector<16xi32>
      %convert_element_type3A_1188 = arith.sitofp %convert_element_type3A_1184 : vector<16xi32> to vector<16xf32>
      %sub3A_1189 = arith.subf %max3A_1183, %convert_element_type3A_1188 : vector<16xf32>
      %jit3A_1190 = arith.constant 0.000000e+00 : f32
      %broadcast_in_dim3A_1191 = vector.broadcast %jit3A_1190 : f32 to vector<16xf32>
      %select_n3A_1192 = arith.select %ge3A_1187, %broadcast_in_dim3A_1191, %sub3A_1189 : vector<16xi1>, vector<16xf32>
      %min3A_1193 = arith.constant 31 : i32
      %min3A_1194 = vector.broadcast %min3A_1193 : i32 to vector<16xi32>
      %min3A_1195 = arith.minsi %convert_element_type3A_1184, %min3A_1194 : vector<16xi32>
      %mul3A_1196 = arith.constant 32 : i32
      %mul3A_1197 = vector.broadcast %mul3A_1196 : i32 to vector<16xi32>
      %mul3A_1198 = arith.muli %min3A_1195, %mul3A_1197 : vector<16xi32>
      %swap3A_1199 = arith.constant 416 : index
      %swap3A_1200 = tpu.vector_load %arg11[%swap3A_1199] {strides = array<i32>} : memref<448xi32, #tpu.memory_space<vmem>>, vector<16xi32>,
      tpu.vector_store %arg11[%swap3A_1199], %mul3A_1198 {strides = array<i32>} : memref<448xi32, #tpu.memory_space<vmem>>, vector<16xi32>,
      %add3A_1201 = arith.constant 1 : i32
      %add3A_1202 = vector.broadcast %add3A_1201 : i32 to vector<16xi32>
      %add3A_1203 = arith.addi %convert_element_type3A_1184, %add3A_1202 : vector<16xi32>
      %min3A_1204 = arith.constant 31 : i32
      %min3A_1205 = vector.broadcast %min3A_1204 : i32 to vector<16xi32>
      %min3A_1206 = arith.minsi %add3A_1203, %min3A_1205 : vector<16xi32>
      %mul3A_1207 = arith.constant 32 : i32
      %mul3A_1208 = vector.broadcast %mul3A_1207 : i32 to vector<16xi32>
      %mul3A_1209 = arith.muli %min3A_1206, %mul3A_1208 : vector<16xi32>
      %swap3A_1210 = arith.constant 432 : index
      %swap3A_1211 = tpu.vector_load %arg11[%swap3A_1210] {strides = array<i32>} : memref<448xi32, #tpu.memory_space<vmem>>, vector<16xi32>,
      tpu.vector_store %arg11[%swap3A_1210], %mul3A_1209 {strides = array<i32>} : memref<448xi32, #tpu.memory_space<vmem>>, vector<16xi32>,
      %sub3A_1212 = arith.constant 1.000000e+00 : f32
      %sub3A_1213 = vector.broadcast %sub3A_1212 : f32 to vector<16xf32>
      %sub3A_1214 = arith.subf %sub3A_1213, %select_n3A_1192 : vector<16xf32>
      %mul3A_1215 = arith.constant 2.500000e-01 : f32
      %mul3A_1216 = vector.broadcast %mul3A_1215 : f32 to vector<16xf32>
      %mul3A_1217 = arith.mulf %sub3A_1214, %mul3A_1216 : vector<16xf32>
      %swap3A_1218 = arith.constant 416 : index
      %swap3A_1219 = tpu.vector_load %arg12[%swap3A_1218] {strides = array<i32>} : memref<448xf32, #tpu.memory_space<vmem>>, vector<16xf32>,
      tpu.vector_store %arg12[%swap3A_1218], %mul3A_1217 {strides = array<i32>} : memref<448xf32, #tpu.memory_space<vmem>>, vector<16xf32>,
      %mul3A_1220 = arith.constant 2.500000e-01 : f32
      %mul3A_1221 = vector.broadcast %mul3A_1220 : f32 to vector<16xf32>
      %mul3A_1222 = arith.mulf %select_n3A_1192, %mul3A_1221 : vector<16xf32>
      %swap3A_1223 = arith.constant 432 : index
      %swap3A_1224 = tpu.vector_load %arg12[%swap3A_1223] {strides = array<i32>} : memref<448xf32, #tpu.memory_space<vmem>>, vector<16xf32>,
      tpu.vector_store %arg12[%swap3A_1223], %mul3A_1222 {strides = array<i32>} : memref<448xf32, #tpu.memory_space<vmem>>, vector<16xf32>,
      %add3A_1225 = arith.constant 0 : i32
      %add3A_1226 = arith.addi %mul3A_2, %add3A_1225 : i32
      %jit3A_1227 = arith.constant 7 : i32
      %eq3A = arith.constant 0 : i32
      %eq3A_1228 = arith.cmpi eq, %jit3A_1227, %eq3A : i32
      %jit3A_1229 = arith.constant 1 : i32
      %select_n3A_1230 = arith.select %eq3A_1228, %jit3A_1229, %jit3A_1227 : i32
      %rem3A = arith.remsi %add3A_1226, %select_n3A_1230 : i32
      %ne3A = arith.constant 0 : i32
      %ne3A_1231 = arith.cmpi ne, %rem3A, %ne3A : i32
      %lt3A = arith.constant 0 : i32
      %lt3A_1232 = arith.cmpi slt, %rem3A, %lt3A : i32
      %lt3A_1233 = arith.constant 0 : i32
      %lt3A_1234 = arith.cmpi slt, %select_n3A_1230, %lt3A_1233 : i32
      %ne3A_1235 = arith.xori %lt3A_1232, %lt3A_1234 : i1
      %and3A = arith.andi %ne3A_1235, %ne3A_1231 : i1
      %add3A_1236 = arith.addi %rem3A, %select_n3A_1230 : i32
      %select_n3A_1237 = arith.select %and3A, %add3A_1236, %rem3A : i32
      %jit3A_1238 = arith.constant 49 : i32
      %eq3A_1239 = arith.constant 0 : i32
      %eq3A_1240 = arith.cmpi eq, %jit3A_1238, %eq3A_1239 : i32
      %jit3A_1241 = arith.constant 1 : i32
      %select_n3A_1242 = arith.select %eq3A_1240, %jit3A_1241, %jit3A_1238 : i32
      %rem3A_1243 = arith.remsi %add3A_1226, %select_n3A_1242 : i32
      %ne3A_1244 = arith.constant 0 : i32
      %ne3A_1245 = arith.cmpi ne, %rem3A_1243, %ne3A_1244 : i32
      %lt3A_1246 = arith.constant 0 : i32
      %lt3A_1247 = arith.cmpi slt, %rem3A_1243, %lt3A_1246 : i32
      %lt3A_1248 = arith.constant 0 : i32
      %lt3A_1249 = arith.cmpi slt, %select_n3A_1242, %lt3A_1248 : i32
      %ne3A_1250 = arith.xori %lt3A_1247, %lt3A_1249 : i1
      %and3A_1251 = arith.andi %ne3A_1250, %ne3A_1245 : i1
      %add3A_1252 = arith.addi %rem3A_1243, %select_n3A_1242 : i32
      %select_n3A_1253 = arith.select %and3A_1251, %add3A_1252, %rem3A_1243 : i32
      %jit3A_1254 = arith.constant 7 : i32
      %div3A_1255 = arith.divsi %select_n3A_1253, %jit3A_1254 : i32
      %sign3A = arith.constant 0 : i32
      %sign3A_1256 = arith.cmpi sgt, %select_n3A_1253, %sign3A : i32
      %sign3A_1257 = arith.extui %sign3A_1256 : i1 to i32
      %sign3A_1258 = arith.constant 0 : i32
      %sign3A_1259 = arith.cmpi slt, %select_n3A_1253, %sign3A_1258 : i32
      %sign3A_1260 = arith.extui %sign3A_1259 : i1 to i32
      %sign3A_1261 = arith.subi %sign3A_1257, %sign3A_1260 : i32
      %sign3A_1262 = arith.constant 0 : i32
      %sign3A_1263 = arith.cmpi sgt, %jit3A_1254, %sign3A_1262 : i32
      %sign3A_1264 = arith.extui %sign3A_1263 : i1 to i32
      %sign3A_1265 = arith.constant 0 : i32
      %sign3A_1266 = arith.cmpi slt, %jit3A_1254, %sign3A_1265 : i32
      %sign3A_1267 = arith.extui %sign3A_1266 : i1 to i32
      %sign3A_1268 = arith.subi %sign3A_1264, %sign3A_1267 : i32
      %ne3A_1269 = arith.cmpi ne, %sign3A_1261, %sign3A_1268 : i32
      %rem3A_1270 = arith.remsi %select_n3A_1253, %jit3A_1254 : i32
      %ne3A_1271 = arith.constant 0 : i32
      %ne3A_1272 = arith.cmpi ne, %rem3A_1270, %ne3A_1271 : i32
      %and3A_1273 = arith.andi %ne3A_1269, %ne3A_1272 : i1
      %sub3A_1274 = arith.constant 1 : i32
      %sub3A_1275 = arith.subi %div3A_1255, %sub3A_1274 : i32
      %select_n3A_1276 = arith.select %and3A_1273, %sub3A_1275, %div3A_1255 : i32
      %add3A_1277 = arith.constant 0 : i32
      %add3A_1278 = vector.broadcast %add3A_1277 : i32 to vector<16xi32>
      %add3A_1279 = arith.addi %mul3A_55, %add3A_1278 : vector<16xi32>
      %mul3A_1280 = arith.constant 64 : i32
      %mul3A_1281 = arith.muli %select_n3A_1237, %mul3A_1280 : i32
      %mul3A_1282 = arith.constant 64 : i32
      %mul3A_1283 = arith.muli %select_n3A_1276, %mul3A_1282 : i32
      %add3A_1284 = arith.constant 0 : i32
      %add3A_1285 = arith.addi %mul3A_1281, %add3A_1284 : i32
      %get3A_1286 = arith.index_cast %add3A_1285 : i32 to index
      %get3A_1287 = tpu.vector_load %arg9[%get3A_1286] {strides = array<i32>} : memref<448xi32, #tpu.memory_space<vmem>>, vector<16xi32>,
      %add3A_1288 = arith.constant 16 : i32
      %add3A_1289 = arith.addi %mul3A_1281, %add3A_1288 : i32
      %get3A_1290 = arith.index_cast %add3A_1289 : i32 to index
      %get3A_1291 = tpu.vector_load %arg9[%get3A_1290] {strides = array<i32>} : memref<448xi32, #tpu.memory_space<vmem>>, vector<16xi32>,
      %add3A_1292 = arith.constant 32 : i32
      %add3A_1293 = arith.addi %mul3A_1281, %add3A_1292 : i32
      %get3A_1294 = arith.index_cast %add3A_1293 : i32 to index
      %get3A_1295 = tpu.vector_load %arg9[%get3A_1294] {strides = array<i32>} : memref<448xi32, #tpu.memory_space<vmem>>, vector<16xi32>,
      %add3A_1296 = arith.constant 48 : i32
      %add3A_1297 = arith.addi %mul3A_1281, %add3A_1296 : i32
      %get3A_1298 = arith.index_cast %add3A_1297 : i32 to index
      %get3A_1299 = tpu.vector_load %arg9[%get3A_1298] {strides = array<i32>} : memref<448xi32, #tpu.memory_space<vmem>>, vector<16xi32>,
      %add3A_1300 = arith.constant 0 : i32
      %add3A_1301 = arith.addi %mul3A_1281, %add3A_1300 : i32
      %get3A_1302 = arith.index_cast %add3A_1301 : i32 to index
      %get3A_1303 = tpu.vector_load %arg10[%get3A_1302] {strides = array<i32>} : memref<448xf32, #tpu.memory_space<vmem>>, vector<16xf32>,
      %add3A_1304 = arith.constant 16 : i32
      %add3A_1305 = arith.addi %mul3A_1281, %add3A_1304 : i32
      %get3A_1306 = arith.index_cast %add3A_1305 : i32 to index
      %get3A_1307 = tpu.vector_load %arg10[%get3A_1306] {strides = array<i32>} : memref<448xf32, #tpu.memory_space<vmem>>, vector<16xf32>,
      %add3A_1308 = arith.constant 32 : i32
      %add3A_1309 = arith.addi %mul3A_1281, %add3A_1308 : i32
      %get3A_1310 = arith.index_cast %add3A_1309 : i32 to index
      %get3A_1311 = tpu.vector_load %arg10[%get3A_1310] {strides = array<i32>} : memref<448xf32, #tpu.memory_space<vmem>>, vector<16xf32>,
      %add3A_1312 = arith.constant 48 : i32
      %add3A_1313 = arith.addi %mul3A_1281, %add3A_1312 : i32
      %get3A_1314 = arith.index_cast %add3A_1313 : i32 to index
      %get3A_1315 = tpu.vector_load %arg10[%get3A_1314] {strides = array<i32>} : memref<448xf32, #tpu.memory_space<vmem>>, vector<16xf32>,
      %broadcast_in_dim3A_1316 = arith.constant 0.000000e+00 : f32
      %broadcast_in_dim3A_1317 = vector.broadcast %broadcast_in_dim3A_1316 : f32 to vector<16xf32>
      %add3A_1318 = arith.constant 0 : i32
      %add3A_1319 = arith.addi %mul3A_1283, %add3A_1318 : i32
      %get3A_1320 = arith.index_cast %add3A_1319 : i32 to index
      %get3A_1321 = tpu.vector_load %arg11[%get3A_1320] {strides = array<i32>} : memref<448xi32, #tpu.memory_space<vmem>>, vector<16xi32>,
      %add3A_1322 = arith.addi %add3A_1279, %get3A_1321 : vector<16xi32>
      %broadcast_in_dim3A_1323 = arith.constant 0.000000e+00 : f32
      %broadcast_in_dim3A_1324 = vector.broadcast %broadcast_in_dim3A_1323 : f32 to vector<16xf32>
      %add3A_1325 = arith.addi %add3A_1322, %get3A_1287 : vector<16xi32>
      %gather3A = tpu.vector_load_idx %arg6[%add3A_1325] : memref<16384xf32, #tpu.memory_space<vmem>>[vector<16xi32>], vector<16xf32>,
      %mul3A_1326 = arith.mulf %get3A_1303, %gather3A : vector<16xf32>
      %add3A_1327 = arith.addf %broadcast_in_dim3A_1324, %mul3A_1326 : vector<16xf32>
      %add3A_1328 = arith.addi %add3A_1322, %get3A_1291 : vector<16xi32>
      %gather3A_1329 = tpu.vector_load_idx %arg6[%add3A_1328] : memref<16384xf32, #tpu.memory_space<vmem>>[vector<16xi32>], vector<16xf32>,
      %mul3A_1330 = arith.mulf %get3A_1307, %gather3A_1329 : vector<16xf32>
      %add3A_1331 = arith.addf %add3A_1327, %mul3A_1330 : vector<16xf32>
      %add3A_1332 = arith.addi %add3A_1322, %get3A_1295 : vector<16xi32>
      %gather3A_1333 = tpu.vector_load_idx %arg6[%add3A_1332] : memref<16384xf32, #tpu.memory_space<vmem>>[vector<16xi32>], vector<16xf32>,
      %mul3A_1334 = arith.mulf %get3A_1311, %gather3A_1333 : vector<16xf32>
      %add3A_1335 = arith.addf %add3A_1331, %mul3A_1334 : vector<16xf32>
      %add3A_1336 = arith.addi %add3A_1322, %get3A_1299 : vector<16xi32>
      %gather3A_1337 = tpu.vector_load_idx %arg6[%add3A_1336] : memref<16384xf32, #tpu.memory_space<vmem>>[vector<16xi32>], vector<16xf32>,
      %mul3A_1338 = arith.mulf %get3A_1315, %gather3A_1337 : vector<16xf32>
      %add3A_1339 = arith.addf %add3A_1335, %mul3A_1338 : vector<16xf32>
      %add3A_1340 = arith.constant 0 : i32
      %add3A_1341 = arith.addi %mul3A_1283, %add3A_1340 : i32
      %get3A_1342 = arith.index_cast %add3A_1341 : i32 to index
      %get3A_1343 = tpu.vector_load %arg12[%get3A_1342] {strides = array<i32>} : memref<448xf32, #tpu.memory_space<vmem>>, vector<16xf32>,
      %mul3A_1344 = arith.mulf %get3A_1343, %add3A_1339 : vector<16xf32>
      %add3A_1345 = arith.addf %broadcast_in_dim3A_1317, %mul3A_1344 : vector<16xf32>
      %add3A_1346 = arith.constant 16 : i32
      %add3A_1347 = arith.addi %mul3A_1283, %add3A_1346 : i32
      %get3A_1348 = arith.index_cast %add3A_1347 : i32 to index
      %get3A_1349 = tpu.vector_load %arg11[%get3A_1348] {strides = array<i32>} : memref<448xi32, #tpu.memory_space<vmem>>, vector<16xi32>,
      %add3A_1350 = arith.addi %add3A_1279, %get3A_1349 : vector<16xi32>
      %broadcast_in_dim3A_1351 = arith.constant 0.000000e+00 : f32
      %broadcast_in_dim3A_1352 = vector.broadcast %broadcast_in_dim3A_1351 : f32 to vector<16xf32>
      %add3A_1353 = arith.addi %add3A_1350, %get3A_1287 : vector<16xi32>
      %gather3A_1354 = tpu.vector_load_idx %arg6[%add3A_1353] : memref<16384xf32, #tpu.memory_space<vmem>>[vector<16xi32>], vector<16xf32>,
      %mul3A_1355 = arith.mulf %get3A_1303, %gather3A_1354 : vector<16xf32>
      %add3A_1356 = arith.addf %broadcast_in_dim3A_1352, %mul3A_1355 : vector<16xf32>
      %add3A_1357 = arith.addi %add3A_1350, %get3A_1291 : vector<16xi32>
      %gather3A_1358 = tpu.vector_load_idx %arg6[%add3A_1357] : memref<16384xf32, #tpu.memory_space<vmem>>[vector<16xi32>], vector<16xf32>,
      %mul3A_1359 = arith.mulf %get3A_1307, %gather3A_1358 : vector<16xf32>
      %add3A_1360 = arith.addf %add3A_1356, %mul3A_1359 : vector<16xf32>
      %add3A_1361 = arith.addi %add3A_1350, %get3A_1295 : vector<16xi32>
      %gather3A_1362 = tpu.vector_load_idx %arg6[%add3A_1361] : memref<16384xf32, #tpu.memory_space<vmem>>[vector<16xi32>], vector<16xf32>,
      %mul3A_1363 = arith.mulf %get3A_1311, %gather3A_1362 : vector<16xf32>
      %add3A_1364 = arith.addf %add3A_1360, %mul3A_1363 : vector<16xf32>
      %add3A_1365 = arith.addi %add3A_1350, %get3A_1299 : vector<16xi32>
      %gather3A_1366 = tpu.vector_load_idx %arg6[%add3A_1365] : memref<16384xf32, #tpu.memory_space<vmem>>[vector<16xi32>], vector<16xf32>,
      %mul3A_1367 = arith.mulf %get3A_1315, %gather3A_1366 : vector<16xf32>
      %add3A_1368 = arith.addf %add3A_1364, %mul3A_1367 : vector<16xf32>
      %add3A_1369 = arith.constant 16 : i32
      %add3A_1370 = arith.addi %mul3A_1283, %add3A_1369 : i32
      %get3A_1371 = arith.index_cast %add3A_1370 : i32 to index
      %get3A_1372 = tpu.vector_load %arg12[%get3A_1371] {strides = array<i32>} : memref<448xf32, #tpu.memory_space<vmem>>, vector<16xf32>,
      %mul3A_1373 = arith.mulf %get3A_1372, %add3A_1368 : vector<16xf32>
      %add3A_1374 = arith.addf %add3A_1345, %mul3A_1373 : vector<16xf32>
      %add3A_1375 = arith.constant 32 : i32
      %add3A_1376 = arith.addi %mul3A_1283, %add3A_1375 : i32
      %get3A_1377 = arith.index_cast %add3A_1376 : i32 to index
      %get3A_1378 = tpu.vector_load %arg11[%get3A_1377] {strides = array<i32>} : memref<448xi32, #tpu.memory_space<vmem>>, vector<16xi32>,
      %add3A_1379 = arith.addi %add3A_1279, %get3A_1378 : vector<16xi32>
      %broadcast_in_dim3A_1380 = arith.constant 0.000000e+00 : f32
      %broadcast_in_dim3A_1381 = vector.broadcast %broadcast_in_dim3A_1380 : f32 to vector<16xf32>
      %add3A_1382 = arith.addi %add3A_1379, %get3A_1287 : vector<16xi32>
      %gather3A_1383 = tpu.vector_load_idx %arg6[%add3A_1382] : memref<16384xf32, #tpu.memory_space<vmem>>[vector<16xi32>], vector<16xf32>,
      %mul3A_1384 = arith.mulf %get3A_1303, %gather3A_1383 : vector<16xf32>
      %add3A_1385 = arith.addf %broadcast_in_dim3A_1381, %mul3A_1384 : vector<16xf32>
      %add3A_1386 = arith.addi %add3A_1379, %get3A_1291 : vector<16xi32>
      %gather3A_1387 = tpu.vector_load_idx %arg6[%add3A_1386] : memref<16384xf32, #tpu.memory_space<vmem>>[vector<16xi32>], vector<16xf32>,
      %mul3A_1388 = arith.mulf %get3A_1307, %gather3A_1387 : vector<16xf32>
      %add3A_1389 = arith.addf %add3A_1385, %mul3A_1388 : vector<16xf32>
      %add3A_1390 = arith.addi %add3A_1379, %get3A_1295 : vector<16xi32>
      %gather3A_1391 = tpu.vector_load_idx %arg6[%add3A_1390] : memref<16384xf32, #tpu.memory_space<vmem>>[vector<16xi32>], vector<16xf32>,
      %mul3A_1392 = arith.mulf %get3A_1311, %gather3A_1391 : vector<16xf32>
      %add3A_1393 = arith.addf %add3A_1389, %mul3A_1392 : vector<16xf32>
      %add3A_1394 = arith.addi %add3A_1379, %get3A_1299 : vector<16xi32>
      %gather3A_1395 = tpu.vector_load_idx %arg6[%add3A_1394] : memref<16384xf32, #tpu.memory_space<vmem>>[vector<16xi32>], vector<16xf32>,
      %mul3A_1396 = arith.mulf %get3A_1315, %gather3A_1395 : vector<16xf32>
      %add3A_1397 = arith.addf %add3A_1393, %mul3A_1396 : vector<16xf32>
      %add3A_1398 = arith.constant 32 : i32
      %add3A_1399 = arith.addi %mul3A_1283, %add3A_1398 : i32
      %get3A_1400 = arith.index_cast %add3A_1399 : i32 to index
      %get3A_1401 = tpu.vector_load %arg12[%get3A_1400] {strides = array<i32>} : memref<448xf32, #tpu.memory_space<vmem>>, vector<16xf32>,
      %mul3A_1402 = arith.mulf %get3A_1401, %add3A_1397 : vector<16xf32>
      %add3A_1403 = arith.addf %add3A_1374, %mul3A_1402 : vector<16xf32>
      %add3A_1404 = arith.constant 48 : i32
      %add3A_1405 = arith.addi %mul3A_1283, %add3A_1404 : i32
      %get3A_1406 = arith.index_cast %add3A_1405 : i32 to index
      %get3A_1407 = tpu.vector_load %arg11[%get3A_1406] {strides = array<i32>} : memref<448xi32, #tpu.memory_space<vmem>>, vector<16xi32>,
      %add3A_1408 = arith.addi %add3A_1279, %get3A_1407 : vector<16xi32>
      %broadcast_in_dim3A_1409 = arith.constant 0.000000e+00 : f32
      %broadcast_in_dim3A_1410 = vector.broadcast %broadcast_in_dim3A_1409 : f32 to vector<16xf32>
      %add3A_1411 = arith.addi %add3A_1408, %get3A_1287 : vector<16xi32>
      %gather3A_1412 = tpu.vector_load_idx %arg6[%add3A_1411] : memref<16384xf32, #tpu.memory_space<vmem>>[vector<16xi32>], vector<16xf32>,
      %mul3A_1413 = arith.mulf %get3A_1303, %gather3A_1412 : vector<16xf32>
      %add3A_1414 = arith.addf %broadcast_in_dim3A_1410, %mul3A_1413 : vector<16xf32>
      %add3A_1415 = arith.addi %add3A_1408, %get3A_1291 : vector<16xi32>
      %gather3A_1416 = tpu.vector_load_idx %arg6[%add3A_1415] : memref<16384xf32, #tpu.memory_space<vmem>>[vector<16xi32>], vector<16xf32>,
      %mul3A_1417 = arith.mulf %get3A_1307, %gather3A_1416 : vector<16xf32>
      %add3A_1418 = arith.addf %add3A_1414, %mul3A_1417 : vector<16xf32>
      %add3A_1419 = arith.addi %add3A_1408, %get3A_1295 : vector<16xi32>
      %gather3A_1420 = tpu.vector_load_idx %arg6[%add3A_1419] : memref<16384xf32, #tpu.memory_space<vmem>>[vector<16xi32>], vector<16xf32>,
      %mul3A_1421 = arith.mulf %get3A_1311, %gather3A_1420 : vector<16xf32>
      %add3A_1422 = arith.addf %add3A_1418, %mul3A_1421 : vector<16xf32>
      %add3A_1423 = arith.addi %add3A_1408, %get3A_1299 : vector<16xi32>
      %gather3A_1424 = tpu.vector_load_idx %arg6[%add3A_1423] : memref<16384xf32, #tpu.memory_space<vmem>>[vector<16xi32>], vector<16xf32>,
      %mul3A_1425 = arith.mulf %get3A_1315, %gather3A_1424 : vector<16xf32>
      %add3A_1426 = arith.addf %add3A_1422, %mul3A_1425 : vector<16xf32>
      %add3A_1427 = arith.constant 48 : i32
      %add3A_1428 = arith.addi %mul3A_1283, %add3A_1427 : i32
      %get3A_1429 = arith.index_cast %add3A_1428 : i32 to index
      %get3A_1430 = tpu.vector_load %arg12[%get3A_1429] {strides = array<i32>} : memref<448xf32, #tpu.memory_space<vmem>>, vector<16xf32>,
      %mul3A_1431 = arith.mulf %get3A_1430, %add3A_1426 : vector<16xf32>
      %add3A_1432 = arith.addf %add3A_1403, %mul3A_1431 : vector<16xf32>
      %swap3A_1433 = arith.constant 0 : i32
      %swap3A_1434 = arith.index_cast %swap3A_1433 : i32 to index
      %swap3A_1435 = arith.index_cast %mul3A_12 : i32 to index
      %swap3A_1436 = tpu.vector_load %arg13[%swap3A_1434, %swap3A_1435] {strides = array<i32>} : memref<8x5008xf32, #tpu.memory_space<vmem>>, vector<16xf32>,
      tpu.vector_store %arg13[%swap3A_1434, %swap3A_1435], %add3A_1432 {strides = array<i32>} : memref<8x5008xf32, #tpu.memory_space<vmem>>, vector<16xf32>,
      %add3A_1437 = arith.constant 1 : i32
      %add3A_1438 = arith.addi %mul3A_2, %add3A_1437 : i32
      %jit3A_1439 = arith.constant 7 : i32
      %eq3A_1440 = arith.constant 0 : i32
      %eq3A_1441 = arith.cmpi eq, %jit3A_1439, %eq3A_1440 : i32
      %jit3A_1442 = arith.constant 1 : i32
      %select_n3A_1443 = arith.select %eq3A_1441, %jit3A_1442, %jit3A_1439 : i32
      %rem3A_1444 = arith.remsi %add3A_1438, %select_n3A_1443 : i32
      %ne3A_1445 = arith.constant 0 : i32
      %ne3A_1446 = arith.cmpi ne, %rem3A_1444, %ne3A_1445 : i32
      %lt3A_1447 = arith.constant 0 : i32
      %lt3A_1448 = arith.cmpi slt, %rem3A_1444, %lt3A_1447 : i32
      %lt3A_1449 = arith.constant 0 : i32
      %lt3A_1450 = arith.cmpi slt, %select_n3A_1443, %lt3A_1449 : i32
      %ne3A_1451 = arith.xori %lt3A_1448, %lt3A_1450 : i1
      %and3A_1452 = arith.andi %ne3A_1451, %ne3A_1446 : i1
      %add3A_1453 = arith.addi %rem3A_1444, %select_n3A_1443 : i32
      %select_n3A_1454 = arith.select %and3A_1452, %add3A_1453, %rem3A_1444 : i32
      %jit3A_1455 = arith.constant 49 : i32
      %eq3A_1456 = arith.constant 0 : i32
      %eq3A_1457 = arith.cmpi eq, %jit3A_1455, %eq3A_1456 : i32
      %jit3A_1458 = arith.constant 1 : i32
      %select_n3A_1459 = arith.select %eq3A_1457, %jit3A_1458, %jit3A_1455 : i32
      %rem3A_1460 = arith.remsi %add3A_1438, %select_n3A_1459 : i32
      %ne3A_1461 = arith.constant 0 : i32
      %ne3A_1462 = arith.cmpi ne, %rem3A_1460, %ne3A_1461 : i32
      %lt3A_1463 = arith.constant 0 : i32
      %lt3A_1464 = arith.cmpi slt, %rem3A_1460, %lt3A_1463 : i32
      %lt3A_1465 = arith.constant 0 : i32
      %lt3A_1466 = arith.cmpi slt, %select_n3A_1459, %lt3A_1465 : i32
      %ne3A_1467 = arith.xori %lt3A_1464, %lt3A_1466 : i1
      %and3A_1468 = arith.andi %ne3A_1467, %ne3A_1462 : i1
      %add3A_1469 = arith.addi %rem3A_1460, %select_n3A_1459 : i32
      %select_n3A_1470 = arith.select %and3A_1468, %add3A_1469, %rem3A_1460 : i32
      %jit3A_1471 = arith.constant 7 : i32
      %div3A_1472 = arith.divsi %select_n3A_1470, %jit3A_1471 : i32
      %sign3A_1473 = arith.constant 0 : i32
      %sign3A_1474 = arith.cmpi sgt, %select_n3A_1470, %sign3A_1473 : i32
      %sign3A_1475 = arith.extui %sign3A_1474 : i1 to i32
      %sign3A_1476 = arith.constant 0 : i32
      %sign3A_1477 = arith.cmpi slt, %select_n3A_1470, %sign3A_1476 : i32
      %sign3A_1478 = arith.extui %sign3A_1477 : i1 to i32
      %sign3A_1479 = arith.subi %sign3A_1475, %sign3A_1478 : i32
      %sign3A_1480 = arith.constant 0 : i32
      %sign3A_1481 = arith.cmpi sgt, %jit3A_1471, %sign3A_1480 : i32
      %sign3A_1482 = arith.extui %sign3A_1481 : i1 to i32
      %sign3A_1483 = arith.constant 0 : i32
      %sign3A_1484 = arith.cmpi slt, %jit3A_1471, %sign3A_1483 : i32
      %sign3A_1485 = arith.extui %sign3A_1484 : i1 to i32
      %sign3A_1486 = arith.subi %sign3A_1482, %sign3A_1485 : i32
      %ne3A_1487 = arith.cmpi ne, %sign3A_1479, %sign3A_1486 : i32
      %rem3A_1488 = arith.remsi %select_n3A_1470, %jit3A_1471 : i32
      %ne3A_1489 = arith.constant 0 : i32
      %ne3A_1490 = arith.cmpi ne, %rem3A_1488, %ne3A_1489 : i32
      %and3A_1491 = arith.andi %ne3A_1487, %ne3A_1490 : i1
      %sub3A_1492 = arith.constant 1 : i32
      %sub3A_1493 = arith.subi %div3A_1472, %sub3A_1492 : i32
      %select_n3A_1494 = arith.select %and3A_1491, %sub3A_1493, %div3A_1472 : i32
      %add3A_1495 = arith.constant 2048 : i32
      %add3A_1496 = vector.broadcast %add3A_1495 : i32 to vector<16xi32>
      %add3A_1497 = arith.addi %mul3A_55, %add3A_1496 : vector<16xi32>
      %mul3A_1498 = arith.constant 64 : i32
      %mul3A_1499 = arith.muli %select_n3A_1454, %mul3A_1498 : i32
      %mul3A_1500 = arith.constant 64 : i32
      %mul3A_1501 = arith.muli %select_n3A_1494, %mul3A_1500 : i32
      %add3A_1502 = arith.constant 0 : i32
      %add3A_1503 = arith.addi %mul3A_1499, %add3A_1502 : i32
      %get3A_1504 = arith.index_cast %add3A_1503 : i32 to index
      %get3A_1505 = tpu.vector_load %arg9[%get3A_1504] {strides = array<i32>} : memref<448xi32, #tpu.memory_space<vmem>>, vector<16xi32>,
      %add3A_1506 = arith.constant 16 : i32
      %add3A_1507 = arith.addi %mul3A_1499, %add3A_1506 : i32
      %get3A_1508 = arith.index_cast %add3A_1507 : i32 to index
      %get3A_1509 = tpu.vector_load %arg9[%get3A_1508] {strides = array<i32>} : memref<448xi32, #tpu.memory_space<vmem>>, vector<16xi32>,
      %add3A_1510 = arith.constant 32 : i32
      %add3A_1511 = arith.addi %mul3A_1499, %add3A_1510 : i32
      %get3A_1512 = arith.index_cast %add3A_1511 : i32 to index
      %get3A_1513 = tpu.vector_load %arg9[%get3A_1512] {strides = array<i32>} : memref<448xi32, #tpu.memory_space<vmem>>, vector<16xi32>,
      %add3A_1514 = arith.constant 48 : i32
      %add3A_1515 = arith.addi %mul3A_1499, %add3A_1514 : i32
      %get3A_1516 = arith.index_cast %add3A_1515 : i32 to index
      %get3A_1517 = tpu.vector_load %arg9[%get3A_1516] {strides = array<i32>} : memref<448xi32, #tpu.memory_space<vmem>>, vector<16xi32>,
      %add3A_1518 = arith.constant 0 : i32
      %add3A_1519 = arith.addi %mul3A_1499, %add3A_1518 : i32
      %get3A_1520 = arith.index_cast %add3A_1519 : i32 to index
      %get3A_1521 = tpu.vector_load %arg10[%get3A_1520] {strides = array<i32>} : memref<448xf32, #tpu.memory_space<vmem>>, vector<16xf32>,
      %add3A_1522 = arith.constant 16 : i32
      %add3A_1523 = arith.addi %mul3A_1499, %add3A_1522 : i32
      %get3A_1524 = arith.index_cast %add3A_1523 : i32 to index
      %get3A_1525 = tpu.vector_load %arg10[%get3A_1524] {strides = array<i32>} : memref<448xf32, #tpu.memory_space<vmem>>, vector<16xf32>,
      %add3A_1526 = arith.constant 32 : i32
      %add3A_1527 = arith.addi %mul3A_1499, %add3A_1526 : i32
      %get3A_1528 = arith.index_cast %add3A_1527 : i32 to index
      %get3A_1529 = tpu.vector_load %arg10[%get3A_1528] {strides = array<i32>} : memref<448xf32, #tpu.memory_space<vmem>>, vector<16xf32>,
      %add3A_1530 = arith.constant 48 : i32
      %add3A_1531 = arith.addi %mul3A_1499, %add3A_1530 : i32
      %get3A_1532 = arith.index_cast %add3A_1531 : i32 to index
      %get3A_1533 = tpu.vector_load %arg10[%get3A_1532] {strides = array<i32>} : memref<448xf32, #tpu.memory_space<vmem>>, vector<16xf32>,
      %broadcast_in_dim3A_1534 = arith.constant 0.000000e+00 : f32
      %broadcast_in_dim3A_1535 = vector.broadcast %broadcast_in_dim3A_1534 : f32 to vector<16xf32>
      %add3A_1536 = arith.constant 0 : i32
      %add3A_1537 = arith.addi %mul3A_1501, %add3A_1536 : i32
      %get3A_1538 = arith.index_cast %add3A_1537 : i32 to index
      %get3A_1539 = tpu.vector_load %arg11[%get3A_1538] {strides = array<i32>} : memref<448xi32, #tpu.memory_space<vmem>>, vector<16xi32>,
      %add3A_1540 = arith.addi %add3A_1497, %get3A_1539 : vector<16xi32>
      %broadcast_in_dim3A_1541 = arith.constant 0.000000e+00 : f32
      %broadcast_in_dim3A_1542 = vector.broadcast %broadcast_in_dim3A_1541 : f32 to vector<16xf32>
      %add3A_1543 = arith.addi %add3A_1540, %get3A_1505 : vector<16xi32>
      %gather3A_1544 = tpu.vector_load_idx %arg6[%add3A_1543] : memref<16384xf32, #tpu.memory_space<vmem>>[vector<16xi32>], vector<16xf32>,
      %mul3A_1545 = arith.mulf %get3A_1521, %gather3A_1544 : vector<16xf32>
      %add3A_1546 = arith.addf %broadcast_in_dim3A_1542, %mul3A_1545 : vector<16xf32>
      %add3A_1547 = arith.addi %add3A_1540, %get3A_1509 : vector<16xi32>
      %gather3A_1548 = tpu.vector_load_idx %arg6[%add3A_1547] : memref<16384xf32, #tpu.memory_space<vmem>>[vector<16xi32>], vector<16xf32>,
      %mul3A_1549 = arith.mulf %get3A_1525, %gather3A_1548 : vector<16xf32>
      %add3A_1550 = arith.addf %add3A_1546, %mul3A_1549 : vector<16xf32>
      %add3A_1551 = arith.addi %add3A_1540, %get3A_1513 : vector<16xi32>
      %gather3A_1552 = tpu.vector_load_idx %arg6[%add3A_1551] : memref<16384xf32, #tpu.memory_space<vmem>>[vector<16xi32>], vector<16xf32>,
      %mul3A_1553 = arith.mulf %get3A_1529, %gather3A_1552 : vector<16xf32>
      %add3A_1554 = arith.addf %add3A_1550, %mul3A_1553 : vector<16xf32>
      %add3A_1555 = arith.addi %add3A_1540, %get3A_1517 : vector<16xi32>
      %gather3A_1556 = tpu.vector_load_idx %arg6[%add3A_1555] : memref<16384xf32, #tpu.memory_space<vmem>>[vector<16xi32>], vector<16xf32>,
      %mul3A_1557 = arith.mulf %get3A_1533, %gather3A_1556 : vector<16xf32>
      %add3A_1558 = arith.addf %add3A_1554, %mul3A_1557 : vector<16xf32>
      %add3A_1559 = arith.constant 0 : i32
      %add3A_1560 = arith.addi %mul3A_1501, %add3A_1559 : i32
      %get3A_1561 = arith.index_cast %add3A_1560 : i32 to index
      %get3A_1562 = tpu.vector_load %arg12[%get3A_1561] {strides = array<i32>} : memref<448xf32, #tpu.memory_space<vmem>>, vector<16xf32>,
      %mul3A_1563 = arith.mulf %get3A_1562, %add3A_1558 : vector<16xf32>
      %add3A_1564 = arith.addf %broadcast_in_dim3A_1535, %mul3A_1563 : vector<16xf32>
      %add3A_1565 = arith.constant 16 : i32
      %add3A_1566 = arith.addi %mul3A_1501, %add3A_1565 : i32
      %get3A_1567 = arith.index_cast %add3A_1566 : i32 to index
      %get3A_1568 = tpu.vector_load %arg11[%get3A_1567] {strides = array<i32>} : memref<448xi32, #tpu.memory_space<vmem>>, vector<16xi32>,
      %add3A_1569 = arith.addi %add3A_1497, %get3A_1568 : vector<16xi32>
      %broadcast_in_dim3A_1570 = arith.constant 0.000000e+00 : f32
      %broadcast_in_dim3A_1571 = vector.broadcast %broadcast_in_dim3A_1570 : f32 to vector<16xf32>
      %add3A_1572 = arith.addi %add3A_1569, %get3A_1505 : vector<16xi32>
      %gather3A_1573 = tpu.vector_load_idx %arg6[%add3A_1572] : memref<16384xf32, #tpu.memory_space<vmem>>[vector<16xi32>], vector<16xf32>,
      %mul3A_1574 = arith.mulf %get3A_1521, %gather3A_1573 : vector<16xf32>
      %add3A_1575 = arith.addf %broadcast_in_dim3A_1571, %mul3A_1574 : vector<16xf32>
      %add3A_1576 = arith.addi %add3A_1569, %get3A_1509 : vector<16xi32>
      %gather3A_1577 = tpu.vector_load_idx %arg6[%add3A_1576] : memref<16384xf32, #tpu.memory_space<vmem>>[vector<16xi32>], vector<16xf32>,
      %mul3A_1578 = arith.mulf %get3A_1525, %gather3A_1577 : vector<16xf32>
      %add3A_1579 = arith.addf %add3A_1575, %mul3A_1578 : vector<16xf32>
      %add3A_1580 = arith.addi %add3A_1569, %get3A_1513 : vector<16xi32>
      %gather3A_1581 = tpu.vector_load_idx %arg6[%add3A_1580] : memref<16384xf32, #tpu.memory_space<vmem>>[vector<16xi32>], vector<16xf32>,
      %mul3A_1582 = arith.mulf %get3A_1529, %gather3A_1581 : vector<16xf32>
      %add3A_1583 = arith.addf %add3A_1579, %mul3A_1582 : vector<16xf32>
      %add3A_1584 = arith.addi %add3A_1569, %get3A_1517 : vector<16xi32>
      %gather3A_1585 = tpu.vector_load_idx %arg6[%add3A_1584] : memref<16384xf32, #tpu.memory_space<vmem>>[vector<16xi32>], vector<16xf32>,
      %mul3A_1586 = arith.mulf %get3A_1533, %gather3A_1585 : vector<16xf32>
      %add3A_1587 = arith.addf %add3A_1583, %mul3A_1586 : vector<16xf32>
      %add3A_1588 = arith.constant 16 : i32
      %add3A_1589 = arith.addi %mul3A_1501, %add3A_1588 : i32
      %get3A_1590 = arith.index_cast %add3A_1589 : i32 to index
      %get3A_1591 = tpu.vector_load %arg12[%get3A_1590] {strides = array<i32>} : memref<448xf32, #tpu.memory_space<vmem>>, vector<16xf32>,
      %mul3A_1592 = arith.mulf %get3A_1591, %add3A_1587 : vector<16xf32>
      %add3A_1593 = arith.addf %add3A_1564, %mul3A_1592 : vector<16xf32>
      %add3A_1594 = arith.constant 32 : i32
      %add3A_1595 = arith.addi %mul3A_1501, %add3A_1594 : i32
      %get3A_1596 = arith.index_cast %add3A_1595 : i32 to index
      %get3A_1597 = tpu.vector_load %arg11[%get3A_1596] {strides = array<i32>} : memref<448xi32, #tpu.memory_space<vmem>>, vector<16xi32>,
      %add3A_1598 = arith.addi %add3A_1497, %get3A_1597 : vector<16xi32>
      %broadcast_in_dim3A_1599 = arith.constant 0.000000e+00 : f32
      %broadcast_in_dim3A_1600 = vector.broadcast %broadcast_in_dim3A_1599 : f32 to vector<16xf32>
      %add3A_1601 = arith.addi %add3A_1598, %get3A_1505 : vector<16xi32>
      %gather3A_1602 = tpu.vector_load_idx %arg6[%add3A_1601] : memref<16384xf32, #tpu.memory_space<vmem>>[vector<16xi32>], vector<16xf32>,
      %mul3A_1603 = arith.mulf %get3A_1521, %gather3A_1602 : vector<16xf32>
      %add3A_1604 = arith.addf %broadcast_in_dim3A_1600, %mul3A_1603 : vector<16xf32>
      %add3A_1605 = arith.addi %add3A_1598, %get3A_1509 : vector<16xi32>
      %gather3A_1606 = tpu.vector_load_idx %arg6[%add3A_1605] : memref<16384xf32, #tpu.memory_space<vmem>>[vector<16xi32>], vector<16xf32>,
      %mul3A_1607 = arith.mulf %get3A_1525, %gather3A_1606 : vector<16xf32>
      %add3A_1608 = arith.addf %add3A_1604, %mul3A_1607 : vector<16xf32>
      %add3A_1609 = arith.addi %add3A_1598, %get3A_1513 : vector<16xi32>
      %gather3A_1610 = tpu.vector_load_idx %arg6[%add3A_1609] : memref<16384xf32, #tpu.memory_space<vmem>>[vector<16xi32>], vector<16xf32>,
      %mul3A_1611 = arith.mulf %get3A_1529, %gather3A_1610 : vector<16xf32>
      %add3A_1612 = arith.addf %add3A_1608, %mul3A_1611 : vector<16xf32>
      %add3A_1613 = arith.addi %add3A_1598, %get3A_1517 : vector<16xi32>
      %gather3A_1614 = tpu.vector_load_idx %arg6[%add3A_1613] : memref<16384xf32, #tpu.memory_space<vmem>>[vector<16xi32>], vector<16xf32>,
      %mul3A_1615 = arith.mulf %get3A_1533, %gather3A_1614 : vector<16xf32>
      %add3A_1616 = arith.addf %add3A_1612, %mul3A_1615 : vector<16xf32>
      %add3A_1617 = arith.constant 32 : i32
      %add3A_1618 = arith.addi %mul3A_1501, %add3A_1617 : i32
      %get3A_1619 = arith.index_cast %add3A_1618 : i32 to index
      %get3A_1620 = tpu.vector_load %arg12[%get3A_1619] {strides = array<i32>} : memref<448xf32, #tpu.memory_space<vmem>>, vector<16xf32>,
      %mul3A_1621 = arith.mulf %get3A_1620, %add3A_1616 : vector<16xf32>
      %add3A_1622 = arith.addf %add3A_1593, %mul3A_1621 : vector<16xf32>
      %add3A_1623 = arith.constant 48 : i32
      %add3A_1624 = arith.addi %mul3A_1501, %add3A_1623 : i32
      %get3A_1625 = arith.index_cast %add3A_1624 : i32 to index
      %get3A_1626 = tpu.vector_load %arg11[%get3A_1625] {strides = array<i32>} : memref<448xi32, #tpu.memory_space<vmem>>, vector<16xi32>,
      %add3A_1627 = arith.addi %add3A_1497, %get3A_1626 : vector<16xi32>
      %broadcast_in_dim3A_1628 = arith.constant 0.000000e+00 : f32
      %broadcast_in_dim3A_1629 = vector.broadcast %broadcast_in_dim3A_1628 : f32 to vector<16xf32>
      %add3A_1630 = arith.addi %add3A_1627, %get3A_1505 : vector<16xi32>
      %gather3A_1631 = tpu.vector_load_idx %arg6[%add3A_1630] : memref<16384xf32, #tpu.memory_space<vmem>>[vector<16xi32>], vector<16xf32>,
      %mul3A_1632 = arith.mulf %get3A_1521, %gather3A_1631 : vector<16xf32>
      %add3A_1633 = arith.addf %broadcast_in_dim3A_1629, %mul3A_1632 : vector<16xf32>
      %add3A_1634 = arith.addi %add3A_1627, %get3A_1509 : vector<16xi32>
      %gather3A_1635 = tpu.vector_load_idx %arg6[%add3A_1634] : memref<16384xf32, #tpu.memory_space<vmem>>[vector<16xi32>], vector<16xf32>,
      %mul3A_1636 = arith.mulf %get3A_1525, %gather3A_1635 : vector<16xf32>
      %add3A_1637 = arith.addf %add3A_1633, %mul3A_1636 : vector<16xf32>
      %add3A_1638 = arith.addi %add3A_1627, %get3A_1513 : vector<16xi32>
      %gather3A_1639 = tpu.vector_load_idx %arg6[%add3A_1638] : memref<16384xf32, #tpu.memory_space<vmem>>[vector<16xi32>], vector<16xf32>,
      %mul3A_1640 = arith.mulf %get3A_1529, %gather3A_1639 : vector<16xf32>
      %add3A_1641 = arith.addf %add3A_1637, %mul3A_1640 : vector<16xf32>
      %add3A_1642 = arith.addi %add3A_1627, %get3A_1517 : vector<16xi32>
      %gather3A_1643 = tpu.vector_load_idx %arg6[%add3A_1642] : memref<16384xf32, #tpu.memory_space<vmem>>[vector<16xi32>], vector<16xf32>,
      %mul3A_1644 = arith.mulf %get3A_1533, %gather3A_1643 : vector<16xf32>
      %add3A_1645 = arith.addf %add3A_1641, %mul3A_1644 : vector<16xf32>
      %add3A_1646 = arith.constant 48 : i32
      %add3A_1647 = arith.addi %mul3A_1501, %add3A_1646 : i32
      %get3A_1648 = arith.index_cast %add3A_1647 : i32 to index
      %get3A_1649 = tpu.vector_load %arg12[%get3A_1648] {strides = array<i32>} : memref<448xf32, #tpu.memory_space<vmem>>, vector<16xf32>,
      %mul3A_1650 = arith.mulf %get3A_1649, %add3A_1645 : vector<16xf32>
      %add3A_1651 = arith.addf %add3A_1622, %mul3A_1650 : vector<16xf32>
      %swap3A_1652 = arith.constant 1 : i32
      %swap3A_1653 = arith.index_cast %swap3A_1652 : i32 to index
      %swap3A_1654 = arith.index_cast %mul3A_12 : i32 to index
      %swap3A_1655 = tpu.vector_load %arg13[%swap3A_1653, %swap3A_1654] {strides = array<i32>} : memref<8x5008xf32, #tpu.memory_space<vmem>>, vector<16xf32>,
      tpu.vector_store %arg13[%swap3A_1653, %swap3A_1654], %add3A_1651 {strides = array<i32>} : memref<8x5008xf32, #tpu.memory_space<vmem>>, vector<16xf32>,
      %add3A_1656 = arith.constant 2 : i32
      %add3A_1657 = arith.addi %mul3A_2, %add3A_1656 : i32
      %jit3A_1658 = arith.constant 7 : i32
      %eq3A_1659 = arith.constant 0 : i32
      %eq3A_1660 = arith.cmpi eq, %jit3A_1658, %eq3A_1659 : i32
      %jit3A_1661 = arith.constant 1 : i32
      %select_n3A_1662 = arith.select %eq3A_1660, %jit3A_1661, %jit3A_1658 : i32
      %rem3A_1663 = arith.remsi %add3A_1657, %select_n3A_1662 : i32
      %ne3A_1664 = arith.constant 0 : i32
      %ne3A_1665 = arith.cmpi ne, %rem3A_1663, %ne3A_1664 : i32
      %lt3A_1666 = arith.constant 0 : i32
      %lt3A_1667 = arith.cmpi slt, %rem3A_1663, %lt3A_1666 : i32
      %lt3A_1668 = arith.constant 0 : i32
      %lt3A_1669 = arith.cmpi slt, %select_n3A_1662, %lt3A_1668 : i32
      %ne3A_1670 = arith.xori %lt3A_1667, %lt3A_1669 : i1
      %and3A_1671 = arith.andi %ne3A_1670, %ne3A_1665 : i1
      %add3A_1672 = arith.addi %rem3A_1663, %select_n3A_1662 : i32
      %select_n3A_1673 = arith.select %and3A_1671, %add3A_1672, %rem3A_1663 : i32
      %jit3A_1674 = arith.constant 49 : i32
      %eq3A_1675 = arith.constant 0 : i32
      %eq3A_1676 = arith.cmpi eq, %jit3A_1674, %eq3A_1675 : i32
      %jit3A_1677 = arith.constant 1 : i32
      %select_n3A_1678 = arith.select %eq3A_1676, %jit3A_1677, %jit3A_1674 : i32
      %rem3A_1679 = arith.remsi %add3A_1657, %select_n3A_1678 : i32
      %ne3A_1680 = arith.constant 0 : i32
      %ne3A_1681 = arith.cmpi ne, %rem3A_1679, %ne3A_1680 : i32
      %lt3A_1682 = arith.constant 0 : i32
      %lt3A_1683 = arith.cmpi slt, %rem3A_1679, %lt3A_1682 : i32
      %lt3A_1684 = arith.constant 0 : i32
      %lt3A_1685 = arith.cmpi slt, %select_n3A_1678, %lt3A_1684 : i32
      %ne3A_1686 = arith.xori %lt3A_1683, %lt3A_1685 : i1
      %and3A_1687 = arith.andi %ne3A_1686, %ne3A_1681 : i1
      %add3A_1688 = arith.addi %rem3A_1679, %select_n3A_1678 : i32
      %select_n3A_1689 = arith.select %and3A_1687, %add3A_1688, %rem3A_1679 : i32
      %jit3A_1690 = arith.constant 7 : i32
      %div3A_1691 = arith.divsi %select_n3A_1689, %jit3A_1690 : i32
      %sign3A_1692 = arith.constant 0 : i32
      %sign3A_1693 = arith.cmpi sgt, %select_n3A_1689, %sign3A_1692 : i32
      %sign3A_1694 = arith.extui %sign3A_1693 : i1 to i32
      %sign3A_1695 = arith.constant 0 : i32
      %sign3A_1696 = arith.cmpi slt, %select_n3A_1689, %sign3A_1695 : i32
      %sign3A_1697 = arith.extui %sign3A_1696 : i1 to i32
      %sign3A_1698 = arith.subi %sign3A_1694, %sign3A_1697 : i32
      %sign3A_1699 = arith.constant 0 : i32
      %sign3A_1700 = arith.cmpi sgt, %jit3A_1690, %sign3A_1699 : i32
      %sign3A_1701 = arith.extui %sign3A_1700 : i1 to i32
      %sign3A_1702 = arith.constant 0 : i32
      %sign3A_1703 = arith.cmpi slt, %jit3A_1690, %sign3A_1702 : i32
      %sign3A_1704 = arith.extui %sign3A_1703 : i1 to i32
      %sign3A_1705 = arith.subi %sign3A_1701, %sign3A_1704 : i32
      %ne3A_1706 = arith.cmpi ne, %sign3A_1698, %sign3A_1705 : i32
      %rem3A_1707 = arith.remsi %select_n3A_1689, %jit3A_1690 : i32
      %ne3A_1708 = arith.constant 0 : i32
      %ne3A_1709 = arith.cmpi ne, %rem3A_1707, %ne3A_1708 : i32
      %and3A_1710 = arith.andi %ne3A_1706, %ne3A_1709 : i1
      %sub3A_1711 = arith.constant 1 : i32
      %sub3A_1712 = arith.subi %div3A_1691, %sub3A_1711 : i32
      %select_n3A_1713 = arith.select %and3A_1710, %sub3A_1712, %div3A_1691 : i32
      %add3A_1714 = arith.constant 4096 : i32
      %add3A_1715 = vector.broadcast %add3A_1714 : i32 to vector<16xi32>
      %add3A_1716 = arith.addi %mul3A_55, %add3A_1715 : vector<16xi32>
      %mul3A_1717 = arith.constant 64 : i32
      %mul3A_1718 = arith.muli %select_n3A_1673, %mul3A_1717 : i32
      %mul3A_1719 = arith.constant 64 : i32
      %mul3A_1720 = arith.muli %select_n3A_1713, %mul3A_1719 : i32
      %add3A_1721 = arith.constant 0 : i32
      %add3A_1722 = arith.addi %mul3A_1718, %add3A_1721 : i32
      %get3A_1723 = arith.index_cast %add3A_1722 : i32 to index
      %get3A_1724 = tpu.vector_load %arg9[%get3A_1723] {strides = array<i32>} : memref<448xi32, #tpu.memory_space<vmem>>, vector<16xi32>,
      %add3A_1725 = arith.constant 16 : i32
      %add3A_1726 = arith.addi %mul3A_1718, %add3A_1725 : i32
      %get3A_1727 = arith.index_cast %add3A_1726 : i32 to index
      %get3A_1728 = tpu.vector_load %arg9[%get3A_1727] {strides = array<i32>} : memref<448xi32, #tpu.memory_space<vmem>>, vector<16xi32>,
      %add3A_1729 = arith.constant 32 : i32
      %add3A_1730 = arith.addi %mul3A_1718, %add3A_1729 : i32
      %get3A_1731 = arith.index_cast %add3A_1730 : i32 to index
      %get3A_1732 = tpu.vector_load %arg9[%get3A_1731] {strides = array<i32>} : memref<448xi32, #tpu.memory_space<vmem>>, vector<16xi32>,
      %add3A_1733 = arith.constant 48 : i32
      %add3A_1734 = arith.addi %mul3A_1718, %add3A_1733 : i32
      %get3A_1735 = arith.index_cast %add3A_1734 : i32 to index
      %get3A_1736 = tpu.vector_load %arg9[%get3A_1735] {strides = array<i32>} : memref<448xi32, #tpu.memory_space<vmem>>, vector<16xi32>,
      %add3A_1737 = arith.constant 0 : i32
      %add3A_1738 = arith.addi %mul3A_1718, %add3A_1737 : i32
      %get3A_1739 = arith.index_cast %add3A_1738 : i32 to index
      %get3A_1740 = tpu.vector_load %arg10[%get3A_1739] {strides = array<i32>} : memref<448xf32, #tpu.memory_space<vmem>>, vector<16xf32>,
      %add3A_1741 = arith.constant 16 : i32
      %add3A_1742 = arith.addi %mul3A_1718, %add3A_1741 : i32
      %get3A_1743 = arith.index_cast %add3A_1742 : i32 to index
      %get3A_1744 = tpu.vector_load %arg10[%get3A_1743] {strides = array<i32>} : memref<448xf32, #tpu.memory_space<vmem>>, vector<16xf32>,
      %add3A_1745 = arith.constant 32 : i32
      %add3A_1746 = arith.addi %mul3A_1718, %add3A_1745 : i32
      %get3A_1747 = arith.index_cast %add3A_1746 : i32 to index
      %get3A_1748 = tpu.vector_load %arg10[%get3A_1747] {strides = array<i32>} : memref<448xf32, #tpu.memory_space<vmem>>, vector<16xf32>,
      %add3A_1749 = arith.constant 48 : i32
      %add3A_1750 = arith.addi %mul3A_1718, %add3A_1749 : i32
      %get3A_1751 = arith.index_cast %add3A_1750 : i32 to index
      %get3A_1752 = tpu.vector_load %arg10[%get3A_1751] {strides = array<i32>} : memref<448xf32, #tpu.memory_space<vmem>>, vector<16xf32>,
      %broadcast_in_dim3A_1753 = arith.constant 0.000000e+00 : f32
      %broadcast_in_dim3A_1754 = vector.broadcast %broadcast_in_dim3A_1753 : f32 to vector<16xf32>
      %add3A_1755 = arith.constant 0 : i32
      %add3A_1756 = arith.addi %mul3A_1720, %add3A_1755 : i32
      %get3A_1757 = arith.index_cast %add3A_1756 : i32 to index
      %get3A_1758 = tpu.vector_load %arg11[%get3A_1757] {strides = array<i32>} : memref<448xi32, #tpu.memory_space<vmem>>, vector<16xi32>,
      %add3A_1759 = arith.addi %add3A_1716, %get3A_1758 : vector<16xi32>
      %broadcast_in_dim3A_1760 = arith.constant 0.000000e+00 : f32
      %broadcast_in_dim3A_1761 = vector.broadcast %broadcast_in_dim3A_1760 : f32 to vector<16xf32>
      %add3A_1762 = arith.addi %add3A_1759, %get3A_1724 : vector<16xi32>
      %gather3A_1763 = tpu.vector_load_idx %arg6[%add3A_1762] : memref<16384xf32, #tpu.memory_space<vmem>>[vector<16xi32>], vector<16xf32>,
      %mul3A_1764 = arith.mulf %get3A_1740, %gather3A_1763 : vector<16xf32>
      %add3A_1765 = arith.addf %broadcast_in_dim3A_1761, %mul3A_1764 : vector<16xf32>
      %add3A_1766 = arith.addi %add3A_1759, %get3A_1728 : vector<16xi32>
      %gather3A_1767 = tpu.vector_load_idx %arg6[%add3A_1766] : memref<16384xf32, #tpu.memory_space<vmem>>[vector<16xi32>], vector<16xf32>,
      %mul3A_1768 = arith.mulf %get3A_1744, %gather3A_1767 : vector<16xf32>
      %add3A_1769 = arith.addf %add3A_1765, %mul3A_1768 : vector<16xf32>
      %add3A_1770 = arith.addi %add3A_1759, %get3A_1732 : vector<16xi32>
      %gather3A_1771 = tpu.vector_load_idx %arg6[%add3A_1770] : memref<16384xf32, #tpu.memory_space<vmem>>[vector<16xi32>], vector<16xf32>,
      %mul3A_1772 = arith.mulf %get3A_1748, %gather3A_1771 : vector<16xf32>
      %add3A_1773 = arith.addf %add3A_1769, %mul3A_1772 : vector<16xf32>
      %add3A_1774 = arith.addi %add3A_1759, %get3A_1736 : vector<16xi32>
      %gather3A_1775 = tpu.vector_load_idx %arg6[%add3A_1774] : memref<16384xf32, #tpu.memory_space<vmem>>[vector<16xi32>], vector<16xf32>,
      %mul3A_1776 = arith.mulf %get3A_1752, %gather3A_1775 : vector<16xf32>
      %add3A_1777 = arith.addf %add3A_1773, %mul3A_1776 : vector<16xf32>
      %add3A_1778 = arith.constant 0 : i32
      %add3A_1779 = arith.addi %mul3A_1720, %add3A_1778 : i32
      %get3A_1780 = arith.index_cast %add3A_1779 : i32 to index
      %get3A_1781 = tpu.vector_load %arg12[%get3A_1780] {strides = array<i32>} : memref<448xf32, #tpu.memory_space<vmem>>, vector<16xf32>,
      %mul3A_1782 = arith.mulf %get3A_1781, %add3A_1777 : vector<16xf32>
      %add3A_1783 = arith.addf %broadcast_in_dim3A_1754, %mul3A_1782 : vector<16xf32>
      %add3A_1784 = arith.constant 16 : i32
      %add3A_1785 = arith.addi %mul3A_1720, %add3A_1784 : i32
      %get3A_1786 = arith.index_cast %add3A_1785 : i32 to index
      %get3A_1787 = tpu.vector_load %arg11[%get3A_1786] {strides = array<i32>} : memref<448xi32, #tpu.memory_space<vmem>>, vector<16xi32>,
      %add3A_1788 = arith.addi %add3A_1716, %get3A_1787 : vector<16xi32>
      %broadcast_in_dim3A_1789 = arith.constant 0.000000e+00 : f32
      %broadcast_in_dim3A_1790 = vector.broadcast %broadcast_in_dim3A_1789 : f32 to vector<16xf32>
      %add3A_1791 = arith.addi %add3A_1788, %get3A_1724 : vector<16xi32>
      %gather3A_1792 = tpu.vector_load_idx %arg6[%add3A_1791] : memref<16384xf32, #tpu.memory_space<vmem>>[vector<16xi32>], vector<16xf32>,
      %mul3A_1793 = arith.mulf %get3A_1740, %gather3A_1792 : vector<16xf32>
      %add3A_1794 = arith.addf %broadcast_in_dim3A_1790, %mul3A_1793 : vector<16xf32>
      %add3A_1795 = arith.addi %add3A_1788, %get3A_1728 : vector<16xi32>
      %gather3A_1796 = tpu.vector_load_idx %arg6[%add3A_1795] : memref<16384xf32, #tpu.memory_space<vmem>>[vector<16xi32>], vector<16xf32>,
      %mul3A_1797 = arith.mulf %get3A_1744, %gather3A_1796 : vector<16xf32>
      %add3A_1798 = arith.addf %add3A_1794, %mul3A_1797 : vector<16xf32>
      %add3A_1799 = arith.addi %add3A_1788, %get3A_1732 : vector<16xi32>
      %gather3A_1800 = tpu.vector_load_idx %arg6[%add3A_1799] : memref<16384xf32, #tpu.memory_space<vmem>>[vector<16xi32>], vector<16xf32>,
      %mul3A_1801 = arith.mulf %get3A_1748, %gather3A_1800 : vector<16xf32>
      %add3A_1802 = arith.addf %add3A_1798, %mul3A_1801 : vector<16xf32>
      %add3A_1803 = arith.addi %add3A_1788, %get3A_1736 : vector<16xi32>
      %gather3A_1804 = tpu.vector_load_idx %arg6[%add3A_1803] : memref<16384xf32, #tpu.memory_space<vmem>>[vector<16xi32>], vector<16xf32>,
      %mul3A_1805 = arith.mulf %get3A_1752, %gather3A_1804 : vector<16xf32>
      %add3A_1806 = arith.addf %add3A_1802, %mul3A_1805 : vector<16xf32>
      %add3A_1807 = arith.constant 16 : i32
      %add3A_1808 = arith.addi %mul3A_1720, %add3A_1807 : i32
      %get3A_1809 = arith.index_cast %add3A_1808 : i32 to index
      %get3A_1810 = tpu.vector_load %arg12[%get3A_1809] {strides = array<i32>} : memref<448xf32, #tpu.memory_space<vmem>>, vector<16xf32>,
      %mul3A_1811 = arith.mulf %get3A_1810, %add3A_1806 : vector<16xf32>
      %add3A_1812 = arith.addf %add3A_1783, %mul3A_1811 : vector<16xf32>
      %add3A_1813 = arith.constant 32 : i32
      %add3A_1814 = arith.addi %mul3A_1720, %add3A_1813 : i32
      %get3A_1815 = arith.index_cast %add3A_1814 : i32 to index
      %get3A_1816 = tpu.vector_load %arg11[%get3A_1815] {strides = array<i32>} : memref<448xi32, #tpu.memory_space<vmem>>, vector<16xi32>,
      %add3A_1817 = arith.addi %add3A_1716, %get3A_1816 : vector<16xi32>
      %broadcast_in_dim3A_1818 = arith.constant 0.000000e+00 : f32
      %broadcast_in_dim3A_1819 = vector.broadcast %broadcast_in_dim3A_1818 : f32 to vector<16xf32>
      %add3A_1820 = arith.addi %add3A_1817, %get3A_1724 : vector<16xi32>
      %gather3A_1821 = tpu.vector_load_idx %arg6[%add3A_1820] : memref<16384xf32, #tpu.memory_space<vmem>>[vector<16xi32>], vector<16xf32>,
      %mul3A_1822 = arith.mulf %get3A_1740, %gather3A_1821 : vector<16xf32>
      %add3A_1823 = arith.addf %broadcast_in_dim3A_1819, %mul3A_1822 : vector<16xf32>
      %add3A_1824 = arith.addi %add3A_1817, %get3A_1728 : vector<16xi32>
      %gather3A_1825 = tpu.vector_load_idx %arg6[%add3A_1824] : memref<16384xf32, #tpu.memory_space<vmem>>[vector<16xi32>], vector<16xf32>,
      %mul3A_1826 = arith.mulf %get3A_1744, %gather3A_1825 : vector<16xf32>
      %add3A_1827 = arith.addf %add3A_1823, %mul3A_1826 : vector<16xf32>
      %add3A_1828 = arith.addi %add3A_1817, %get3A_1732 : vector<16xi32>
      %gather3A_1829 = tpu.vector_load_idx %arg6[%add3A_1828] : memref<16384xf32, #tpu.memory_space<vmem>>[vector<16xi32>], vector<16xf32>,
      %mul3A_1830 = arith.mulf %get3A_1748, %gather3A_1829 : vector<16xf32>
      %add3A_1831 = arith.addf %add3A_1827, %mul3A_1830 : vector<16xf32>
      %add3A_1832 = arith.addi %add3A_1817, %get3A_1736 : vector<16xi32>
      %gather3A_1833 = tpu.vector_load_idx %arg6[%add3A_1832] : memref<16384xf32, #tpu.memory_space<vmem>>[vector<16xi32>], vector<16xf32>,
      %mul3A_1834 = arith.mulf %get3A_1752, %gather3A_1833 : vector<16xf32>
      %add3A_1835 = arith.addf %add3A_1831, %mul3A_1834 : vector<16xf32>
      %add3A_1836 = arith.constant 32 : i32
      %add3A_1837 = arith.addi %mul3A_1720, %add3A_1836 : i32
      %get3A_1838 = arith.index_cast %add3A_1837 : i32 to index
      %get3A_1839 = tpu.vector_load %arg12[%get3A_1838] {strides = array<i32>} : memref<448xf32, #tpu.memory_space<vmem>>, vector<16xf32>,
      %mul3A_1840 = arith.mulf %get3A_1839, %add3A_1835 : vector<16xf32>
      %add3A_1841 = arith.addf %add3A_1812, %mul3A_1840 : vector<16xf32>
      %add3A_1842 = arith.constant 48 : i32
      %add3A_1843 = arith.addi %mul3A_1720, %add3A_1842 : i32
      %get3A_1844 = arith.index_cast %add3A_1843 : i32 to index
      %get3A_1845 = tpu.vector_load %arg11[%get3A_1844] {strides = array<i32>} : memref<448xi32, #tpu.memory_space<vmem>>, vector<16xi32>,
      %add3A_1846 = arith.addi %add3A_1716, %get3A_1845 : vector<16xi32>
      %broadcast_in_dim3A_1847 = arith.constant 0.000000e+00 : f32
      %broadcast_in_dim3A_1848 = vector.broadcast %broadcast_in_dim3A_1847 : f32 to vector<16xf32>
      %add3A_1849 = arith.addi %add3A_1846, %get3A_1724 : vector<16xi32>
      %gather3A_1850 = tpu.vector_load_idx %arg6[%add3A_1849] : memref<16384xf32, #tpu.memory_space<vmem>>[vector<16xi32>], vector<16xf32>,
      %mul3A_1851 = arith.mulf %get3A_1740, %gather3A_1850 : vector<16xf32>
      %add3A_1852 = arith.addf %broadcast_in_dim3A_1848, %mul3A_1851 : vector<16xf32>
      %add3A_1853 = arith.addi %add3A_1846, %get3A_1728 : vector<16xi32>
      %gather3A_1854 = tpu.vector_load_idx %arg6[%add3A_1853] : memref<16384xf32, #tpu.memory_space<vmem>>[vector<16xi32>], vector<16xf32>,
      %mul3A_1855 = arith.mulf %get3A_1744, %gather3A_1854 : vector<16xf32>
      %add3A_1856 = arith.addf %add3A_1852, %mul3A_1855 : vector<16xf32>
      %add3A_1857 = arith.addi %add3A_1846, %get3A_1732 : vector<16xi32>
      %gather3A_1858 = tpu.vector_load_idx %arg6[%add3A_1857] : memref<16384xf32, #tpu.memory_space<vmem>>[vector<16xi32>], vector<16xf32>,
      %mul3A_1859 = arith.mulf %get3A_1748, %gather3A_1858 : vector<16xf32>
      %add3A_1860 = arith.addf %add3A_1856, %mul3A_1859 : vector<16xf32>
      %add3A_1861 = arith.addi %add3A_1846, %get3A_1736 : vector<16xi32>
      %gather3A_1862 = tpu.vector_load_idx %arg6[%add3A_1861] : memref<16384xf32, #tpu.memory_space<vmem>>[vector<16xi32>], vector<16xf32>,
      %mul3A_1863 = arith.mulf %get3A_1752, %gather3A_1862 : vector<16xf32>
      %add3A_1864 = arith.addf %add3A_1860, %mul3A_1863 : vector<16xf32>
      %add3A_1865 = arith.constant 48 : i32
      %add3A_1866 = arith.addi %mul3A_1720, %add3A_1865 : i32
      %get3A_1867 = arith.index_cast %add3A_1866 : i32 to index
      %get3A_1868 = tpu.vector_load %arg12[%get3A_1867] {strides = array<i32>} : memref<448xf32, #tpu.memory_space<vmem>>, vector<16xf32>,
      %mul3A_1869 = arith.mulf %get3A_1868, %add3A_1864 : vector<16xf32>
      %add3A_1870 = arith.addf %add3A_1841, %mul3A_1869 : vector<16xf32>
      %swap3A_1871 = arith.constant 2 : i32
      %swap3A_1872 = arith.index_cast %swap3A_1871 : i32 to index
      %swap3A_1873 = arith.index_cast %mul3A_12 : i32 to index
      %swap3A_1874 = tpu.vector_load %arg13[%swap3A_1872, %swap3A_1873] {strides = array<i32>} : memref<8x5008xf32, #tpu.memory_space<vmem>>, vector<16xf32>,
      tpu.vector_store %arg13[%swap3A_1872, %swap3A_1873], %add3A_1870 {strides = array<i32>} : memref<8x5008xf32, #tpu.memory_space<vmem>>, vector<16xf32>,
      %add3A_1875 = arith.constant 3 : i32
      %add3A_1876 = arith.addi %mul3A_2, %add3A_1875 : i32
      %jit3A_1877 = arith.constant 7 : i32
      %eq3A_1878 = arith.constant 0 : i32
      %eq3A_1879 = arith.cmpi eq, %jit3A_1877, %eq3A_1878 : i32
      %jit3A_1880 = arith.constant 1 : i32
      %select_n3A_1881 = arith.select %eq3A_1879, %jit3A_1880, %jit3A_1877 : i32
      %rem3A_1882 = arith.remsi %add3A_1876, %select_n3A_1881 : i32
      %ne3A_1883 = arith.constant 0 : i32
      %ne3A_1884 = arith.cmpi ne, %rem3A_1882, %ne3A_1883 : i32
      %lt3A_1885 = arith.constant 0 : i32
      %lt3A_1886 = arith.cmpi slt, %rem3A_1882, %lt3A_1885 : i32
      %lt3A_1887 = arith.constant 0 : i32
      %lt3A_1888 = arith.cmpi slt, %select_n3A_1881, %lt3A_1887 : i32
      %ne3A_1889 = arith.xori %lt3A_1886, %lt3A_1888 : i1
      %and3A_1890 = arith.andi %ne3A_1889, %ne3A_1884 : i1
      %add3A_1891 = arith.addi %rem3A_1882, %select_n3A_1881 : i32
      %select_n3A_1892 = arith.select %and3A_1890, %add3A_1891, %rem3A_1882 : i32
      %jit3A_1893 = arith.constant 49 : i32
      %eq3A_1894 = arith.constant 0 : i32
      %eq3A_1895 = arith.cmpi eq, %jit3A_1893, %eq3A_1894 : i32
      %jit3A_1896 = arith.constant 1 : i32
      %select_n3A_1897 = arith.select %eq3A_1895, %jit3A_1896, %jit3A_1893 : i32
      %rem3A_1898 = arith.remsi %add3A_1876, %select_n3A_1897 : i32
      %ne3A_1899 = arith.constant 0 : i32
      %ne3A_1900 = arith.cmpi ne, %rem3A_1898, %ne3A_1899 : i32
      %lt3A_1901 = arith.constant 0 : i32
      %lt3A_1902 = arith.cmpi slt, %rem3A_1898, %lt3A_1901 : i32
      %lt3A_1903 = arith.constant 0 : i32
      %lt3A_1904 = arith.cmpi slt, %select_n3A_1897, %lt3A_1903 : i32
      %ne3A_1905 = arith.xori %lt3A_1902, %lt3A_1904 : i1
      %and3A_1906 = arith.andi %ne3A_1905, %ne3A_1900 : i1
      %add3A_1907 = arith.addi %rem3A_1898, %select_n3A_1897 : i32
      %select_n3A_1908 = arith.select %and3A_1906, %add3A_1907, %rem3A_1898 : i32
      %jit3A_1909 = arith.constant 7 : i32
      %div3A_1910 = arith.divsi %select_n3A_1908, %jit3A_1909 : i32
      %sign3A_1911 = arith.constant 0 : i32
      %sign3A_1912 = arith.cmpi sgt, %select_n3A_1908, %sign3A_1911 : i32
      %sign3A_1913 = arith.extui %sign3A_1912 : i1 to i32
      %sign3A_1914 = arith.constant 0 : i32
      %sign3A_1915 = arith.cmpi slt, %select_n3A_1908, %sign3A_1914 : i32
      %sign3A_1916 = arith.extui %sign3A_1915 : i1 to i32
      %sign3A_1917 = arith.subi %sign3A_1913, %sign3A_1916 : i32
      %sign3A_1918 = arith.constant 0 : i32
      %sign3A_1919 = arith.cmpi sgt, %jit3A_1909, %sign3A_1918 : i32
      %sign3A_1920 = arith.extui %sign3A_1919 : i1 to i32
      %sign3A_1921 = arith.constant 0 : i32
      %sign3A_1922 = arith.cmpi slt, %jit3A_1909, %sign3A_1921 : i32
      %sign3A_1923 = arith.extui %sign3A_1922 : i1 to i32
      %sign3A_1924 = arith.subi %sign3A_1920, %sign3A_1923 : i32
      %ne3A_1925 = arith.cmpi ne, %sign3A_1917, %sign3A_1924 : i32
      %rem3A_1926 = arith.remsi %select_n3A_1908, %jit3A_1909 : i32
      %ne3A_1927 = arith.constant 0 : i32
      %ne3A_1928 = arith.cmpi ne, %rem3A_1926, %ne3A_1927 : i32
      %and3A_1929 = arith.andi %ne3A_1925, %ne3A_1928 : i1
      %sub3A_1930 = arith.constant 1 : i32
      %sub3A_1931 = arith.subi %div3A_1910, %sub3A_1930 : i32
      %select_n3A_1932 = arith.select %and3A_1929, %sub3A_1931, %div3A_1910 : i32
      %add3A_1933 = arith.constant 6144 : i32
      %add3A_1934 = vector.broadcast %add3A_1933 : i32 to vector<16xi32>
      %add3A_1935 = arith.addi %mul3A_55, %add3A_1934 : vector<16xi32>
      %mul3A_1936 = arith.constant 64 : i32
      %mul3A_1937 = arith.muli %select_n3A_1892, %mul3A_1936 : i32
      %mul3A_1938 = arith.constant 64 : i32
      %mul3A_1939 = arith.muli %select_n3A_1932, %mul3A_1938 : i32
      %add3A_1940 = arith.constant 0 : i32
      %add3A_1941 = arith.addi %mul3A_1937, %add3A_1940 : i32
      %get3A_1942 = arith.index_cast %add3A_1941 : i32 to index
      %get3A_1943 = tpu.vector_load %arg9[%get3A_1942] {strides = array<i32>} : memref<448xi32, #tpu.memory_space<vmem>>, vector<16xi32>,
      %add3A_1944 = arith.constant 16 : i32
      %add3A_1945 = arith.addi %mul3A_1937, %add3A_1944 : i32
      %get3A_1946 = arith.index_cast %add3A_1945 : i32 to index
      %get3A_1947 = tpu.vector_load %arg9[%get3A_1946] {strides = array<i32>} : memref<448xi32, #tpu.memory_space<vmem>>, vector<16xi32>,
      %add3A_1948 = arith.constant 32 : i32
      %add3A_1949 = arith.addi %mul3A_1937, %add3A_1948 : i32
      %get3A_1950 = arith.index_cast %add3A_1949 : i32 to index
      %get3A_1951 = tpu.vector_load %arg9[%get3A_1950] {strides = array<i32>} : memref<448xi32, #tpu.memory_space<vmem>>, vector<16xi32>,
      %add3A_1952 = arith.constant 48 : i32
      %add3A_1953 = arith.addi %mul3A_1937, %add3A_1952 : i32
      %get3A_1954 = arith.index_cast %add3A_1953 : i32 to index
      %get3A_1955 = tpu.vector_load %arg9[%get3A_1954] {strides = array<i32>} : memref<448xi32, #tpu.memory_space<vmem>>, vector<16xi32>,
      %add3A_1956 = arith.constant 0 : i32
      %add3A_1957 = arith.addi %mul3A_1937, %add3A_1956 : i32
      %get3A_1958 = arith.index_cast %add3A_1957 : i32 to index
      %get3A_1959 = tpu.vector_load %arg10[%get3A_1958] {strides = array<i32>} : memref<448xf32, #tpu.memory_space<vmem>>, vector<16xf32>,
      %add3A_1960 = arith.constant 16 : i32
      %add3A_1961 = arith.addi %mul3A_1937, %add3A_1960 : i32
      %get3A_1962 = arith.index_cast %add3A_1961 : i32 to index
      %get3A_1963 = tpu.vector_load %arg10[%get3A_1962] {strides = array<i32>} : memref<448xf32, #tpu.memory_space<vmem>>, vector<16xf32>,
      %add3A_1964 = arith.constant 32 : i32
      %add3A_1965 = arith.addi %mul3A_1937, %add3A_1964 : i32
      %get3A_1966 = arith.index_cast %add3A_1965 : i32 to index
      %get3A_1967 = tpu.vector_load %arg10[%get3A_1966] {strides = array<i32>} : memref<448xf32, #tpu.memory_space<vmem>>, vector<16xf32>,
      %add3A_1968 = arith.constant 48 : i32
      %add3A_1969 = arith.addi %mul3A_1937, %add3A_1968 : i32
      %get3A_1970 = arith.index_cast %add3A_1969 : i32 to index
      %get3A_1971 = tpu.vector_load %arg10[%get3A_1970] {strides = array<i32>} : memref<448xf32, #tpu.memory_space<vmem>>, vector<16xf32>,
      %broadcast_in_dim3A_1972 = arith.constant 0.000000e+00 : f32
      %broadcast_in_dim3A_1973 = vector.broadcast %broadcast_in_dim3A_1972 : f32 to vector<16xf32>
      %add3A_1974 = arith.constant 0 : i32
      %add3A_1975 = arith.addi %mul3A_1939, %add3A_1974 : i32
      %get3A_1976 = arith.index_cast %add3A_1975 : i32 to index
      %get3A_1977 = tpu.vector_load %arg11[%get3A_1976] {strides = array<i32>} : memref<448xi32, #tpu.memory_space<vmem>>, vector<16xi32>,
      %add3A_1978 = arith.addi %add3A_1935, %get3A_1977 : vector<16xi32>
      %broadcast_in_dim3A_1979 = arith.constant 0.000000e+00 : f32
      %broadcast_in_dim3A_1980 = vector.broadcast %broadcast_in_dim3A_1979 : f32 to vector<16xf32>
      %add3A_1981 = arith.addi %add3A_1978, %get3A_1943 : vector<16xi32>
      %gather3A_1982 = tpu.vector_load_idx %arg6[%add3A_1981] : memref<16384xf32, #tpu.memory_space<vmem>>[vector<16xi32>], vector<16xf32>,
      %mul3A_1983 = arith.mulf %get3A_1959, %gather3A_1982 : vector<16xf32>
      %add3A_1984 = arith.addf %broadcast_in_dim3A_1980, %mul3A_1983 : vector<16xf32>
      %add3A_1985 = arith.addi %add3A_1978, %get3A_1947 : vector<16xi32>
      %gather3A_1986 = tpu.vector_load_idx %arg6[%add3A_1985] : memref<16384xf32, #tpu.memory_space<vmem>>[vector<16xi32>], vector<16xf32>,
      %mul3A_1987 = arith.mulf %get3A_1963, %gather3A_1986 : vector<16xf32>
      %add3A_1988 = arith.addf %add3A_1984, %mul3A_1987 : vector<16xf32>
      %add3A_1989 = arith.addi %add3A_1978, %get3A_1951 : vector<16xi32>
      %gather3A_1990 = tpu.vector_load_idx %arg6[%add3A_1989] : memref<16384xf32, #tpu.memory_space<vmem>>[vector<16xi32>], vector<16xf32>,
      %mul3A_1991 = arith.mulf %get3A_1967, %gather3A_1990 : vector<16xf32>
      %add3A_1992 = arith.addf %add3A_1988, %mul3A_1991 : vector<16xf32>
      %add3A_1993 = arith.addi %add3A_1978, %get3A_1955 : vector<16xi32>
      %gather3A_1994 = tpu.vector_load_idx %arg6[%add3A_1993] : memref<16384xf32, #tpu.memory_space<vmem>>[vector<16xi32>], vector<16xf32>,
      %mul3A_1995 = arith.mulf %get3A_1971, %gather3A_1994 : vector<16xf32>
      %add3A_1996 = arith.addf %add3A_1992, %mul3A_1995 : vector<16xf32>
      %add3A_1997 = arith.constant 0 : i32
      %add3A_1998 = arith.addi %mul3A_1939, %add3A_1997 : i32
      %get3A_1999 = arith.index_cast %add3A_1998 : i32 to index
      %get3A_2000 = tpu.vector_load %arg12[%get3A_1999] {strides = array<i32>} : memref<448xf32, #tpu.memory_space<vmem>>, vector<16xf32>,
      %mul3A_2001 = arith.mulf %get3A_2000, %add3A_1996 : vector<16xf32>
      %add3A_2002 = arith.addf %broadcast_in_dim3A_1973, %mul3A_2001 : vector<16xf32>
      %add3A_2003 = arith.constant 16 : i32
      %add3A_2004 = arith.addi %mul3A_1939, %add3A_2003 : i32
      %get3A_2005 = arith.index_cast %add3A_2004 : i32 to index
      %get3A_2006 = tpu.vector_load %arg11[%get3A_2005] {strides = array<i32>} : memref<448xi32, #tpu.memory_space<vmem>>, vector<16xi32>,
      %add3A_2007 = arith.addi %add3A_1935, %get3A_2006 : vector<16xi32>
      %broadcast_in_dim3A_2008 = arith.constant 0.000000e+00 : f32
      %broadcast_in_dim3A_2009 = vector.broadcast %broadcast_in_dim3A_2008 : f32 to vector<16xf32>
      %add3A_2010 = arith.addi %add3A_2007, %get3A_1943 : vector<16xi32>
      %gather3A_2011 = tpu.vector_load_idx %arg6[%add3A_2010] : memref<16384xf32, #tpu.memory_space<vmem>>[vector<16xi32>], vector<16xf32>,
      %mul3A_2012 = arith.mulf %get3A_1959, %gather3A_2011 : vector<16xf32>
      %add3A_2013 = arith.addf %broadcast_in_dim3A_2009, %mul3A_2012 : vector<16xf32>
      %add3A_2014 = arith.addi %add3A_2007, %get3A_1947 : vector<16xi32>
      %gather3A_2015 = tpu.vector_load_idx %arg6[%add3A_2014] : memref<16384xf32, #tpu.memory_space<vmem>>[vector<16xi32>], vector<16xf32>,
      %mul3A_2016 = arith.mulf %get3A_1963, %gather3A_2015 : vector<16xf32>
      %add3A_2017 = arith.addf %add3A_2013, %mul3A_2016 : vector<16xf32>
      %add3A_2018 = arith.addi %add3A_2007, %get3A_1951 : vector<16xi32>
      %gather3A_2019 = tpu.vector_load_idx %arg6[%add3A_2018] : memref<16384xf32, #tpu.memory_space<vmem>>[vector<16xi32>], vector<16xf32>,
      %mul3A_2020 = arith.mulf %get3A_1967, %gather3A_2019 : vector<16xf32>
      %add3A_2021 = arith.addf %add3A_2017, %mul3A_2020 : vector<16xf32>
      %add3A_2022 = arith.addi %add3A_2007, %get3A_1955 : vector<16xi32>
      %gather3A_2023 = tpu.vector_load_idx %arg6[%add3A_2022] : memref<16384xf32, #tpu.memory_space<vmem>>[vector<16xi32>], vector<16xf32>,
      %mul3A_2024 = arith.mulf %get3A_1971, %gather3A_2023 : vector<16xf32>
      %add3A_2025 = arith.addf %add3A_2021, %mul3A_2024 : vector<16xf32>
      %add3A_2026 = arith.constant 16 : i32
      %add3A_2027 = arith.addi %mul3A_1939, %add3A_2026 : i32
      %get3A_2028 = arith.index_cast %add3A_2027 : i32 to index
      %get3A_2029 = tpu.vector_load %arg12[%get3A_2028] {strides = array<i32>} : memref<448xf32, #tpu.memory_space<vmem>>, vector<16xf32>,
      %mul3A_2030 = arith.mulf %get3A_2029, %add3A_2025 : vector<16xf32>
      %add3A_2031 = arith.addf %add3A_2002, %mul3A_2030 : vector<16xf32>
      %add3A_2032 = arith.constant 32 : i32
      %add3A_2033 = arith.addi %mul3A_1939, %add3A_2032 : i32
      %get3A_2034 = arith.index_cast %add3A_2033 : i32 to index
      %get3A_2035 = tpu.vector_load %arg11[%get3A_2034] {strides = array<i32>} : memref<448xi32, #tpu.memory_space<vmem>>, vector<16xi32>,
      %add3A_2036 = arith.addi %add3A_1935, %get3A_2035 : vector<16xi32>
      %broadcast_in_dim3A_2037 = arith.constant 0.000000e+00 : f32
      %broadcast_in_dim3A_2038 = vector.broadcast %broadcast_in_dim3A_2037 : f32 to vector<16xf32>
      %add3A_2039 = arith.addi %add3A_2036, %get3A_1943 : vector<16xi32>
      %gather3A_2040 = tpu.vector_load_idx %arg6[%add3A_2039] : memref<16384xf32, #tpu.memory_space<vmem>>[vector<16xi32>], vector<16xf32>,
      %mul3A_2041 = arith.mulf %get3A_1959, %gather3A_2040 : vector<16xf32>
      %add3A_2042 = arith.addf %broadcast_in_dim3A_2038, %mul3A_2041 : vector<16xf32>
      %add3A_2043 = arith.addi %add3A_2036, %get3A_1947 : vector<16xi32>
      %gather3A_2044 = tpu.vector_load_idx %arg6[%add3A_2043] : memref<16384xf32, #tpu.memory_space<vmem>>[vector<16xi32>], vector<16xf32>,
      %mul3A_2045 = arith.mulf %get3A_1963, %gather3A_2044 : vector<16xf32>
      %add3A_2046 = arith.addf %add3A_2042, %mul3A_2045 : vector<16xf32>
      %add3A_2047 = arith.addi %add3A_2036, %get3A_1951 : vector<16xi32>
      %gather3A_2048 = tpu.vector_load_idx %arg6[%add3A_2047] : memref<16384xf32, #tpu.memory_space<vmem>>[vector<16xi32>], vector<16xf32>,
      %mul3A_2049 = arith.mulf %get3A_1967, %gather3A_2048 : vector<16xf32>
      %add3A_2050 = arith.addf %add3A_2046, %mul3A_2049 : vector<16xf32>
      %add3A_2051 = arith.addi %add3A_2036, %get3A_1955 : vector<16xi32>
      %gather3A_2052 = tpu.vector_load_idx %arg6[%add3A_2051] : memref<16384xf32, #tpu.memory_space<vmem>>[vector<16xi32>], vector<16xf32>,
      %mul3A_2053 = arith.mulf %get3A_1971, %gather3A_2052 : vector<16xf32>
      %add3A_2054 = arith.addf %add3A_2050, %mul3A_2053 : vector<16xf32>
      %add3A_2055 = arith.constant 32 : i32
      %add3A_2056 = arith.addi %mul3A_1939, %add3A_2055 : i32
      %get3A_2057 = arith.index_cast %add3A_2056 : i32 to index
      %get3A_2058 = tpu.vector_load %arg12[%get3A_2057] {strides = array<i32>} : memref<448xf32, #tpu.memory_space<vmem>>, vector<16xf32>,
      %mul3A_2059 = arith.mulf %get3A_2058, %add3A_2054 : vector<16xf32>
      %add3A_2060 = arith.addf %add3A_2031, %mul3A_2059 : vector<16xf32>
      %add3A_2061 = arith.constant 48 : i32
      %add3A_2062 = arith.addi %mul3A_1939, %add3A_2061 : i32
      %get3A_2063 = arith.index_cast %add3A_2062 : i32 to index
      %get3A_2064 = tpu.vector_load %arg11[%get3A_2063] {strides = array<i32>} : memref<448xi32, #tpu.memory_space<vmem>>, vector<16xi32>,
      %add3A_2065 = arith.addi %add3A_1935, %get3A_2064 : vector<16xi32>
      %broadcast_in_dim3A_2066 = arith.constant 0.000000e+00 : f32
      %broadcast_in_dim3A_2067 = vector.broadcast %broadcast_in_dim3A_2066 : f32 to vector<16xf32>
      %add3A_2068 = arith.addi %add3A_2065, %get3A_1943 : vector<16xi32>
      %gather3A_2069 = tpu.vector_load_idx %arg6[%add3A_2068] : memref<16384xf32, #tpu.memory_space<vmem>>[vector<16xi32>], vector<16xf32>,
      %mul3A_2070 = arith.mulf %get3A_1959, %gather3A_2069 : vector<16xf32>
      %add3A_2071 = arith.addf %broadcast_in_dim3A_2067, %mul3A_2070 : vector<16xf32>
      %add3A_2072 = arith.addi %add3A_2065, %get3A_1947 : vector<16xi32>
      %gather3A_2073 = tpu.vector_load_idx %arg6[%add3A_2072] : memref<16384xf32, #tpu.memory_space<vmem>>[vector<16xi32>], vector<16xf32>,
      %mul3A_2074 = arith.mulf %get3A_1963, %gather3A_2073 : vector<16xf32>
      %add3A_2075 = arith.addf %add3A_2071, %mul3A_2074 : vector<16xf32>
      %add3A_2076 = arith.addi %add3A_2065, %get3A_1951 : vector<16xi32>
      %gather3A_2077 = tpu.vector_load_idx %arg6[%add3A_2076] : memref<16384xf32, #tpu.memory_space<vmem>>[vector<16xi32>], vector<16xf32>,
      %mul3A_2078 = arith.mulf %get3A_1967, %gather3A_2077 : vector<16xf32>
      %add3A_2079 = arith.addf %add3A_2075, %mul3A_2078 : vector<16xf32>
      %add3A_2080 = arith.addi %add3A_2065, %get3A_1955 : vector<16xi32>
      %gather3A_2081 = tpu.vector_load_idx %arg6[%add3A_2080] : memref<16384xf32, #tpu.memory_space<vmem>>[vector<16xi32>], vector<16xf32>,
      %mul3A_2082 = arith.mulf %get3A_1971, %gather3A_2081 : vector<16xf32>
      %add3A_2083 = arith.addf %add3A_2079, %mul3A_2082 : vector<16xf32>
      %add3A_2084 = arith.constant 48 : i32
      %add3A_2085 = arith.addi %mul3A_1939, %add3A_2084 : i32
      %get3A_2086 = arith.index_cast %add3A_2085 : i32 to index
      %get3A_2087 = tpu.vector_load %arg12[%get3A_2086] {strides = array<i32>} : memref<448xf32, #tpu.memory_space<vmem>>, vector<16xf32>,
      %mul3A_2088 = arith.mulf %get3A_2087, %add3A_2083 : vector<16xf32>
      %add3A_2089 = arith.addf %add3A_2060, %mul3A_2088 : vector<16xf32>
      %swap3A_2090 = arith.constant 3 : i32
      %swap3A_2091 = arith.index_cast %swap3A_2090 : i32 to index
      %swap3A_2092 = arith.index_cast %mul3A_12 : i32 to index
      %swap3A_2093 = tpu.vector_load %arg13[%swap3A_2091, %swap3A_2092] {strides = array<i32>} : memref<8x5008xf32, #tpu.memory_space<vmem>>, vector<16xf32>,
      tpu.vector_store %arg13[%swap3A_2091, %swap3A_2092], %add3A_2089 {strides = array<i32>} : memref<8x5008xf32, #tpu.memory_space<vmem>>, vector<16xf32>,
      %add3A_2094 = arith.constant 4 : i32
      %add3A_2095 = arith.addi %mul3A_2, %add3A_2094 : i32
      %jit3A_2096 = arith.constant 7 : i32
      %eq3A_2097 = arith.constant 0 : i32
      %eq3A_2098 = arith.cmpi eq, %jit3A_2096, %eq3A_2097 : i32
      %jit3A_2099 = arith.constant 1 : i32
      %select_n3A_2100 = arith.select %eq3A_2098, %jit3A_2099, %jit3A_2096 : i32
      %rem3A_2101 = arith.remsi %add3A_2095, %select_n3A_2100 : i32
      %ne3A_2102 = arith.constant 0 : i32
      %ne3A_2103 = arith.cmpi ne, %rem3A_2101, %ne3A_2102 : i32
      %lt3A_2104 = arith.constant 0 : i32
      %lt3A_2105 = arith.cmpi slt, %rem3A_2101, %lt3A_2104 : i32
      %lt3A_2106 = arith.constant 0 : i32
      %lt3A_2107 = arith.cmpi slt, %select_n3A_2100, %lt3A_2106 : i32
      %ne3A_2108 = arith.xori %lt3A_2105, %lt3A_2107 : i1
      %and3A_2109 = arith.andi %ne3A_2108, %ne3A_2103 : i1
      %add3A_2110 = arith.addi %rem3A_2101, %select_n3A_2100 : i32
      %select_n3A_2111 = arith.select %and3A_2109, %add3A_2110, %rem3A_2101 : i32
      %jit3A_2112 = arith.constant 49 : i32
      %eq3A_2113 = arith.constant 0 : i32
      %eq3A_2114 = arith.cmpi eq, %jit3A_2112, %eq3A_2113 : i32
      %jit3A_2115 = arith.constant 1 : i32
      %select_n3A_2116 = arith.select %eq3A_2114, %jit3A_2115, %jit3A_2112 : i32
      %rem3A_2117 = arith.remsi %add3A_2095, %select_n3A_2116 : i32
      %ne3A_2118 = arith.constant 0 : i32
      %ne3A_2119 = arith.cmpi ne, %rem3A_2117, %ne3A_2118 : i32
      %lt3A_2120 = arith.constant 0 : i32
      %lt3A_2121 = arith.cmpi slt, %rem3A_2117, %lt3A_2120 : i32
      %lt3A_2122 = arith.constant 0 : i32
      %lt3A_2123 = arith.cmpi slt, %select_n3A_2116, %lt3A_2122 : i32
      %ne3A_2124 = arith.xori %lt3A_2121, %lt3A_2123 : i1
      %and3A_2125 = arith.andi %ne3A_2124, %ne3A_2119 : i1
      %add3A_2126 = arith.addi %rem3A_2117, %select_n3A_2116 : i32
      %select_n3A_2127 = arith.select %and3A_2125, %add3A_2126, %rem3A_2117 : i32
      %jit3A_2128 = arith.constant 7 : i32
      %div3A_2129 = arith.divsi %select_n3A_2127, %jit3A_2128 : i32
      %sign3A_2130 = arith.constant 0 : i32
      %sign3A_2131 = arith.cmpi sgt, %select_n3A_2127, %sign3A_2130 : i32
      %sign3A_2132 = arith.extui %sign3A_2131 : i1 to i32
      %sign3A_2133 = arith.constant 0 : i32
      %sign3A_2134 = arith.cmpi slt, %select_n3A_2127, %sign3A_2133 : i32
      %sign3A_2135 = arith.extui %sign3A_2134 : i1 to i32
      %sign3A_2136 = arith.subi %sign3A_2132, %sign3A_2135 : i32
      %sign3A_2137 = arith.constant 0 : i32
      %sign3A_2138 = arith.cmpi sgt, %jit3A_2128, %sign3A_2137 : i32
      %sign3A_2139 = arith.extui %sign3A_2138 : i1 to i32
      %sign3A_2140 = arith.constant 0 : i32
      %sign3A_2141 = arith.cmpi slt, %jit3A_2128, %sign3A_2140 : i32
      %sign3A_2142 = arith.extui %sign3A_2141 : i1 to i32
      %sign3A_2143 = arith.subi %sign3A_2139, %sign3A_2142 : i32
      %ne3A_2144 = arith.cmpi ne, %sign3A_2136, %sign3A_2143 : i32
      %rem3A_2145 = arith.remsi %select_n3A_2127, %jit3A_2128 : i32
      %ne3A_2146 = arith.constant 0 : i32
      %ne3A_2147 = arith.cmpi ne, %rem3A_2145, %ne3A_2146 : i32
      %and3A_2148 = arith.andi %ne3A_2144, %ne3A_2147 : i1
      %sub3A_2149 = arith.constant 1 : i32
      %sub3A_2150 = arith.subi %div3A_2129, %sub3A_2149 : i32
      %select_n3A_2151 = arith.select %and3A_2148, %sub3A_2150, %div3A_2129 : i32
      %add3A_2152 = arith.constant 8192 : i32
      %add3A_2153 = vector.broadcast %add3A_2152 : i32 to vector<16xi32>
      %add3A_2154 = arith.addi %mul3A_55, %add3A_2153 : vector<16xi32>
      %mul3A_2155 = arith.constant 64 : i32
      %mul3A_2156 = arith.muli %select_n3A_2111, %mul3A_2155 : i32
      %mul3A_2157 = arith.constant 64 : i32
      %mul3A_2158 = arith.muli %select_n3A_2151, %mul3A_2157 : i32
      %add3A_2159 = arith.constant 0 : i32
      %add3A_2160 = arith.addi %mul3A_2156, %add3A_2159 : i32
      %get3A_2161 = arith.index_cast %add3A_2160 : i32 to index
      %get3A_2162 = tpu.vector_load %arg9[%get3A_2161] {strides = array<i32>} : memref<448xi32, #tpu.memory_space<vmem>>, vector<16xi32>,
      %add3A_2163 = arith.constant 16 : i32
      %add3A_2164 = arith.addi %mul3A_2156, %add3A_2163 : i32
      %get3A_2165 = arith.index_cast %add3A_2164 : i32 to index
      %get3A_2166 = tpu.vector_load %arg9[%get3A_2165] {strides = array<i32>} : memref<448xi32, #tpu.memory_space<vmem>>, vector<16xi32>,
      %add3A_2167 = arith.constant 32 : i32
      %add3A_2168 = arith.addi %mul3A_2156, %add3A_2167 : i32
      %get3A_2169 = arith.index_cast %add3A_2168 : i32 to index
      %get3A_2170 = tpu.vector_load %arg9[%get3A_2169] {strides = array<i32>} : memref<448xi32, #tpu.memory_space<vmem>>, vector<16xi32>,
      %add3A_2171 = arith.constant 48 : i32
      %add3A_2172 = arith.addi %mul3A_2156, %add3A_2171 : i32
      %get3A_2173 = arith.index_cast %add3A_2172 : i32 to index
      %get3A_2174 = tpu.vector_load %arg9[%get3A_2173] {strides = array<i32>} : memref<448xi32, #tpu.memory_space<vmem>>, vector<16xi32>,
      %add3A_2175 = arith.constant 0 : i32
      %add3A_2176 = arith.addi %mul3A_2156, %add3A_2175 : i32
      %get3A_2177 = arith.index_cast %add3A_2176 : i32 to index
      %get3A_2178 = tpu.vector_load %arg10[%get3A_2177] {strides = array<i32>} : memref<448xf32, #tpu.memory_space<vmem>>, vector<16xf32>,
      %add3A_2179 = arith.constant 16 : i32
      %add3A_2180 = arith.addi %mul3A_2156, %add3A_2179 : i32
      %get3A_2181 = arith.index_cast %add3A_2180 : i32 to index
      %get3A_2182 = tpu.vector_load %arg10[%get3A_2181] {strides = array<i32>} : memref<448xf32, #tpu.memory_space<vmem>>, vector<16xf32>,
      %add3A_2183 = arith.constant 32 : i32
      %add3A_2184 = arith.addi %mul3A_2156, %add3A_2183 : i32
      %get3A_2185 = arith.index_cast %add3A_2184 : i32 to index
      %get3A_2186 = tpu.vector_load %arg10[%get3A_2185] {strides = array<i32>} : memref<448xf32, #tpu.memory_space<vmem>>, vector<16xf32>,
      %add3A_2187 = arith.constant 48 : i32
      %add3A_2188 = arith.addi %mul3A_2156, %add3A_2187 : i32
      %get3A_2189 = arith.index_cast %add3A_2188 : i32 to index
      %get3A_2190 = tpu.vector_load %arg10[%get3A_2189] {strides = array<i32>} : memref<448xf32, #tpu.memory_space<vmem>>, vector<16xf32>,
      %broadcast_in_dim3A_2191 = arith.constant 0.000000e+00 : f32
      %broadcast_in_dim3A_2192 = vector.broadcast %broadcast_in_dim3A_2191 : f32 to vector<16xf32>
      %add3A_2193 = arith.constant 0 : i32
      %add3A_2194 = arith.addi %mul3A_2158, %add3A_2193 : i32
      %get3A_2195 = arith.index_cast %add3A_2194 : i32 to index
      %get3A_2196 = tpu.vector_load %arg11[%get3A_2195] {strides = array<i32>} : memref<448xi32, #tpu.memory_space<vmem>>, vector<16xi32>,
      %add3A_2197 = arith.addi %add3A_2154, %get3A_2196 : vector<16xi32>
      %broadcast_in_dim3A_2198 = arith.constant 0.000000e+00 : f32
      %broadcast_in_dim3A_2199 = vector.broadcast %broadcast_in_dim3A_2198 : f32 to vector<16xf32>
      %add3A_2200 = arith.addi %add3A_2197, %get3A_2162 : vector<16xi32>
      %gather3A_2201 = tpu.vector_load_idx %arg6[%add3A_2200] : memref<16384xf32, #tpu.memory_space<vmem>>[vector<16xi32>], vector<16xf32>,
      %mul3A_2202 = arith.mulf %get3A_2178, %gather3A_2201 : vector<16xf32>
      %add3A_2203 = arith.addf %broadcast_in_dim3A_2199, %mul3A_2202 : vector<16xf32>
      %add3A_2204 = arith.addi %add3A_2197, %get3A_2166 : vector<16xi32>
      %gather3A_2205 = tpu.vector_load_idx %arg6[%add3A_2204] : memref<16384xf32, #tpu.memory_space<vmem>>[vector<16xi32>], vector<16xf32>,
      %mul3A_2206 = arith.mulf %get3A_2182, %gather3A_2205 : vector<16xf32>
      %add3A_2207 = arith.addf %add3A_2203, %mul3A_2206 : vector<16xf32>
      %add3A_2208 = arith.addi %add3A_2197, %get3A_2170 : vector<16xi32>
      %gather3A_2209 = tpu.vector_load_idx %arg6[%add3A_2208] : memref<16384xf32, #tpu.memory_space<vmem>>[vector<16xi32>], vector<16xf32>,
      %mul3A_2210 = arith.mulf %get3A_2186, %gather3A_2209 : vector<16xf32>
      %add3A_2211 = arith.addf %add3A_2207, %mul3A_2210 : vector<16xf32>
      %add3A_2212 = arith.addi %add3A_2197, %get3A_2174 : vector<16xi32>
      %gather3A_2213 = tpu.vector_load_idx %arg6[%add3A_2212] : memref<16384xf32, #tpu.memory_space<vmem>>[vector<16xi32>], vector<16xf32>,
      %mul3A_2214 = arith.mulf %get3A_2190, %gather3A_2213 : vector<16xf32>
      %add3A_2215 = arith.addf %add3A_2211, %mul3A_2214 : vector<16xf32>
      %add3A_2216 = arith.constant 0 : i32
      %add3A_2217 = arith.addi %mul3A_2158, %add3A_2216 : i32
      %get3A_2218 = arith.index_cast %add3A_2217 : i32 to index
      %get3A_2219 = tpu.vector_load %arg12[%get3A_2218] {strides = array<i32>} : memref<448xf32, #tpu.memory_space<vmem>>, vector<16xf32>,
      %mul3A_2220 = arith.mulf %get3A_2219, %add3A_2215 : vector<16xf32>
      %add3A_2221 = arith.addf %broadcast_in_dim3A_2192, %mul3A_2220 : vector<16xf32>
      %add3A_2222 = arith.constant 16 : i32
      %add3A_2223 = arith.addi %mul3A_2158, %add3A_2222 : i32
      %get3A_2224 = arith.index_cast %add3A_2223 : i32 to index
      %get3A_2225 = tpu.vector_load %arg11[%get3A_2224] {strides = array<i32>} : memref<448xi32, #tpu.memory_space<vmem>>, vector<16xi32>,
      %add3A_2226 = arith.addi %add3A_2154, %get3A_2225 : vector<16xi32>
      %broadcast_in_dim3A_2227 = arith.constant 0.000000e+00 : f32
      %broadcast_in_dim3A_2228 = vector.broadcast %broadcast_in_dim3A_2227 : f32 to vector<16xf32>
      %add3A_2229 = arith.addi %add3A_2226, %get3A_2162 : vector<16xi32>
      %gather3A_2230 = tpu.vector_load_idx %arg6[%add3A_2229] : memref<16384xf32, #tpu.memory_space<vmem>>[vector<16xi32>], vector<16xf32>,
      %mul3A_2231 = arith.mulf %get3A_2178, %gather3A_2230 : vector<16xf32>
      %add3A_2232 = arith.addf %broadcast_in_dim3A_2228, %mul3A_2231 : vector<16xf32>
      %add3A_2233 = arith.addi %add3A_2226, %get3A_2166 : vector<16xi32>
      %gather3A_2234 = tpu.vector_load_idx %arg6[%add3A_2233] : memref<16384xf32, #tpu.memory_space<vmem>>[vector<16xi32>], vector<16xf32>,
      %mul3A_2235 = arith.mulf %get3A_2182, %gather3A_2234 : vector<16xf32>
      %add3A_2236 = arith.addf %add3A_2232, %mul3A_2235 : vector<16xf32>
      %add3A_2237 = arith.addi %add3A_2226, %get3A_2170 : vector<16xi32>
      %gather3A_2238 = tpu.vector_load_idx %arg6[%add3A_2237] : memref<16384xf32, #tpu.memory_space<vmem>>[vector<16xi32>], vector<16xf32>,
      %mul3A_2239 = arith.mulf %get3A_2186, %gather3A_2238 : vector<16xf32>
      %add3A_2240 = arith.addf %add3A_2236, %mul3A_2239 : vector<16xf32>
      %add3A_2241 = arith.addi %add3A_2226, %get3A_2174 : vector<16xi32>
      %gather3A_2242 = tpu.vector_load_idx %arg6[%add3A_2241] : memref<16384xf32, #tpu.memory_space<vmem>>[vector<16xi32>], vector<16xf32>,
      %mul3A_2243 = arith.mulf %get3A_2190, %gather3A_2242 : vector<16xf32>
      %add3A_2244 = arith.addf %add3A_2240, %mul3A_2243 : vector<16xf32>
      %add3A_2245 = arith.constant 16 : i32
      %add3A_2246 = arith.addi %mul3A_2158, %add3A_2245 : i32
      %get3A_2247 = arith.index_cast %add3A_2246 : i32 to index
      %get3A_2248 = tpu.vector_load %arg12[%get3A_2247] {strides = array<i32>} : memref<448xf32, #tpu.memory_space<vmem>>, vector<16xf32>,
      %mul3A_2249 = arith.mulf %get3A_2248, %add3A_2244 : vector<16xf32>
      %add3A_2250 = arith.addf %add3A_2221, %mul3A_2249 : vector<16xf32>
      %add3A_2251 = arith.constant 32 : i32
      %add3A_2252 = arith.addi %mul3A_2158, %add3A_2251 : i32
      %get3A_2253 = arith.index_cast %add3A_2252 : i32 to index
      %get3A_2254 = tpu.vector_load %arg11[%get3A_2253] {strides = array<i32>} : memref<448xi32, #tpu.memory_space<vmem>>, vector<16xi32>,
      %add3A_2255 = arith.addi %add3A_2154, %get3A_2254 : vector<16xi32>
      %broadcast_in_dim3A_2256 = arith.constant 0.000000e+00 : f32
      %broadcast_in_dim3A_2257 = vector.broadcast %broadcast_in_dim3A_2256 : f32 to vector<16xf32>
      %add3A_2258 = arith.addi %add3A_2255, %get3A_2162 : vector<16xi32>
      %gather3A_2259 = tpu.vector_load_idx %arg6[%add3A_2258] : memref<16384xf32, #tpu.memory_space<vmem>>[vector<16xi32>], vector<16xf32>,
      %mul3A_2260 = arith.mulf %get3A_2178, %gather3A_2259 : vector<16xf32>
      %add3A_2261 = arith.addf %broadcast_in_dim3A_2257, %mul3A_2260 : vector<16xf32>
      %add3A_2262 = arith.addi %add3A_2255, %get3A_2166 : vector<16xi32>
      %gather3A_2263 = tpu.vector_load_idx %arg6[%add3A_2262] : memref<16384xf32, #tpu.memory_space<vmem>>[vector<16xi32>], vector<16xf32>,
      %mul3A_2264 = arith.mulf %get3A_2182, %gather3A_2263 : vector<16xf32>
      %add3A_2265 = arith.addf %add3A_2261, %mul3A_2264 : vector<16xf32>
      %add3A_2266 = arith.addi %add3A_2255, %get3A_2170 : vector<16xi32>
      %gather3A_2267 = tpu.vector_load_idx %arg6[%add3A_2266] : memref<16384xf32, #tpu.memory_space<vmem>>[vector<16xi32>], vector<16xf32>,
      %mul3A_2268 = arith.mulf %get3A_2186, %gather3A_2267 : vector<16xf32>
      %add3A_2269 = arith.addf %add3A_2265, %mul3A_2268 : vector<16xf32>
      %add3A_2270 = arith.addi %add3A_2255, %get3A_2174 : vector<16xi32>
      %gather3A_2271 = tpu.vector_load_idx %arg6[%add3A_2270] : memref<16384xf32, #tpu.memory_space<vmem>>[vector<16xi32>], vector<16xf32>,
      %mul3A_2272 = arith.mulf %get3A_2190, %gather3A_2271 : vector<16xf32>
      %add3A_2273 = arith.addf %add3A_2269, %mul3A_2272 : vector<16xf32>
      %add3A_2274 = arith.constant 32 : i32
      %add3A_2275 = arith.addi %mul3A_2158, %add3A_2274 : i32
      %get3A_2276 = arith.index_cast %add3A_2275 : i32 to index
      %get3A_2277 = tpu.vector_load %arg12[%get3A_2276] {strides = array<i32>} : memref<448xf32, #tpu.memory_space<vmem>>, vector<16xf32>,
      %mul3A_2278 = arith.mulf %get3A_2277, %add3A_2273 : vector<16xf32>
      %add3A_2279 = arith.addf %add3A_2250, %mul3A_2278 : vector<16xf32>
      %add3A_2280 = arith.constant 48 : i32
      %add3A_2281 = arith.addi %mul3A_2158, %add3A_2280 : i32
      %get3A_2282 = arith.index_cast %add3A_2281 : i32 to index
      %get3A_2283 = tpu.vector_load %arg11[%get3A_2282] {strides = array<i32>} : memref<448xi32, #tpu.memory_space<vmem>>, vector<16xi32>,
      %add3A_2284 = arith.addi %add3A_2154, %get3A_2283 : vector<16xi32>
      %broadcast_in_dim3A_2285 = arith.constant 0.000000e+00 : f32
      %broadcast_in_dim3A_2286 = vector.broadcast %broadcast_in_dim3A_2285 : f32 to vector<16xf32>
      %add3A_2287 = arith.addi %add3A_2284, %get3A_2162 : vector<16xi32>
      %gather3A_2288 = tpu.vector_load_idx %arg6[%add3A_2287] : memref<16384xf32, #tpu.memory_space<vmem>>[vector<16xi32>], vector<16xf32>,
      %mul3A_2289 = arith.mulf %get3A_2178, %gather3A_2288 : vector<16xf32>
      %add3A_2290 = arith.addf %broadcast_in_dim3A_2286, %mul3A_2289 : vector<16xf32>
      %add3A_2291 = arith.addi %add3A_2284, %get3A_2166 : vector<16xi32>
      %gather3A_2292 = tpu.vector_load_idx %arg6[%add3A_2291] : memref<16384xf32, #tpu.memory_space<vmem>>[vector<16xi32>], vector<16xf32>,
      %mul3A_2293 = arith.mulf %get3A_2182, %gather3A_2292 : vector<16xf32>
      %add3A_2294 = arith.addf %add3A_2290, %mul3A_2293 : vector<16xf32>
      %add3A_2295 = arith.addi %add3A_2284, %get3A_2170 : vector<16xi32>
      %gather3A_2296 = tpu.vector_load_idx %arg6[%add3A_2295] : memref<16384xf32, #tpu.memory_space<vmem>>[vector<16xi32>], vector<16xf32>,
      %mul3A_2297 = arith.mulf %get3A_2186, %gather3A_2296 : vector<16xf32>
      %add3A_2298 = arith.addf %add3A_2294, %mul3A_2297 : vector<16xf32>
      %add3A_2299 = arith.addi %add3A_2284, %get3A_2174 : vector<16xi32>
      %gather3A_2300 = tpu.vector_load_idx %arg6[%add3A_2299] : memref<16384xf32, #tpu.memory_space<vmem>>[vector<16xi32>], vector<16xf32>,
      %mul3A_2301 = arith.mulf %get3A_2190, %gather3A_2300 : vector<16xf32>
      %add3A_2302 = arith.addf %add3A_2298, %mul3A_2301 : vector<16xf32>
      %add3A_2303 = arith.constant 48 : i32
      %add3A_2304 = arith.addi %mul3A_2158, %add3A_2303 : i32
      %get3A_2305 = arith.index_cast %add3A_2304 : i32 to index
      %get3A_2306 = tpu.vector_load %arg12[%get3A_2305] {strides = array<i32>} : memref<448xf32, #tpu.memory_space<vmem>>, vector<16xf32>,
      %mul3A_2307 = arith.mulf %get3A_2306, %add3A_2302 : vector<16xf32>
      %add3A_2308 = arith.addf %add3A_2279, %mul3A_2307 : vector<16xf32>
      %swap3A_2309 = arith.constant 4 : i32
      %swap3A_2310 = arith.index_cast %swap3A_2309 : i32 to index
      %swap3A_2311 = arith.index_cast %mul3A_12 : i32 to index
      %swap3A_2312 = tpu.vector_load %arg13[%swap3A_2310, %swap3A_2311] {strides = array<i32>} : memref<8x5008xf32, #tpu.memory_space<vmem>>, vector<16xf32>,
      tpu.vector_store %arg13[%swap3A_2310, %swap3A_2311], %add3A_2308 {strides = array<i32>} : memref<8x5008xf32, #tpu.memory_space<vmem>>, vector<16xf32>,
      %add3A_2313 = arith.constant 5 : i32
      %add3A_2314 = arith.addi %mul3A_2, %add3A_2313 : i32
      %jit3A_2315 = arith.constant 7 : i32
      %eq3A_2316 = arith.constant 0 : i32
      %eq3A_2317 = arith.cmpi eq, %jit3A_2315, %eq3A_2316 : i32
      %jit3A_2318 = arith.constant 1 : i32
      %select_n3A_2319 = arith.select %eq3A_2317, %jit3A_2318, %jit3A_2315 : i32
      %rem3A_2320 = arith.remsi %add3A_2314, %select_n3A_2319 : i32
      %ne3A_2321 = arith.constant 0 : i32
      %ne3A_2322 = arith.cmpi ne, %rem3A_2320, %ne3A_2321 : i32
      %lt3A_2323 = arith.constant 0 : i32
      %lt3A_2324 = arith.cmpi slt, %rem3A_2320, %lt3A_2323 : i32
      %lt3A_2325 = arith.constant 0 : i32
      %lt3A_2326 = arith.cmpi slt, %select_n3A_2319, %lt3A_2325 : i32
      %ne3A_2327 = arith.xori %lt3A_2324, %lt3A_2326 : i1
      %and3A_2328 = arith.andi %ne3A_2327, %ne3A_2322 : i1
      %add3A_2329 = arith.addi %rem3A_2320, %select_n3A_2319 : i32
      %select_n3A_2330 = arith.select %and3A_2328, %add3A_2329, %rem3A_2320 : i32
      %jit3A_2331 = arith.constant 49 : i32
      %eq3A_2332 = arith.constant 0 : i32
      %eq3A_2333 = arith.cmpi eq, %jit3A_2331, %eq3A_2332 : i32
      %jit3A_2334 = arith.constant 1 : i32
      %select_n3A_2335 = arith.select %eq3A_2333, %jit3A_2334, %jit3A_2331 : i32
      %rem3A_2336 = arith.remsi %add3A_2314, %select_n3A_2335 : i32
      %ne3A_2337 = arith.constant 0 : i32
      %ne3A_2338 = arith.cmpi ne, %rem3A_2336, %ne3A_2337 : i32
      %lt3A_2339 = arith.constant 0 : i32
      %lt3A_2340 = arith.cmpi slt, %rem3A_2336, %lt3A_2339 : i32
      %lt3A_2341 = arith.constant 0 : i32
      %lt3A_2342 = arith.cmpi slt, %select_n3A_2335, %lt3A_2341 : i32
      %ne3A_2343 = arith.xori %lt3A_2340, %lt3A_2342 : i1
      %and3A_2344 = arith.andi %ne3A_2343, %ne3A_2338 : i1
      %add3A_2345 = arith.addi %rem3A_2336, %select_n3A_2335 : i32
      %select_n3A_2346 = arith.select %and3A_2344, %add3A_2345, %rem3A_2336 : i32
      %jit3A_2347 = arith.constant 7 : i32
      %div3A_2348 = arith.divsi %select_n3A_2346, %jit3A_2347 : i32
      %sign3A_2349 = arith.constant 0 : i32
      %sign3A_2350 = arith.cmpi sgt, %select_n3A_2346, %sign3A_2349 : i32
      %sign3A_2351 = arith.extui %sign3A_2350 : i1 to i32
      %sign3A_2352 = arith.constant 0 : i32
      %sign3A_2353 = arith.cmpi slt, %select_n3A_2346, %sign3A_2352 : i32
      %sign3A_2354 = arith.extui %sign3A_2353 : i1 to i32
      %sign3A_2355 = arith.subi %sign3A_2351, %sign3A_2354 : i32
      %sign3A_2356 = arith.constant 0 : i32
      %sign3A_2357 = arith.cmpi sgt, %jit3A_2347, %sign3A_2356 : i32
      %sign3A_2358 = arith.extui %sign3A_2357 : i1 to i32
      %sign3A_2359 = arith.constant 0 : i32
      %sign3A_2360 = arith.cmpi slt, %jit3A_2347, %sign3A_2359 : i32
      %sign3A_2361 = arith.extui %sign3A_2360 : i1 to i32
      %sign3A_2362 = arith.subi %sign3A_2358, %sign3A_2361 : i32
      %ne3A_2363 = arith.cmpi ne, %sign3A_2355, %sign3A_2362 : i32
      %rem3A_2364 = arith.remsi %select_n3A_2346, %jit3A_2347 : i32
      %ne3A_2365 = arith.constant 0 : i32
      %ne3A_2366 = arith.cmpi ne, %rem3A_2364, %ne3A_2365 : i32
      %and3A_2367 = arith.andi %ne3A_2363, %ne3A_2366 : i1
      %sub3A_2368 = arith.constant 1 : i32
      %sub3A_2369 = arith.subi %div3A_2348, %sub3A_2368 : i32
      %select_n3A_2370 = arith.select %and3A_2367, %sub3A_2369, %div3A_2348 : i32
      %add3A_2371 = arith.constant 10240 : i32
      %add3A_2372 = vector.broadcast %add3A_2371 : i32 to vector<16xi32>
      %add3A_2373 = arith.addi %mul3A_55, %add3A_2372 : vector<16xi32>
      %mul3A_2374 = arith.constant 64 : i32
      %mul3A_2375 = arith.muli %select_n3A_2330, %mul3A_2374 : i32
      %mul3A_2376 = arith.constant 64 : i32
      %mul3A_2377 = arith.muli %select_n3A_2370, %mul3A_2376 : i32
      %add3A_2378 = arith.constant 0 : i32
      %add3A_2379 = arith.addi %mul3A_2375, %add3A_2378 : i32
      %get3A_2380 = arith.index_cast %add3A_2379 : i32 to index
      %get3A_2381 = tpu.vector_load %arg9[%get3A_2380] {strides = array<i32>} : memref<448xi32, #tpu.memory_space<vmem>>, vector<16xi32>,
      %add3A_2382 = arith.constant 16 : i32
      %add3A_2383 = arith.addi %mul3A_2375, %add3A_2382 : i32
      %get3A_2384 = arith.index_cast %add3A_2383 : i32 to index
      %get3A_2385 = tpu.vector_load %arg9[%get3A_2384] {strides = array<i32>} : memref<448xi32, #tpu.memory_space<vmem>>, vector<16xi32>,
      %add3A_2386 = arith.constant 32 : i32
      %add3A_2387 = arith.addi %mul3A_2375, %add3A_2386 : i32
      %get3A_2388 = arith.index_cast %add3A_2387 : i32 to index
      %get3A_2389 = tpu.vector_load %arg9[%get3A_2388] {strides = array<i32>} : memref<448xi32, #tpu.memory_space<vmem>>, vector<16xi32>,
      %add3A_2390 = arith.constant 48 : i32
      %add3A_2391 = arith.addi %mul3A_2375, %add3A_2390 : i32
      %get3A_2392 = arith.index_cast %add3A_2391 : i32 to index
      %get3A_2393 = tpu.vector_load %arg9[%get3A_2392] {strides = array<i32>} : memref<448xi32, #tpu.memory_space<vmem>>, vector<16xi32>,
      %add3A_2394 = arith.constant 0 : i32
      %add3A_2395 = arith.addi %mul3A_2375, %add3A_2394 : i32
      %get3A_2396 = arith.index_cast %add3A_2395 : i32 to index
      %get3A_2397 = tpu.vector_load %arg10[%get3A_2396] {strides = array<i32>} : memref<448xf32, #tpu.memory_space<vmem>>, vector<16xf32>,
      %add3A_2398 = arith.constant 16 : i32
      %add3A_2399 = arith.addi %mul3A_2375, %add3A_2398 : i32
      %get3A_2400 = arith.index_cast %add3A_2399 : i32 to index
      %get3A_2401 = tpu.vector_load %arg10[%get3A_2400] {strides = array<i32>} : memref<448xf32, #tpu.memory_space<vmem>>, vector<16xf32>,
      %add3A_2402 = arith.constant 32 : i32
      %add3A_2403 = arith.addi %mul3A_2375, %add3A_2402 : i32
      %get3A_2404 = arith.index_cast %add3A_2403 : i32 to index
      %get3A_2405 = tpu.vector_load %arg10[%get3A_2404] {strides = array<i32>} : memref<448xf32, #tpu.memory_space<vmem>>, vector<16xf32>,
      %add3A_2406 = arith.constant 48 : i32
      %add3A_2407 = arith.addi %mul3A_2375, %add3A_2406 : i32
      %get3A_2408 = arith.index_cast %add3A_2407 : i32 to index
      %get3A_2409 = tpu.vector_load %arg10[%get3A_2408] {strides = array<i32>} : memref<448xf32, #tpu.memory_space<vmem>>, vector<16xf32>,
      %broadcast_in_dim3A_2410 = arith.constant 0.000000e+00 : f32
      %broadcast_in_dim3A_2411 = vector.broadcast %broadcast_in_dim3A_2410 : f32 to vector<16xf32>
      %add3A_2412 = arith.constant 0 : i32
      %add3A_2413 = arith.addi %mul3A_2377, %add3A_2412 : i32
      %get3A_2414 = arith.index_cast %add3A_2413 : i32 to index
      %get3A_2415 = tpu.vector_load %arg11[%get3A_2414] {strides = array<i32>} : memref<448xi32, #tpu.memory_space<vmem>>, vector<16xi32>,
      %add3A_2416 = arith.addi %add3A_2373, %get3A_2415 : vector<16xi32>
      %broadcast_in_dim3A_2417 = arith.constant 0.000000e+00 : f32
      %broadcast_in_dim3A_2418 = vector.broadcast %broadcast_in_dim3A_2417 : f32 to vector<16xf32>
      %add3A_2419 = arith.addi %add3A_2416, %get3A_2381 : vector<16xi32>
      %gather3A_2420 = tpu.vector_load_idx %arg6[%add3A_2419] : memref<16384xf32, #tpu.memory_space<vmem>>[vector<16xi32>], vector<16xf32>,
      %mul3A_2421 = arith.mulf %get3A_2397, %gather3A_2420 : vector<16xf32>
      %add3A_2422 = arith.addf %broadcast_in_dim3A_2418, %mul3A_2421 : vector<16xf32>
      %add3A_2423 = arith.addi %add3A_2416, %get3A_2385 : vector<16xi32>
      %gather3A_2424 = tpu.vector_load_idx %arg6[%add3A_2423] : memref<16384xf32, #tpu.memory_space<vmem>>[vector<16xi32>], vector<16xf32>,
      %mul3A_2425 = arith.mulf %get3A_2401, %gather3A_2424 : vector<16xf32>
      %add3A_2426 = arith.addf %add3A_2422, %mul3A_2425 : vector<16xf32>
      %add3A_2427 = arith.addi %add3A_2416, %get3A_2389 : vector<16xi32>
      %gather3A_2428 = tpu.vector_load_idx %arg6[%add3A_2427] : memref<16384xf32, #tpu.memory_space<vmem>>[vector<16xi32>], vector<16xf32>,
      %mul3A_2429 = arith.mulf %get3A_2405, %gather3A_2428 : vector<16xf32>
      %add3A_2430 = arith.addf %add3A_2426, %mul3A_2429 : vector<16xf32>
      %add3A_2431 = arith.addi %add3A_2416, %get3A_2393 : vector<16xi32>
      %gather3A_2432 = tpu.vector_load_idx %arg6[%add3A_2431] : memref<16384xf32, #tpu.memory_space<vmem>>[vector<16xi32>], vector<16xf32>,
      %mul3A_2433 = arith.mulf %get3A_2409, %gather3A_2432 : vector<16xf32>
      %add3A_2434 = arith.addf %add3A_2430, %mul3A_2433 : vector<16xf32>
      %add3A_2435 = arith.constant 0 : i32
      %add3A_2436 = arith.addi %mul3A_2377, %add3A_2435 : i32
      %get3A_2437 = arith.index_cast %add3A_2436 : i32 to index
      %get3A_2438 = tpu.vector_load %arg12[%get3A_2437] {strides = array<i32>} : memref<448xf32, #tpu.memory_space<vmem>>, vector<16xf32>,
      %mul3A_2439 = arith.mulf %get3A_2438, %add3A_2434 : vector<16xf32>
      %add3A_2440 = arith.addf %broadcast_in_dim3A_2411, %mul3A_2439 : vector<16xf32>
      %add3A_2441 = arith.constant 16 : i32
      %add3A_2442 = arith.addi %mul3A_2377, %add3A_2441 : i32
      %get3A_2443 = arith.index_cast %add3A_2442 : i32 to index
      %get3A_2444 = tpu.vector_load %arg11[%get3A_2443] {strides = array<i32>} : memref<448xi32, #tpu.memory_space<vmem>>, vector<16xi32>,
      %add3A_2445 = arith.addi %add3A_2373, %get3A_2444 : vector<16xi32>
      %broadcast_in_dim3A_2446 = arith.constant 0.000000e+00 : f32
      %broadcast_in_dim3A_2447 = vector.broadcast %broadcast_in_dim3A_2446 : f32 to vector<16xf32>
      %add3A_2448 = arith.addi %add3A_2445, %get3A_2381 : vector<16xi32>
      %gather3A_2449 = tpu.vector_load_idx %arg6[%add3A_2448] : memref<16384xf32, #tpu.memory_space<vmem>>[vector<16xi32>], vector<16xf32>,
      %mul3A_2450 = arith.mulf %get3A_2397, %gather3A_2449 : vector<16xf32>
      %add3A_2451 = arith.addf %broadcast_in_dim3A_2447, %mul3A_2450 : vector<16xf32>
      %add3A_2452 = arith.addi %add3A_2445, %get3A_2385 : vector<16xi32>
      %gather3A_2453 = tpu.vector_load_idx %arg6[%add3A_2452] : memref<16384xf32, #tpu.memory_space<vmem>>[vector<16xi32>], vector<16xf32>,
      %mul3A_2454 = arith.mulf %get3A_2401, %gather3A_2453 : vector<16xf32>
      %add3A_2455 = arith.addf %add3A_2451, %mul3A_2454 : vector<16xf32>
      %add3A_2456 = arith.addi %add3A_2445, %get3A_2389 : vector<16xi32>
      %gather3A_2457 = tpu.vector_load_idx %arg6[%add3A_2456] : memref<16384xf32, #tpu.memory_space<vmem>>[vector<16xi32>], vector<16xf32>,
      %mul3A_2458 = arith.mulf %get3A_2405, %gather3A_2457 : vector<16xf32>
      %add3A_2459 = arith.addf %add3A_2455, %mul3A_2458 : vector<16xf32>
      %add3A_2460 = arith.addi %add3A_2445, %get3A_2393 : vector<16xi32>
      %gather3A_2461 = tpu.vector_load_idx %arg6[%add3A_2460] : memref<16384xf32, #tpu.memory_space<vmem>>[vector<16xi32>], vector<16xf32>,
      %mul3A_2462 = arith.mulf %get3A_2409, %gather3A_2461 : vector<16xf32>
      %add3A_2463 = arith.addf %add3A_2459, %mul3A_2462 : vector<16xf32>
      %add3A_2464 = arith.constant 16 : i32
      %add3A_2465 = arith.addi %mul3A_2377, %add3A_2464 : i32
      %get3A_2466 = arith.index_cast %add3A_2465 : i32 to index
      %get3A_2467 = tpu.vector_load %arg12[%get3A_2466] {strides = array<i32>} : memref<448xf32, #tpu.memory_space<vmem>>, vector<16xf32>,
      %mul3A_2468 = arith.mulf %get3A_2467, %add3A_2463 : vector<16xf32>
      %add3A_2469 = arith.addf %add3A_2440, %mul3A_2468 : vector<16xf32>
      %add3A_2470 = arith.constant 32 : i32
      %add3A_2471 = arith.addi %mul3A_2377, %add3A_2470 : i32
      %get3A_2472 = arith.index_cast %add3A_2471 : i32 to index
      %get3A_2473 = tpu.vector_load %arg11[%get3A_2472] {strides = array<i32>} : memref<448xi32, #tpu.memory_space<vmem>>, vector<16xi32>,
      %add3A_2474 = arith.addi %add3A_2373, %get3A_2473 : vector<16xi32>
      %broadcast_in_dim3A_2475 = arith.constant 0.000000e+00 : f32
      %broadcast_in_dim3A_2476 = vector.broadcast %broadcast_in_dim3A_2475 : f32 to vector<16xf32>
      %add3A_2477 = arith.addi %add3A_2474, %get3A_2381 : vector<16xi32>
      %gather3A_2478 = tpu.vector_load_idx %arg6[%add3A_2477] : memref<16384xf32, #tpu.memory_space<vmem>>[vector<16xi32>], vector<16xf32>,
      %mul3A_2479 = arith.mulf %get3A_2397, %gather3A_2478 : vector<16xf32>
      %add3A_2480 = arith.addf %broadcast_in_dim3A_2476, %mul3A_2479 : vector<16xf32>
      %add3A_2481 = arith.addi %add3A_2474, %get3A_2385 : vector<16xi32>
      %gather3A_2482 = tpu.vector_load_idx %arg6[%add3A_2481] : memref<16384xf32, #tpu.memory_space<vmem>>[vector<16xi32>], vector<16xf32>,
      %mul3A_2483 = arith.mulf %get3A_2401, %gather3A_2482 : vector<16xf32>
      %add3A_2484 = arith.addf %add3A_2480, %mul3A_2483 : vector<16xf32>
      %add3A_2485 = arith.addi %add3A_2474, %get3A_2389 : vector<16xi32>
      %gather3A_2486 = tpu.vector_load_idx %arg6[%add3A_2485] : memref<16384xf32, #tpu.memory_space<vmem>>[vector<16xi32>], vector<16xf32>,
      %mul3A_2487 = arith.mulf %get3A_2405, %gather3A_2486 : vector<16xf32>
      %add3A_2488 = arith.addf %add3A_2484, %mul3A_2487 : vector<16xf32>
      %add3A_2489 = arith.addi %add3A_2474, %get3A_2393 : vector<16xi32>
      %gather3A_2490 = tpu.vector_load_idx %arg6[%add3A_2489] : memref<16384xf32, #tpu.memory_space<vmem>>[vector<16xi32>], vector<16xf32>,
      %mul3A_2491 = arith.mulf %get3A_2409, %gather3A_2490 : vector<16xf32>
      %add3A_2492 = arith.addf %add3A_2488, %mul3A_2491 : vector<16xf32>
      %add3A_2493 = arith.constant 32 : i32
      %add3A_2494 = arith.addi %mul3A_2377, %add3A_2493 : i32
      %get3A_2495 = arith.index_cast %add3A_2494 : i32 to index
      %get3A_2496 = tpu.vector_load %arg12[%get3A_2495] {strides = array<i32>} : memref<448xf32, #tpu.memory_space<vmem>>, vector<16xf32>,
      %mul3A_2497 = arith.mulf %get3A_2496, %add3A_2492 : vector<16xf32>
      %add3A_2498 = arith.addf %add3A_2469, %mul3A_2497 : vector<16xf32>
      %add3A_2499 = arith.constant 48 : i32
      %add3A_2500 = arith.addi %mul3A_2377, %add3A_2499 : i32
      %get3A_2501 = arith.index_cast %add3A_2500 : i32 to index
      %get3A_2502 = tpu.vector_load %arg11[%get3A_2501] {strides = array<i32>} : memref<448xi32, #tpu.memory_space<vmem>>, vector<16xi32>,
      %add3A_2503 = arith.addi %add3A_2373, %get3A_2502 : vector<16xi32>
      %broadcast_in_dim3A_2504 = arith.constant 0.000000e+00 : f32
      %broadcast_in_dim3A_2505 = vector.broadcast %broadcast_in_dim3A_2504 : f32 to vector<16xf32>
      %add3A_2506 = arith.addi %add3A_2503, %get3A_2381 : vector<16xi32>
      %gather3A_2507 = tpu.vector_load_idx %arg6[%add3A_2506] : memref<16384xf32, #tpu.memory_space<vmem>>[vector<16xi32>], vector<16xf32>,
      %mul3A_2508 = arith.mulf %get3A_2397, %gather3A_2507 : vector<16xf32>
      %add3A_2509 = arith.addf %broadcast_in_dim3A_2505, %mul3A_2508 : vector<16xf32>
      %add3A_2510 = arith.addi %add3A_2503, %get3A_2385 : vector<16xi32>
      %gather3A_2511 = tpu.vector_load_idx %arg6[%add3A_2510] : memref<16384xf32, #tpu.memory_space<vmem>>[vector<16xi32>], vector<16xf32>,
      %mul3A_2512 = arith.mulf %get3A_2401, %gather3A_2511 : vector<16xf32>
      %add3A_2513 = arith.addf %add3A_2509, %mul3A_2512 : vector<16xf32>
      %add3A_2514 = arith.addi %add3A_2503, %get3A_2389 : vector<16xi32>
      %gather3A_2515 = tpu.vector_load_idx %arg6[%add3A_2514] : memref<16384xf32, #tpu.memory_space<vmem>>[vector<16xi32>], vector<16xf32>,
      %mul3A_2516 = arith.mulf %get3A_2405, %gather3A_2515 : vector<16xf32>
      %add3A_2517 = arith.addf %add3A_2513, %mul3A_2516 : vector<16xf32>
      %add3A_2518 = arith.addi %add3A_2503, %get3A_2393 : vector<16xi32>
      %gather3A_2519 = tpu.vector_load_idx %arg6[%add3A_2518] : memref<16384xf32, #tpu.memory_space<vmem>>[vector<16xi32>], vector<16xf32>,
      %mul3A_2520 = arith.mulf %get3A_2409, %gather3A_2519 : vector<16xf32>
      %add3A_2521 = arith.addf %add3A_2517, %mul3A_2520 : vector<16xf32>
      %add3A_2522 = arith.constant 48 : i32
      %add3A_2523 = arith.addi %mul3A_2377, %add3A_2522 : i32
      %get3A_2524 = arith.index_cast %add3A_2523 : i32 to index
      %get3A_2525 = tpu.vector_load %arg12[%get3A_2524] {strides = array<i32>} : memref<448xf32, #tpu.memory_space<vmem>>, vector<16xf32>,
      %mul3A_2526 = arith.mulf %get3A_2525, %add3A_2521 : vector<16xf32>
      %add3A_2527 = arith.addf %add3A_2498, %mul3A_2526 : vector<16xf32>
      %swap3A_2528 = arith.constant 5 : i32
      %swap3A_2529 = arith.index_cast %swap3A_2528 : i32 to index
      %swap3A_2530 = arith.index_cast %mul3A_12 : i32 to index
      %swap3A_2531 = tpu.vector_load %arg13[%swap3A_2529, %swap3A_2530] {strides = array<i32>} : memref<8x5008xf32, #tpu.memory_space<vmem>>, vector<16xf32>,
      tpu.vector_store %arg13[%swap3A_2529, %swap3A_2530], %add3A_2527 {strides = array<i32>} : memref<8x5008xf32, #tpu.memory_space<vmem>>, vector<16xf32>,
      %add3A_2532 = arith.constant 6 : i32
      %add3A_2533 = arith.addi %mul3A_2, %add3A_2532 : i32
      %jit3A_2534 = arith.constant 7 : i32
      %eq3A_2535 = arith.constant 0 : i32
      %eq3A_2536 = arith.cmpi eq, %jit3A_2534, %eq3A_2535 : i32
      %jit3A_2537 = arith.constant 1 : i32
      %select_n3A_2538 = arith.select %eq3A_2536, %jit3A_2537, %jit3A_2534 : i32
      %rem3A_2539 = arith.remsi %add3A_2533, %select_n3A_2538 : i32
      %ne3A_2540 = arith.constant 0 : i32
      %ne3A_2541 = arith.cmpi ne, %rem3A_2539, %ne3A_2540 : i32
      %lt3A_2542 = arith.constant 0 : i32
      %lt3A_2543 = arith.cmpi slt, %rem3A_2539, %lt3A_2542 : i32
      %lt3A_2544 = arith.constant 0 : i32
      %lt3A_2545 = arith.cmpi slt, %select_n3A_2538, %lt3A_2544 : i32
      %ne3A_2546 = arith.xori %lt3A_2543, %lt3A_2545 : i1
      %and3A_2547 = arith.andi %ne3A_2546, %ne3A_2541 : i1
      %add3A_2548 = arith.addi %rem3A_2539, %select_n3A_2538 : i32
      %select_n3A_2549 = arith.select %and3A_2547, %add3A_2548, %rem3A_2539 : i32
      %jit3A_2550 = arith.constant 49 : i32
      %eq3A_2551 = arith.constant 0 : i32
      %eq3A_2552 = arith.cmpi eq, %jit3A_2550, %eq3A_2551 : i32
      %jit3A_2553 = arith.constant 1 : i32
      %select_n3A_2554 = arith.select %eq3A_2552, %jit3A_2553, %jit3A_2550 : i32
      %rem3A_2555 = arith.remsi %add3A_2533, %select_n3A_2554 : i32
      %ne3A_2556 = arith.constant 0 : i32
      %ne3A_2557 = arith.cmpi ne, %rem3A_2555, %ne3A_2556 : i32
      %lt3A_2558 = arith.constant 0 : i32
      %lt3A_2559 = arith.cmpi slt, %rem3A_2555, %lt3A_2558 : i32
      %lt3A_2560 = arith.constant 0 : i32
      %lt3A_2561 = arith.cmpi slt, %select_n3A_2554, %lt3A_2560 : i32
      %ne3A_2562 = arith.xori %lt3A_2559, %lt3A_2561 : i1
      %and3A_2563 = arith.andi %ne3A_2562, %ne3A_2557 : i1
      %add3A_2564 = arith.addi %rem3A_2555, %select_n3A_2554 : i32
      %select_n3A_2565 = arith.select %and3A_2563, %add3A_2564, %rem3A_2555 : i32
      %jit3A_2566 = arith.constant 7 : i32
      %div3A_2567 = arith.divsi %select_n3A_2565, %jit3A_2566 : i32
      %sign3A_2568 = arith.constant 0 : i32
      %sign3A_2569 = arith.cmpi sgt, %select_n3A_2565, %sign3A_2568 : i32
      %sign3A_2570 = arith.extui %sign3A_2569 : i1 to i32
      %sign3A_2571 = arith.constant 0 : i32
      %sign3A_2572 = arith.cmpi slt, %select_n3A_2565, %sign3A_2571 : i32
      %sign3A_2573 = arith.extui %sign3A_2572 : i1 to i32
      %sign3A_2574 = arith.subi %sign3A_2570, %sign3A_2573 : i32
      %sign3A_2575 = arith.constant 0 : i32
      %sign3A_2576 = arith.cmpi sgt, %jit3A_2566, %sign3A_2575 : i32
      %sign3A_2577 = arith.extui %sign3A_2576 : i1 to i32
      %sign3A_2578 = arith.constant 0 : i32
      %sign3A_2579 = arith.cmpi slt, %jit3A_2566, %sign3A_2578 : i32
      %sign3A_2580 = arith.extui %sign3A_2579 : i1 to i32
      %sign3A_2581 = arith.subi %sign3A_2577, %sign3A_2580 : i32
      %ne3A_2582 = arith.cmpi ne, %sign3A_2574, %sign3A_2581 : i32
      %rem3A_2583 = arith.remsi %select_n3A_2565, %jit3A_2566 : i32
      %ne3A_2584 = arith.constant 0 : i32
      %ne3A_2585 = arith.cmpi ne, %rem3A_2583, %ne3A_2584 : i32
      %and3A_2586 = arith.andi %ne3A_2582, %ne3A_2585 : i1
      %sub3A_2587 = arith.constant 1 : i32
      %sub3A_2588 = arith.subi %div3A_2567, %sub3A_2587 : i32
      %select_n3A_2589 = arith.select %and3A_2586, %sub3A_2588, %div3A_2567 : i32
      %add3A_2590 = arith.constant 12288 : i32
      %add3A_2591 = vector.broadcast %add3A_2590 : i32 to vector<16xi32>
      %add3A_2592 = arith.addi %mul3A_55, %add3A_2591 : vector<16xi32>
      %mul3A_2593 = arith.constant 64 : i32
      %mul3A_2594 = arith.muli %select_n3A_2549, %mul3A_2593 : i32
      %mul3A_2595 = arith.constant 64 : i32
      %mul3A_2596 = arith.muli %select_n3A_2589, %mul3A_2595 : i32
      %add3A_2597 = arith.constant 0 : i32
      %add3A_2598 = arith.addi %mul3A_2594, %add3A_2597 : i32
      %get3A_2599 = arith.index_cast %add3A_2598 : i32 to index
      %get3A_2600 = tpu.vector_load %arg9[%get3A_2599] {strides = array<i32>} : memref<448xi32, #tpu.memory_space<vmem>>, vector<16xi32>,
      %add3A_2601 = arith.constant 16 : i32
      %add3A_2602 = arith.addi %mul3A_2594, %add3A_2601 : i32
      %get3A_2603 = arith.index_cast %add3A_2602 : i32 to index
      %get3A_2604 = tpu.vector_load %arg9[%get3A_2603] {strides = array<i32>} : memref<448xi32, #tpu.memory_space<vmem>>, vector<16xi32>,
      %add3A_2605 = arith.constant 32 : i32
      %add3A_2606 = arith.addi %mul3A_2594, %add3A_2605 : i32
      %get3A_2607 = arith.index_cast %add3A_2606 : i32 to index
      %get3A_2608 = tpu.vector_load %arg9[%get3A_2607] {strides = array<i32>} : memref<448xi32, #tpu.memory_space<vmem>>, vector<16xi32>,
      %add3A_2609 = arith.constant 48 : i32
      %add3A_2610 = arith.addi %mul3A_2594, %add3A_2609 : i32
      %get3A_2611 = arith.index_cast %add3A_2610 : i32 to index
      %get3A_2612 = tpu.vector_load %arg9[%get3A_2611] {strides = array<i32>} : memref<448xi32, #tpu.memory_space<vmem>>, vector<16xi32>,
      %add3A_2613 = arith.constant 0 : i32
      %add3A_2614 = arith.addi %mul3A_2594, %add3A_2613 : i32
      %get3A_2615 = arith.index_cast %add3A_2614 : i32 to index
      %get3A_2616 = tpu.vector_load %arg10[%get3A_2615] {strides = array<i32>} : memref<448xf32, #tpu.memory_space<vmem>>, vector<16xf32>,
      %add3A_2617 = arith.constant 16 : i32
      %add3A_2618 = arith.addi %mul3A_2594, %add3A_2617 : i32
      %get3A_2619 = arith.index_cast %add3A_2618 : i32 to index
      %get3A_2620 = tpu.vector_load %arg10[%get3A_2619] {strides = array<i32>} : memref<448xf32, #tpu.memory_space<vmem>>, vector<16xf32>,
      %add3A_2621 = arith.constant 32 : i32
      %add3A_2622 = arith.addi %mul3A_2594, %add3A_2621 : i32
      %get3A_2623 = arith.index_cast %add3A_2622 : i32 to index
      %get3A_2624 = tpu.vector_load %arg10[%get3A_2623] {strides = array<i32>} : memref<448xf32, #tpu.memory_space<vmem>>, vector<16xf32>,
      %add3A_2625 = arith.constant 48 : i32
      %add3A_2626 = arith.addi %mul3A_2594, %add3A_2625 : i32
      %get3A_2627 = arith.index_cast %add3A_2626 : i32 to index
      %get3A_2628 = tpu.vector_load %arg10[%get3A_2627] {strides = array<i32>} : memref<448xf32, #tpu.memory_space<vmem>>, vector<16xf32>,
      %broadcast_in_dim3A_2629 = arith.constant 0.000000e+00 : f32
      %broadcast_in_dim3A_2630 = vector.broadcast %broadcast_in_dim3A_2629 : f32 to vector<16xf32>
      %add3A_2631 = arith.constant 0 : i32
      %add3A_2632 = arith.addi %mul3A_2596, %add3A_2631 : i32
      %get3A_2633 = arith.index_cast %add3A_2632 : i32 to index
      %get3A_2634 = tpu.vector_load %arg11[%get3A_2633] {strides = array<i32>} : memref<448xi32, #tpu.memory_space<vmem>>, vector<16xi32>,
      %add3A_2635 = arith.addi %add3A_2592, %get3A_2634 : vector<16xi32>
      %broadcast_in_dim3A_2636 = arith.constant 0.000000e+00 : f32
      %broadcast_in_dim3A_2637 = vector.broadcast %broadcast_in_dim3A_2636 : f32 to vector<16xf32>
      %add3A_2638 = arith.addi %add3A_2635, %get3A_2600 : vector<16xi32>
      %gather3A_2639 = tpu.vector_load_idx %arg6[%add3A_2638] : memref<16384xf32, #tpu.memory_space<vmem>>[vector<16xi32>], vector<16xf32>,
      %mul3A_2640 = arith.mulf %get3A_2616, %gather3A_2639 : vector<16xf32>
      %add3A_2641 = arith.addf %broadcast_in_dim3A_2637, %mul3A_2640 : vector<16xf32>
      %add3A_2642 = arith.addi %add3A_2635, %get3A_2604 : vector<16xi32>
      %gather3A_2643 = tpu.vector_load_idx %arg6[%add3A_2642] : memref<16384xf32, #tpu.memory_space<vmem>>[vector<16xi32>], vector<16xf32>,
      %mul3A_2644 = arith.mulf %get3A_2620, %gather3A_2643 : vector<16xf32>
      %add3A_2645 = arith.addf %add3A_2641, %mul3A_2644 : vector<16xf32>
      %add3A_2646 = arith.addi %add3A_2635, %get3A_2608 : vector<16xi32>
      %gather3A_2647 = tpu.vector_load_idx %arg6[%add3A_2646] : memref<16384xf32, #tpu.memory_space<vmem>>[vector<16xi32>], vector<16xf32>,
      %mul3A_2648 = arith.mulf %get3A_2624, %gather3A_2647 : vector<16xf32>
      %add3A_2649 = arith.addf %add3A_2645, %mul3A_2648 : vector<16xf32>
      %add3A_2650 = arith.addi %add3A_2635, %get3A_2612 : vector<16xi32>
      %gather3A_2651 = tpu.vector_load_idx %arg6[%add3A_2650] : memref<16384xf32, #tpu.memory_space<vmem>>[vector<16xi32>], vector<16xf32>,
      %mul3A_2652 = arith.mulf %get3A_2628, %gather3A_2651 : vector<16xf32>
      %add3A_2653 = arith.addf %add3A_2649, %mul3A_2652 : vector<16xf32>
      %add3A_2654 = arith.constant 0 : i32
      %add3A_2655 = arith.addi %mul3A_2596, %add3A_2654 : i32
      %get3A_2656 = arith.index_cast %add3A_2655 : i32 to index
      %get3A_2657 = tpu.vector_load %arg12[%get3A_2656] {strides = array<i32>} : memref<448xf32, #tpu.memory_space<vmem>>, vector<16xf32>,
      %mul3A_2658 = arith.mulf %get3A_2657, %add3A_2653 : vector<16xf32>
      %add3A_2659 = arith.addf %broadcast_in_dim3A_2630, %mul3A_2658 : vector<16xf32>
      %add3A_2660 = arith.constant 16 : i32
      %add3A_2661 = arith.addi %mul3A_2596, %add3A_2660 : i32
      %get3A_2662 = arith.index_cast %add3A_2661 : i32 to index
      %get3A_2663 = tpu.vector_load %arg11[%get3A_2662] {strides = array<i32>} : memref<448xi32, #tpu.memory_space<vmem>>, vector<16xi32>,
      %add3A_2664 = arith.addi %add3A_2592, %get3A_2663 : vector<16xi32>
      %broadcast_in_dim3A_2665 = arith.constant 0.000000e+00 : f32
      %broadcast_in_dim3A_2666 = vector.broadcast %broadcast_in_dim3A_2665 : f32 to vector<16xf32>
      %add3A_2667 = arith.addi %add3A_2664, %get3A_2600 : vector<16xi32>
      %gather3A_2668 = tpu.vector_load_idx %arg6[%add3A_2667] : memref<16384xf32, #tpu.memory_space<vmem>>[vector<16xi32>], vector<16xf32>,
      %mul3A_2669 = arith.mulf %get3A_2616, %gather3A_2668 : vector<16xf32>
      %add3A_2670 = arith.addf %broadcast_in_dim3A_2666, %mul3A_2669 : vector<16xf32>
      %add3A_2671 = arith.addi %add3A_2664, %get3A_2604 : vector<16xi32>
      %gather3A_2672 = tpu.vector_load_idx %arg6[%add3A_2671] : memref<16384xf32, #tpu.memory_space<vmem>>[vector<16xi32>], vector<16xf32>,
      %mul3A_2673 = arith.mulf %get3A_2620, %gather3A_2672 : vector<16xf32>
      %add3A_2674 = arith.addf %add3A_2670, %mul3A_2673 : vector<16xf32>
      %add3A_2675 = arith.addi %add3A_2664, %get3A_2608 : vector<16xi32>
      %gather3A_2676 = tpu.vector_load_idx %arg6[%add3A_2675] : memref<16384xf32, #tpu.memory_space<vmem>>[vector<16xi32>], vector<16xf32>,
      %mul3A_2677 = arith.mulf %get3A_2624, %gather3A_2676 : vector<16xf32>
      %add3A_2678 = arith.addf %add3A_2674, %mul3A_2677 : vector<16xf32>
      %add3A_2679 = arith.addi %add3A_2664, %get3A_2612 : vector<16xi32>
      %gather3A_2680 = tpu.vector_load_idx %arg6[%add3A_2679] : memref<16384xf32, #tpu.memory_space<vmem>>[vector<16xi32>], vector<16xf32>,
      %mul3A_2681 = arith.mulf %get3A_2628, %gather3A_2680 : vector<16xf32>
      %add3A_2682 = arith.addf %add3A_2678, %mul3A_2681 : vector<16xf32>
      %add3A_2683 = arith.constant 16 : i32
      %add3A_2684 = arith.addi %mul3A_2596, %add3A_2683 : i32
      %get3A_2685 = arith.index_cast %add3A_2684 : i32 to index
      %get3A_2686 = tpu.vector_load %arg12[%get3A_2685] {strides = array<i32>} : memref<448xf32, #tpu.memory_space<vmem>>, vector<16xf32>,
      %mul3A_2687 = arith.mulf %get3A_2686, %add3A_2682 : vector<16xf32>
      %add3A_2688 = arith.addf %add3A_2659, %mul3A_2687 : vector<16xf32>
      %add3A_2689 = arith.constant 32 : i32
      %add3A_2690 = arith.addi %mul3A_2596, %add3A_2689 : i32
      %get3A_2691 = arith.index_cast %add3A_2690 : i32 to index
      %get3A_2692 = tpu.vector_load %arg11[%get3A_2691] {strides = array<i32>} : memref<448xi32, #tpu.memory_space<vmem>>, vector<16xi32>,
      %add3A_2693 = arith.addi %add3A_2592, %get3A_2692 : vector<16xi32>
      %broadcast_in_dim3A_2694 = arith.constant 0.000000e+00 : f32
      %broadcast_in_dim3A_2695 = vector.broadcast %broadcast_in_dim3A_2694 : f32 to vector<16xf32>
      %add3A_2696 = arith.addi %add3A_2693, %get3A_2600 : vector<16xi32>
      %gather3A_2697 = tpu.vector_load_idx %arg6[%add3A_2696] : memref<16384xf32, #tpu.memory_space<vmem>>[vector<16xi32>], vector<16xf32>,
      %mul3A_2698 = arith.mulf %get3A_2616, %gather3A_2697 : vector<16xf32>
      %add3A_2699 = arith.addf %broadcast_in_dim3A_2695, %mul3A_2698 : vector<16xf32>
      %add3A_2700 = arith.addi %add3A_2693, %get3A_2604 : vector<16xi32>
      %gather3A_2701 = tpu.vector_load_idx %arg6[%add3A_2700] : memref<16384xf32, #tpu.memory_space<vmem>>[vector<16xi32>], vector<16xf32>,
      %mul3A_2702 = arith.mulf %get3A_2620, %gather3A_2701 : vector<16xf32>
      %add3A_2703 = arith.addf %add3A_2699, %mul3A_2702 : vector<16xf32>
      %add3A_2704 = arith.addi %add3A_2693, %get3A_2608 : vector<16xi32>
      %gather3A_2705 = tpu.vector_load_idx %arg6[%add3A_2704] : memref<16384xf32, #tpu.memory_space<vmem>>[vector<16xi32>], vector<16xf32>,
      %mul3A_2706 = arith.mulf %get3A_2624, %gather3A_2705 : vector<16xf32>
      %add3A_2707 = arith.addf %add3A_2703, %mul3A_2706 : vector<16xf32>
      %add3A_2708 = arith.addi %add3A_2693, %get3A_2612 : vector<16xi32>
      %gather3A_2709 = tpu.vector_load_idx %arg6[%add3A_2708] : memref<16384xf32, #tpu.memory_space<vmem>>[vector<16xi32>], vector<16xf32>,
      %mul3A_2710 = arith.mulf %get3A_2628, %gather3A_2709 : vector<16xf32>
      %add3A_2711 = arith.addf %add3A_2707, %mul3A_2710 : vector<16xf32>
      %add3A_2712 = arith.constant 32 : i32
      %add3A_2713 = arith.addi %mul3A_2596, %add3A_2712 : i32
      %get3A_2714 = arith.index_cast %add3A_2713 : i32 to index
      %get3A_2715 = tpu.vector_load %arg12[%get3A_2714] {strides = array<i32>} : memref<448xf32, #tpu.memory_space<vmem>>, vector<16xf32>,
      %mul3A_2716 = arith.mulf %get3A_2715, %add3A_2711 : vector<16xf32>
      %add3A_2717 = arith.addf %add3A_2688, %mul3A_2716 : vector<16xf32>
      %add3A_2718 = arith.constant 48 : i32
      %add3A_2719 = arith.addi %mul3A_2596, %add3A_2718 : i32
      %get3A_2720 = arith.index_cast %add3A_2719 : i32 to index
      %get3A_2721 = tpu.vector_load %arg11[%get3A_2720] {strides = array<i32>} : memref<448xi32, #tpu.memory_space<vmem>>, vector<16xi32>,
      %add3A_2722 = arith.addi %add3A_2592, %get3A_2721 : vector<16xi32>
      %broadcast_in_dim3A_2723 = arith.constant 0.000000e+00 : f32
      %broadcast_in_dim3A_2724 = vector.broadcast %broadcast_in_dim3A_2723 : f32 to vector<16xf32>
      %add3A_2725 = arith.addi %add3A_2722, %get3A_2600 : vector<16xi32>
      %gather3A_2726 = tpu.vector_load_idx %arg6[%add3A_2725] : memref<16384xf32, #tpu.memory_space<vmem>>[vector<16xi32>], vector<16xf32>,
      %mul3A_2727 = arith.mulf %get3A_2616, %gather3A_2726 : vector<16xf32>
      %add3A_2728 = arith.addf %broadcast_in_dim3A_2724, %mul3A_2727 : vector<16xf32>
      %add3A_2729 = arith.addi %add3A_2722, %get3A_2604 : vector<16xi32>
      %gather3A_2730 = tpu.vector_load_idx %arg6[%add3A_2729] : memref<16384xf32, #tpu.memory_space<vmem>>[vector<16xi32>], vector<16xf32>,
      %mul3A_2731 = arith.mulf %get3A_2620, %gather3A_2730 : vector<16xf32>
      %add3A_2732 = arith.addf %add3A_2728, %mul3A_2731 : vector<16xf32>
      %add3A_2733 = arith.addi %add3A_2722, %get3A_2608 : vector<16xi32>
      %gather3A_2734 = tpu.vector_load_idx %arg6[%add3A_2733] : memref<16384xf32, #tpu.memory_space<vmem>>[vector<16xi32>], vector<16xf32>,
      %mul3A_2735 = arith.mulf %get3A_2624, %gather3A_2734 : vector<16xf32>
      %add3A_2736 = arith.addf %add3A_2732, %mul3A_2735 : vector<16xf32>
      %add3A_2737 = arith.addi %add3A_2722, %get3A_2612 : vector<16xi32>
      %gather3A_2738 = tpu.vector_load_idx %arg6[%add3A_2737] : memref<16384xf32, #tpu.memory_space<vmem>>[vector<16xi32>], vector<16xf32>,
      %mul3A_2739 = arith.mulf %get3A_2628, %gather3A_2738 : vector<16xf32>
      %add3A_2740 = arith.addf %add3A_2736, %mul3A_2739 : vector<16xf32>
      %add3A_2741 = arith.constant 48 : i32
      %add3A_2742 = arith.addi %mul3A_2596, %add3A_2741 : i32
      %get3A_2743 = arith.index_cast %add3A_2742 : i32 to index
      %get3A_2744 = tpu.vector_load %arg12[%get3A_2743] {strides = array<i32>} : memref<448xf32, #tpu.memory_space<vmem>>, vector<16xf32>,
      %mul3A_2745 = arith.mulf %get3A_2744, %add3A_2740 : vector<16xf32>
      %add3A_2746 = arith.addf %add3A_2717, %mul3A_2745 : vector<16xf32>
      %swap3A_2747 = arith.constant 6 : i32
      %swap3A_2748 = arith.index_cast %swap3A_2747 : i32 to index
      %swap3A_2749 = arith.index_cast %mul3A_12 : i32 to index
      %swap3A_2750 = tpu.vector_load %arg13[%swap3A_2748, %swap3A_2749] {strides = array<i32>} : memref<8x5008xf32, #tpu.memory_space<vmem>>, vector<16xf32>,
      tpu.vector_store %arg13[%swap3A_2748, %swap3A_2749], %add3A_2746 {strides = array<i32>} : memref<8x5008xf32, #tpu.memory_space<vmem>>, vector<16xf32>,
      %add3A_2751 = arith.constant 7 : i32
      %add3A_2752 = arith.addi %mul3A_2, %add3A_2751 : i32
      %jit3A_2753 = arith.constant 7 : i32
      %eq3A_2754 = arith.constant 0 : i32
      %eq3A_2755 = arith.cmpi eq, %jit3A_2753, %eq3A_2754 : i32
      %jit3A_2756 = arith.constant 1 : i32
      %select_n3A_2757 = arith.select %eq3A_2755, %jit3A_2756, %jit3A_2753 : i32
      %rem3A_2758 = arith.remsi %add3A_2752, %select_n3A_2757 : i32
      %ne3A_2759 = arith.constant 0 : i32
      %ne3A_2760 = arith.cmpi ne, %rem3A_2758, %ne3A_2759 : i32
      %lt3A_2761 = arith.constant 0 : i32
      %lt3A_2762 = arith.cmpi slt, %rem3A_2758, %lt3A_2761 : i32
      %lt3A_2763 = arith.constant 0 : i32
      %lt3A_2764 = arith.cmpi slt, %select_n3A_2757, %lt3A_2763 : i32
      %ne3A_2765 = arith.xori %lt3A_2762, %lt3A_2764 : i1
      %and3A_2766 = arith.andi %ne3A_2765, %ne3A_2760 : i1
      %add3A_2767 = arith.addi %rem3A_2758, %select_n3A_2757 : i32
      %select_n3A_2768 = arith.select %and3A_2766, %add3A_2767, %rem3A_2758 : i32
      %jit3A_2769 = arith.constant 49 : i32
      %eq3A_2770 = arith.constant 0 : i32
      %eq3A_2771 = arith.cmpi eq, %jit3A_2769, %eq3A_2770 : i32
      %jit3A_2772 = arith.constant 1 : i32
      %select_n3A_2773 = arith.select %eq3A_2771, %jit3A_2772, %jit3A_2769 : i32
      %rem3A_2774 = arith.remsi %add3A_2752, %select_n3A_2773 : i32
      %ne3A_2775 = arith.constant 0 : i32
      %ne3A_2776 = arith.cmpi ne, %rem3A_2774, %ne3A_2775 : i32
      %lt3A_2777 = arith.constant 0 : i32
      %lt3A_2778 = arith.cmpi slt, %rem3A_2774, %lt3A_2777 : i32
      %lt3A_2779 = arith.constant 0 : i32
      %lt3A_2780 = arith.cmpi slt, %select_n3A_2773, %lt3A_2779 : i32
      %ne3A_2781 = arith.xori %lt3A_2778, %lt3A_2780 : i1
      %and3A_2782 = arith.andi %ne3A_2781, %ne3A_2776 : i1
      %add3A_2783 = arith.addi %rem3A_2774, %select_n3A_2773 : i32
      %select_n3A_2784 = arith.select %and3A_2782, %add3A_2783, %rem3A_2774 : i32
      %jit3A_2785 = arith.constant 7 : i32
      %div3A_2786 = arith.divsi %select_n3A_2784, %jit3A_2785 : i32
      %sign3A_2787 = arith.constant 0 : i32
      %sign3A_2788 = arith.cmpi sgt, %select_n3A_2784, %sign3A_2787 : i32
      %sign3A_2789 = arith.extui %sign3A_2788 : i1 to i32
      %sign3A_2790 = arith.constant 0 : i32
      %sign3A_2791 = arith.cmpi slt, %select_n3A_2784, %sign3A_2790 : i32
      %sign3A_2792 = arith.extui %sign3A_2791 : i1 to i32
      %sign3A_2793 = arith.subi %sign3A_2789, %sign3A_2792 : i32
      %sign3A_2794 = arith.constant 0 : i32
      %sign3A_2795 = arith.cmpi sgt, %jit3A_2785, %sign3A_2794 : i32
      %sign3A_2796 = arith.extui %sign3A_2795 : i1 to i32
      %sign3A_2797 = arith.constant 0 : i32
      %sign3A_2798 = arith.cmpi slt, %jit3A_2785, %sign3A_2797 : i32
      %sign3A_2799 = arith.extui %sign3A_2798 : i1 to i32
      %sign3A_2800 = arith.subi %sign3A_2796, %sign3A_2799 : i32
      %ne3A_2801 = arith.cmpi ne, %sign3A_2793, %sign3A_2800 : i32
      %rem3A_2802 = arith.remsi %select_n3A_2784, %jit3A_2785 : i32
      %ne3A_2803 = arith.constant 0 : i32
      %ne3A_2804 = arith.cmpi ne, %rem3A_2802, %ne3A_2803 : i32
      %and3A_2805 = arith.andi %ne3A_2801, %ne3A_2804 : i1
      %sub3A_2806 = arith.constant 1 : i32
      %sub3A_2807 = arith.subi %div3A_2786, %sub3A_2806 : i32
      %select_n3A_2808 = arith.select %and3A_2805, %sub3A_2807, %div3A_2786 : i32
      %add3A_2809 = arith.constant 14336 : i32
      %add3A_2810 = vector.broadcast %add3A_2809 : i32 to vector<16xi32>
      %add3A_2811 = arith.addi %mul3A_55, %add3A_2810 : vector<16xi32>
      %mul3A_2812 = arith.constant 64 : i32
      %mul3A_2813 = arith.muli %select_n3A_2768, %mul3A_2812 : i32
      %mul3A_2814 = arith.constant 64 : i32
      %mul3A_2815 = arith.muli %select_n3A_2808, %mul3A_2814 : i32
      %add3A_2816 = arith.constant 0 : i32
      %add3A_2817 = arith.addi %mul3A_2813, %add3A_2816 : i32
      %get3A_2818 = arith.index_cast %add3A_2817 : i32 to index
      %get3A_2819 = tpu.vector_load %arg9[%get3A_2818] {strides = array<i32>} : memref<448xi32, #tpu.memory_space<vmem>>, vector<16xi32>,
      %add3A_2820 = arith.constant 16 : i32
      %add3A_2821 = arith.addi %mul3A_2813, %add3A_2820 : i32
      %get3A_2822 = arith.index_cast %add3A_2821 : i32 to index
      %get3A_2823 = tpu.vector_load %arg9[%get3A_2822] {strides = array<i32>} : memref<448xi32, #tpu.memory_space<vmem>>, vector<16xi32>,
      %add3A_2824 = arith.constant 32 : i32
      %add3A_2825 = arith.addi %mul3A_2813, %add3A_2824 : i32
      %get3A_2826 = arith.index_cast %add3A_2825 : i32 to index
      %get3A_2827 = tpu.vector_load %arg9[%get3A_2826] {strides = array<i32>} : memref<448xi32, #tpu.memory_space<vmem>>, vector<16xi32>,
      %add3A_2828 = arith.constant 48 : i32
      %add3A_2829 = arith.addi %mul3A_2813, %add3A_2828 : i32
      %get3A_2830 = arith.index_cast %add3A_2829 : i32 to index
      %get3A_2831 = tpu.vector_load %arg9[%get3A_2830] {strides = array<i32>} : memref<448xi32, #tpu.memory_space<vmem>>, vector<16xi32>,
      %add3A_2832 = arith.constant 0 : i32
      %add3A_2833 = arith.addi %mul3A_2813, %add3A_2832 : i32
      %get3A_2834 = arith.index_cast %add3A_2833 : i32 to index
      %get3A_2835 = tpu.vector_load %arg10[%get3A_2834] {strides = array<i32>} : memref<448xf32, #tpu.memory_space<vmem>>, vector<16xf32>,
      %add3A_2836 = arith.constant 16 : i32
      %add3A_2837 = arith.addi %mul3A_2813, %add3A_2836 : i32
      %get3A_2838 = arith.index_cast %add3A_2837 : i32 to index
      %get3A_2839 = tpu.vector_load %arg10[%get3A_2838] {strides = array<i32>} : memref<448xf32, #tpu.memory_space<vmem>>, vector<16xf32>,
      %add3A_2840 = arith.constant 32 : i32
      %add3A_2841 = arith.addi %mul3A_2813, %add3A_2840 : i32
      %get3A_2842 = arith.index_cast %add3A_2841 : i32 to index
      %get3A_2843 = tpu.vector_load %arg10[%get3A_2842] {strides = array<i32>} : memref<448xf32, #tpu.memory_space<vmem>>, vector<16xf32>,
      %add3A_2844 = arith.constant 48 : i32
      %add3A_2845 = arith.addi %mul3A_2813, %add3A_2844 : i32
      %get3A_2846 = arith.index_cast %add3A_2845 : i32 to index
      %get3A_2847 = tpu.vector_load %arg10[%get3A_2846] {strides = array<i32>} : memref<448xf32, #tpu.memory_space<vmem>>, vector<16xf32>,
      %broadcast_in_dim3A_2848 = arith.constant 0.000000e+00 : f32
      %broadcast_in_dim3A_2849 = vector.broadcast %broadcast_in_dim3A_2848 : f32 to vector<16xf32>
      %add3A_2850 = arith.constant 0 : i32
      %add3A_2851 = arith.addi %mul3A_2815, %add3A_2850 : i32
      %get3A_2852 = arith.index_cast %add3A_2851 : i32 to index
      %get3A_2853 = tpu.vector_load %arg11[%get3A_2852] {strides = array<i32>} : memref<448xi32, #tpu.memory_space<vmem>>, vector<16xi32>,
      %add3A_2854 = arith.addi %add3A_2811, %get3A_2853 : vector<16xi32>
      %broadcast_in_dim3A_2855 = arith.constant 0.000000e+00 : f32
      %broadcast_in_dim3A_2856 = vector.broadcast %broadcast_in_dim3A_2855 : f32 to vector<16xf32>
      %add3A_2857 = arith.addi %add3A_2854, %get3A_2819 : vector<16xi32>
      %gather3A_2858 = tpu.vector_load_idx %arg6[%add3A_2857] : memref<16384xf32, #tpu.memory_space<vmem>>[vector<16xi32>], vector<16xf32>,
      %mul3A_2859 = arith.mulf %get3A_2835, %gather3A_2858 : vector<16xf32>
      %add3A_2860 = arith.addf %broadcast_in_dim3A_2856, %mul3A_2859 : vector<16xf32>
      %add3A_2861 = arith.addi %add3A_2854, %get3A_2823 : vector<16xi32>
      %gather3A_2862 = tpu.vector_load_idx %arg6[%add3A_2861] : memref<16384xf32, #tpu.memory_space<vmem>>[vector<16xi32>], vector<16xf32>,
      %mul3A_2863 = arith.mulf %get3A_2839, %gather3A_2862 : vector<16xf32>
      %add3A_2864 = arith.addf %add3A_2860, %mul3A_2863 : vector<16xf32>
      %add3A_2865 = arith.addi %add3A_2854, %get3A_2827 : vector<16xi32>
      %gather3A_2866 = tpu.vector_load_idx %arg6[%add3A_2865] : memref<16384xf32, #tpu.memory_space<vmem>>[vector<16xi32>], vector<16xf32>,
      %mul3A_2867 = arith.mulf %get3A_2843, %gather3A_2866 : vector<16xf32>
      %add3A_2868 = arith.addf %add3A_2864, %mul3A_2867 : vector<16xf32>
      %add3A_2869 = arith.addi %add3A_2854, %get3A_2831 : vector<16xi32>
      %gather3A_2870 = tpu.vector_load_idx %arg6[%add3A_2869] : memref<16384xf32, #tpu.memory_space<vmem>>[vector<16xi32>], vector<16xf32>,
      %mul3A_2871 = arith.mulf %get3A_2847, %gather3A_2870 : vector<16xf32>
      %add3A_2872 = arith.addf %add3A_2868, %mul3A_2871 : vector<16xf32>
      %add3A_2873 = arith.constant 0 : i32
      %add3A_2874 = arith.addi %mul3A_2815, %add3A_2873 : i32
      %get3A_2875 = arith.index_cast %add3A_2874 : i32 to index
      %get3A_2876 = tpu.vector_load %arg12[%get3A_2875] {strides = array<i32>} : memref<448xf32, #tpu.memory_space<vmem>>, vector<16xf32>,
      %mul3A_2877 = arith.mulf %get3A_2876, %add3A_2872 : vector<16xf32>
      %add3A_2878 = arith.addf %broadcast_in_dim3A_2849, %mul3A_2877 : vector<16xf32>
      %add3A_2879 = arith.constant 16 : i32
      %add3A_2880 = arith.addi %mul3A_2815, %add3A_2879 : i32
      %get3A_2881 = arith.index_cast %add3A_2880 : i32 to index
      %get3A_2882 = tpu.vector_load %arg11[%get3A_2881] {strides = array<i32>} : memref<448xi32, #tpu.memory_space<vmem>>, vector<16xi32>,
      %add3A_2883 = arith.addi %add3A_2811, %get3A_2882 : vector<16xi32>
      %broadcast_in_dim3A_2884 = arith.constant 0.000000e+00 : f32
      %broadcast_in_dim3A_2885 = vector.broadcast %broadcast_in_dim3A_2884 : f32 to vector<16xf32>
      %add3A_2886 = arith.addi %add3A_2883, %get3A_2819 : vector<16xi32>
      %gather3A_2887 = tpu.vector_load_idx %arg6[%add3A_2886] : memref<16384xf32, #tpu.memory_space<vmem>>[vector<16xi32>], vector<16xf32>,
      %mul3A_2888 = arith.mulf %get3A_2835, %gather3A_2887 : vector<16xf32>
      %add3A_2889 = arith.addf %broadcast_in_dim3A_2885, %mul3A_2888 : vector<16xf32>
      %add3A_2890 = arith.addi %add3A_2883, %get3A_2823 : vector<16xi32>
      %gather3A_2891 = tpu.vector_load_idx %arg6[%add3A_2890] : memref<16384xf32, #tpu.memory_space<vmem>>[vector<16xi32>], vector<16xf32>,
      %mul3A_2892 = arith.mulf %get3A_2839, %gather3A_2891 : vector<16xf32>
      %add3A_2893 = arith.addf %add3A_2889, %mul3A_2892 : vector<16xf32>
      %add3A_2894 = arith.addi %add3A_2883, %get3A_2827 : vector<16xi32>
      %gather3A_2895 = tpu.vector_load_idx %arg6[%add3A_2894] : memref<16384xf32, #tpu.memory_space<vmem>>[vector<16xi32>], vector<16xf32>,
      %mul3A_2896 = arith.mulf %get3A_2843, %gather3A_2895 : vector<16xf32>
      %add3A_2897 = arith.addf %add3A_2893, %mul3A_2896 : vector<16xf32>
      %add3A_2898 = arith.addi %add3A_2883, %get3A_2831 : vector<16xi32>
      %gather3A_2899 = tpu.vector_load_idx %arg6[%add3A_2898] : memref<16384xf32, #tpu.memory_space<vmem>>[vector<16xi32>], vector<16xf32>,
      %mul3A_2900 = arith.mulf %get3A_2847, %gather3A_2899 : vector<16xf32>
      %add3A_2901 = arith.addf %add3A_2897, %mul3A_2900 : vector<16xf32>
      %add3A_2902 = arith.constant 16 : i32
      %add3A_2903 = arith.addi %mul3A_2815, %add3A_2902 : i32
      %get3A_2904 = arith.index_cast %add3A_2903 : i32 to index
      %get3A_2905 = tpu.vector_load %arg12[%get3A_2904] {strides = array<i32>} : memref<448xf32, #tpu.memory_space<vmem>>, vector<16xf32>,
      %mul3A_2906 = arith.mulf %get3A_2905, %add3A_2901 : vector<16xf32>
      %add3A_2907 = arith.addf %add3A_2878, %mul3A_2906 : vector<16xf32>
      %add3A_2908 = arith.constant 32 : i32
      %add3A_2909 = arith.addi %mul3A_2815, %add3A_2908 : i32
      %get3A_2910 = arith.index_cast %add3A_2909 : i32 to index
      %get3A_2911 = tpu.vector_load %arg11[%get3A_2910] {strides = array<i32>} : memref<448xi32, #tpu.memory_space<vmem>>, vector<16xi32>,
      %add3A_2912 = arith.addi %add3A_2811, %get3A_2911 : vector<16xi32>
      %broadcast_in_dim3A_2913 = arith.constant 0.000000e+00 : f32
      %broadcast_in_dim3A_2914 = vector.broadcast %broadcast_in_dim3A_2913 : f32 to vector<16xf32>
      %add3A_2915 = arith.addi %add3A_2912, %get3A_2819 : vector<16xi32>
      %gather3A_2916 = tpu.vector_load_idx %arg6[%add3A_2915] : memref<16384xf32, #tpu.memory_space<vmem>>[vector<16xi32>], vector<16xf32>,
      %mul3A_2917 = arith.mulf %get3A_2835, %gather3A_2916 : vector<16xf32>
      %add3A_2918 = arith.addf %broadcast_in_dim3A_2914, %mul3A_2917 : vector<16xf32>
      %add3A_2919 = arith.addi %add3A_2912, %get3A_2823 : vector<16xi32>
      %gather3A_2920 = tpu.vector_load_idx %arg6[%add3A_2919] : memref<16384xf32, #tpu.memory_space<vmem>>[vector<16xi32>], vector<16xf32>,
      %mul3A_2921 = arith.mulf %get3A_2839, %gather3A_2920 : vector<16xf32>
      %add3A_2922 = arith.addf %add3A_2918, %mul3A_2921 : vector<16xf32>
      %add3A_2923 = arith.addi %add3A_2912, %get3A_2827 : vector<16xi32>
      %gather3A_2924 = tpu.vector_load_idx %arg6[%add3A_2923] : memref<16384xf32, #tpu.memory_space<vmem>>[vector<16xi32>], vector<16xf32>,
      %mul3A_2925 = arith.mulf %get3A_2843, %gather3A_2924 : vector<16xf32>
      %add3A_2926 = arith.addf %add3A_2922, %mul3A_2925 : vector<16xf32>
      %add3A_2927 = arith.addi %add3A_2912, %get3A_2831 : vector<16xi32>
      %gather3A_2928 = tpu.vector_load_idx %arg6[%add3A_2927] : memref<16384xf32, #tpu.memory_space<vmem>>[vector<16xi32>], vector<16xf32>,
      %mul3A_2929 = arith.mulf %get3A_2847, %gather3A_2928 : vector<16xf32>
      %add3A_2930 = arith.addf %add3A_2926, %mul3A_2929 : vector<16xf32>
      %add3A_2931 = arith.constant 32 : i32
      %add3A_2932 = arith.addi %mul3A_2815, %add3A_2931 : i32
      %get3A_2933 = arith.index_cast %add3A_2932 : i32 to index
      %get3A_2934 = tpu.vector_load %arg12[%get3A_2933] {strides = array<i32>} : memref<448xf32, #tpu.memory_space<vmem>>, vector<16xf32>,
      %mul3A_2935 = arith.mulf %get3A_2934, %add3A_2930 : vector<16xf32>
      %add3A_2936 = arith.addf %add3A_2907, %mul3A_2935 : vector<16xf32>
      %add3A_2937 = arith.constant 48 : i32
      %add3A_2938 = arith.addi %mul3A_2815, %add3A_2937 : i32
      %get3A_2939 = arith.index_cast %add3A_2938 : i32 to index
      %get3A_2940 = tpu.vector_load %arg11[%get3A_2939] {strides = array<i32>} : memref<448xi32, #tpu.memory_space<vmem>>, vector<16xi32>,
      %add3A_2941 = arith.addi %add3A_2811, %get3A_2940 : vector<16xi32>
      %broadcast_in_dim3A_2942 = arith.constant 0.000000e+00 : f32
      %broadcast_in_dim3A_2943 = vector.broadcast %broadcast_in_dim3A_2942 : f32 to vector<16xf32>
      %add3A_2944 = arith.addi %add3A_2941, %get3A_2819 : vector<16xi32>
      %gather3A_2945 = tpu.vector_load_idx %arg6[%add3A_2944] : memref<16384xf32, #tpu.memory_space<vmem>>[vector<16xi32>], vector<16xf32>,
      %mul3A_2946 = arith.mulf %get3A_2835, %gather3A_2945 : vector<16xf32>
      %add3A_2947 = arith.addf %broadcast_in_dim3A_2943, %mul3A_2946 : vector<16xf32>
      %add3A_2948 = arith.addi %add3A_2941, %get3A_2823 : vector<16xi32>
      %gather3A_2949 = tpu.vector_load_idx %arg6[%add3A_2948] : memref<16384xf32, #tpu.memory_space<vmem>>[vector<16xi32>], vector<16xf32>,
      %mul3A_2950 = arith.mulf %get3A_2839, %gather3A_2949 : vector<16xf32>
      %add3A_2951 = arith.addf %add3A_2947, %mul3A_2950 : vector<16xf32>
      %add3A_2952 = arith.addi %add3A_2941, %get3A_2827 : vector<16xi32>
      %gather3A_2953 = tpu.vector_load_idx %arg6[%add3A_2952] : memref<16384xf32, #tpu.memory_space<vmem>>[vector<16xi32>], vector<16xf32>,
      %mul3A_2954 = arith.mulf %get3A_2843, %gather3A_2953 : vector<16xf32>
      %add3A_2955 = arith.addf %add3A_2951, %mul3A_2954 : vector<16xf32>
      %add3A_2956 = arith.addi %add3A_2941, %get3A_2831 : vector<16xi32>
      %gather3A_2957 = tpu.vector_load_idx %arg6[%add3A_2956] : memref<16384xf32, #tpu.memory_space<vmem>>[vector<16xi32>], vector<16xf32>,
      %mul3A_2958 = arith.mulf %get3A_2847, %gather3A_2957 : vector<16xf32>
      %add3A_2959 = arith.addf %add3A_2955, %mul3A_2958 : vector<16xf32>
      %add3A_2960 = arith.constant 48 : i32
      %add3A_2961 = arith.addi %mul3A_2815, %add3A_2960 : i32
      %get3A_2962 = arith.index_cast %add3A_2961 : i32 to index
      %get3A_2963 = tpu.vector_load %arg12[%get3A_2962] {strides = array<i32>} : memref<448xf32, #tpu.memory_space<vmem>>, vector<16xf32>,
      %mul3A_2964 = arith.mulf %get3A_2963, %add3A_2959 : vector<16xf32>
      %add3A_2965 = arith.addf %add3A_2936, %mul3A_2964 : vector<16xf32>
      %swap3A_2966 = arith.constant 7 : i32
      %swap3A_2967 = arith.index_cast %swap3A_2966 : i32 to index
      %swap3A_2968 = arith.index_cast %mul3A_12 : i32 to index
      %swap3A_2969 = tpu.vector_load %arg13[%swap3A_2967, %swap3A_2968] {strides = array<i32>} : memref<8x5008xf32, #tpu.memory_space<vmem>>, vector<16xf32>,
      tpu.vector_store %arg13[%swap3A_2967, %swap3A_2968], %add3A_2965 {strides = array<i32>} : memref<8x5008xf32, #tpu.memory_space<vmem>>, vector<16xf32>,
    }
    %scan3A_9 = arith.constant 313 : i32
    "tpu.region"() ({
      %run_scoped3A = tpu.sem_alloc : memref<!tpu.dma_semaphore, #tpu.memory_space<semaphore_mem>>
      %dma_start3A = arith.constant 0 : i32
      %dma_start3A_10 = tpu.memref_slice %arg5[%mul3A_2, %dma_start3A] : memref<256x5008xf32, #tpu.memory_space<hbm>> -> memref<8x5008xf32, #tpu.memory_space<hbm>>
      %dma_start3A_11 = arith.constant 0 : i32
      %dma_start3A_12 = tpu.memref_slice %arg5[%mul3A_2, %dma_start3A_11] : memref<256x5008xf32, #tpu.memory_space<hbm>> -> memref<8x5008xf32, #tpu.memory_space<hbm>>
      tpu.enqueue_dma source(%arg13 : memref<8x5008xf32, #tpu.memory_space<vmem>>) target(%dma_start3A_12 : memref<8x5008xf32, #tpu.memory_space<hbm>>) target_semaphore(%run_scoped3A : memref<!tpu.dma_semaphore, #tpu.memory_space<semaphore_mem>>)
      %dma_wait3A = arith.constant 0 : i32
      %dma_wait3A_13 = tpu.memref_slice %arg5[%mul3A_2, %dma_wait3A] : memref<256x5008xf32, #tpu.memory_space<hbm>> -> memref<8x5008xf32, #tpu.memory_space<hbm>>
      %dma_wait3A_14 = arith.constant 0 : i32
      %dma_wait3A_15 = tpu.memref_slice %arg5[%mul3A_2, %dma_wait3A_14] : memref<256x5008xf32, #tpu.memory_space<hbm>> -> memref<8x5008xf32, #tpu.memory_space<hbm>>
      tpu.wait_dma2 semaphore(%run_scoped3A : memref<!tpu.dma_semaphore, #tpu.memory_space<semaphore_mem>>) src(%arg13 : memref<8x5008xf32, #tpu.memory_space<vmem>>) dst(%dma_wait3A_15 : memref<8x5008xf32, #tpu.memory_space<hbm>>)
      tpu.yield
    }) : () -> ()
    return
  }
}

</mosaic_0001>

<sc_bundles>
// kernel: _ps_roi_align_sc.3.cloned.1.call-start
scs
__scs_entry_jumppad:
0x0: {  	(pc) =	sbr.rel $0x88, $3  }
0x1: {  	(tag) =	ssettag $0x0;
	lr =	simm.s32 $0x1  }
0x2: {  	[smem:$0x3F9E] =	sst lr;
	_ =	strace $0xD0000000  }
0x3: {  	_ = 	snop  }
0x4: {  	_ = 	snop  }
0x5: {  	_ = 	snop  }
0x6: {  	_ = 	snop  }
0x7: {  	_ = 	snop  }
__scs_overlays_trampoline_lowered:
0x8: {  	[smem:$0x3FAD] =	sst s0  }
0x9: {  	[smem:$0x3FAE] =	sst s1  }
0xa: {  	[smem:$0x3FAF] =	sst s2  }
0xb: {  	[smem:$0x3FB0] =	sst s3  }
0xc: {  	[smem:$0x3FB1] =	sst s4  }
0xd: {  	[smem:$0x3FB2] =	sst s5  }
0xe: {  	[smem:$0x3FB3] =	sst s6  }
0xf: {  	[smem:$0x3FB4] =	sst s7  }
0x10: {  	[smem:$0x3FB5] =	sst s8  }
0x11: {  	[smem:$0x3FB6] =	sst s9;
	s0 =	simm.s32 @!p0 $0x0  }
0x12: {  	s1 =	sld [smem:$0x3F9C];
	s0 =	simm.s32 @p0 $0x1  }
0x13: {  	[smem:$0x3FB7] =	sst s0;
	s0 =	simm.s32 @!p1 $0x0  }
0x14: {  	s2 =	sld [smem:$0x3F9B];
	s0 =	simm.s32 @p1 $0x1  }
0x15: {  	[smem:$0x3FB8] =	sst s0;
	s0 =	simm.s32 @!p2 $0x0  }
0x16: {  	s3 =	sld [smem:$0x3FDB];
	s0 =	simm.s32 @p2 $0x1  }
0x17: {  	s4 =	simm.s32 $0x1BF5;
	[smem:$0x3FBA] =	sst s0  }
0x18: {  	s0 =	sld [smem:$0x3F9D];
	_ =	swait.ge [sflag:s4], $0x0  }
0x19: {  	s7 =	sld [smem:$0x3F9E]  }
0x1a: {  	s8 =	sadd.s32 $0xFFFFE003, lr  }
0x1b: {  	s9 =	sadd.s32 $0xFFFFFEF7, lr;
	s5 =	simm.s32 $0xFFFFFFFF;
	p2 =	slt.u32 s8, $0xFFFFF086  }
0x1c: {  	p1 =	slt.u32 s9, $0xF7A;
	s5 =	simm.s32 @!p2 $0x0  }
0x1d: {  	s5 =	simm.s32 @p1 $0x1;
	p0 =	seq.s32 s7, s2  }
0x1e: {  	s7 =	smul.u32 @!p0 $0xF7A, s2;
	p2 =	seq.s32 @!p0 s5, $0x0  }
0x1f: {  	s9 =	smul.u32 $0xF7A, s1;
	s8 =	simm.s32 @!p0 $0x1BF5;
	p2 =	por !p2, p0  }
0x20: {  	[sflag:s8] =	ssyncset.s32 @!p0 $0xFFFFF086;
	s6 =	sadd.s32 @!p0 s3, s7;
	s7 =	simm.s32 @!p0 $0x108  }
0x21: {  	s3 =	sadd.s32 s3, s9;
	s6 =	sadd.s32 @!p0 $0x88, s6;
	s7 =	simm.s32 @p2 $0x1082  }
0x22: {  	[simem:s7], [sflag:s8] =	dma.local @!p0 [hbm:s6], $0xF7A  }
0x23: {  	s9 =	sor.u32 $0xD0000000, s2;
	s6 =	simm.s32 $0x108;
	_ =	swait.ge @!p0 [sflag:s8], $0x0  }
0x24: {  	s3 =	sadd.s32 $0x88, s3;
	s6 =	simm.s32 @!p1 $0x1082;
	[sflag:s4] =	ssyncset.s32 $0xFFFFF086  }
0x25: {  	[simem:s6], [sflag:s4] =	dma.local [hbm:s3], $0xF7A  }
0x26: {  	[smem:$0x3F9E] =	sst s1;
	(tag) =	ssettag s2;
	_ =	strace s9  }
0x27: {  	s1 =	sld [smem:$0x3FAE]  }
0x28: {  	s2 =	sld [smem:$0x3FAF]  }
0x29: {  	s4 =	sld [smem:$0x3FB1]  }
0x2a: {  	p0 =	seq.s32 s5, $0x0;
	s5 =	sld [smem:$0x3FB2]  }
0x2b: {  	s6 =	sld [smem:$0x3FB3]  }
0x2c: {  	s7 =	sld [smem:$0x3FB4]  }
0x2d: {  	s3 =	simm.s32 $0x108;
	s8 =	sld [smem:$0x3FB5]  }
0x2e: {  	s3 =	simm.s32 @!p0 $0x1082;
	s9 =	sld [smem:$0x3FB6]  }
0x2f: {  	lr =	sadd.s32 s0, s3;
	s0 =	sld [smem:$0x3FAD]  }
0x30: {  	s3 =	sld [smem:$0x3FB0]  }
0x31: {  	[smem:$0x3FB9] =	sst s10  }
0x32: {  	s10 =	sld [smem:$0x3FB7];
	_ =	sdelay $0x3  }
0x33: {  	p0 =	seq.s32 s10, $0x1;
	s10 =	sld [smem:$0x3FB9];
	_ =	sdelay $0x3  }
0x34: {  	[smem:$0x3FB9] =	sst s10  }
0x35: {  	s10 =	sld [smem:$0x3FB8];
	_ =	sdelay $0x3  }
0x36: {  	p1 =	seq.s32 s10, $0x1;
	s10 =	sld [smem:$0x3FB9];
	_ =	sdelay $0x3  }
0x37: {  	[smem:$0x3FB9] =	sst s10  }
0x38: {  	s10 =	sld [smem:$0x3FBA]  }
0x39: {  	_ = 	snop;
	(pc) =	sbr.ind lr, $3  }
0x3a: {  	_ = 	snop  }
0x3b: {  	_ = 	snop  }
0x3c: {  	p2 =	seq.s32 s10, $0x1;
	s10 =	sld [smem:$0x3FB9]  }
0x3d: {  	_ =	shalt  }
0x3e: {  	_ =	shalt  }
0x3f: {  	_ =	shalt  }
0x40: {  	_ =	shalt  }
0x41: {  	_ =	shalt  }
0x42: {  	_ =	shalt  }
0x43: {  	_ =	shalt  }
0x44: {  	_ =	shalt  }
0x45: {  	_ =	shalt  }
0x46: {  	_ =	shalt  }
0x47: {  	_ =	shalt  }
0x48: {  	_ =	shalt  }
0x49: {  	_ =	shalt  }
0x4a: {  	_ =	shalt  }
0x4b: {  	_ =	shalt  }
0x4c: {  	_ =	shalt  }
0x4d: {  	_ =	shalt  }
0x4e: {  	_ =	shalt  }
0x4f: {  	_ =	shalt  }
0x50: {  	_ =	shalt  }
0x51: {  	_ =	shalt  }
0x52: {  	_ =	shalt  }
0x53: {  	_ =	shalt  }
0x54: {  	_ =	shalt  }
0x55: {  	_ =	shalt  }
0x56: {  	_ =	shalt  }
0x57: {  	_ =	shalt  }
0x58: {  	_ =	shalt  }
0x59: {  	_ =	shalt  }
0x5a: {  	_ =	shalt  }
0x5b: {  	_ =	shalt  }
0x5c: {  	_ =	shalt  }
0x5d: {  	_ =	shalt  }
0x5e: {  	_ =	shalt  }
0x5f: {  	_ =	shalt  }
0x60: {  	_ =	shalt  }
0x61: {  	_ =	shalt  }
0x62: {  	_ =	shalt  }
0x63: {  	_ =	shalt  }
0x64: {  	_ =	shalt  }
0x65: {  	_ =	shalt  }
0x66: {  	_ =	shalt  }
0x67: {  	_ =	shalt  }
0x68: {  	_ =	shalt  }
0x69: {  	_ =	shalt  }
0x6a: {  	_ =	shalt  }
0x6b: {  	_ =	shalt  }
0x6c: {  	_ =	shalt  }
0x6d: {  	_ =	shalt  }
0x6e: {  	_ =	shalt  }
0x6f: {  	_ =	shalt  }
0x70: {  	_ =	shalt  }
0x71: {  	_ =	shalt  }
0x72: {  	_ =	shalt  }
0x73: {  	_ =	shalt  }
0x74: {  	_ =	shalt  }
0x75: {  	_ =	shalt  }
0x76: {  	_ =	shalt  }
0x77: {  	_ =	shalt  }
0x78: {  	_ =	shalt  }
0x79: {  	_ =	shalt  }
0x7a: {  	_ =	shalt  }
0x7b: {  	_ =	shalt  }
0x7c: {  	_ =	shalt  }
0x7d: {  	_ =	shalt  }
0x7e: {  	_ =	shalt  }
0x7f: {  	_ =	shalt  }
0x80: {  	_ =	shalt  }
0x81: {  	_ =	shalt  }
0x82: {  	_ =	shalt  }
0x83: {  	_ =	shalt  }
0x84: {  	_ =	shalt  }
0x85: {  	_ =	shalt  }
0x86: {  	_ =	shalt  }
0x87: {  	_ =	shalt  }
.Lfunc_end0:
.L_simem_size_0:
called_computation_lowered:
.L_overlay_start_0:
0x88: {  	s2 =	sld [smem:$0x3FD9]  }
0x89: {  	s3 =	sld [smem:$0x3FFE];
	_ =	sdelay $0x1  }
0x8a: {  	s1 =	srdreg.scid  }
0x8b: {  	s0 =	sand.u32 $0x1, s1  }
0x8c: {  	s17 =	sshll.u32 s0, $0xA;
	s2 =	sadd.s32 s3, s2  }
0x8d: {  	s2 =	sadd.s32 s2, s17  }
0x8e: {  	[smem:$0x3FC5] =	sst s2  }
0x8f: {  	_ = 	snop  }
0x90: {  	s2 =	sld [smem:$0x3FC9]  }
0x91: {  	s18 =	sld [smem:$0x3FC8]  }
0x92: {  	s4 =	sld [smem:$0x3FC7];
	(tm) =	ssettm $0x1  }
0x93: {  	s5 =	sld [smem:$0x3FFB];
	_ =	sdelay $0x3  }
0x94: {  	_ =	strace s5  }
0x95: {  	s5 =	sld [smem:$0x3FFC];
	_ =	sdelay $0x3  }
0x96: {  	_ =	strace s5  }
0x97: {  	s5 =	sld [smem:$0x3FFD];
	_ =	sdelay $0x3  }
0x98: {  	_ =	strace s5  }
0x99: {  	_ =	strace $0x8FFFFFFF  }
0x9a: {  	s19 =	sld [smem:$0x3FDB];
	_ =	sdelay $0x1  }
0x9b: {  	s6 =	simm.s32 $_scs_section_size  }
0x9c: {  	s7 =	simm.s32 $_size__tile_overlayer_lowered;
	s8 =	simm.s32 $_tile_overlayer_lowered  }
0x9d: {  	s22 =	simm.s32 $0x1BFF;
	s21 =	sshll.u32 s8, $0x1;
	s5 =	sadd.s32 s6, s19  }
0x9e: {  	s9 =	simm.s32 $0x0;
	s20 =	sshll.u32 s7, $0x1;
	s7 =	sadd.s32 s21, s5  }
0x9f: {  	[timem:s9], [sflag:s22] =	dma.local [hbm:s7], s20  }
0xa0: {  	_ =	swait.ge [sflag:s22], s20  }
0xa1: {  	s6 =	ssub.s32 $0x0, s20;
	[sflag:s22] =	ssyncset.done $0x0  }
0xa2: {  	[sflag:s22] =	ssyncadd.s32 s6;
	_ =	sdelay $0x1  }
0xa3: {  	s23 =	simm.s32 $0x1B8B  }
0xa4: {  	_ =	swait.ge [sflag:s23], $0x1  }
0xa5: {  	[sflag:s23] =	ssyncset.done $0x0  }
0xa6: {  	s25 =	simm.s32 $0x1B8E;
	s24 =	sld [smem:$0x3FFE];
	[sflag:s23] =	ssyncadd.s32 $0xFFFFFFFF  }
0xa7: {  	s26 =	simm.s32 $execute0_lowered;
	[smem:$0x3FD2] =	sst s25  }
0xa8: {  	s7 =	sshll.u32 s26, $0x1;
	_ =	strace $0x80000046;
	[dreg:$0x1] =	wrdreg $0xFFFFFFFF  }
0xa9: {  	s28 =	simm.s32 $_size_execute0_lowered;
	s5 =	sadd.s32 s5, s7;
	[dreg:$0x0] =	wrdreg $0x0  }
0xaa: {  	s7 =	sshll.u32 s28, $0x1;
	[dreg:$0x2] =	wrdreg s5  }
0xab: {  	[dreg:$0x3] =	wrdreg s7  }
0xac: {  	[dreg:$0x4] =	wrdreg $0xC0  }
0xad: {  	_ =	task [dreg:s9], $0x5FFFF  }
0xae: {  	[dreg:$0x1] =	wrdreg $0xFFFFFFFF  }
0xaf: {  	[dreg:$0x0] =	wrdreg $0x60  }
0xb0: {  	[dreg:$0x2] =	wrdreg s2  }
0xb1: {  	[dreg:$0x3] =	wrdreg s18  }
0xb2: {  	[dreg:$0x4] =	wrdreg s4  }
0xb3: {  	[dreg:$0x5] =	wrdreg s24  }
0xb4: {  	[dreg:$0x6] =	wrdreg $0x9  }
0xb5: {  	_ =	task.clear_ibuf [dreg:s9], $0x7FFFF;
	_ =	strace $0x90000046  }
0xb6: {  	s29 =	simm.s32 $0x9;
	_ =	strace $0x80000048  }
0xb7: {  	_ =	swait.ge [sflag:s29], $0x1  }
0xb8: {  	[sflag:s29] =	ssyncadd.s32 $0xFFFFFFFF  }
0xb9: {  	_ =	strace $0x90000048  }
0xba: {  	_ =	sfence  }
0xbb: {  	s30 =	sld [smem:$0x0];
	_ =	sdelay $0x2  }
0xbc: {  	s31 =	sshll.u32 s1, $0xD;
	s1 =	sshrl.u32 s1, $0x2  }
0xbd: {  	s3 =	sand.u32 $0x4000, s31;
	s1 =	sadd.s32 s1, s30  }
0xbe: {  	s0 =	sor.u32 s3, s0;
	s1 =	sshll.u32 s1, $0x11  }
0xbf: {  	s0 =	sor.u32 s1, s0  }
0xc0: {  	s0 =	sadd.s32 $0x8F2B, s0  }
0xc1: {  	[sflag:s0] =	ssyncadd.remote.s32 $0x1  }
0xc2: {  	_ =	sfence.sel $0xFFFF  }
0xc3: {  	[dreg:$0x0] =	wrdreg $0xFFFFFFFF;
	(pc) =	sbr.abs _section_cstart, $3  }
0xc4: {  	[dreg:$0x1] =	wrdreg $0xFFFFFFFF  }
0xc5: {  	_ =	task.clear_ibuf [dreg:s9], $0x2FFFF;
	_ =	strace $0x9FFFFFFF  }
0xc6: {  	(tm) =	ssettm $0x7FFFFFFF  }
0xc7: {  	_ =	shalt  }
tec
execute0_lowered:
.L_overlay_start_1:
0x0: {  	(tag) =	ssettag $0x1  }
0x1: {  	s0 =	srdreg.scid;
	s1 =	stileid.u32  }
0x2: {  	s0 =	sand.u32 $0x1, s0;
	s1 =	sshll.u32 s1, $0x1  }
0x3: {  	s2 =	sor.u32 s0, s1  }
0x4: {  	s3 =	rddreg [dreg:$0x0];
	s1 =	smul.u32 $0x128, s2  }
0x5: {  	s4 =	rddreg [dreg:$0x3];
	s6 =	smul.u32 $0x1400, s2  }
0x6: {  	s26 =	ssub.s32 $0x2, s0;
	s5 =	sshll.u32 s2, $0x3;
	s9 =	smul.u32 $0x278, s2  }
0x7: {  	s10 =	sshrl.u32 s26, $0x1;
	s14 =	sshll.u32 s2, $0xB;
	s2 =	sshllo.u32 s2, $0x3  }
0x8: {  	s3 =	sadd.s32 s3, s14;
	s7 =	sshrl.u32 s1, $0x8;
	s0 =	sadd.s32 s6, s4  }
0x9: {  	s1 =	ssub.s32 s26, s10;
	s13 =	sshrl.u32 s9, $0x8;
	s9 =	sor.u32 $0x1, s5  }
0xa: {  	[dreg:$0x5] =	wrdreg s3;
	s8 =	ssub.s32 s5, s7;
	s10 =	smul.u32 $0x25, s9  }
0xb: {  	s15 =	ssub.s32 s5, s13;
	s19 =	smul.u32 $0x4F, s9;
	s11 =	sand.u32 $0xFE, s8  }
0xc: {  	s0 =	sadd.s32 $0x400, s0;
	s1 =	smax.u32 s1, $0x1;
	s12 =	sshrl.u32 s11, $0x1  }
0xd: {  	s18 =	sshrl.u32 s10, $0x8;
	s10 =	sor.u32 $0x2, s5;
	s4 =	sadd.s32 s7, s12  }
0xe: {  	s7 =	sand.u32 $0xFE, s15;
	s20 =	ssub.s32 s9, s18;
	s12 =	smul.u32 $0x25, s10  }
0xf: {  	s4 =	sand.u32 $0xFC, s4;
	s7 =	sshrl.u32 s7, $0x1;
	s8 =	sand.u32 $0xFE, s20  }
0x10: {  	s4 =	sshrl.u32 s4, $0x2;
	s17 =	sadd.s32 s13, s7;
	s7 =	sshrl.u32 s19, $0x8  }
0x11: {  	s8 =	sshrl.u32 s8, $0x1;
	s22 =	sshrl.u32 s12, $0x8;
	s13 =	smul.u32 $0x4F, s10  }
0x12: {  	s16 =	smul.u32 $0x7, s4;
	s4 =	sand.u32 $0xE0, s17;
	s11 =	ssub.s32 s9, s7  }
0x13: {  	s6 =	sadd.s32 s18, s8;
	s23 =	ssub.s32 s10, s22;
	s4 =	sshrl.u32 s4, $0x5  }
0x14: {  	s21 =	sand.u32 $0xFE, s11;
	s6 =	sand.u32 $0xFC, s6;
	s26 =	sshrl.u32 s13, $0x8  }
0x15: {  	s11 =	sor.u32 $0x3, s5;
	s3 =	ssub.s32 s5, s16;
	s4 =	smul.u32 $0x31, s4  }
0x16: {  	s8 =	sshrl.u32 s21, $0x1;
	s6 =	sshrl.u32 s6, $0x2;
	s15 =	smul.u32 $0x25, s11  }
0x17: {  	s14 =	ssub.s32 s10, s26;
	s7 =	sadd.s32 s7, s8;
	s6 =	smul.u32 $0x7, s6  }
0x18: {  	s8 =	sand.u32 $0xFE, s23;
	s18 =	sand.u32 $0xFE, s14;
	s3 =	sand.u32 $0xFF, s3  }
0x19: {  	s7 =	sand.u32 $0xE0, s7;
	s24 =	sshrl.u32 s8, $0x1;
	s20 =	sshrl.u32 s15, $0x8  }
0x1a: {  	s15 =	sor.u32 $0x4, s5;
	s25 =	sadd.s32 s22, s24;
	s22 =	smul.u32 $0x4F, s11  }
0x1b: {  	s8 =	ssub.s32 s5, s4;
	s19 =	sshrl.u32 s18, $0x1;
	s24 =	smul.u32 $0x25, s15  }
0x1c: {  	s7 =	sshrl.u32 s7, $0x5;
	s21 =	ssub.s32 s11, s20;
	s18 =	smul.u32 $0x4F, s15  }
0x1d: {  	s8 =	sand.u32 $0xFF, s8;
	s7 =	smul.u32 $0x31, s7;
	s4 =	sand.u32 $0xFC, s25  }
0x1e: {  	s12 =	sand.u32 $0xFE, s21;
	s8 =	smul.u32 $0x25, s8;
	s16 =	sshrl.u32 s4, $0x2  }
0x1f: {  	s4 =	ssub.s32 s9, s6;
	s12 =	sshrl.u32 s12, $0x1;
	s23 =	sshrl.u32 s22, $0x8  }
0x20: {  	s14 =	sshrl.u32 s24, $0x8;
	s17 =	smul.u32 $0x7, s16;
	s7 =	ssub.s32 s9, s7  }
0x21: {  	s9 =	sadd.s32 s26, s19;
	s12 =	sadd.s32 s20, s12;
	s16 =	ssub.s32 s11, s23  }
0x22: {  	s8 =	sshrl.u32 s8, $0x2;
	s4 =	sand.u32 $0xFF, s4;
	s9 =	sand.u32 $0xE0, s9  }
0x23: {  	s12 =	sand.u32 $0xFC, s12;
	s16 =	sand.u32 $0xFE, s16;
	s7 =	sand.u32 $0xFF, s7  }
0x24: {  	s6 =	ssub.s32 s10, s17;
	s9 =	sshrl.u32 s9, $0x5;
	s7 =	smul.u32 $0x25, s7  }
0x25: {  	s12 =	sshrl.u32 s12, $0x2;
	s16 =	sshrl.u32 s16, $0x1;
	s9 =	smul.u32 $0x31, s9  }
0x26: {  	s17 =	ssub.s32 s15, s14;
	s12 =	smul.u32 $0x7, s12;
	s13 =	sadd.s32 s23, s16  }
0x27: {  	s25 =	sand.u32 $0xFE, s17;
	s16 =	sor.u32 $0x5, s5;
	s26 =	sand.u32 $0xE0, s13  }
0x28: {  	s17 =	sshrl.u32 s25, $0x1;
	s19 =	smul.u32 $0x25, s16;
	s10 =	ssub.s32 s10, s9  }
0x29: {  	s9 =	ssub.s32 s11, s12;
	s13 =	sadd.s32 s14, s17;
	s12 =	sshrl.u32 s26, $0x5  }
0x2a: {  	s14 =	sshrl.u32 s18, $0x8;
	s13 =	sand.u32 $0xFC, s13;
	s12 =	smul.u32 $0x31, s12  }
0x2b: {  	s18 =	ssub.s32 s15, s14;
	s17 =	sshrl.u32 s19, $0x8;
	s19 =	smul.u32 $0x4F, s16  }
0x2c: {  	s13 =	sshrl.u32 s13, $0x2;
	s18 =	sand.u32 $0xFE, s18;
	s20 =	ssub.s32 s16, s17  }
0x2d: {  	s13 =	smul.u32 $0x7, s13;
	s18 =	sshrl.u32 s18, $0x1;
	s20 =	sand.u32 $0xFE, s20  }
0x2e: {  	s19 =	sshrl.u32 s19, $0x8;
	s14 =	sadd.s32 s14, s18;
	s20 =	sshrl.u32 s20, $0x1  }
0x2f: {  	s21 =	ssub.s32 s16, s19;
	s14 =	sand.u32 $0xE0, s14;
	s17 =	sadd.s32 s17, s20  }
0x30: {  	s22 =	sand.u32 $0xFE, s21;
	s14 =	sshrl.u32 s14, $0x5;
	s17 =	sand.u32 $0xFC, s17  }
0x31: {  	s18 =	sshrl.u32 s22, $0x1;
	s23 =	smul.u32 $0x31, s14;
	s24 =	sshrl.u32 s17, $0x2  }
0x32: {  	s25 =	sadd.s32 s19, s18;
	s19 =	sor.u32 $0x6, s5;
	s26 =	smul.u32 $0x7, s24  }
0x33: {  	s6 =	sand.u32 $0xFF, s6;
	s7 =	sshrl.u32 s7, $0x2;
	s21 =	smul.u32 $0x25, s19  }
0x34: {  	s14 =	ssub.s32 s11, s12;
	s17 =	sand.u32 $0xE0, s25;
	s22 =	smul.u32 $0x4F, s19  }
0x35: {  	s12 =	ssub.s32 s15, s13;
	s25 =	smul.u32 $0x25, s2;
	s17 =	sshrl.u32 s17, $0x5  }
0x36: {  	s15 =	ssub.s32 s15, s23;
	s5 =	smul.u32 $0x31, s17;
	s11 =	ssub.s32 s16, s26  }
0x37: {  	s17 =	sshrl.u32 s21, $0x8;
	s24 =	sshrl.u32 s22, $0x8;
	s21 =	smul.u32 $0x4F, s2  }
0x38: {  	s18 =	sshrl.u32 s25, $0x8;
	s23 =	ssub.s32 s19, s17;
	s26 =	ssub.s32 s19, s24  }
0x39: {  	s22 =	ssub.s32 s2, s18;
	s13 =	ssub.s32 s16, s5;
	s5 =	sand.u32 $0xFE, s23  }
0x3a: {  	s20 =	sand.u32 $0xFE, s26;
	s23 =	sand.u32 $0xFE, s22;
	s5 =	sshrl.u32 s5, $0x1  }
0x3b: {  	s22 =	sshrl.u32 s23, $0x1;
	s17 =	sadd.s32 s17, s5;
	s5 =	sshrl.u32 s20, $0x1  }
0x3c: {  	s21 =	sshrl.u32 s21, $0x8;
	s18 =	sadd.s32 s18, s22;
	s16 =	sadd.s32 s24, s5  }
0x3d: {  	s24 =	ssub.s32 s2, s21;
	s5 =	simm.s32 $0x0;
	s17 =	sand.u32 $0xFC, s17  }
0x3e: {  	s22 =	sshrl.u32 s18, $0x2;
	s18 =	sand.u32 $0x3C0, s7;
	s25 =	sand.u32 $0xFE, s24  }
0x3f: {  	[smem:$0x7FF] =	sst s5;
	s17 =	sshrl.u32 s17, $0x2;
	s16 =	sand.u32 $0xE0, s16  }
0x40: {  	s20 =	sshrl.u32 s25, $0x1;
	_ =	strace $0x80000047;
	[dreg:$0x6] =	wrdreg s0  }
0x41: {  	s17 =	smul.u32 $0x7, s17;
	s16 =	sshrl.u32 s16, $0x5;
	[dreg:$0x7] =	wrdreg s1  }
0x42: {  	s20 =	sadd.s32 s21, s20;
	s21 =	sshll.u32 s3, $0x6;
	s26 =	smul.u32 $0x31, s16  }
0x43: {  	s16 =	smul.u32 $0x7, s22;
	s22 =	sshll.u32 s4, $0x6;
	s23 =	sshrl.u32 s20, $0x5  }
0x44: {  	s20 =	sand.u32 $0x3C0, s8;
	s17 =	ssub.s32 s19, s17;
	s25 =	sor.u32 $0x10, s21  }
0x45: {  	s8 =	sand.u32 $0xFF, s12;
	s12 =	sand.u32 $0xFF, s13;
	s13 =	sand.u32 $0xFF, s11  }
0x46: {  	s24 =	smul.u32 $0x31, s23;
	s3 =	ssub.s32 s19, s26;
	[smem:$0x7EA] =	sst s25  }
0x47: {  	s16 =	ssub.s32 s2, s16;
	s26 =	sor.u32 $0x20, s21;
	s19 =	sand.u32 $0xFF, s10  }
0x48: {  	s23 =	sand.u32 $0xFF, s14;
	s10 =	sshll.u32 s6, $0x6;
	s25 =	sand.u32 $0xFF, s15  }
0x49: {  	s15 =	smov.u32 s21;
	s14 =	smov.u32 s18;
	s31 =	sshll.u32 s13, $0x6  }
0x4a: {  	s17 =	sand.u32 $0xFF, s17;
	[smem:$0x7EB] =	sst s26;
	s4 =	smul.u32 $0x25, s19  }
0x4b: {  	s26 =	sand.u32 $0xFF, s9;
	s7 =	smul.u32 $0x25, s25;
	s19 =	sand.u32 $0xFF, s16  }
0x4c: {  	s16 =	smov.u32 s20;
	s20 =	smov.u32 s22;
	s22 =	smov.u32 s10  }
0x4d: {  	s11 =	sor.u32 $0x10, s14;
	s13 =	sor.u32 $0x20, s14;
	[smem:$0x7EC] =	sst s14  }
0x4e: {  	s2 =	ssub.s32 s2, s24;
	s24 =	smul.u32 $0x25, s23;
	[dreg:$0xa] =	wrdreg s11  }
0x4f: {  	s25 =	sor.u32 $0x30, s20;
	[dreg:$0xb] =	wrdreg s13;
	s4 =	sshrl.u32 s4, $0x2  }
0x50: {  	[dreg:$0x9] =	wrdreg s25;
	s23 =	sand.u32 $0x3C0, s4;
	s6 =	sshrl.u32 s24, $0x2  }
0x51: {  	s4 =	smul.u32 $0x25, s12;
	s24 =	sshll.u32 s19, $0x6;
	s19 =	sor.u32 $0x20, s22  }
0x52: {  	s12 =	sor.u32 $0x30, s21;
	s21 =	sor.u32 $0x30, s22;
	[dreg:$0xe] =	wrdreg s19  }
0x53: {  	s3 =	sand.u32 $0xFF, s3;
	s28 =	sand.u32 $0x3C0, s6;
	[dreg:$0xf] =	wrdreg s21  }
0x54: {  	s6 =	sshll.u32 s17, $0x6;
	s17 =	sor.u32 $0x30, s14;
	[dreg:$0x8] =	wrdreg s12  }
0x55: {  	s3 =	smul.u32 $0x25, s3;
	s25 =	sor.u32 $0x10, s23;
	[dreg:$0xc] =	wrdreg s17  }
0x56: {  	s26 =	sshll.u32 s26, $0x6;
	s11 =	sor.u32 $0x20, s23;
	[dreg:$0x10] =	wrdreg s25  }
0x57: {  	s3 =	sshrl.u32 s3, $0x2;
	s13 =	sor.u32 $0x30, s23;
	[dreg:$0x11] =	wrdreg s11  }
0x58: {  	s18 =	sand.u32 $0x3C0, s3;
	s14 =	sor.u32 $0x10, s26;
	[dreg:$0x12] =	wrdreg s13  }
0x59: {  	s1 =	smov.u32 s18;
	s18 =	sor.u32 $0x10, s22;
	[dreg:$0x13] =	wrdreg s14  }
0x5a: {  	s17 =	sor.u32 $0x20, s26;
	[dreg:$0xd] =	wrdreg s18  }
0x5b: {  	s19 =	sor.u32 $0x10, s28;
	[dreg:$0x14] =	wrdreg s17  }
0x5c: {  	s21 =	sor.u32 $0x20, s28;
	[dreg:$0x16] =	wrdreg s19  }
0x5d: {  	s29 =	sshll.u32 s8, $0x6;
	s25 =	sor.u32 $0x30, s28;
	[dreg:$0x17] =	wrdreg s21  }
0x5e: {  	s11 =	sor.u32 $0x10, s29;
	[dreg:$0x18] =	wrdreg s25  }
0x5f: {  	s13 =	sor.u32 $0x20, s29;
	[dreg:$0x19] =	wrdreg s11  }
0x60: {  	s9 =	sshrl.u32 s7, $0x2;
	s14 =	sor.u32 $0x30, s29;
	[dreg:$0x1a] =	wrdreg s13  }
0x61: {  	s30 =	sand.u32 $0x3C0, s9;
	s18 =	sor.u32 $0x30, s26;
	[dreg:$0x1b] =	wrdreg s14  }
0x62: {  	s17 =	sor.u32 $0x10, s30;
	[dreg:$0x15] =	wrdreg s18  }
0x63: {  	s19 =	sor.u32 $0x30, s30;
	[dreg:$0x1c] =	wrdreg s17  }
0x64: {  	s21 =	sor.u32 $0x10, s31;
	[dreg:$0x1e] =	wrdreg s19  }
0x65: {  	s25 =	sor.u32 $0x20, s31;
	[dreg:$0x1f] =	wrdreg s21  }
0x66: {  	s11 =	sor.u32 $0x30, s31;
	[smem:$0x7ED] =	sst s25  }
0x67: {  	s0 =	smov.u32 s6;
	s18 =	sor.u32 $0x20, s30;
	[smem:$0x7EE] =	sst s11  }
0x68: {  	s2 =	sand.u32 $0xFF, s2;
	s19 =	sor.u32 $0x20, s0;
	[dreg:$0x1d] =	wrdreg s18  }
0x69: {  	s4 =	sshrl.u32 s4, $0x2;
	s21 =	sor.u32 $0x30, s0;
	[smem:$0x7F3] =	sst s19  }
0x6a: {  	s4 =	sand.u32 $0x3C0, s4;
	s25 =	sor.u32 $0x10, s1;
	[smem:$0x7F4] =	sst s21  }
0x6b: {  	s3 =	smov.u32 s4;
	s11 =	sor.u32 $0x20, s1;
	[smem:$0x7F5] =	sst s25  }
0x6c: {  	s2 =	smul.u32 $0x25, s2;
	s13 =	sor.u32 $0x10, s3;
	[smem:$0x7F6] =	sst s11  }
0x6d: {  	v0 =	vimm.f32 $7.000000000e+00;
	s14 =	sor.u32 $0x20, s3;
	[smem:$0x7EF] =	sst s13  }
0x6e: {  	(erf) = vrcp.f32 v0;
	s2 =	sshrl.u32 s2, $0x2;
	s17 =	sor.u32 $0x30, s3;
	[smem:$0x7F0] =	sst s14  }
0x6f: {  	s2 =	sand.u32 $0x3C0, s2;
	s18 =	sor.u32 $0x10, s0;
	[smem:$0x7F1] =	sst s17  }
0x70: {  	s19 =	sor.u32 $0x10, s2;
	[smem:$0x7F2] =	sst s18  }
0x71: {  	s8 =	sor.u32 $0x10, s20;
	s21 =	sor.u32 $0x20, s2;
	[smem:$0x7FB] =	sst s19  }
0x72: {  	s7 =	sor.u32 $0x30, s16;
	s25 =	sor.u32 $0x30, s2;
	[smem:$0x7FC] =	sst s21  }
0x73: {  	s4 =	smov.u32 s24;
	s13 =	sor.u32 $0x30, s1;
	[smem:$0x7FD] =	sst s25  }
0x74: {  	s9 =	sor.u32 $0x20, s20;
	s14 =	sor.u32 $0x10, s4;
	[smem:$0x7F7] =	sst s13  }
0x75: {  	s6 =	sor.u32 $0x20, s16;
	s17 =	sor.u32 $0x20, s4;
	[smem:$0x7F8] =	sst s14  }
0x76: {  	s24 =	sor.u32 $0x10, s16;
	s18 =	sor.u32 $0x30, s4;
	[smem:$0x7F9] =	sst s17  }
0x77: {  	v0 =	vpop (erf);
	s11 =	simm.s32 $0x0;
	[smem:$0x7FA] =	sst s18;
	s13 =	simm.s32 $0x1  }
.LBB2_1:
0x78: {  	[smem:$0x7E9] =	sst s11  }
0x79: {  	s10 =	rddreg [dreg:$0x5]  }
0x7a: {  	[tilespmem:s5], [sflag:$0x1] =	stream.linear.gather [hbm4b:s10+s5], $0x4000, $0x38;
	[tilespmem:$0x14A80] =	vst v63  }
0x7b: {  	_ =	swait.ge [sflag:s13], $0x4000  }
0x7c: {  	[sflag:s13] =	ssyncset.done $0x0  }
0x7d: {  	[sflag:s13] =	ssyncadd.s32 $0xFFFFC000  }
0x7e: {  	s21 =	simm.s32 $0x4000;
	s19 =	rddreg [dreg:$0x1]  }
0x7f: {  	[tilespmem:s21], [sflag:$0x1] =	stream.linear.gather [hbm4b:s19+s5], $0x4E80, $0x38;
	[tilespmem:$0x14A80] =	vst v63  }
0x80: {  	_ =	swait.ge [sflag:s13], $0x4E80  }
0x81: {  	[sflag:s13] =	ssyncset.done $0x0  }
0x82: {  	[sflag:s13] =	ssyncadd.s32 $0xFFFFB180  }
0x83: {  	s10 =	simm.s32 $0x8E80;
	s25 =	rddreg [dreg:$0x2]  }
0x84: {  	[tilespmem:s10], [sflag:$0x1] =	stream.linear.gather [hbm4b:s25+s5], $0x1400, $0x38;
	[tilespmem:$0x14A80] =	vst v63  }
0x85: {  	_ =	swait.ge [sflag:s13], $0x1400  }
0x86: {  	s11 =	simm.s32 $0x6720;
	s14 =	simm.s32 $0x0;
	[sflag:s13] =	ssyncset.done $0x0  }
0x87: {  	s25 =	simm.s32 $0x0;
	[sflag:s13] =	ssyncadd.s32 $0xFFFFEC00;
	s13 =	simm.s32 $0x0  }
.LBB2_2:
0x88: {  	v1 =	vld [tilespmem:s11+$0xFFFFD8E0]  }
0x89: {  	v3 =	vld [tilespmem:s11+$0x0];
	_ =	sdelay $0x1  }
0x8a: {  	v4 =	vld [tilespmem:s11+$0xFFFFEC70]  }
0x8b: {  	v5 =	vld [tilespmem:s11+$0x1390];
	_ =	sdelay $0x1  }
0x8c: {  	v2 =	vmul.f32 $6.250000000e-02, v1;
	v1 =	vmul.f32 $6.250000000e-02, v3;
	_ =	sdelay $0x1  }
0x8d: {  	v3 =	vsub.f32 v1, v2  }
0x8e: {  	v5 =	vmul.f32 $6.250000000e-02, v5;
	v1 =	vmul.f32 $6.250000000e-02, v4  }
0x8f: {  	v3 =	vmax.f32 v3, $1.000000000e+00  }
0x90: {  	v4 =	vmul.f32 v3, v0;
	v3 =	vsub.f32 v5, v1;
	_ =	sdelay $0x1  }
0x91: {  	v3 =	vmax.f32 v3, $1.000000000e+00  }
0x92: {  	v61 =	vmul.f32 $2.500000000e-01, v4;
	v3 =	vmul.f32 v3, v0  }
0x93: {  	v10 =	vmul.f32 $7.500000000e-01, v4;
	v31 =	vmul.f32 $1.250000000e+00, v4  }
0x94: {  	v40 =	vmul.f32 $1.750000000e+00, v4;
	v5 =	vadd.f32 v61, v2;
	v6 =	vmul.f32 $2.500000000e-01, v3  }
0x95: {  	v10 =	vadd.f32 v10, v2;
	v26 =	vmul.f32 $7.500000000e-01, v3;
	v20 =	vmul.f32 $1.250000000e+00, v3  }
0x96: {  	v33 =	vadd.f32 v31, v2;
	v43 =	vmul.f32 $1.750000000e+00, v3;
	v52 =	vmul.f32 $2.250000000e+00, v3  }
0x97: {  	v61 =	vmul.f32 $2.750000000e+00, v3;
	v5 =	vmax.f32 v5, $0.0e+00;
	v63 =	vmax.f32 v10, $0.0e+00  }
0x98: {  	v10 =	vadd.f32 v40, v2;
	v40 =	vmul.f32 $2.750000000e+00, v4;
	v7 =	vtrunc.f32 v5  }
0x99: {  	v6 =	vadd.f32 v6, v1;
	v24 =	vtrunc.f32 v63;
	v28 =	vadd.f32 v26, v1  }
0x9a: {  	v36 =	vadd.f32 v20, v1;
	v8 =	vcvt.f32.s32 v7;
	v10 =	vmax.f32 v10, $0.0e+00  }
0x9b: {  	v55 =	vadd.f32 v40, v2;
	v6 =	vmax.f32 v6, $0.0e+00;
	v42 =	vtrunc.f32 v10  }
0x9c: {  	v29 =	vmax.f32 v28, $0.0e+00;
	v7 =	vcvt.s32.f32 v8;
	v9 =	vtrunc.f32 v6  }
0x9d: {  	vm0 =	vgt.s32 v8, $0x1E;
	vm1 =	vlt.s32 v8, $0x1F;
	v11 =	vadd.s32 $0x1, v8  }
0x9e: {  	v30 =	vtrunc.f32 v29;
	v9 =	vcvt.f32.s32 v9;
	v17 =	vnsel vm1, $0x1F, v8  }
0x9f: {  	vm6 =	vlt.s32 v11, $0x1F;
	v8 =	vcvt.f32.s32 v24;
	v5 =	vsub.f32 v5, v7  }
0xa0: {  	v15 =	vnsel vm6, $0x1F, v11;
	v12 =	vcvt.s32.f32 v9;
	vm7 =	vgt.s32 v9, $0x1E  }
0xa1: {  	vm8 =	vlt.s32 v9, $0x1F;
	v16 =	vcvt.s32.f32 v8;
	vm10 =	vgt.s32 v8, $0x1E  }
0xa2: {  	vm11 =	vlt.s32 v8, $0x1F;
	v32 =	vadd.s32 $0x1, v8;
	v7 =	vsel vm0, $0x0, v5  }
0xa3: {  	v25 =	vnsel vm8, $0x1F, v9;
	v9 =	vadd.s32 $0x1, v9;
	v19 =	vnsel vm11, $0x1F, v8  }
0xa4: {  	vm12 =	vlt.s32 v32, $0x1F;
	v8 =	vmax.f32 v33, $0.0e+00;
	v33 =	vmul.f32 $2.250000000e+00, v4  }
0xa5: {  	v62 =	vsub.f32 v6, v12;
	v13 =	vsub.f32 $1.000000000e+00, v7;
	vm9 =	vlt.s32 v9, $0x1F  }
0xa6: {  	v21 =	vshll.u32 v25, $0x5;
	v6 =	vsub.f32 v63, v16;
	v16 =	vnsel vm12, $0x1F, v32  }
0xa7: {  	v22 =	vtrunc.f32 v8;
	v25 =	vmax.f32 v36, $0.0e+00;
	v9 =	vnsel vm9, $0x1F, v9  }
0xa8: {  	v24 =	vcvt.f32.s32 v22;
	v23 =	vtrunc.f32 v25;
	v33 =	vadd.f32 v33, v2  }
0xa9: {  	v5 =	vsel vm7, $0x0, v62;
	v18 =	vshll.u32 v9, $0x5;
	v9 =	vcvt.f32.s32 v30  }
0xaa: {  	v6 =	vsel vm10, $0x0, v6;
	v39 =	vcvt.f32.s32 v23;
	v30 =	vcvt.f32.s32 v42  }
0xab: {  	v27 =	vsub.f32 $1.000000000e+00, v5;
	v11 =	vmul.f32 $2.500000000e-01, v5;
	v12 =	vsub.f32 $1.000000000e+00, v6  }
0xac: {  	v37 =	vcvt.s32.f32 v24;
	vm4 =	vgt.s32 v24, $0x1E;
	vm5 =	vlt.s32 v24, $0x1F  }
0xad: {  	v50 =	vmax.f32 v33, $0.0e+00;
	v33 =	vadd.f32 v52, v1;
	v34 =	vcvt.s32.f32 v9  }
0xae: {  	vm13 =	vlt.s32 v9, $0x1F;
	vm14 =	vgt.s32 v9, $0x1E;
	v41 =	vcvt.s32.f32 v39  }
0xaf: {  	v28 =	vnsel vm5, $0x1F, v24;
	vm7 =	vgt.s32 v39, $0x1E;
	vm8 =	vlt.s32 v39, $0x1F  }
0xb0: {  	v45 =	vcvt.s32.f32 v30;
	vm10 =	vgt.s32 v30, $0x1E;
	vm11 =	vlt.s32 v30, $0x1F  }
0xb1: {  	v48 =	vadd.s32 $0x1, v30;
	v51 =	vtrunc.f32 v50;
	v14 =	vmul.f32 $2.500000000e-01, v27  }
0xb2: {  	v35 =	vnsel vm13, $0x1F, v9;
	v9 =	vadd.s32 $0x1, v9;
	v8 =	vsub.f32 v8, v37  }
0xb3: {  	v27 =	vadd.s32 $0x1, v24;
	v30 =	vnsel vm11, $0x1F, v30;
	vm12 =	vlt.s32 v48, $0x1F  }
0xb4: {  	v33 =	vmax.f32 v33, $0.0e+00;
	v5 =	vsub.f32 v29, v34;
	v20 =	vshll.u32 v35, $0x5  }
0xb5: {  	vm15 =	vlt.s32 v9, $0x1F;
	vm6 =	vlt.s32 v27, $0x1F;
	v29 =	vadd.s32 $0x1, v39  }
0xb6: {  	v10 =	vsub.f32 v10, v45;
	v37 =	vnsel vm12, $0x1F, v48;
	v54 =	vtrunc.f32 v33  }
0xb7: {  	v45 =	vmul.f32 $3.250000000e+00, v4;
	v9 =	vnsel vm15, $0x1F, v9;
	v8 =	vsel vm4, $0x0, v8  }
0xb8: {  	v24 =	vnsel vm6, $0x1F, v27;
	vm9 =	vlt.s32 v29, $0x1F;
	v27 =	vadd.f32 v43, v1  }
0xb9: {  	v56 =	vcvt.f32.s32 v54;
	v5 =	vsel vm14, $0x0, v5;
	v26 =	vshll.u32 v9, $0x5  }
0xba: {  	v9 =	vnsel vm8, $0x1F, v39;
	v31 =	vsub.f32 $1.000000000e+00, v8;
	v44 =	vnsel vm9, $0x1F, v29  }
0xbb: {  	v38 =	vsub.f32 $1.000000000e+00, v5;
	v22 =	vmul.f32 $2.500000000e-01, v5;
	v5 =	vsub.f32 v25, v41  }
0xbc: {  	v32 =	vshll.u32 v9, $0x5;
	v25 =	vshll.u32 v44, $0x5;
	v27 =	vmax.f32 v27, $0.0e+00  }
0xbd: {  	v9 =	vsel vm10, $0x0, v10;
	v42 =	vcvt.s32.f32 v56;
	v63 =	vadd.s32 $0x1, v56  }
0xbe: {  	vm8 =	vlt.s32 v56, $0x1F;
	v47 =	vtrunc.f32 v27;
	vm9 =	vlt.s32 v63, $0x1F  }
0xbf: {  	v23 =	vmul.f32 $2.500000000e-01, v38;
	v5 =	vsel vm7, $0x0, v5;
	v29 =	vcvt.f32.s32 v47  }
0xc0: {  	v38 =	vsub.f32 $1.000000000e+00, v9;
	v59 =	vsub.f32 v33, v42;
	vm7 =	vgt.s32 v56, $0x1E  }
0xc1: {  	v40 =	vnsel vm9, $0x1F, v63;
	v46 =	vsub.f32 $1.000000000e+00, v5;
	v36 =	vmul.f32 $2.500000000e-01, v5;
	v5 =	vld [tilespmem:s10+$0x0];
	[tilespmem:$0xA890] =	vst v11  }
0xc2: {  	v33 =	vadd.f32 v61, v1;
	v11 =	vshll.u32 v40, $0x5;
	[tilespmem:$0xA2F0] =	vst v37;
	v37 =	vmul.f32 $3.750000000e+00, v3  }
0xc3: {  	v35 =	vcvt.s32.f32 v29;
	vm13 =	vgt.s32 v29, $0x1E;
	vm14 =	vlt.s32 v29, $0x1F  }
0xc4: {  	v42 =	vmax.f32 v33, $0.0e+00;
	v34 =	vmul.f32 $2.500000000e-01, v46;
	v53 =	vnsel vm14, $0x1F, v29  }
0xc5: {  	v29 =	vadd.s32 $0x1, v29;
	v33 =	vtrunc.f32 v42;
	v49 =	vsub.f32 v27, v35  }
0xc6: {  	v27 =	vcvt.f32.s32 v51;
	v41 =	vshll.u32 v53, $0x5;
	vm15 =	vlt.s32 v29, $0x1F  }
0xc7: {  	v33 =	vcvt.f32.s32 v33;
	v29 =	vnsel vm15, $0x1F, v29;
	[tilespmem:$0xA8C0] =	vst v34;
	v34 =	vmul.f32 $4.750000000e+00, v3  }
0xc8: {  	[tilespmem:$0xA280] =	vst v17;
	v35 =	vsel vm13, $0x0, v49;
	v39 =	vcvt.s32.f32 v27;
	vm4 =	vgt.s32 v27, $0x1E  }
0xc9: {  	[tilespmem:$0xA480] =	vst v13;
	vm5 =	vlt.s32 v27, $0x1F;
	v57 =	vadd.s32 $0x1, v27;
	v13 =	vshll.u32 v29, $0x5  }
0xca: {  	[tilespmem:$0xA290] =	vst v15;
	v29 =	vsel vm7, $0x0, v59;
	v47 =	vcvt.s32.f32 v33;
	vm13 =	vgt.s32 v33, $0x1E  }
0xcb: {  	[tilespmem:$0xA490] =	vst v7;
	vm14 =	vlt.s32 v33, $0x1F;
	v52 =	vadd.s32 $0x1, v33;
	v15 =	vnsel vm5, $0x1F, v27  }
0xcc: {  	[tilespmem:$0xA680] =	vst v21;
	vm6 =	vlt.s32 v57, $0x1F;
	v62 =	vsub.f32 $1.000000000e+00, v35;
	v46 =	vsub.f32 $1.000000000e+00, v29  }
0xcd: {  	[tilespmem:$0xA8B0] =	vst v22;
	v27 =	vadd.f32 v45, v2;
	v22 =	vmul.f32 $2.500000000e-01, v29;
	v51 =	vnsel vm14, $0x1F, v33  }
0xce: {  	[tilespmem:$0xA690] =	vst v18;
	vm15 =	vlt.s32 v52, $0x1F;
	v10 =	vsub.f32 v50, v39;
	v39 =	vmax.f32 v55, $0.0e+00  }
0xcf: {  	[tilespmem:$0xA880] =	vst v14;
	v17 =	vnsel vm6, $0x1F, v57;
	v18 =	vsub.f32 v42, v47;
	v50 =	vmul.f32 $3.250000000e+00, v3  }
0xd0: {  	[tilespmem:$0xA6D0] =	vst v25;
	v54 =	vnsel vm15, $0x1F, v52;
	v25 =	vshll.u32 v51, $0x5;
	v43 =	vtrunc.f32 v39  }
0xd1: {  	[tilespmem:$0xA4B0] =	vst v6;
	v42 =	vadd.f32 v37, v1;
	v14 =	vmul.f32 $2.500000000e-01, v62;
	v6 =	vmul.f32 $2.500000000e-01, v46  }
0xd2: {  	[tilespmem:$0xA4D0] =	vst v8;
	v49 =	vmax.f32 v27, $0.0e+00;
	v8 =	vshll.u32 v54, $0x5;
	v10 =	vsel vm4, $0x0, v10  }
0xd3: {  	[tilespmem:$0xA2A0] =	vst v19;
	v58 =	vcvt.f32.s32 v43;
	v43 =	vmul.f32 $2.500000000e-01, v35;
	v18 =	vsel vm13, $0x0, v18  }
0xd4: {  	[tilespmem:$0xA6B0] =	vst v26;
	v27 =	vtrunc.f32 v49;
	v26 =	vadd.f32 v50, v1;
	v45 =	vmax.f32 v42, $0.0e+00  }
0xd5: {  	[tilespmem:$0xA2B0] =	vst v16;
	v27 =	vcvt.f32.s32 v27;
	v57 =	vsub.f32 $1.000000000e+00, v18;
	v18 =	vmul.f32 $2.500000000e-01, v18  }
0xd6: {  	[tilespmem:$0xA4A0] =	vst v12;
	v48 =	vsub.f32 $1.000000000e+00, v10;
	v46 =	vtrunc.f32 v45;
	v60 =	vcvt.s32.f32 v58  }
0xd7: {  	[tilespmem:$0xA6A0] =	vst v20;
	vm10 =	vgt.s32 v58, $0x1E;
	vm11 =	vlt.s32 v58, $0x1F;
	v44 =	vadd.s32 $0x1, v58  }
0xd8: {  	[tilespmem:$0xA310] =	vst v17;
	v26 =	vmax.f32 v26, $0.0e+00;
	v17 =	vcvt.f32.s32 v46;
	v12 =	vnsel vm11, $0x1F, v58  }
0xd9: {  	[tilespmem:$0xA2C0] =	vst v28;
	vm12 =	vlt.s32 v44, $0x1F;
	v53 =	vcvt.s32.f32 v27;
	v55 =	vtrunc.f32 v26  }
0xda: {  	[tilespmem:$0xA4C0] =	vst v31;
	v31 =	vmul.f32 $2.500000000e-01, v57;
	vm4 =	vgt.s32 v27, $0x1E;
	vm5 =	vlt.s32 v27, $0x1F  }
0xdb: {  	[tilespmem:$0xA2D0] =	vst v24;
	v7 =	vsub.f32 v39, v60;
	v39 =	vnsel vm8, $0x1F, v56;
	v16 =	vnsel vm12, $0x1F, v44  }
0xdc: {  	[tilespmem:$0xA6C0] =	vst v32;
	v56 =	vmul.f32 $3.750000000e+00, v4;
	v29 =	vcvt.f32.s32 v55;
	v60 =	vadd.s32 $0x1, v27  }
0xdd: {  	[tilespmem:$0xA2E0] =	vst v30;
	v27 =	vnsel vm5, $0x1F, v27;
	v50 =	vcvt.s32.f32 v17;
	vm13 =	vlt.s32 v17, $0x1F  }
0xde: {  	[tilespmem:$0xA8A0] =	vst v23;
	vm14 =	vgt.s32 v17, $0x1E;
	v21 =	vshll.u32 v39, $0x5;
	v23 =	vsub.f32 v49, v53  }
0xdf: {  	[tilespmem:$0xA4F0] =	vst v9;
	vm6 =	vlt.s32 v60, $0x1F;
	v39 =	vmul.f32 $4.250000000e+00, v4;
	v53 =	vmul.f32 $4.250000000e+00, v3  }
0xe0: {  	[tilespmem:$0xA4E0] =	vst v38;
	v55 =	vnsel vm13, $0x1F, v17;
	v7 =	vsel vm10, $0x0, v7;
	v58 =	vadd.f32 v56, v2  }
0xe1: {  	[tilespmem:$0xA710] =	vst v11;
	v59 =	vcvt.s32.f32 v29;
	v30 =	vnsel vm6, $0x1F, v60;
	vm7 =	vgt.s32 v29, $0x1E  }
0xe2: {  	[tilespmem:$0xA8D0] =	vst v36;
	vm8 =	vlt.s32 v29, $0x1F;
	v52 =	vsub.f32 v45, v50;
	v56 =	vadd.s32 $0x1, v17  }
0xe3: {  	[tilespmem:$0xA6E0] =	vst v41;
	v24 =	vsub.f32 $1.000000000e+00, v7;
	v23 =	vsel vm4, $0x0, v23;
	v36 =	vnsel vm8, $0x1F, v29  }
0xe4: {  	[tilespmem:$0xA6F0] =	vst v13;
	v29 =	vadd.s32 $0x1, v29;
	v57 =	vadd.f32 v53, v1;
	vm15 =	vlt.s32 v56, $0x1F  }
0xe5: {  	[tilespmem:$0xA900] =	vst v6;
	v28 =	vmax.f32 v58, $0.0e+00;
	v26 =	vsub.f32 v26, v59;
	vm9 =	vlt.s32 v29, $0x1F  }
0xe6: {  	[tilespmem:$0xA8F0] =	vst v43;
	v43 =	vsub.f32 $1.000000000e+00, v23;
	v33 =	vshll.u32 v36, $0x5;
	v6 =	vsel vm14, $0x0, v52  }
0xe7: {  	[tilespmem:$0xA320] =	vst v12;
	v58 =	vshll.u32 v55, $0x5;
	v12 =	vnsel vm15, $0x1F, v56;
	v56 =	vmul.f32 $5.250000000e+00, v3  }
0xe8: {  	[tilespmem:$0xA300] =	vst v15;
	v61 =	vtrunc.f32 v28;
	v40 =	vnsel vm9, $0x1F, v29;
	v17 =	vmax.f32 v57, $0.0e+00  }
0xe9: {  	[tilespmem:$0xA910] =	vst v22;
	v59 =	vshll.u32 v12, $0x5;
	v29 =	vmul.f32 $5.750000000e+00, v4;
	v32 =	vcvt.f32.s32 v61  }
0xea: {  	[tilespmem:$0xA8E0] =	vst v14;
	v62 =	vsel vm7, $0x0, v26;
	v26 =	vadd.f32 v39, v2;
	v14 =	vshll.u32 v40, $0x5  }
0xeb: {  	[tilespmem:$0xA720] =	vst v25;
	v60 =	vtrunc.f32 v17;
	v61 =	vmul.f32 $4.750000000e+00, v4;
	v41 =	vsub.f32 $1.000000000e+00, v62  }
0xec: {  	[tilespmem:$0xA730] =	vst v8;
	v9 =	vmul.f32 $2.500000000e-01, v62;
	v12 =	vcvt.f32.s32 v60;
	v62 =	vsub.f32 $1.000000000e+00, v6  }
0xed: {  	[tilespmem:$0xA510] =	vst v10;
	v6 =	vmul.f32 $2.500000000e-01, v6;
	v60 =	vadd.f32 v56, v1;
	v63 =	vcvt.s32.f32 v32  }
0xee: {  	[tilespmem:$0xA500] =	vst v48;
	vm10 =	vgt.s32 v32, $0x1E;
	v26 =	vmax.f32 v26, $0.0e+00;
	vm11 =	vlt.s32 v32, $0x1F  }
0xef: {  	[tilespmem:$0xA520] =	vst v24;
	v48 =	vadd.s32 $0x1, v32;
	v24 =	vadd.f32 v61, v2;
	v44 =	vmul.f32 $2.500000000e-01, v41  }
0xf0: {  	[tilespmem:$0xA930] =	vst v18;
	v47 =	vtrunc.f32 v26;
	v49 =	vnsel vm11, $0x1F, v32;
	vm12 =	vlt.s32 v48, $0x1F  }
0xf1: {  	[tilespmem:$0xA920] =	vst v31;
	v31 =	vcvt.s32.f32 v12;
	v8 =	vmul.f32 $2.500000000e-01, v62;
	vm7 =	vgt.s32 v12, $0x1E  }
0xf2: {  	[tilespmem:$0xA330] =	vst v16;
	vm8 =	vlt.s32 v12, $0x1F;
	v38 =	vsub.f32 v28, v63;
	v20 =	vcvt.f32.s32 v47  }
0xf3: {  	[tilespmem:$0xA340] =	vst v27;
	v10 =	vnsel vm12, $0x1F, v48;
	v24 =	vmax.f32 v24, $0.0e+00;
	v48 =	vmul.f32 $5.250000000e+00, v4  }
0xf4: {  	v17 =	vsub.f32 v17, v31;
	v35 =	vtrunc.f32 v24;
	[tilespmem:$0xA960] =	vst v8;
	v8 =	vmax.f32 v60, $0.0e+00  }
0xf5: {  	[tilespmem:$0xA700] =	vst v21;
	v13 =	vsel vm10, $0x0, v38;
	v51 =	vcvt.s32.f32 v20;
	vm4 =	vgt.s32 v20, $0x1E  }
0xf6: {  	[tilespmem:$0xA530] =	vst v7;
	vm5 =	vlt.s32 v20, $0x1F;
	v36 =	vcvt.f32.s32 v35;
	v38 =	vnsel vm8, $0x1F, v12  }
0xf7: {  	[tilespmem:$0xA350] =	vst v30;
	v12 =	vadd.s32 $0x1, v12;
	v30 =	vtrunc.f32 v8;
	v54 =	vsub.f32 $1.000000000e+00, v13  }
0xf8: {  	[tilespmem:$0xA550] =	vst v23;
	v63 =	vnsel vm5, $0x1F, v20;
	v20 =	vadd.s32 $0x1, v20;
	v17 =	vsel vm7, $0x0, v17  }
0xf9: {  	[tilespmem:$0xA740] =	vst v33;
	v41 =	vshll.u32 v38, $0x5;
	vm9 =	vlt.s32 v12, $0x1F;
	v31 =	vcvt.f32.s32 v30  }
0xfa: {  	[tilespmem:$0xA760] =	vst v58;
	v38 =	vmul.f32 $5.750000000e+00, v3;
	v11 =	vsub.f32 v26, v51;
	vm6 =	vlt.s32 v20, $0x1F  }
0xfb: {  	[tilespmem:$0xA940] =	vst v44;
	v39 =	vcvt.s32.f32 v36;
	v12 =	vnsel vm9, $0x1F, v12;
	v44 =	vsub.f32 $1.000000000e+00, v17  }
0xfc: {  	[tilespmem:$0xA540] =	vst v43;
	vm10 =	vgt.s32 v36, $0x1E;
	vm11 =	vlt.s32 v36, $0x1F;
	v50 =	vadd.s32 $0x1, v36  }
0xfd: {  	[tilespmem:$0xA770] =	vst v59;
	v51 =	vadd.f32 v48, v2;
	v52 =	vmul.f32 $2.500000000e-01, v17;
	v32 =	vnsel vm6, $0x1F, v20  }
0xfe: {  	[tilespmem:$0xA750] =	vst v14;
	v20 =	vadd.f32 v34, v1;
	v45 =	vshll.u32 v12, $0x5;
	v19 =	vnsel vm11, $0x1F, v36  }
0xff: {  	[tilespmem:$0xA950] =	vst v9;
	vm12 =	vlt.s32 v50, $0x1F;
	v34 =	vcvt.s32.f32 v31;
	vm7 =	vgt.s32 v31, $0x1E  }
0x100: {  	[tilespmem:$0xA560] =	vst v54;
	vm8 =	vlt.s32 v31, $0x1F;
	v11 =	vsel vm4, $0x0, v11;
	v43 =	vsub.f32 v24, v39  }
0x101: {  	v47 =	vmul.f32 $2.500000000e-01, v44;
	v12 =	vnsel vm12, $0x1F, v50;
	v54 =	vmax.f32 v51, $0.0e+00;
	[tilespmem:$0xA790] =	vst v45  }
0x102: {  	[tilespmem:$0xA3A0] =	vst v19;
	v19 =	vadd.f32 v38, v1;
	v45 =	vmul.f32 $6.250000000e+00, v4;
	v4 =	vmul.f32 $6.750000000e+00, v4  }
0x103: {  	[tilespmem:$0xA970] =	vst v6;
	v37 =	vsub.f32 $1.000000000e+00, v11;
	v20 =	vmax.f32 v20, $0.0e+00;
	v55 =	vtrunc.f32 v54  }
0x104: {  	[tilespmem:$0xA590] =	vst v11;
	v8 =	vsub.f32 v8, v34;
	v11 =	vadd.s32 $0x1, v31;
	v40 =	vtrunc.f32 v20  }
0x105: {  	[tilespmem:$0xA360] =	vst v49;
	v15 =	vsel vm10, $0x0, v43;
	v7 =	vcvt.f32.s32 v55;
	vm9 =	vlt.s32 v11, $0x1F  }
0x106: {  	[tilespmem:$0xA370] =	vst v10;
	v43 =	vmax.f32 v19, $0.0e+00;
	v18 =	vadd.f32 v45, v2;
	v42 =	vcvt.f32.s32 v40  }
0x107: {  	[tilespmem:$0xA570] =	vst v13;
	v53 =	vsub.f32 $1.000000000e+00, v15;
	v8 =	vsel vm7, $0x0, v8;
	v40 =	vnsel vm8, $0x1F, v31  }
0x108: {  	[tilespmem:$0xA380] =	vst v63;
	v44 =	vtrunc.f32 v43;
	v63 =	vcvt.s32.f32 v7;
	vm4 =	vgt.s32 v7, $0x1E  }
0x109: {  	[tilespmem:$0xA780] =	vst v41;
	vm5 =	vlt.s32 v7, $0x1F;
	v33 =	vadd.s32 $0x1, v7;
	v41 =	vshll.u32 v40, $0x5  }
0x10a: {  	[tilespmem:$0xA990] =	vst v52;
	v16 =	vcvt.f32.s32 v44;
	v52 =	vmax.f32 v18, $0.0e+00;
	v46 =	vcvt.s32.f32 v42  }
0x10b: {  	[tilespmem:$0xA390] =	vst v32;
	vm13 =	vgt.s32 v42, $0x1E;
	vm14 =	vlt.s32 v42, $0x1F;
	v58 =	vadd.s32 $0x1, v42  }
0x10c: {  	v7 =	vnsel vm5, $0x1F, v7;
	vm6 =	vlt.s32 v33, $0x1F;
	[tilespmem:$0xA5A0] =	vst v53;
	v53 =	vtrunc.f32 v52  }
0x10d: {  	[tilespmem:$0xA3B0] =	vst v12;
	v57 =	vnsel vm14, $0x1F, v42;
	vm15 =	vlt.s32 v58, $0x1F;
	v17 =	vsub.f32 v54, v63  }
0x10e: {  	[tilespmem:$0xA980] =	vst v47;
	v9 =	vnsel vm6, $0x1F, v33;
	v42 =	vnsel vm9, $0x1F, v11;
	v48 =	vcvt.s32.f32 v16  }
0x10f: {  	[tilespmem:$0xA580] =	vst v37;
	v54 =	vmul.f32 $6.250000000e+00, v3;
	vm14 =	vlt.s32 v16, $0x1F;
	v14 =	vcvt.f32.s32 v53  }
0x110: {  	[tilespmem:$0xA5B0] =	vst v15;
	v56 =	vadd.s32 $0x1, v16;
	v3 =	vmul.f32 $6.750000000e+00, v3;
	v49 =	vsub.f32 v20, v46  }
0x111: {  	[tilespmem:$0xA7C0] =	vst v41;
	v59 =	vshll.u32 v57, $0x5;
	v61 =	vnsel vm15, $0x1F, v58;
	v20 =	vadd.f32 v29, v2  }
0x112: {  	[tilespmem:$0xA3C0] =	vst v7;
	v6 =	vshll.u32 v42, $0x5;
	v46 =	vsub.f32 $1.000000000e+00, v8;
	v8 =	vmul.f32 $2.500000000e-01, v8  }
0x113: {  	[tilespmem:$0xA3D0] =	vst v9;
	v55 =	vnsel vm14, $0x1F, v16;
	vm15 =	vlt.s32 v56, $0x1F;
	v2 =	vadd.f32 v4, v2  }
0x114: {  	v28 =	vshll.u32 v61, $0x5;
	v32 =	vsel vm4, $0x0, v17;
	[tilespmem:$0xA7A0] =	vst v59;
	v7 =	vsub.f32 v43, v48  }
0x115: {  	[tilespmem:$0xA7D0] =	vst v6;
	v57 =	vadd.f32 v54, v1;
	v6 =	vshll.u32 v55, $0x5;
	v58 =	vcvt.s32.f32 v14  }
0x116: {  	v59 =	vnsel vm15, $0x1F, v56;
	vm5 =	vlt.s32 v14, $0x1F;
	v63 =	vadd.s32 $0x1, v14;
	[tilespmem:$0xA7B0] =	vst v28  }
0x117: {  	v1 =	vadd.f32 v3, v1;
	v10 =	vsel vm13, $0x0, v49;
	v20 =	vmax.f32 v20, $0.0e+00;
	[tilespmem:$0xA5D0] =	vst v32  }
0x118: {  	v37 =	vsub.f32 $1.000000000e+00, v32;
	v49 =	vmul.f32 $2.500000000e-01, v46;
	vm13 =	vgt.s32 v16, $0x1E;
	[tilespmem:$0xA9D0] =	vst v8  }
0x119: {  	v8 =	vshll.u32 v59, $0x5;
	[tilespmem:$0xA7E0] =	vst v6;
	v18 =	vnsel vm5, $0x1F, v14;
	vm6 =	vlt.s32 v63, $0x1F  }
0x11a: {  	v2 =	vmax.f32 v2, $0.0e+00;
	v62 =	vsub.f32 $1.000000000e+00, v10;
	v10 =	vmul.f32 $2.500000000e-01, v10;
	[tilespmem:$0xA7F0] =	vst v8  }
0x11b: {  	v35 =	vtrunc.f32 v20;
	v7 =	vsel vm13, $0x0, v7;
	v16 =	vmax.f32 v57, $0.0e+00;
	[tilespmem:$0xA400] =	vst v18  }
0x11c: {  	v9 =	vsub.f32 v52, v58;
	v19 =	vnsel vm6, $0x1F, v63;
	v23 =	vtrunc.f32 v2;
	[tilespmem:$0xA5C0] =	vst v37  }
0x11d: {  	v1 =	vmax.f32 v1, $0.0e+00;
	v36 =	vcvt.f32.s32 v35;
	[tilespmem:$0xA9C0] =	vst v49;
	v61 =	vtrunc.f32 v16  }
0x11e: {  	v60 =	vsub.f32 $1.000000000e+00, v7;
	v7 =	vmul.f32 $2.500000000e-01, v7;
	v24 =	vcvt.f32.s32 v23;
	[tilespmem:$0xA410] =	vst v19  }
0x11f: {  	vm4 =	vgt.s32 v14, $0x1E;
	v28 =	vtrunc.f32 v1;
	v22 =	vmul.f32 $2.500000000e-01, v62;
	[tilespmem:$0xA9B0] =	vst v10  }
0x120: {  	v11 =	vcvt.f32.s32 v61;
	v9 =	vsel vm4, $0x0, v9;
	v29 =	vcvt.f32.s32 v28;
	[tilespmem:$0xA9F0] =	vst v7  }
0x121: {  	v39 =	vcvt.s32.f32 v36;
	vm10 =	vgt.s32 v36, $0x1E;
	vm11 =	vlt.s32 v36, $0x1F;
	[tilespmem:$0xA610] =	vst v9  }
0x122: {  	v13 =	vadd.s32 $0x1, v36;
	v62 =	vmul.f32 $2.500000000e-01, v60;
	[tilespmem:$0xA9A0] =	vst v22;
	v47 =	vnsel vm11, $0x1F, v36  }
0x123: {  	v21 =	vsub.f32 $1.000000000e+00, v9;
	v27 =	vcvt.s32.f32 v24;
	vm12 =	vlt.s32 v13, $0x1F;
	[tilespmem:$0xA3E0] =	vst v47  }
0x124: {  	v17 =	vcvt.s32.f32 v11;
	vm8 =	vlt.s32 v11, $0x1F;
	v3 =	vadd.s32 $0x1, v11;
	[tilespmem:$0xA9E0] =	vst v62  }
0x125: {  	v12 =	vsub.f32 v20, v39;
	v50 =	vnsel vm12, $0x1F, v13;
	v25 =	vnsel vm8, $0x1F, v11;
	[tilespmem:$0xA600] =	vst v21  }
0x126: {  	vm7 =	vgt.s32 v11, $0x1E;
	vm9 =	vlt.s32 v3, $0x1F;
	[tilespmem:$0xA3F0] =	vst v50;
	v4 =	vshll.u32 v25, $0x5  }
0x127: {  	v2 =	vsub.f32 v2, v27;
	v3 =	vnsel vm9, $0x1F, v3;
	v12 =	vsel vm10, $0x0, v12;
	[tilespmem:$0xA800] =	vst v4  }
0x128: {  	v20 =	vsub.f32 v16, v17;
	v3 =	vshll.u32 v3, $0x5;
	vm10 =	vgt.s32 v24, $0x1E;
	[tilespmem:$0xA5F0] =	vst v12  }
0x129: {  	vm14 =	vlt.s32 v29, $0x1F;
	v51 =	vsub.f32 $1.000000000e+00, v12;
	[tilespmem:$0xA810] =	vst v3;
	v2 =	vsel vm10, $0x0, v2  }
0x12a: {  	v31 =	vcvt.s32.f32 v29;
	v34 =	vnsel vm14, $0x1F, v29;
	v22 =	vsel vm7, $0x0, v20;
	[tilespmem:$0xA630] =	vst v2  }
0x12b: {  	v3 =	vmul.f32 $2.500000000e-01, v22;
	v33 =	vsub.f32 $1.000000000e+00, v2;
	v2 =	vshll.u32 v34, $0x5;
	[tilespmem:$0xA5E0] =	vst v51  }
0x12c: {  	v32 =	vadd.s32 $0x1, v24;
	vm11 =	vlt.s32 v24, $0x1F;
	v1 =	vsub.f32 v1, v31;
	[tilespmem:$0xA820] =	vst v2  }
0x12d: {  	vm13 =	vgt.s32 v29, $0x1E;
	vm12 =	vlt.s32 v32, $0x1F;
	[tilespmem:$0xAA10] =	vst v3;
	v3 =	vnsel vm11, $0x1F, v24  }
0x12e: {  	v1 =	vsel vm13, $0x0, v1;
	v26 =	vsub.f32 $1.000000000e+00, v22;
	[tilespmem:$0xA420] =	vst v3;
	v3 =	vnsel vm12, $0x1F, v32  }
0x12f: {  	v35 =	vsub.f32 $1.000000000e+00, v1;
	v1 =	vmul.f32 $2.500000000e-01, v1;
	[tilespmem:$0xA430] =	vst v3;
	v3 =	vadd.s32 $0x1, v29  }
0x130: {  	v30 =	vmul.f32 $2.500000000e-01, v26;
	[tilespmem:$0xA620] =	vst v33;
	vm15 =	vlt.s32 v3, $0x1F  }
0x131: {  	[tilespmem:$0xAA30] =	vst v1;
	v3 =	vnsel vm15, $0x1F, v3  }
0x132: {  	[tilespmem:$0xAA00] =	vst v30;
	v2 =	vshll.u32 v3, $0x5;
	v3 =	vmul.f32 $2.500000000e-01, v35  }
0x133: {  	[tilespmem:$0xA830] =	vst v2  }
0x134: {  	s17 =	sld [smem:$0x7EA];
	[tilespmem:$0xAA20] =	vst v3  }
0x135: {  	s18 =	sld [smem:$0x7EB];
	v2 =	vld [tilespmem:s16+$0xA680]  }
0x136: {  	v3 =	vld [tilespmem:s15+$0xA280]  }
0x137: {  	v36 =	vld [tilespmem:s17+$0xA280]  }
0x138: {  	v37 =	vld [tilespmem:s18+$0xA280]  }
0x139: {  	v38 =	vld [tilespmem:s12+$0xA280]  }
0x13a: {  	v1 =	vshll.u32 v5, $0xA;
	v41 =	vld [tilespmem:s24+$0xA680]  }
0x13b: {  	v39 =	vld [tilespmem:s15+$0xA480];
	v2 =	vadd.s32 v1, v2  }
0x13c: {  	v42 =	vld [tilespmem:s17+$0xA480];
	v40 =	vadd.s32 v3, v2  }
0x13d: {  	v46 =	vld [tilespmem:s6+$0xA680];
	v44 =	vadd.s32 v36, v2  }
0x13e: {  	v43 =	vld [tilespmem:s18+$0xA480];
	v45 =	vadd.s32 v37, v2  }
0x13f: {  	v47 =	vld [tilespmem:s12+$0xA480];
	v9 =	vadd.s32 v1, v41;
	v2 =	vadd.s32 v38, v2  }
0x140: {  	v49 =	vld [tilespmem:s7+$0xA680];
	v48 =	vadd.s32 v3, v9  }
0x141: {  	v50 =	vadd.s32 v36, v9;
	v8 =	vld.idx.msk [tilespmem:v40+s5+$0x0], $0xffff  }
0x142: {  	v14 =	vadd.s32 v1, v46;
	v51 =	vadd.s32 v37, v9;
	v12 =	vld.idx.msk [tilespmem:v44+s5+$0x0], $0xffff  }
0x143: {  	v52 =	vadd.s32 v3, v14;
	v13 =	vld.idx.msk [tilespmem:v45+s5+$0x0], $0xffff  }
0x144: {  	v9 =	vadd.s32 v38, v9;
	v2 =	vld.idx.msk [tilespmem:v2+s5+$0x0], $0xffff  }
0x145: {  	v17 =	vadd.s32 v1, v49;
	v54 =	vadd.s32 v36, v14;
	v16 =	vld.idx.msk [tilespmem:v48+s5+$0x0], $0xffff  }
0x146: {  	v3 =	vadd.s32 v3, v17;
	v18 =	vld.idx.msk [tilespmem:v50+s5+$0x0], $0xffff  }
0x147: {  	v55 =	vadd.s32 v37, v14;
	v19 =	vld.idx.msk [tilespmem:v51+s5+$0x0], $0xffff  }
0x148: {  	v4 =	vadd.s32 v36, v17;
	v20 =	vld.idx.msk [tilespmem:v52+s5+$0x0], $0xffff  }
0x149: {  	v14 =	vadd.s32 v38, v14;
	v9 =	vld.idx.msk [tilespmem:v9+s5+$0x0], $0xffff  }
0x14a: {  	v6 =	vadd.s32 v37, v17;
	v22 =	vld.idx.msk [tilespmem:v54+s5+$0x0], $0xffff  }
0x14b: {  	v3 =	vld.idx.msk [tilespmem:v3+s5+$0x0], $0xffff;
	v8 =	vmul.f32 v8, v39  }
0x14c: {  	v5 =	vadd.s32 v38, v17;
	v59 =	vld.idx.msk [tilespmem:v55+s5+$0x0], $0xffff;
	v16 =	vmul.f32 v16, v39  }
0x14d: {  	v4 =	vld.idx.msk [tilespmem:v4+s5+$0x0], $0xffff;
	v12 =	vmul.f32 v12, v42;
	v56 =	vmul.f32 v13, v43;
	v8 =	vadd.f32 $0.0e+00, v8  }
0x14e: {  	v14 =	vld.idx.msk [tilespmem:v14+s5+$0x0], $0xffff;
	v58 =	vmul.f32 v18, v42;
	v60 =	vmul.f32 v20, v39;
	v57 =	vadd.f32 $0.0e+00, v16  }
0x14f: {  	v6 =	vld.idx.msk [tilespmem:v6+s5+$0x0], $0xffff;
	v2 =	vmul.f32 v2, v47;
	v61 =	vmul.f32 v19, v43;
	v8 =	vadd.f32 v12, v8  }
0x150: {  	v53 =	vld [tilespmem:s16+$0xA880];
	v62 =	vmul.f32 v22, v42;
	v3 =	vmul.f32 v3, v39;
	v13 =	vadd.f32 v58, v57  }
0x151: {  	v5 =	vld.idx.msk [tilespmem:v5+s5+$0x0], $0xffff;
	v19 =	vmul.f32 v9, v47;
	v12 =	vadd.f32 $0.0e+00, v60;
	v8 =	vadd.f32 v56, v8  }
0x152: {  	v4 =	vmul.f32 v4, v42;
	v16 =	vld [tilespmem:s24+$0xA880];
	v3 =	vadd.f32 $0.0e+00, v3;
	v63 =	vadd.f32 v61, v13  }
0x153: {  	v22 =	vmul.f32 v59, v43;
	v20 =	vadd.f32 v62, v12;
	v2 =	vadd.f32 v2, v8  }
0x154: {  	v24 =	vld [tilespmem:s6+$0xA880];
	v25 =	vmul.f32 v14, v47;
	v26 =	vmul.f32 v6, v43;
	v3 =	vadd.f32 v4, v3  }
0x155: {  	v7 =	vadd.f32 v19, v63;
	v23 =	vadd.f32 v22, v20;
	v2 =	vmul.f32 v2, v53  }
0x156: {  	v28 =	vld [tilespmem:s7+$0xA880];
	v29 =	vmul.f32 v5, v47;
	v3 =	vadd.f32 v26, v3  }
0x157: {  	s19 =	smov.u32 s31;
	v27 =	vmul.f32 v7, v16;
	v8 =	vadd.f32 v25, v23;
	v2 =	vadd.f32 $0.0e+00, v2  }
0x158: {  	s31 =	smov.u32 s30;
	s30 =	smov.u32 s29;
	s29 =	smov.u32 s28  }
0x159: {  	s28 =	smov.u32 s26;
	s21 =	smov.u32 s16;
	s26 =	sand.u32 $0xFC00, s13;
	v3 =	vadd.f32 v29, v3;
	v30 =	vmul.f32 v8, v24;
	v2 =	vadd.f32 v27, v2  }
0x15a: {  	s17 =	smov.u32 s15;
	s18 =	sand.u32 $0x70, s14;
	s12 =	smov.u32 s9  }
0x15b: {  	s9 =	smov.u32 s8;
	s8 =	smov.u32 s7;
	s7 =	smov.u32 s6;
	v3 =	vmul.f32 v3, v28;
	v2 =	vadd.f32 v30, v2  }
0x15c: {  	s6 =	smov.u32 s24;
	s16 =	smov.u32 s21;
	s21 =	sld [smem:$0x7EC]  }
0x15d: {  	s15 =	sor.u32 s18, s26;
	s24 =	smov.u32 s2;
	s2 =	smov.u32 s4;
	v2 =	vadd.f32 v3, v2  }
0x15e: {  	s4 =	smov.u32 s1;
	s1 =	smov.u32 s0;
	s0 =	smov.u32 s3  }
0x15f: {  	s3 =	smov.u32 s0;
	s0 =	smov.u32 s1;
	s1 =	smov.u32 s4;
	[tilespmem:s15+$0xAA80] =	vst v2  }
0x160: {  	s4 =	smov.u32 s2;
	s2 =	smov.u32 s24;
	s24 =	smov.u32 s6;
	v2 =	vld [tilespmem:s21+$0xA680]  }
0x161: {  	s6 =	smov.u32 s7;
	s7 =	smov.u32 s8;
	s8 =	smov.u32 s9;
	v3 =	vld [tilespmem:s20+$0xA280]  }
0x162: {  	v31 =	vld [tilespmem:s8+$0xA280]  }
0x163: {  	s18 =	rddreg [dreg:$0xa];
	v32 =	vld [tilespmem:s12+$0xA280]  }
0x164: {  	s9 =	smov.u32 s12;
	s12 =	rddreg [dreg:$0x9];
	v37 =	vld [tilespmem:s18+$0xA680]  }
0x165: {  	v33 =	vadd.s32 $0x800, v1;
	v34 =	vld [tilespmem:s12+$0xA280]  }
0x166: {  	s26 =	smov.u32 s28;
	s28 =	smov.u32 s29;
	s29 =	smov.u32 s30;
	v35 =	vld [tilespmem:s20+$0xA480];
	v2 =	vadd.s32 v33, v2  }
0x167: {  	s30 =	smov.u32 s31;
	s31 =	smov.u32 s19;
	s19 =	rddreg [dreg:$0xb];
	v38 =	vld [tilespmem:s8+$0xA480];
	v36 =	vadd.s32 v3, v2  }
0x168: {  	v42 =	vld [tilespmem:s19+$0xA680];
	v40 =	vadd.s32 v31, v2  }
0x169: {  	v39 =	vld [tilespmem:s9+$0xA480];
	v41 =	vadd.s32 v32, v2  }
0x16a: {  	v43 =	vld [tilespmem:s12+$0xA480];
	s12 =	rddreg [dreg:$0xc];
	v10 =	vadd.s32 v33, v37;
	v2 =	vadd.s32 v34, v2  }
0x16b: {  	v45 =	vld [tilespmem:s12+$0xA680];
	v44 =	vadd.s32 v3, v10  }
0x16c: {  	v46 =	vadd.s32 v31, v10;
	v9 =	vld.idx.msk [tilespmem:v36+s5+$0x0], $0xffff  }
0x16d: {  	v15 =	vadd.s32 v33, v42;
	v47 =	vadd.s32 v32, v10;
	v13 =	vld.idx.msk [tilespmem:v40+s5+$0x0], $0xffff  }
0x16e: {  	v48 =	vadd.s32 v3, v15;
	v14 =	vld.idx.msk [tilespmem:v41+s5+$0x0], $0xffff  }
0x16f: {  	v10 =	vadd.s32 v34, v10;
	v2 =	vld.idx.msk [tilespmem:v2+s5+$0x0], $0xffff  }
0x170: {  	v50 =	vadd.s32 v31, v15;
	v6 =	vadd.s32 v33, v45;
	v17 =	vld.idx.msk [tilespmem:v44+s5+$0x0], $0xffff  }
0x171: {  	v3 =	vadd.s32 v3, v6;
	v51 =	vld.idx.msk [tilespmem:v46+s5+$0x0], $0xffff  }
0x172: {  	v53 =	vadd.s32 v32, v15;
	v52 =	vld.idx.msk [tilespmem:v47+s5+$0x0], $0xffff  }
0x173: {  	v4 =	vadd.s32 v31, v6;
	v21 =	vld.idx.msk [tilespmem:v48+s5+$0x0], $0xffff  }
0x174: {  	v15 =	vadd.s32 v34, v15;
	v10 =	vld.idx.msk [tilespmem:v10+s5+$0x0], $0xffff  }
0x175: {  	v5 =	vadd.s32 v32, v6;
	v23 =	vld.idx.msk [tilespmem:v50+s5+$0x0], $0xffff  }
0x176: {  	v3 =	vld.idx.msk [tilespmem:v3+s5+$0x0], $0xffff;
	v9 =	vmul.f32 v9, v35  }
0x177: {  	v6 =	vadd.s32 v34, v6;
	v57 =	vld.idx.msk [tilespmem:v53+s5+$0x0], $0xffff;
	v17 =	vmul.f32 v17, v35  }
0x178: {  	v4 =	vld.idx.msk [tilespmem:v4+s5+$0x0], $0xffff;
	v13 =	vmul.f32 v13, v38;
	v54 =	vmul.f32 v14, v39;
	v9 =	vadd.f32 $0.0e+00, v9  }
0x179: {  	v15 =	vld.idx.msk [tilespmem:v15+s5+$0x0], $0xffff;
	v56 =	vmul.f32 v51, v38;
	v59 =	vmul.f32 v21, v35;
	v55 =	vadd.f32 $0.0e+00, v17  }
0x17a: {  	v5 =	vld.idx.msk [tilespmem:v5+s5+$0x0], $0xffff;
	v2 =	vmul.f32 v2, v43;
	v61 =	vmul.f32 v52, v39;
	v9 =	vadd.f32 v13, v9  }
0x17b: {  	v49 =	vld [tilespmem:s21+$0xA880];
	v62 =	vmul.f32 v23, v38;
	v3 =	vmul.f32 v3, v35;
	v60 =	vadd.f32 v56, v55  }
0x17c: {  	v6 =	vld.idx.msk [tilespmem:v6+s5+$0x0], $0xffff;
	v20 =	vmul.f32 v10, v43;
	v58 =	vadd.f32 v54, v9;
	v9 =	vadd.f32 $0.0e+00, v59  }
0x17d: {  	v19 =	vld [tilespmem:s18+$0xA880];
	v4 =	vmul.f32 v4, v38;
	v3 =	vadd.f32 $0.0e+00, v3;
	v63 =	vadd.f32 v61, v60  }
0x17e: {  	v21 =	vmul.f32 v57, v39;
	v2 =	vadd.f32 v2, v58;
	v9 =	vadd.f32 v62, v9  }
0x17f: {  	v24 =	vld [tilespmem:s19+$0xA880];
	v25 =	vmul.f32 v15, v43;
	v26 =	vmul.f32 v5, v39;
	v3 =	vadd.f32 v4, v3  }
0x180: {  	v7 =	vadd.f32 v20, v63;
	v2 =	vmul.f32 v2, v49;
	v23 =	vadd.f32 v21, v9  }
0x181: {  	v28 =	vld [tilespmem:s12+$0xA880];
	v29 =	vmul.f32 v6, v43;
	v3 =	vadd.f32 v26, v3  }
0x182: {  	v27 =	vmul.f32 v7, v19;
	v2 =	vadd.f32 $0.0e+00, v2;
	v8 =	vadd.f32 v25, v23;
	_ =	sdelay $0x1  }
0x183: {  	v3 =	vadd.f32 v29, v3;
	v2 =	vadd.f32 v27, v2;
	v30 =	vmul.f32 v8, v24;
	_ =	sdelay $0x1  }
0x184: {  	v3 =	vmul.f32 v3, v28;
	v2 =	vadd.f32 v30, v2;
	_ =	sdelay $0x1  }
0x185: {  	v2 =	vadd.f32 v3, v2;
	_ =	sdelay $0x1  }
0x186: {  	[tilespmem:s15+$0xAB00] =	vst v2  }
0x187: {  	v2 =	vld [tilespmem:s23+$0xA680]  }
0x188: {  	s12 =	rddreg [dreg:$0xd];
	v3 =	vld [tilespmem:s22+$0xA280]  }
0x189: {  	s18 =	rddreg [dreg:$0xe];
	v31 =	vld [tilespmem:s12+$0xA280]  }
0x18a: {  	s19 =	rddreg [dreg:$0xf];
	v32 =	vld [tilespmem:s18+$0xA280]  }
0x18b: {  	s21 =	rddreg [dreg:$0x10];
	v34 =	vld [tilespmem:s19+$0xA280]  }
0x18c: {  	v33 =	vadd.s32 $0x1000, v1;
	v37 =	vld [tilespmem:s21+$0xA680]  }
0x18d: {  	v35 =	vld [tilespmem:s22+$0xA480];
	v2 =	vadd.s32 v33, v2  }
0x18e: {  	v38 =	vld [tilespmem:s12+$0xA480];
	v36 =	vadd.s32 v3, v2  }
0x18f: {  	v39 =	vld [tilespmem:s18+$0xA480];
	s18 =	rddreg [dreg:$0x11];
	v40 =	vadd.s32 v31, v2  }
0x190: {  	v42 =	vld [tilespmem:s18+$0xA680];
	v41 =	vadd.s32 v32, v2  }
0x191: {  	v43 =	vld [tilespmem:s19+$0xA480];
	s19 =	rddreg [dreg:$0x12];
	v10 =	vadd.s32 v33, v37;
	v2 =	vadd.s32 v34, v2  }
0x192: {  	v45 =	vld [tilespmem:s19+$0xA680];
	v44 =	vadd.s32 v3, v10  }
0x193: {  	v46 =	vadd.s32 v31, v10;
	v9 =	vld.idx.msk [tilespmem:v36+s5+$0x0], $0xffff  }
0x194: {  	v47 =	vadd.s32 v32, v10;
	v13 =	vld.idx.msk [tilespmem:v40+s5+$0x0], $0xffff  }
0x195: {  	v15 =	vadd.s32 v33, v42;
	v10 =	vadd.s32 v34, v10;
	v14 =	vld.idx.msk [tilespmem:v41+s5+$0x0], $0xffff  }
0x196: {  	v48 =	vadd.s32 v3, v15;
	v2 =	vld.idx.msk [tilespmem:v2+s5+$0x0], $0xffff  }
0x197: {  	v6 =	vadd.s32 v33, v45;
	v50 =	vadd.s32 v31, v15;
	v17 =	vld.idx.msk [tilespmem:v44+s5+$0x0], $0xffff  }
0x198: {  	v3 =	vadd.s32 v3, v6;
	v51 =	vld.idx.msk [tilespmem:v46+s5+$0x0], $0xffff  }
0x199: {  	v53 =	vadd.s32 v32, v15;
	v52 =	vld.idx.msk [tilespmem:v47+s5+$0x0], $0xffff  }
0x19a: {  	v4 =	vadd.s32 v31, v6;
	v10 =	vld.idx.msk [tilespmem:v10+s5+$0x0], $0xffff  }
0x19b: {  	v15 =	vadd.s32 v34, v15;
	v21 =	vld.idx.msk [tilespmem:v48+s5+$0x0], $0xffff  }
0x19c: {  	v5 =	vadd.s32 v32, v6;
	v23 =	vld.idx.msk [tilespmem:v50+s5+$0x0], $0xffff  }
0x19d: {  	v3 =	vld.idx.msk [tilespmem:v3+s5+$0x0], $0xffff;
	v9 =	vmul.f32 v9, v35  }
0x19e: {  	v6 =	vadd.s32 v34, v6;
	v57 =	vld.idx.msk [tilespmem:v53+s5+$0x0], $0xffff;
	v17 =	vmul.f32 v17, v35  }
0x19f: {  	v4 =	vld.idx.msk [tilespmem:v4+s5+$0x0], $0xffff;
	v13 =	vmul.f32 v13, v38;
	v54 =	vmul.f32 v14, v39;
	v9 =	vadd.f32 $0.0e+00, v9  }
0x1a0: {  	v15 =	vld.idx.msk [tilespmem:v15+s5+$0x0], $0xffff;
	v56 =	vmul.f32 v51, v38;
	v2 =	vmul.f32 v2, v43;
	v55 =	vadd.f32 $0.0e+00, v17  }
0x1a1: {  	v5 =	vld.idx.msk [tilespmem:v5+s5+$0x0], $0xffff;
	v61 =	vmul.f32 v52, v39;
	v59 =	vmul.f32 v21, v35;
	v9 =	vadd.f32 v13, v9  }
0x1a2: {  	v49 =	vld [tilespmem:s23+$0xA880];
	v20 =	vmul.f32 v10, v43;
	v3 =	vmul.f32 v3, v35;
	v60 =	vadd.f32 v56, v55  }
0x1a3: {  	v6 =	vld.idx.msk [tilespmem:v6+s5+$0x0], $0xffff;
	v62 =	vmul.f32 v23, v38;
	v58 =	vadd.f32 v54, v9;
	v9 =	vadd.f32 $0.0e+00, v59  }
0x1a4: {  	v19 =	vld [tilespmem:s21+$0xA880];
	v4 =	vmul.f32 v4, v38;
	v3 =	vadd.f32 $0.0e+00, v3;
	v63 =	vadd.f32 v61, v60  }
0x1a5: {  	v21 =	vmul.f32 v57, v39;
	v2 =	vadd.f32 v2, v58;
	v9 =	vadd.f32 v62, v9  }
0x1a6: {  	v24 =	vld [tilespmem:s18+$0xA880];
	v25 =	vmul.f32 v15, v43;
	v26 =	vmul.f32 v5, v39;
	v3 =	vadd.f32 v4, v3  }
0x1a7: {  	v7 =	vadd.f32 v20, v63;
	v2 =	vmul.f32 v2, v49;
	v23 =	vadd.f32 v21, v9  }
0x1a8: {  	v28 =	vld [tilespmem:s19+$0xA880];
	v29 =	vmul.f32 v6, v43;
	v3 =	vadd.f32 v26, v3  }
0x1a9: {  	v27 =	vmul.f32 v7, v19;
	v2 =	vadd.f32 $0.0e+00, v2;
	v8 =	vadd.f32 v25, v23;
	_ =	sdelay $0x1  }
0x1aa: {  	v3 =	vadd.f32 v29, v3;
	v2 =	vadd.f32 v27, v2;
	v30 =	vmul.f32 v8, v24;
	_ =	sdelay $0x1  }
0x1ab: {  	v3 =	vmul.f32 v3, v28;
	v2 =	vadd.f32 v30, v2;
	_ =	sdelay $0x1  }
0x1ac: {  	v2 =	vadd.f32 v3, v2;
	_ =	sdelay $0x1  }
0x1ad: {  	[tilespmem:s15+$0xAB80] =	vst v2  }
0x1ae: {  	v2 =	vld [tilespmem:s28+$0xA680]  }
0x1af: {  	s12 =	rddreg [dreg:$0x13];
	v3 =	vld [tilespmem:s26+$0xA280]  }
0x1b0: {  	s18 =	rddreg [dreg:$0x14];
	v31 =	vld [tilespmem:s12+$0xA280]  }
0x1b1: {  	s19 =	rddreg [dreg:$0x15];
	v32 =	vld [tilespmem:s18+$0xA280]  }
0x1b2: {  	s21 =	rddreg [dreg:$0x16];
	v34 =	vld [tilespmem:s19+$0xA280]  }
0x1b3: {  	v33 =	vadd.s32 $0x1800, v1;
	v37 =	vld [tilespmem:s21+$0xA680]  }
0x1b4: {  	v35 =	vld [tilespmem:s26+$0xA480];
	v2 =	vadd.s32 v33, v2  }
0x1b5: {  	v38 =	vld [tilespmem:s12+$0xA480];
	v36 =	vadd.s32 v3, v2  }
0x1b6: {  	v39 =	vld [tilespmem:s18+$0xA480];
	s18 =	rddreg [dreg:$0x17];
	v40 =	vadd.s32 v31, v2  }
0x1b7: {  	v42 =	vld [tilespmem:s18+$0xA680];
	v41 =	vadd.s32 v32, v2  }
0x1b8: {  	v43 =	vld [tilespmem:s19+$0xA480];
	s19 =	rddreg [dreg:$0x18];
	v10 =	vadd.s32 v33, v37;
	v2 =	vadd.s32 v34, v2  }
0x1b9: {  	v45 =	vld [tilespmem:s19+$0xA680];
	v44 =	vadd.s32 v3, v10  }
0x1ba: {  	v46 =	vadd.s32 v31, v10;
	v9 =	vld.idx.msk [tilespmem:v36+s5+$0x0], $0xffff  }
0x1bb: {  	v47 =	vadd.s32 v32, v10;
	v13 =	vld.idx.msk [tilespmem:v40+s5+$0x0], $0xffff  }
0x1bc: {  	v15 =	vadd.s32 v33, v42;
	v10 =	vadd.s32 v34, v10;
	v14 =	vld.idx.msk [tilespmem:v41+s5+$0x0], $0xffff  }
0x1bd: {  	v48 =	vadd.s32 v3, v15;
	v2 =	vld.idx.msk [tilespmem:v2+s5+$0x0], $0xffff  }
0x1be: {  	v6 =	vadd.s32 v33, v45;
	v50 =	vadd.s32 v31, v15;
	v17 =	vld.idx.msk [tilespmem:v44+s5+$0x0], $0xffff  }
0x1bf: {  	v3 =	vadd.s32 v3, v6;
	v51 =	vld.idx.msk [tilespmem:v46+s5+$0x0], $0xffff  }
0x1c0: {  	v53 =	vadd.s32 v32, v15;
	v52 =	vld.idx.msk [tilespmem:v47+s5+$0x0], $0xffff  }
0x1c1: {  	v4 =	vadd.s32 v31, v6;
	v10 =	vld.idx.msk [tilespmem:v10+s5+$0x0], $0xffff  }
0x1c2: {  	v15 =	vadd.s32 v34, v15;
	v21 =	vld.idx.msk [tilespmem:v48+s5+$0x0], $0xffff  }
0x1c3: {  	v5 =	vadd.s32 v32, v6;
	v23 =	vld.idx.msk [tilespmem:v50+s5+$0x0], $0xffff  }
0x1c4: {  	v3 =	vld.idx.msk [tilespmem:v3+s5+$0x0], $0xffff;
	v9 =	vmul.f32 v9, v35  }
0x1c5: {  	v6 =	vadd.s32 v34, v6;
	v57 =	vld.idx.msk [tilespmem:v53+s5+$0x0], $0xffff;
	v17 =	vmul.f32 v17, v35  }
0x1c6: {  	v4 =	vld.idx.msk [tilespmem:v4+s5+$0x0], $0xffff;
	v13 =	vmul.f32 v13, v38;
	v54 =	vmul.f32 v14, v39;
	v9 =	vadd.f32 $0.0e+00, v9  }
0x1c7: {  	v15 =	vld.idx.msk [tilespmem:v15+s5+$0x0], $0xffff;
	v56 =	vmul.f32 v51, v38;
	v2 =	vmul.f32 v2, v43;
	v55 =	vadd.f32 $0.0e+00, v17  }
0x1c8: {  	v5 =	vld.idx.msk [tilespmem:v5+s5+$0x0], $0xffff;
	v61 =	vmul.f32 v52, v39;
	v59 =	vmul.f32 v21, v35;
	v9 =	vadd.f32 v13, v9  }
0x1c9: {  	v49 =	vld [tilespmem:s28+$0xA880];
	v20 =	vmul.f32 v10, v43;
	v3 =	vmul.f32 v3, v35;
	v60 =	vadd.f32 v56, v55  }
0x1ca: {  	v6 =	vld.idx.msk [tilespmem:v6+s5+$0x0], $0xffff;
	v62 =	vmul.f32 v23, v38;
	v58 =	vadd.f32 v54, v9;
	v9 =	vadd.f32 $0.0e+00, v59  }
0x1cb: {  	v19 =	vld [tilespmem:s21+$0xA880];
	v4 =	vmul.f32 v4, v38;
	v3 =	vadd.f32 $0.0e+00, v3;
	v63 =	vadd.f32 v61, v60  }
0x1cc: {  	v21 =	vmul.f32 v57, v39;
	v2 =	vadd.f32 v2, v58;
	v9 =	vadd.f32 v62, v9  }
0x1cd: {  	v24 =	vld [tilespmem:s18+$0xA880];
	v25 =	vmul.f32 v15, v43;
	v26 =	vmul.f32 v5, v39;
	v3 =	vadd.f32 v4, v3  }
0x1ce: {  	v7 =	vadd.f32 v20, v63;
	v2 =	vmul.f32 v2, v49;
	v23 =	vadd.f32 v21, v9  }
0x1cf: {  	v28 =	vld [tilespmem:s19+$0xA880];
	v29 =	vmul.f32 v6, v43;
	v3 =	vadd.f32 v26, v3  }
0x1d0: {  	v27 =	vmul.f32 v7, v19;
	v2 =	vadd.f32 $0.0e+00, v2;
	v8 =	vadd.f32 v25, v23;
	_ =	sdelay $0x1  }
0x1d1: {  	v3 =	vadd.f32 v29, v3;
	v2 =	vadd.f32 v27, v2;
	v30 =	vmul.f32 v8, v24;
	_ =	sdelay $0x1  }
0x1d2: {  	v3 =	vmul.f32 v3, v28;
	v2 =	vadd.f32 v30, v2;
	_ =	sdelay $0x1  }
0x1d3: {  	v2 =	vadd.f32 v3, v2;
	_ =	sdelay $0x1  }
0x1d4: {  	[tilespmem:s15+$0xAC00] =	vst v2  }
0x1d5: {  	v2 =	vld [tilespmem:s30+$0xA680]  }
0x1d6: {  	s12 =	rddreg [dreg:$0x19];
	v3 =	vld [tilespmem:s29+$0xA280]  }
0x1d7: {  	s18 =	rddreg [dreg:$0x1a];
	v31 =	vld [tilespmem:s12+$0xA280]  }
0x1d8: {  	s19 =	rddreg [dreg:$0x1b];
	v32 =	vld [tilespmem:s18+$0xA280]  }
0x1d9: {  	s21 =	rddreg [dreg:$0x1c];
	v34 =	vld [tilespmem:s19+$0xA280]  }
0x1da: {  	v33 =	vadd.s32 $0x2000, v1;
	v37 =	vld [tilespmem:s21+$0xA680]  }
0x1db: {  	v35 =	vld [tilespmem:s29+$0xA480];
	v2 =	vadd.s32 v33, v2  }
0x1dc: {  	v38 =	vld [tilespmem:s12+$0xA480];
	v36 =	vadd.s32 v3, v2  }
0x1dd: {  	v39 =	vld [tilespmem:s18+$0xA480];
	s18 =	rddreg [dreg:$0x1d];
	v40 =	vadd.s32 v31, v2  }
0x1de: {  	v42 =	vld [tilespmem:s18+$0xA680];
	v41 =	vadd.s32 v32, v2  }
0x1df: {  	v43 =	vld [tilespmem:s19+$0xA480];
	s19 =	rddreg [dreg:$0x1e];
	v10 =	vadd.s32 v33, v37;
	v2 =	vadd.s32 v34, v2  }
0x1e0: {  	v45 =	vld [tilespmem:s19+$0xA680];
	v44 =	vadd.s32 v3, v10  }
0x1e1: {  	v46 =	vadd.s32 v31, v10;
	v9 =	vld.idx.msk [tilespmem:v36+s5+$0x0], $0xffff  }
0x1e2: {  	v47 =	vadd.s32 v32, v10;
	v13 =	vld.idx.msk [tilespmem:v40+s5+$0x0], $0xffff  }
0x1e3: {  	v15 =	vadd.s32 v33, v42;
	v10 =	vadd.s32 v34, v10;
	v14 =	vld.idx.msk [tilespmem:v41+s5+$0x0], $0xffff  }
0x1e4: {  	v48 =	vadd.s32 v3, v15;
	v2 =	vld.idx.msk [tilespmem:v2+s5+$0x0], $0xffff  }
0x1e5: {  	v6 =	vadd.s32 v33, v45;
	v50 =	vadd.s32 v31, v15;
	v17 =	vld.idx.msk [tilespmem:v44+s5+$0x0], $0xffff  }
0x1e6: {  	v3 =	vadd.s32 v3, v6;
	v51 =	vld.idx.msk [tilespmem:v46+s5+$0x0], $0xffff  }
0x1e7: {  	v53 =	vadd.s32 v32, v15;
	v52 =	vld.idx.msk [tilespmem:v47+s5+$0x0], $0xffff  }
0x1e8: {  	v4 =	vadd.s32 v31, v6;
	v10 =	vld.idx.msk [tilespmem:v10+s5+$0x0], $0xffff  }
0x1e9: {  	v15 =	vadd.s32 v34, v15;
	v21 =	vld.idx.msk [tilespmem:v48+s5+$0x0], $0xffff  }
0x1ea: {  	v5 =	vadd.s32 v32, v6;
	v23 =	vld.idx.msk [tilespmem:v50+s5+$0x0], $0xffff  }
0x1eb: {  	v3 =	vld.idx.msk [tilespmem:v3+s5+$0x0], $0xffff;
	v9 =	vmul.f32 v9, v35  }
0x1ec: {  	v6 =	vadd.s32 v34, v6;
	v57 =	vld.idx.msk [tilespmem:v53+s5+$0x0], $0xffff;
	v17 =	vmul.f32 v17, v35  }
0x1ed: {  	v4 =	vld.idx.msk [tilespmem:v4+s5+$0x0], $0xffff;
	v13 =	vmul.f32 v13, v38;
	v54 =	vmul.f32 v14, v39;
	v9 =	vadd.f32 $0.0e+00, v9  }
0x1ee: {  	v15 =	vld.idx.msk [tilespmem:v15+s5+$0x0], $0xffff;
	v56 =	vmul.f32 v51, v38;
	v2 =	vmul.f32 v2, v43;
	v55 =	vadd.f32 $0.0e+00, v17  }
0x1ef: {  	v5 =	vld.idx.msk [tilespmem:v5+s5+$0x0], $0xffff;
	v61 =	vmul.f32 v52, v39;
	v59 =	vmul.f32 v21, v35;
	v9 =	vadd.f32 v13, v9  }
0x1f0: {  	v49 =	vld [tilespmem:s30+$0xA880];
	v20 =	vmul.f32 v10, v43;
	v3 =	vmul.f32 v3, v35;
	v60 =	vadd.f32 v56, v55  }
0x1f1: {  	v6 =	vld.idx.msk [tilespmem:v6+s5+$0x0], $0xffff;
	v62 =	vmul.f32 v23, v38;
	v58 =	vadd.f32 v54, v9;
	v9 =	vadd.f32 $0.0e+00, v59  }
0x1f2: {  	v19 =	vld [tilespmem:s21+$0xA880];
	v4 =	vmul.f32 v4, v38;
	v3 =	vadd.f32 $0.0e+00, v3;
	v63 =	vadd.f32 v61, v60  }
0x1f3: {  	v21 =	vmul.f32 v57, v39;
	v2 =	vadd.f32 v2, v58;
	v9 =	vadd.f32 v62, v9  }
0x1f4: {  	v23 =	vld [tilespmem:s18+$0xA880];
	v24 =	vmul.f32 v15, v43;
	v25 =	vmul.f32 v5, v39;
	v3 =	vadd.f32 v4, v3  }
0x1f5: {  	v7 =	vadd.f32 v20, v63;
	v2 =	vmul.f32 v2, v49;
	v22 =	vadd.f32 v21, v9  }
0x1f6: {  	v27 =	vld [tilespmem:s19+$0xA880];
	v28 =	vmul.f32 v6, v43;
	v3 =	vadd.f32 v25, v3  }
0x1f7: {  	v26 =	vmul.f32 v7, v19;
	v2 =	vadd.f32 $0.0e+00, v2;
	v8 =	vadd.f32 v24, v22;
	_ =	sdelay $0x1  }
0x1f8: {  	v3 =	vadd.f32 v28, v3;
	v2 =	vadd.f32 v26, v2;
	v29 =	vmul.f32 v8, v23;
	_ =	sdelay $0x1  }
0x1f9: {  	v3 =	vmul.f32 v3, v27;
	v2 =	vadd.f32 v29, v2;
	_ =	sdelay $0x1  }
0x1fa: {  	v2 =	vadd.f32 v3, v2;
	_ =	sdelay $0x1  }
0x1fb: {  	s12 =	rddreg [dreg:$0x1f];
	[tilespmem:s15+$0xAC80] =	vst v2  }
0x1fc: {  	s18 =	sld [smem:$0x7ED];
	v2 =	vld [tilespmem:s3+$0xA680]  }
0x1fd: {  	s19 =	sld [smem:$0x7EE];
	v3 =	vld [tilespmem:s31+$0xA280]  }
0x1fe: {  	s21 =	sld [smem:$0x7EF];
	v30 =	vld [tilespmem:s12+$0xA280]  }
0x1ff: {  	v31 =	vld [tilespmem:s18+$0xA280]  }
0x200: {  	v33 =	vld [tilespmem:s19+$0xA280]  }
0x201: {  	v32 =	vadd.s32 $0x2800, v1;
	v36 =	vld [tilespmem:s21+$0xA680]  }
0x202: {  	v38 =	vld [tilespmem:s18+$0xA480];
	s18 =	sld [smem:$0x7F0];
	v2 =	vadd.s32 v32, v2  }
0x203: {  	v34 =	vld [tilespmem:s31+$0xA480];
	v35 =	vadd.s32 v3, v2  }
0x204: {  	v42 =	vld [tilespmem:s19+$0xA480];
	s19 =	sld [smem:$0x7F1];
	v39 =	vadd.s32 v30, v2  }
0x205: {  	v41 =	vld [tilespmem:s18+$0xA680];
	v40 =	vadd.s32 v31, v2  }
0x206: {  	v37 =	vld [tilespmem:s12+$0xA480];
	v10 =	vadd.s32 v32, v36;
	v2 =	vadd.s32 v33, v2  }
0x207: {  	v44 =	vld [tilespmem:s19+$0xA680];
	v43 =	vadd.s32 v3, v10  }
0x208: {  	v45 =	vadd.s32 v30, v10;
	v9 =	vld.idx.msk [tilespmem:v35+s5+$0x0], $0xffff  }
0x209: {  	v46 =	vadd.s32 v31, v10;
	v13 =	vld.idx.msk [tilespmem:v39+s5+$0x0], $0xffff  }
0x20a: {  	v10 =	vadd.s32 v33, v10;
	v15 =	vadd.s32 v32, v41;
	v14 =	vld.idx.msk [tilespmem:v40+s5+$0x0], $0xffff  }
0x20b: {  	v47 =	vadd.s32 v3, v15;
	v2 =	vld.idx.msk [tilespmem:v2+s5+$0x0], $0xffff  }
0x20c: {  	v6 =	vadd.s32 v32, v44;
	v49 =	vadd.s32 v30, v15;
	v17 =	vld.idx.msk [tilespmem:v43+s5+$0x0], $0xffff  }
0x20d: {  	v3 =	vadd.s32 v3, v6;
	v50 =	vld.idx.msk [tilespmem:v45+s5+$0x0], $0xffff  }
0x20e: {  	v52 =	vadd.s32 v31, v15;
	v51 =	vld.idx.msk [tilespmem:v46+s5+$0x0], $0xffff  }
0x20f: {  	v4 =	vadd.s32 v30, v6;
	v10 =	vld.idx.msk [tilespmem:v10+s5+$0x0], $0xffff  }
0x210: {  	v15 =	vadd.s32 v33, v15;
	v21 =	vld.idx.msk [tilespmem:v47+s5+$0x0], $0xffff  }
0x211: {  	v5 =	vadd.s32 v31, v6;
	v23 =	vld.idx.msk [tilespmem:v49+s5+$0x0], $0xffff  }
0x212: {  	v3 =	vld.idx.msk [tilespmem:v3+s5+$0x0], $0xffff;
	v9 =	vmul.f32 v9, v34  }
0x213: {  	v6 =	vadd.s32 v33, v6;
	v56 =	vld.idx.msk [tilespmem:v52+s5+$0x0], $0xffff;
	v17 =	vmul.f32 v17, v34  }
0x214: {  	v4 =	vld.idx.msk [tilespmem:v4+s5+$0x0], $0xffff;
	v13 =	vmul.f32 v13, v37;
	v53 =	vmul.f32 v14, v38;
	v9 =	vadd.f32 $0.0e+00, v9  }
0x215: {  	v15 =	vld.idx.msk [tilespmem:v15+s5+$0x0], $0xffff;
	v55 =	vmul.f32 v50, v37;
	v2 =	vmul.f32 v2, v42;
	v54 =	vadd.f32 $0.0e+00, v17  }
0x216: {  	v5 =	vld.idx.msk [tilespmem:v5+s5+$0x0], $0xffff;
	v60 =	vmul.f32 v51, v38;
	v58 =	vmul.f32 v21, v34;
	v9 =	vadd.f32 v13, v9  }
0x217: {  	v48 =	vld [tilespmem:s3+$0xA880];
	v19 =	vmul.f32 v10, v42;
	v3 =	vmul.f32 v3, v34;
	v59 =	vadd.f32 v55, v54  }
0x218: {  	v6 =	vld.idx.msk [tilespmem:v6+s5+$0x0], $0xffff;
	v61 =	vmul.f32 v23, v37;
	v57 =	vadd.f32 v53, v9;
	v9 =	vadd.f32 $0.0e+00, v58  }
0x219: {  	v63 =	vld [tilespmem:s21+$0xA880];
	v4 =	vmul.f32 v4, v37;
	v3 =	vadd.f32 $0.0e+00, v3;
	v62 =	vadd.f32 v60, v59  }
0x21a: {  	v20 =	vmul.f32 v56, v38;
	v2 =	vadd.f32 v2, v57;
	v9 =	vadd.f32 v61, v9  }
0x21b: {  	v22 =	vld [tilespmem:s18+$0xA880];
	v23 =	vmul.f32 v15, v42;
	v24 =	vmul.f32 v5, v38;
	v3 =	vadd.f32 v4, v3  }
0x21c: {  	v7 =	vadd.f32 v19, v62;
	v2 =	vmul.f32 v2, v48;
	v21 =	vadd.f32 v20, v9  }
0x21d: {  	v26 =	vld [tilespmem:s19+$0xA880];
	v27 =	vmul.f32 v6, v42;
	v3 =	vadd.f32 v24, v3  }
0x21e: {  	v25 =	vmul.f32 v7, v63;
	v2 =	vadd.f32 $0.0e+00, v2;
	v8 =	vadd.f32 v23, v21;
	_ =	sdelay $0x1  }
0x21f: {  	v3 =	vadd.f32 v27, v3;
	v2 =	vadd.f32 v25, v2;
	v28 =	vmul.f32 v8, v22;
	_ =	sdelay $0x1  }
0x220: {  	v3 =	vmul.f32 v3, v26;
	v2 =	vadd.f32 v28, v2;
	_ =	sdelay $0x1  }
0x221: {  	v2 =	vadd.f32 v3, v2;
	_ =	sdelay $0x1  }
0x222: {  	s12 =	sld [smem:$0x7F2];
	[tilespmem:s15+$0xAD00] =	vst v2  }
0x223: {  	s18 =	sld [smem:$0x7F3];
	v2 =	vld [tilespmem:s1+$0xA680]  }
0x224: {  	s19 =	sld [smem:$0x7F4];
	v3 =	vld [tilespmem:s0+$0xA280]  }
0x225: {  	s21 =	sld [smem:$0x7F5];
	v29 =	vld [tilespmem:s12+$0xA280]  }
0x226: {  	v30 =	vld [tilespmem:s18+$0xA280]  }
0x227: {  	v32 =	vld [tilespmem:s19+$0xA280]  }
0x228: {  	v31 =	vadd.s32 $0x3000, v1;
	v35 =	vld [tilespmem:s21+$0xA680]  }
0x229: {  	v37 =	vld [tilespmem:s18+$0xA480];
	s18 =	sld [smem:$0x7F6];
	v2 =	vadd.s32 v31, v2  }
0x22a: {  	v33 =	vld [tilespmem:s0+$0xA480];
	v34 =	vadd.s32 v3, v2  }
0x22b: {  	v41 =	vld [tilespmem:s19+$0xA480];
	s19 =	sld [smem:$0x7F7];
	v38 =	vadd.s32 v29, v2  }
0x22c: {  	v40 =	vld [tilespmem:s18+$0xA680];
	v39 =	vadd.s32 v30, v2  }
0x22d: {  	v36 =	vld [tilespmem:s12+$0xA480];
	v10 =	vadd.s32 v31, v35;
	v2 =	vadd.s32 v32, v2  }
0x22e: {  	v43 =	vld [tilespmem:s19+$0xA680];
	v42 =	vadd.s32 v3, v10  }
0x22f: {  	v44 =	vadd.s32 v29, v10;
	v9 =	vld.idx.msk [tilespmem:v34+s5+$0x0], $0xffff  }
0x230: {  	v45 =	vadd.s32 v30, v10;
	v13 =	vld.idx.msk [tilespmem:v38+s5+$0x0], $0xffff  }
0x231: {  	v10 =	vadd.s32 v32, v10;
	v15 =	vadd.s32 v31, v40;
	v14 =	vld.idx.msk [tilespmem:v39+s5+$0x0], $0xffff  }
0x232: {  	v46 =	vadd.s32 v3, v15;
	v2 =	vld.idx.msk [tilespmem:v2+s5+$0x0], $0xffff  }
0x233: {  	v6 =	vadd.s32 v31, v43;
	v48 =	vadd.s32 v29, v15;
	v17 =	vld.idx.msk [tilespmem:v42+s5+$0x0], $0xffff  }
0x234: {  	v3 =	vadd.s32 v3, v6;
	v49 =	vld.idx.msk [tilespmem:v44+s5+$0x0], $0xffff  }
0x235: {  	v51 =	vadd.s32 v30, v15;
	v50 =	vld.idx.msk [tilespmem:v45+s5+$0x0], $0xffff  }
0x236: {  	v4 =	vadd.s32 v29, v6;
	v10 =	vld.idx.msk [tilespmem:v10+s5+$0x0], $0xffff  }
0x237: {  	v15 =	vadd.s32 v32, v15;
	v21 =	vld.idx.msk [tilespmem:v46+s5+$0x0], $0xffff  }
0x238: {  	v5 =	vadd.s32 v30, v6;
	v23 =	vld.idx.msk [tilespmem:v48+s5+$0x0], $0xffff  }
0x239: {  	v3 =	vld.idx.msk [tilespmem:v3+s5+$0x0], $0xffff;
	v9 =	vmul.f32 v9, v33  }
0x23a: {  	v6 =	vadd.s32 v32, v6;
	v55 =	vld.idx.msk [tilespmem:v51+s5+$0x0], $0xffff;
	v17 =	vmul.f32 v17, v33  }
0x23b: {  	v4 =	vld.idx.msk [tilespmem:v4+s5+$0x0], $0xffff;
	v13 =	vmul.f32 v13, v36;
	v52 =	vmul.f32 v14, v37;
	v9 =	vadd.f32 $0.0e+00, v9  }
0x23c: {  	v15 =	vld.idx.msk [tilespmem:v15+s5+$0x0], $0xffff;
	v54 =	vmul.f32 v49, v36;
	v2 =	vmul.f32 v2, v41;
	v53 =	vadd.f32 $0.0e+00, v17  }
0x23d: {  	v5 =	vld.idx.msk [tilespmem:v5+s5+$0x0], $0xffff;
	v59 =	vmul.f32 v50, v37;
	v57 =	vmul.f32 v21, v33;
	v9 =	vadd.f32 v13, v9  }
0x23e: {  	v47 =	vld [tilespmem:s1+$0xA880];
	v63 =	vmul.f32 v10, v41;
	v3 =	vmul.f32 v3, v33;
	v58 =	vadd.f32 v54, v53  }
0x23f: {  	v6 =	vld.idx.msk [tilespmem:v6+s5+$0x0], $0xffff;
	v60 =	vmul.f32 v23, v36;
	v56 =	vadd.f32 v52, v9;
	v9 =	vadd.f32 $0.0e+00, v57  }
0x240: {  	v62 =	vld [tilespmem:s21+$0xA880];
	v4 =	vmul.f32 v4, v36;
	v3 =	vadd.f32 $0.0e+00, v3;
	v61 =	vadd.f32 v59, v58  }
0x241: {  	v14 =	vmul.f32 v55, v37;
	v2 =	vadd.f32 v2, v56;
	v9 =	vadd.f32 v60, v9  }
0x242: {  	v18 =	vld [tilespmem:s18+$0xA880];
	v19 =	vmul.f32 v15, v41;
	v20 =	vmul.f32 v5, v37;
	v3 =	vadd.f32 v4, v3  }
0x243: {  	v7 =	vadd.f32 v63, v61;
	v2 =	vmul.f32 v2, v47;
	v17 =	vadd.f32 v14, v9  }
0x244: {  	v22 =	vld [tilespmem:s19+$0xA880];
	v23 =	vmul.f32 v6, v41;
	v3 =	vadd.f32 v20, v3  }
0x245: {  	v21 =	vmul.f32 v7, v62;
	v2 =	vadd.f32 $0.0e+00, v2;
	v8 =	vadd.f32 v19, v17;
	_ =	sdelay $0x1  }
0x246: {  	v3 =	vadd.f32 v23, v3;
	v2 =	vadd.f32 v21, v2;
	v24 =	vmul.f32 v8, v18;
	_ =	sdelay $0x1  }
0x247: {  	v3 =	vmul.f32 v3, v22;
	v2 =	vadd.f32 v24, v2;
	_ =	sdelay $0x1  }
0x248: {  	v2 =	vadd.f32 v3, v2;
	_ =	sdelay $0x1  }
0x249: {  	s18 =	sld [smem:$0x7F9];
	[tilespmem:s15+$0xAD80] =	vst v2  }
0x24a: {  	s21 =	sld [smem:$0x7FB];
	v2 =	vld [tilespmem:s2+$0xA680]  }
0x24b: {  	s19 =	sld [smem:$0x7FA];
	v3 =	vld [tilespmem:s4+$0xA280]  }
0x24c: {  	s15 =	sld [smem:$0x7F8];
	v26 =	vld [tilespmem:s18+$0xA280]  }
0x24d: {  	v30 =	vld [tilespmem:s21+$0xA680]  }
0x24e: {  	v27 =	vld [tilespmem:s19+$0xA280]  }
0x24f: {  	v1 =	vadd.s32 $0x3800, v1;
	v25 =	vld [tilespmem:s15+$0xA280]  }
0x250: {  	v31 =	vld [tilespmem:s15+$0xA480];
	s15 =	sld [smem:$0x7FC];
	v2 =	vadd.s32 v1, v2  }
0x251: {  	v28 =	vld [tilespmem:s4+$0xA480];
	v29 =	vadd.s32 v3, v2  }
0x252: {  	v32 =	vld [tilespmem:s18+$0xA480];
	s18 =	sld [smem:$0x7FD];
	v9 =	vadd.s32 v1, v30;
	v34 =	vadd.s32 v26, v2  }
0x253: {  	v35 =	vld [tilespmem:s15+$0xA680];
	v37 =	vadd.s32 v3, v9  }
0x254: {  	v36 =	vld [tilespmem:s19+$0xA480];
	v40 =	vadd.s32 v26, v9  }
0x255: {  	v38 =	vld [tilespmem:s18+$0xA680];
	v33 =	vadd.s32 v25, v2  }
0x256: {  	v2 =	vadd.s32 v27, v2;
	v8 =	vld.idx.msk [tilespmem:v29+s5+$0x0], $0xffff  }
0x257: {  	v39 =	vadd.s32 v25, v9;
	v13 =	vld.idx.msk [tilespmem:v34+s5+$0x0], $0xffff  }
0x258: {  	v9 =	vadd.s32 v27, v9;
	v14 =	vadd.s32 v1, v35;
	v16 =	vld.idx.msk [tilespmem:v37+s5+$0x0], $0xffff  }
0x259: {  	v41 =	vadd.s32 v3, v14;
	v45 =	vld.idx.msk [tilespmem:v40+s5+$0x0], $0xffff  }
0x25a: {  	v1 =	vadd.s32 v1, v38;
	v43 =	vadd.s32 v25, v14;
	v12 =	vld.idx.msk [tilespmem:v33+s5+$0x0], $0xffff  }
0x25b: {  	v3 =	vadd.s32 v3, v1;
	v2 =	vld.idx.msk [tilespmem:v2+s5+$0x0], $0xffff  }
0x25c: {  	v46 =	vadd.s32 v26, v14;
	v44 =	vld.idx.msk [tilespmem:v39+s5+$0x0], $0xffff  }
0x25d: {  	v4 =	vadd.s32 v25, v1;
	v9 =	vld.idx.msk [tilespmem:v9+s5+$0x0], $0xffff  }
0x25e: {  	v14 =	vadd.s32 v27, v14;
	v20 =	vld.idx.msk [tilespmem:v41+s5+$0x0], $0xffff  }
0x25f: {  	v5 =	vadd.s32 v26, v1;
	v22 =	vld.idx.msk [tilespmem:v43+s5+$0x0], $0xffff  }
0x260: {  	v8 =	vmul.f32 v8, v28;
	v3 =	vld.idx.msk [tilespmem:v3+s5+$0x0], $0xffff  }
0x261: {  	v1 =	vadd.s32 v27, v1;
	v16 =	vmul.f32 v16, v28;
	v50 =	vld.idx.msk [tilespmem:v46+s5+$0x0], $0xffff  }
0x262: {  	v47 =	vmul.f32 v13, v32;
	v4 =	vld.idx.msk [tilespmem:v4+s5+$0x0], $0xffff;
	v12 =	vmul.f32 v12, v31;
	v8 =	vadd.f32 $0.0e+00, v8  }
0x263: {  	v52 =	vmul.f32 v45, v32;
	v14 =	vld.idx.msk [tilespmem:v14+s5+$0x0], $0xffff;
	v49 =	vmul.f32 v44, v31;
	v48 =	vadd.f32 $0.0e+00, v16  }
0x264: {  	v5 =	vld.idx.msk [tilespmem:v5+s5+$0x0], $0xffff;
	v2 =	vmul.f32 v2, v36;
	v8 =	vadd.f32 v12, v8;
	v51 =	vmul.f32 v20, v28  }
0x265: {  	v42 =	vld [tilespmem:s2+$0xA880];
	v9 =	vmul.f32 v9, v36;
	v6 =	vadd.f32 v49, v48;
	v3 =	vmul.f32 v3, v28  }
0x266: {  	v1 =	vld.idx.msk [tilespmem:v1+s5+$0x0], $0xffff;
	v53 =	vmul.f32 v22, v31;
	v8 =	vadd.f32 v47, v8;
	v12 =	vadd.f32 $0.0e+00, v51  }
0x267: {  	v54 =	vld [tilespmem:s21+$0xA880];
	v4 =	vmul.f32 v4, v31;
	v6 =	vadd.f32 v52, v6;
	v3 =	vadd.f32 $0.0e+00, v3  }
0x268: {  	v56 =	vmul.f32 v50, v32;
	v2 =	vadd.f32 v2, v8;
	v55 =	vadd.f32 v53, v12  }
0x269: {  	v57 =	vld [tilespmem:s15+$0xA880];
	v58 =	vmul.f32 v14, v36;
	v59 =	vmul.f32 v5, v32;
	v3 =	vadd.f32 v4, v3  }
0x26a: {  	v6 =	vadd.f32 v9, v6;
	v2 =	vmul.f32 v2, v42;
	v8 =	vadd.f32 v56, v55  }
0x26b: {  	v61 =	vld [tilespmem:s18+$0xA880];
	v1 =	vmul.f32 v1, v36;
	v3 =	vadd.f32 v59, v3  }
0x26c: {  	v60 =	vmul.f32 v6, v54;
	v2 =	vadd.f32 $0.0e+00, v2;
	v62 =	vadd.f32 v58, v8;
	_ =	sdelay $0x1  }
0x26d: {  	v1 =	vadd.f32 v1, v3;
	v2 =	vadd.f32 v60, v2;
	v63 =	vmul.f32 v62, v57  }
0x26e: {  	p0 =	sne.s32 s14, $0x1380  }
.Ltmp0:
0x26f: {  	s21 =	sand.u32 $0x7, s25;
	v1 =	vmul.f32 v1, v61;
	v2 =	vadd.f32 v63, v2;
	(pc) =	sbr.rel @p0 .LBB2_2-.Ltmp0, $4  }
0x270: {  	s15 =	sshll.u32 s21, $0x4  }
0x271: {  	s11 =	sadd.s32 $0x10, s11;
	s10 =	sadd.s32 $0x10, s10;
	s15 =	sadd.s32 s15, s13;
	v1 =	vadd.f32 v1, v2  }
0x272: {  	s14 =	sadd.s32 $0x10, s14;
	s12 =	rddreg [dreg:$0x8];
	s15 =	sor.u32 $0x380, s15  }
0x273: {  	s25 =	sadd.s32 $0x1, s25;
	s13 =	sadd.s32 $0x80, s13;
	[tilespmem:s15+$0xAA80] =	vst v1;
	s15 =	smov.u32 s17  }
0x274: {  	s10 =	rddreg [dreg:$0x6];
	s11 =	simm.s32 $0xAA80;
	s13 =	simm.s32 $0x1  }
0x275: {  	[hbm4b:s10+s5] =	stream.linear.scatter [tilespmem:s11], [sflag:$0x1], $0xA000, $0x38;
	[tilespmem:$0x14A80] =	vst v63  }
0x276: {  	_ =	swait.ge [sflag:s13], $0xA000  }
0x277: {  	s21 =	sld [smem:$0x7E9];
	_ =	sdelay $0x2  }
0x278: {  	s25 =	rddreg [dreg:$0x7];
	s11 =	sadd.s32 $0x1, s21  }
0x279: {  	p0 =	sne.s32 s11, s25  }
.Ltmp1:
0x27a: {  	_ = 	snop;
	(pc) =	sbr.rel @p0 .LBB2_1-.Ltmp1, $3  }
0x27b: {  	_ =	sdelay $0x1  }
0x27c: {  	[sflag:s13] =	ssyncset.done $0x0  }
0x27d: {  	[sflag:s13] =	ssyncadd.s32 $0xFFFF6000  }
0x27e: {  	_ =	sfence.sel $0x180000  }
0x27f: {  	[bflag:$0x0] =	sbarrier.arrive $0xFFFF  }
0x280: {  	_ =	strace $0x90000047  }
0x281: {  	s0 =	stileid.u32;
	[bflag:$0x2] =	sbarrier.arrive $0xFFFF  }
0x282: {  	p0 =	sne.s32 s0, $0x0;
	s0 =	rddreg [dreg:$0x4]  }
0x283: {  	s0 =	sadd.s32 @!p0 $0x100000, s0  }
0x284: {  	[sflag:s0] =	ssyncadd.tile.s32 @!p0 $0x1;
	_ =	shalt  }
.Lfunc_end2:
_tile_overlayer_lowered:
.L_overlay_start_2:
0x285: {  	(tag) =	ssettag $0x2  }
0x286: {  	s0 =	rddreg [dreg:$0x0];
	s2 =	stileid.u32  }
0x287: {  	s1 =	rddreg [dreg:$0x1];
	p0 =	sne.s32 s2, $0x0  }
0x288: {  	s3 =	rddreg [dreg:$0x2];
	[bflag:$0x3] =	sbarrier.arrive $0xFFFF;
	s2 =	simm.s32 @!p0 $0x1C01  }
0x289: {  	[timem:s3], [sflag:s2] =	dma.local @!p0 [hbm:s0], s1  }
0x28a: {  	s0 =	simm.s32 @!p0 $0x1  }
0x28b: {  	_ =	swait.ge @!p0 [sflag:s0], s1  }
0x28c: {  	s1 =	ssub.s32 @!p0 $0x0, s1;
	[sflag:s0] =	ssyncset.done @!p0 $0x0  }
0x28d: {  	[sflag:s0] =	ssyncadd.s32 @!p0 s1  }
0x28e: {  	[bflag:$0x3] =	sbarrier.arrive $0xFFFF  }
0x28f: {  	_ =	shalt  }

</sc_bundles>
